<compile_context>
chip_gen: v7x
topology: tpu7x:2x2x1
jax: 0.10.2.dev20260603
libtpu: 0.0.44.dev20260713+nightly
codegen_flags: <defaults>
</compile_context>

<pallas_src>
import functools

import jax
import jax.numpy as jnp
from jax import lax
from jax.experimental import pallas as pl
from jax.experimental.pallas import tpu as pltpu
from jax.experimental.pallas import tpu_sc as plsc

B = 16384
D = 64
NC = 2
NS = 16
NW = NC * NS
BPW = B // NW
CH = 128
NCH = BPW // CH
NCLS = 4


def _sc_body(uidx, iidx, gidx, midx, updx, ipdx, bnds,
             ue, ie, ub, ib, gb, mb,
             partials, bias_out,
             uv2, iv2, gv2, mv2, up2, ip2, bnd_v,
             urows, irows,
             ubb, ibb, gbb, mbb, bsum_v, accv,
             sem_a, sem_b, sem_c):
    wid = lax.axis_index("s") * NC + lax.axis_index("c")

    pltpu.sync_copy(uidx.at[wid], uv2)
    pltpu.sync_copy(iidx.at[wid], iv2)
    pltpu.sync_copy(gidx.at[wid], gv2)
    pltpu.sync_copy(midx.at[wid], mv2)
    pltpu.sync_copy(updx.at[wid], up2)
    pltpu.sync_copy(ipdx.at[wid], ip2)
    pltpu.sync_copy(bnds.at[wid], bnd_v)

    def fire(c, buf):
        sem = sem_a if buf == 0 else sem_b
        return [
            pltpu.async_copy(ue.at[up2.at[c]], urows.at[buf], sem),
            pltpu.async_copy(ie.at[ip2.at[c]], irows.at[buf], sem),
        ]

    descs = fire(0, 0)

    bias_descs = []
    for j in range(NCH):
        s = pl.ds(j * CH, CH)
        bias_descs += [
            pltpu.async_copy(ub.at[uv2.at[j]], ubb.at[s], sem_c),
            pltpu.async_copy(ib.at[iv2.at[j]], ibb.at[s], sem_c),
            pltpu.async_copy(gb.at[gv2.at[j]], gbb.at[s], sem_c),
            pltpu.async_copy(mb.at[mv2.at[j]], mbb.at[s], sem_c),
        ]

    acc = jnp.zeros((16,), jnp.float32)
    for c in range(NCH):
        buf = c % 2
        nxt = fire(c + 1, 1 - buf) if c + 1 < NCH else []
        for d_ in descs:
            d_.wait()
        descs = nxt

        bv = bnd_v[c, pl.ds(0, 16)]
        for q in range(NCLS):
            uo = (q & 1) * 64
            io = ((q >> 1) & 1) * 64

            def row_body(r, a, buf=buf, uo=uo, io=io):
                for k in range(4):
                    a = (a
                         + urows[buf, r, pl.ds(uo + 16 * k, 16)]
                         * irows[buf, r, pl.ds(io + 16 * k, 16)])
                return a

            acc = lax.fori_loop(bv[q], bv[4 + q], row_body, acc)

    for d_ in bias_descs:
        d_.wait()
    for j in range(BPW // 16):
        s = pl.ds(j * 16, 16)
        bsum_v[s] = ubb[s] + ibb[s] + gbb[s] + mbb[s]

    accv[...] = acc
    pltpu.sync_copy(accv, partials.at[wid])
    pltpu.sync_copy(bsum_v, bias_out.at[pl.ds(wid * BPW, BPW)])


_sc_call = functools.partial(
    pl.kernel,
    out_type=(jax.ShapeDtypeStruct((NW, 16), jnp.float32),
              jax.ShapeDtypeStruct((B,), jnp.float32)),
    mesh=plsc.VectorSubcoreMesh(core_axis_name="c", subcore_axis_name="s"),
    compiler_params=pltpu.CompilerParams(use_tc_tiling_on_sc=True),
    scratch_types=[
        pltpu.VMEM((NCH, CH), jnp.int32),
        pltpu.VMEM((NCH, CH), jnp.int32),
        pltpu.VMEM((NCH, CH), jnp.int32),
        pltpu.VMEM((NCH, CH), jnp.int32),
        pltpu.VMEM((NCH, CH), jnp.int32),
        pltpu.VMEM((NCH, CH), jnp.int32),
        pltpu.VMEM((NCH, 16), jnp.int32),
        pltpu.VMEM((2, CH, 128), jnp.float32),
        pltpu.VMEM((2, CH, 128), jnp.float32),
        pltpu.VMEM((BPW,), jnp.float32),
        pltpu.VMEM((BPW,), jnp.float32),
        pltpu.VMEM((BPW,), jnp.float32),
        pltpu.VMEM((BPW,), jnp.float32),
        pltpu.VMEM((BPW,), jnp.float32),
        pltpu.VMEM((16,), jnp.float32),
        pltpu.SemaphoreType.DMA,
        pltpu.SemaphoreType.DMA,
        pltpu.SemaphoreType.DMA,
    ],
)(_sc_body)


def _gm_body(g_ref, m_ref, ge_ref, me_ref, o_ref):
    p = jnp.dot(ge_ref[...], me_ref[...].T,
                preferred_element_type=jnp.float32)
    gi = jax.lax.broadcasted_iota(jnp.int32, (B, 20), 1)
    mi = jax.lax.broadcasted_iota(jnp.int32, (B, 12), 1)
    ohg = (g_ref[...] == gi).astype(jnp.float32)
    ohm = (m_ref[...] == mi).astype(jnp.float32)
    t = jnp.dot(ohg, p, preferred_element_type=jnp.float32)
    o_ref[...] = jnp.full((8, 128), jnp.sum(t * ohm), jnp.float32)


def _combine_body(p_ref, gm_ref, b_ref, o_ref):
    o_ref[...] = b_ref[...] + (jnp.sum(p_ref[...]) + gm_ref[0, 0])


def kernel(inputs, user_emb, user_bias, item_emb, item_bias,
           genre_emb, genre_bias, month_emb, month_bias):
    u = inputs[:, 0]
    i = inputs[:, 1]
    g = inputs[:, 2]
    m = inputs[:, 3]

    cls = ((u & 1) + 2 * (i & 1)).astype(jnp.int32)
    oh = (cls[:, None] == jnp.arange(NCLS, dtype=jnp.int32)[None, :])
    ohc = oh.astype(jnp.int32).reshape(NW * NCH, CH, NCLS)
    cnt = ohc.sum(axis=1)
    ends_c = jnp.cumsum(cnt, axis=1)
    starts_c = ends_c - cnt
    rank = (jnp.cumsum(ohc, axis=1) - ohc).reshape(B, NCLS)
    rank_b = jnp.take_along_axis(rank, cls[:, None], axis=1)[:, 0]
    chunk = jnp.arange(B, dtype=jnp.int32) // CH
    start_b = jnp.take_along_axis(starts_c[chunk], cls[:, None], axis=1)[:, 0]
    newpos = chunk * CH + start_b + rank_b

    def scat(v):
        return jnp.zeros((B,), jnp.int32).at[newpos].set(v).reshape(
            NW, NCH, CH)

    bnds = jnp.concatenate(
        [starts_c, ends_c, jnp.zeros_like(starts_c), jnp.zeros_like(ends_c)],
        axis=1).astype(jnp.int32)

    partials, bias_sum = _sc_call(
        u.reshape(NW, NCH, CH), i.reshape(NW, NCH, CH),
        g.reshape(NW, NCH, CH), m.reshape(NW, NCH, CH),
        scat(u >> 1), scat(i >> 1),
        bnds.reshape(NW, NCH, 16),
        user_emb.reshape(-1, 128), item_emb.reshape(-1, 128),
        user_bias.reshape(-1), item_bias.reshape(-1),
        genre_bias.reshape(-1), month_bias.reshape(-1))

    gm = pl.pallas_call(
        _gm_body,
        out_shape=jax.ShapeDtypeStruct((8, 128), jnp.float32),
    )(g.reshape(B, 1), m.reshape(B, 1), genre_emb, month_emb)

    out = pl.pallas_call(
        _combine_body,
        out_shape=jax.ShapeDtypeStruct((128, 128), jnp.float32),
    )(partials, gm, bias_sum.reshape(128, 128))
    return out.reshape(B, 1)

# --- scband reference (transcript-rebuilt; emitter-appended) ---
"""Pipeline reference for scband-lfactor-net-72421738545816 (READ-ONLY COPY).

The authoritative reference and input builder live on the scoring server;
editing this copy changes nothing except your own understanding.
"""

import jax, jax.numpy as jnp
import numpy as np

NUM_USERS = 1000000
NUM_ITEMS = 100000
NUM_GENRE = 20
NUM_MONTH = 12
EMB = 64
BATCH = 16384


def setup_inputs(seed: int = 0) -> dict:
    key = jax.random.key(seed)
    ks = jax.random.split(key, 12)
    user_idx = jax.random.randint(ks[0], (BATCH,), 0, NUM_USERS)
    item_idx = jax.random.randint(ks[1], (BATCH,), 0, NUM_ITEMS)
    genre_idx = jax.random.randint(ks[2], (BATCH,), 0, NUM_GENRE)
    month_idx = jax.random.randint(ks[3], (BATCH,), 0, NUM_MONTH)
    inputs = jnp.stack([user_idx, item_idx, genre_idx, month_idx], axis=1).astype(jnp.int32)
    user_emb = jax.random.normal(ks[4], (NUM_USERS, EMB), dtype=jnp.float32) * 0.05
    user_bias = jax.random.normal(ks[5], (NUM_USERS, 1), dtype=jnp.float32) * 0.05
    item_emb = jax.random.normal(ks[6], (NUM_ITEMS, EMB), dtype=jnp.float32) * 0.05
    item_bias = jax.random.normal(ks[7], (NUM_ITEMS, 1), dtype=jnp.float32) * 0.05
    genre_emb = jax.random.normal(ks[8], (NUM_GENRE, EMB), dtype=jnp.float32) * 0.05
    genre_bias = jax.random.normal(ks[9], (NUM_GENRE, 1), dtype=jnp.float32) * 0.05
    month_emb = jax.random.normal(ks[10], (NUM_MONTH, EMB), dtype=jnp.float32) * 0.05
    month_bias = jax.random.normal(ks[11], (NUM_MONTH, 1), dtype=jnp.float32) * 0.05
    return {
        "inputs": inputs,
        "user_emb": user_emb, "user_bias": user_bias,
        "item_emb": item_emb, "item_bias": item_bias,
        "genre_emb": genre_emb, "genre_bias": genre_bias,
        "month_emb": month_emb, "month_bias": month_bias,
    }


def reference(inputs, user_emb, user_bias, item_emb, item_bias,
              genre_emb, genre_bias, month_emb, month_bias):
    user_vec = jnp.take(user_emb, inputs[:, 0], axis=0)
    user_mu = jnp.take(user_bias, inputs[:, 0], axis=0)
    item_vec = jnp.take(item_emb, inputs[:, 1], axis=0)
    item_mu = jnp.take(item_bias, inputs[:, 1], axis=0)
    genre_vec = jnp.take(genre_emb, inputs[:, 2], axis=0)
    genre_mu = jnp.take(genre_bias, inputs[:, 2], axis=0)
    month_vec = jnp.take(month_emb, inputs[:, 3], axis=0)
    month_mu = jnp.take(month_bias, inputs[:, 3], axis=0)
    user_all_vec = jnp.concatenate([user_vec, month_vec], axis=1)
    item_all_vec = jnp.concatenate([item_vec, genre_vec], axis=1)
    # tf.tensordot(a, b, axes=2) contracts the last 2 axes of a with the
    # first 2 axes of b -> a full double contraction producing a scalar.
    dot = jnp.tensordot(user_all_vec, item_all_vec, axes=2)
    return dot + user_mu + item_mu + genre_mu + month_mu

if __name__ == "__main__":
    import jax
    _d = setup_inputs()
    print(jax.jit(kernel)(*tuple(_d.values())))

</pallas_src>

<mosaic_0001>
#map = affine_map<(d0, d1) -> (0, 0, 0)>
#map1 = affine_map<(d0, d1) -> (0, 0)>
#map2 = affine_map<(d0, d1) -> (0)>
module attributes {stable_mosaic.version = 14 : i64} {
  func.func @_sc_body(%arg0: i32, %arg1: i32, %arg2: memref<32x4x128xi32, #tpu.memory_space<hbm>>, %arg3: memref<32x4x128xi32, #tpu.memory_space<hbm>>, %arg4: memref<32x4x128xi32, #tpu.memory_space<hbm>>, %arg5: memref<32x4x128xi32, #tpu.memory_space<hbm>>, %arg6: memref<32x4x128xi32, #tpu.memory_space<hbm>>, %arg7: memref<32x4x128xi32, #tpu.memory_space<hbm>>, %arg8: memref<32x4x16xi32, #tpu.memory_space<hbm>>, %arg9: memref<500000x128xf32, #tpu.memory_space<hbm>>, %arg10: memref<50000x128xf32, #tpu.memory_space<hbm>>, %arg11: memref<1000000xf32, #tpu.memory_space<hbm>>, %arg12: memref<100000xf32, #tpu.memory_space<hbm>>, %arg13: memref<20xf32, #tpu.memory_space<hbm>>, %arg14: memref<12xf32, #tpu.memory_space<hbm>>, %arg15: memref<32x16xf32, #tpu.memory_space<hbm>>, %arg16: memref<16384xf32, #tpu.memory_space<hbm>>, %arg17: memref<4x128xi32, #tpu.memory_space<vmem>>, %arg18: memref<4x128xi32, #tpu.memory_space<vmem>>, %arg19: memref<4x128xi32, #tpu.memory_space<vmem>>, %arg20: memref<4x128xi32, #tpu.memory_space<vmem>>, %arg21: memref<4x128xi32, #tpu.memory_space<vmem>>, %arg22: memref<4x128xi32, #tpu.memory_space<vmem>>, %arg23: memref<4x16xi32, #tpu.memory_space<vmem>>, %arg24: memref<2x128x128xf32, #tpu.memory_space<vmem>>, %arg25: memref<2x128x128xf32, #tpu.memory_space<vmem>>, %arg26: memref<512xf32, #tpu.memory_space<vmem>>, %arg27: memref<512xf32, #tpu.memory_space<vmem>>, %arg28: memref<512xf32, #tpu.memory_space<vmem>>, %arg29: memref<512xf32, #tpu.memory_space<vmem>>, %arg30: memref<512xf32, #tpu.memory_space<vmem>>, %arg31: memref<16xf32, #tpu.memory_space<vmem>>, %arg32: memref<!tpu.dma_semaphore, #tpu.memory_space<semaphore_mem>>, %arg33: memref<!tpu.dma_semaphore, #tpu.memory_space<semaphore_mem>>, %arg34: memref<!tpu.dma_semaphore, #tpu.memory_space<semaphore_mem>>) attributes {dimension_semantics = [#tpu.dimension_semantics<core_parallel>, #tpu.dimension_semantics<subcore_parallel>], iteration_bounds = array<i64: 2, 16>, scalar_prefetch = 0 : i64, scratch_operands = 18 : i64, tpu.core_type = #tpu.core_type<sc_vector_subcore>, window_params = [{transform_indices = #map}, {transform_indices = #map}, {transform_indices = #map}, {transform_indices = #map}, {transform_indices = #map}, {transform_indices = #map}, {transform_indices = #map}, {transform_indices = #map1}, {transform_indices = #map1}, {transform_indices = #map2}, {transform_indices = #map2}, {transform_indices = #map2}, {transform_indices = #map2}, {transform_indices = #map1}, {transform_indices = #map2}]} {
    %mul3A = arith.constant 2 : i32
    %mul3A_0 = arith.muli %arg1, %mul3A : i32
    %add3A = arith.addi %mul3A_0, %arg0 : i32
    "tpu.region"() ({
      %run_scoped3A = tpu.sem_alloc : memref<!tpu.dma_semaphore, #tpu.memory_space<semaphore_mem>>
      %dma_start3A_1301 = arith.constant 0 : i32
      %dma_start3A_1302 = arith.constant 0 : i32
      %dma_start3A_1303 = tpu.memref_slice %arg2[%add3A, %dma_start3A_1301, %dma_start3A_1302] : memref<32x4x128xi32, #tpu.memory_space<hbm>> -> memref<1x4x128xi32, #tpu.memory_space<hbm>>
      %dma_start3A_1304 = tpu.memref_squeeze %dma_start3A_1303 : memref<1x4x128xi32, #tpu.memory_space<hbm>> -> memref<4x128xi32, #tpu.memory_space<hbm>>
      %dma_start3A_1305 = arith.constant 0 : i32
      %dma_start3A_1306 = arith.constant 0 : i32
      %dma_start3A_1307 = tpu.memref_slice %arg2[%add3A, %dma_start3A_1305, %dma_start3A_1306] : memref<32x4x128xi32, #tpu.memory_space<hbm>> -> memref<1x4x128xi32, #tpu.memory_space<hbm>>
      %dma_start3A_1308 = tpu.memref_squeeze %dma_start3A_1307 : memref<1x4x128xi32, #tpu.memory_space<hbm>> -> memref<4x128xi32, #tpu.memory_space<hbm>>
      tpu.enqueue_dma source(%dma_start3A_1308 : memref<4x128xi32, #tpu.memory_space<hbm>>) target(%arg17 : memref<4x128xi32, #tpu.memory_space<vmem>>) target_semaphore(%run_scoped3A : memref<!tpu.dma_semaphore, #tpu.memory_space<semaphore_mem>>)
      %dma_wait3A_1309 = arith.constant 0 : i32
      %dma_wait3A_1310 = arith.constant 0 : i32
      %dma_wait3A_1311 = tpu.memref_slice %arg2[%add3A, %dma_wait3A_1309, %dma_wait3A_1310] : memref<32x4x128xi32, #tpu.memory_space<hbm>> -> memref<1x4x128xi32, #tpu.memory_space<hbm>>
      %dma_wait3A_1312 = tpu.memref_squeeze %dma_wait3A_1311 : memref<1x4x128xi32, #tpu.memory_space<hbm>> -> memref<4x128xi32, #tpu.memory_space<hbm>>
      %dma_wait3A_1313 = arith.constant 0 : i32
      %dma_wait3A_1314 = arith.constant 0 : i32
      %dma_wait3A_1315 = tpu.memref_slice %arg2[%add3A, %dma_wait3A_1313, %dma_wait3A_1314] : memref<32x4x128xi32, #tpu.memory_space<hbm>> -> memref<1x4x128xi32, #tpu.memory_space<hbm>>
      %dma_wait3A_1316 = tpu.memref_squeeze %dma_wait3A_1315 : memref<1x4x128xi32, #tpu.memory_space<hbm>> -> memref<4x128xi32, #tpu.memory_space<hbm>>
      tpu.wait_dma2 semaphore(%run_scoped3A : memref<!tpu.dma_semaphore, #tpu.memory_space<semaphore_mem>>) src(%dma_wait3A_1316 : memref<4x128xi32, #tpu.memory_space<hbm>>) dst(%arg17 : memref<4x128xi32, #tpu.memory_space<vmem>>)
      tpu.yield
    }) : () -> ()
    "tpu.region"() ({
      %run_scoped3A = tpu.sem_alloc : memref<!tpu.dma_semaphore, #tpu.memory_space<semaphore_mem>>
      %dma_start3A_1301 = arith.constant 0 : i32
      %dma_start3A_1302 = arith.constant 0 : i32
      %dma_start3A_1303 = tpu.memref_slice %arg3[%add3A, %dma_start3A_1301, %dma_start3A_1302] : memref<32x4x128xi32, #tpu.memory_space<hbm>> -> memref<1x4x128xi32, #tpu.memory_space<hbm>>
      %dma_start3A_1304 = tpu.memref_squeeze %dma_start3A_1303 : memref<1x4x128xi32, #tpu.memory_space<hbm>> -> memref<4x128xi32, #tpu.memory_space<hbm>>
      %dma_start3A_1305 = arith.constant 0 : i32
      %dma_start3A_1306 = arith.constant 0 : i32
      %dma_start3A_1307 = tpu.memref_slice %arg3[%add3A, %dma_start3A_1305, %dma_start3A_1306] : memref<32x4x128xi32, #tpu.memory_space<hbm>> -> memref<1x4x128xi32, #tpu.memory_space<hbm>>
      %dma_start3A_1308 = tpu.memref_squeeze %dma_start3A_1307 : memref<1x4x128xi32, #tpu.memory_space<hbm>> -> memref<4x128xi32, #tpu.memory_space<hbm>>
      tpu.enqueue_dma source(%dma_start3A_1308 : memref<4x128xi32, #tpu.memory_space<hbm>>) target(%arg18 : memref<4x128xi32, #tpu.memory_space<vmem>>) target_semaphore(%run_scoped3A : memref<!tpu.dma_semaphore, #tpu.memory_space<semaphore_mem>>)
      %dma_wait3A_1309 = arith.constant 0 : i32
      %dma_wait3A_1310 = arith.constant 0 : i32
      %dma_wait3A_1311 = tpu.memref_slice %arg3[%add3A, %dma_wait3A_1309, %dma_wait3A_1310] : memref<32x4x128xi32, #tpu.memory_space<hbm>> -> memref<1x4x128xi32, #tpu.memory_space<hbm>>
      %dma_wait3A_1312 = tpu.memref_squeeze %dma_wait3A_1311 : memref<1x4x128xi32, #tpu.memory_space<hbm>> -> memref<4x128xi32, #tpu.memory_space<hbm>>
      %dma_wait3A_1313 = arith.constant 0 : i32
      %dma_wait3A_1314 = arith.constant 0 : i32
      %dma_wait3A_1315 = tpu.memref_slice %arg3[%add3A, %dma_wait3A_1313, %dma_wait3A_1314] : memref<32x4x128xi32, #tpu.memory_space<hbm>> -> memref<1x4x128xi32, #tpu.memory_space<hbm>>
      %dma_wait3A_1316 = tpu.memref_squeeze %dma_wait3A_1315 : memref<1x4x128xi32, #tpu.memory_space<hbm>> -> memref<4x128xi32, #tpu.memory_space<hbm>>
      tpu.wait_dma2 semaphore(%run_scoped3A : memref<!tpu.dma_semaphore, #tpu.memory_space<semaphore_mem>>) src(%dma_wait3A_1316 : memref<4x128xi32, #tpu.memory_space<hbm>>) dst(%arg18 : memref<4x128xi32, #tpu.memory_space<vmem>>)
      tpu.yield
    }) : () -> ()
    "tpu.region"() ({
      %run_scoped3A = tpu.sem_alloc : memref<!tpu.dma_semaphore, #tpu.memory_space<semaphore_mem>>
      %dma_start3A_1301 = arith.constant 0 : i32
      %dma_start3A_1302 = arith.constant 0 : i32
      %dma_start3A_1303 = tpu.memref_slice %arg4[%add3A, %dma_start3A_1301, %dma_start3A_1302] : memref<32x4x128xi32, #tpu.memory_space<hbm>> -> memref<1x4x128xi32, #tpu.memory_space<hbm>>
      %dma_start3A_1304 = tpu.memref_squeeze %dma_start3A_1303 : memref<1x4x128xi32, #tpu.memory_space<hbm>> -> memref<4x128xi32, #tpu.memory_space<hbm>>
      %dma_start3A_1305 = arith.constant 0 : i32
      %dma_start3A_1306 = arith.constant 0 : i32
      %dma_start3A_1307 = tpu.memref_slice %arg4[%add3A, %dma_start3A_1305, %dma_start3A_1306] : memref<32x4x128xi32, #tpu.memory_space<hbm>> -> memref<1x4x128xi32, #tpu.memory_space<hbm>>
      %dma_start3A_1308 = tpu.memref_squeeze %dma_start3A_1307 : memref<1x4x128xi32, #tpu.memory_space<hbm>> -> memref<4x128xi32, #tpu.memory_space<hbm>>
      tpu.enqueue_dma source(%dma_start3A_1308 : memref<4x128xi32, #tpu.memory_space<hbm>>) target(%arg19 : memref<4x128xi32, #tpu.memory_space<vmem>>) target_semaphore(%run_scoped3A : memref<!tpu.dma_semaphore, #tpu.memory_space<semaphore_mem>>)
      %dma_wait3A_1309 = arith.constant 0 : i32
      %dma_wait3A_1310 = arith.constant 0 : i32
      %dma_wait3A_1311 = tpu.memref_slice %arg4[%add3A, %dma_wait3A_1309, %dma_wait3A_1310] : memref<32x4x128xi32, #tpu.memory_space<hbm>> -> memref<1x4x128xi32, #tpu.memory_space<hbm>>
      %dma_wait3A_1312 = tpu.memref_squeeze %dma_wait3A_1311 : memref<1x4x128xi32, #tpu.memory_space<hbm>> -> memref<4x128xi32, #tpu.memory_space<hbm>>
      %dma_wait3A_1313 = arith.constant 0 : i32
      %dma_wait3A_1314 = arith.constant 0 : i32
      %dma_wait3A_1315 = tpu.memref_slice %arg4[%add3A, %dma_wait3A_1313, %dma_wait3A_1314] : memref<32x4x128xi32, #tpu.memory_space<hbm>> -> memref<1x4x128xi32, #tpu.memory_space<hbm>>
      %dma_wait3A_1316 = tpu.memref_squeeze %dma_wait3A_1315 : memref<1x4x128xi32, #tpu.memory_space<hbm>> -> memref<4x128xi32, #tpu.memory_space<hbm>>
      tpu.wait_dma2 semaphore(%run_scoped3A : memref<!tpu.dma_semaphore, #tpu.memory_space<semaphore_mem>>) src(%dma_wait3A_1316 : memref<4x128xi32, #tpu.memory_space<hbm>>) dst(%arg19 : memref<4x128xi32, #tpu.memory_space<vmem>>)
      tpu.yield
    }) : () -> ()
    "tpu.region"() ({
      %run_scoped3A = tpu.sem_alloc : memref<!tpu.dma_semaphore, #tpu.memory_space<semaphore_mem>>
      %dma_start3A_1301 = arith.constant 0 : i32
      %dma_start3A_1302 = arith.constant 0 : i32
      %dma_start3A_1303 = tpu.memref_slice %arg5[%add3A, %dma_start3A_1301, %dma_start3A_1302] : memref<32x4x128xi32, #tpu.memory_space<hbm>> -> memref<1x4x128xi32, #tpu.memory_space<hbm>>
      %dma_start3A_1304 = tpu.memref_squeeze %dma_start3A_1303 : memref<1x4x128xi32, #tpu.memory_space<hbm>> -> memref<4x128xi32, #tpu.memory_space<hbm>>
      %dma_start3A_1305 = arith.constant 0 : i32
      %dma_start3A_1306 = arith.constant 0 : i32
      %dma_start3A_1307 = tpu.memref_slice %arg5[%add3A, %dma_start3A_1305, %dma_start3A_1306] : memref<32x4x128xi32, #tpu.memory_space<hbm>> -> memref<1x4x128xi32, #tpu.memory_space<hbm>>
      %dma_start3A_1308 = tpu.memref_squeeze %dma_start3A_1307 : memref<1x4x128xi32, #tpu.memory_space<hbm>> -> memref<4x128xi32, #tpu.memory_space<hbm>>
      tpu.enqueue_dma source(%dma_start3A_1308 : memref<4x128xi32, #tpu.memory_space<hbm>>) target(%arg20 : memref<4x128xi32, #tpu.memory_space<vmem>>) target_semaphore(%run_scoped3A : memref<!tpu.dma_semaphore, #tpu.memory_space<semaphore_mem>>)
      %dma_wait3A_1309 = arith.constant 0 : i32
      %dma_wait3A_1310 = arith.constant 0 : i32
      %dma_wait3A_1311 = tpu.memref_slice %arg5[%add3A, %dma_wait3A_1309, %dma_wait3A_1310] : memref<32x4x128xi32, #tpu.memory_space<hbm>> -> memref<1x4x128xi32, #tpu.memory_space<hbm>>
      %dma_wait3A_1312 = tpu.memref_squeeze %dma_wait3A_1311 : memref<1x4x128xi32, #tpu.memory_space<hbm>> -> memref<4x128xi32, #tpu.memory_space<hbm>>
      %dma_wait3A_1313 = arith.constant 0 : i32
      %dma_wait3A_1314 = arith.constant 0 : i32
      %dma_wait3A_1315 = tpu.memref_slice %arg5[%add3A, %dma_wait3A_1313, %dma_wait3A_1314] : memref<32x4x128xi32, #tpu.memory_space<hbm>> -> memref<1x4x128xi32, #tpu.memory_space<hbm>>
      %dma_wait3A_1316 = tpu.memref_squeeze %dma_wait3A_1315 : memref<1x4x128xi32, #tpu.memory_space<hbm>> -> memref<4x128xi32, #tpu.memory_space<hbm>>
      tpu.wait_dma2 semaphore(%run_scoped3A : memref<!tpu.dma_semaphore, #tpu.memory_space<semaphore_mem>>) src(%dma_wait3A_1316 : memref<4x128xi32, #tpu.memory_space<hbm>>) dst(%arg20 : memref<4x128xi32, #tpu.memory_space<vmem>>)
      tpu.yield
    }) : () -> ()
    "tpu.region"() ({
      %run_scoped3A = tpu.sem_alloc : memref<!tpu.dma_semaphore, #tpu.memory_space<semaphore_mem>>
      %dma_start3A_1301 = arith.constant 0 : i32
      %dma_start3A_1302 = arith.constant 0 : i32
      %dma_start3A_1303 = tpu.memref_slice %arg6[%add3A, %dma_start3A_1301, %dma_start3A_1302] : memref<32x4x128xi32, #tpu.memory_space<hbm>> -> memref<1x4x128xi32, #tpu.memory_space<hbm>>
      %dma_start3A_1304 = tpu.memref_squeeze %dma_start3A_1303 : memref<1x4x128xi32, #tpu.memory_space<hbm>> -> memref<4x128xi32, #tpu.memory_space<hbm>>
      %dma_start3A_1305 = arith.constant 0 : i32
      %dma_start3A_1306 = arith.constant 0 : i32
      %dma_start3A_1307 = tpu.memref_slice %arg6[%add3A, %dma_start3A_1305, %dma_start3A_1306] : memref<32x4x128xi32, #tpu.memory_space<hbm>> -> memref<1x4x128xi32, #tpu.memory_space<hbm>>
      %dma_start3A_1308 = tpu.memref_squeeze %dma_start3A_1307 : memref<1x4x128xi32, #tpu.memory_space<hbm>> -> memref<4x128xi32, #tpu.memory_space<hbm>>
      tpu.enqueue_dma source(%dma_start3A_1308 : memref<4x128xi32, #tpu.memory_space<hbm>>) target(%arg21 : memref<4x128xi32, #tpu.memory_space<vmem>>) target_semaphore(%run_scoped3A : memref<!tpu.dma_semaphore, #tpu.memory_space<semaphore_mem>>)
      %dma_wait3A_1309 = arith.constant 0 : i32
      %dma_wait3A_1310 = arith.constant 0 : i32
      %dma_wait3A_1311 = tpu.memref_slice %arg6[%add3A, %dma_wait3A_1309, %dma_wait3A_1310] : memref<32x4x128xi32, #tpu.memory_space<hbm>> -> memref<1x4x128xi32, #tpu.memory_space<hbm>>
      %dma_wait3A_1312 = tpu.memref_squeeze %dma_wait3A_1311 : memref<1x4x128xi32, #tpu.memory_space<hbm>> -> memref<4x128xi32, #tpu.memory_space<hbm>>
      %dma_wait3A_1313 = arith.constant 0 : i32
      %dma_wait3A_1314 = arith.constant 0 : i32
      %dma_wait3A_1315 = tpu.memref_slice %arg6[%add3A, %dma_wait3A_1313, %dma_wait3A_1314] : memref<32x4x128xi32, #tpu.memory_space<hbm>> -> memref<1x4x128xi32, #tpu.memory_space<hbm>>
      %dma_wait3A_1316 = tpu.memref_squeeze %dma_wait3A_1315 : memref<1x4x128xi32, #tpu.memory_space<hbm>> -> memref<4x128xi32, #tpu.memory_space<hbm>>
      tpu.wait_dma2 semaphore(%run_scoped3A : memref<!tpu.dma_semaphore, #tpu.memory_space<semaphore_mem>>) src(%dma_wait3A_1316 : memref<4x128xi32, #tpu.memory_space<hbm>>) dst(%arg21 : memref<4x128xi32, #tpu.memory_space<vmem>>)
      tpu.yield
    }) : () -> ()
    "tpu.region"() ({
      %run_scoped3A = tpu.sem_alloc : memref<!tpu.dma_semaphore, #tpu.memory_space<semaphore_mem>>
      %dma_start3A_1301 = arith.constant 0 : i32
      %dma_start3A_1302 = arith.constant 0 : i32
      %dma_start3A_1303 = tpu.memref_slice %arg7[%add3A, %dma_start3A_1301, %dma_start3A_1302] : memref<32x4x128xi32, #tpu.memory_space<hbm>> -> memref<1x4x128xi32, #tpu.memory_space<hbm>>
      %dma_start3A_1304 = tpu.memref_squeeze %dma_start3A_1303 : memref<1x4x128xi32, #tpu.memory_space<hbm>> -> memref<4x128xi32, #tpu.memory_space<hbm>>
      %dma_start3A_1305 = arith.constant 0 : i32
      %dma_start3A_1306 = arith.constant 0 : i32
      %dma_start3A_1307 = tpu.memref_slice %arg7[%add3A, %dma_start3A_1305, %dma_start3A_1306] : memref<32x4x128xi32, #tpu.memory_space<hbm>> -> memref<1x4x128xi32, #tpu.memory_space<hbm>>
      %dma_start3A_1308 = tpu.memref_squeeze %dma_start3A_1307 : memref<1x4x128xi32, #tpu.memory_space<hbm>> -> memref<4x128xi32, #tpu.memory_space<hbm>>
      tpu.enqueue_dma source(%dma_start3A_1308 : memref<4x128xi32, #tpu.memory_space<hbm>>) target(%arg22 : memref<4x128xi32, #tpu.memory_space<vmem>>) target_semaphore(%run_scoped3A : memref<!tpu.dma_semaphore, #tpu.memory_space<semaphore_mem>>)
      %dma_wait3A_1309 = arith.constant 0 : i32
      %dma_wait3A_1310 = arith.constant 0 : i32
      %dma_wait3A_1311 = tpu.memref_slice %arg7[%add3A, %dma_wait3A_1309, %dma_wait3A_1310] : memref<32x4x128xi32, #tpu.memory_space<hbm>> -> memref<1x4x128xi32, #tpu.memory_space<hbm>>
      %dma_wait3A_1312 = tpu.memref_squeeze %dma_wait3A_1311 : memref<1x4x128xi32, #tpu.memory_space<hbm>> -> memref<4x128xi32, #tpu.memory_space<hbm>>
      %dma_wait3A_1313 = arith.constant 0 : i32
      %dma_wait3A_1314 = arith.constant 0 : i32
      %dma_wait3A_1315 = tpu.memref_slice %arg7[%add3A, %dma_wait3A_1313, %dma_wait3A_1314] : memref<32x4x128xi32, #tpu.memory_space<hbm>> -> memref<1x4x128xi32, #tpu.memory_space<hbm>>
      %dma_wait3A_1316 = tpu.memref_squeeze %dma_wait3A_1315 : memref<1x4x128xi32, #tpu.memory_space<hbm>> -> memref<4x128xi32, #tpu.memory_space<hbm>>
      tpu.wait_dma2 semaphore(%run_scoped3A : memref<!tpu.dma_semaphore, #tpu.memory_space<semaphore_mem>>) src(%dma_wait3A_1316 : memref<4x128xi32, #tpu.memory_space<hbm>>) dst(%arg22 : memref<4x128xi32, #tpu.memory_space<vmem>>)
      tpu.yield
    }) : () -> ()
    "tpu.region"() ({
      %run_scoped3A = tpu.sem_alloc : memref<!tpu.dma_semaphore, #tpu.memory_space<semaphore_mem>>
      %dma_start3A_1301 = arith.constant 0 : i32
      %dma_start3A_1302 = arith.constant 0 : i32
      %dma_start3A_1303 = tpu.memref_slice %arg8[%add3A, %dma_start3A_1301, %dma_start3A_1302] : memref<32x4x16xi32, #tpu.memory_space<hbm>> -> memref<1x4x16xi32, #tpu.memory_space<hbm>>
      %dma_start3A_1304 = tpu.memref_squeeze %dma_start3A_1303 : memref<1x4x16xi32, #tpu.memory_space<hbm>> -> memref<4x16xi32, #tpu.memory_space<hbm>>
      %dma_start3A_1305 = arith.constant 0 : i32
      %dma_start3A_1306 = arith.constant 0 : i32
      %dma_start3A_1307 = tpu.memref_slice %arg8[%add3A, %dma_start3A_1305, %dma_start3A_1306] : memref<32x4x16xi32, #tpu.memory_space<hbm>> -> memref<1x4x16xi32, #tpu.memory_space<hbm>>
      %dma_start3A_1308 = tpu.memref_squeeze %dma_start3A_1307 : memref<1x4x16xi32, #tpu.memory_space<hbm>> -> memref<4x16xi32, #tpu.memory_space<hbm>>
      tpu.enqueue_dma source(%dma_start3A_1308 : memref<4x16xi32, #tpu.memory_space<hbm>>) target(%arg23 : memref<4x16xi32, #tpu.memory_space<vmem>>) target_semaphore(%run_scoped3A : memref<!tpu.dma_semaphore, #tpu.memory_space<semaphore_mem>>)
      %dma_wait3A_1309 = arith.constant 0 : i32
      %dma_wait3A_1310 = arith.constant 0 : i32
      %dma_wait3A_1311 = tpu.memref_slice %arg8[%add3A, %dma_wait3A_1309, %dma_wait3A_1310] : memref<32x4x16xi32, #tpu.memory_space<hbm>> -> memref<1x4x16xi32, #tpu.memory_space<hbm>>
      %dma_wait3A_1312 = tpu.memref_squeeze %dma_wait3A_1311 : memref<1x4x16xi32, #tpu.memory_space<hbm>> -> memref<4x16xi32, #tpu.memory_space<hbm>>
      %dma_wait3A_1313 = arith.constant 0 : i32
      %dma_wait3A_1314 = arith.constant 0 : i32
      %dma_wait3A_1315 = tpu.memref_slice %arg8[%add3A, %dma_wait3A_1313, %dma_wait3A_1314] : memref<32x4x16xi32, #tpu.memory_space<hbm>> -> memref<1x4x16xi32, #tpu.memory_space<hbm>>
      %dma_wait3A_1316 = tpu.memref_squeeze %dma_wait3A_1315 : memref<1x4x16xi32, #tpu.memory_space<hbm>> -> memref<4x16xi32, #tpu.memory_space<hbm>>
      tpu.wait_dma2 semaphore(%run_scoped3A : memref<!tpu.dma_semaphore, #tpu.memory_space<semaphore_mem>>) src(%dma_wait3A_1316 : memref<4x16xi32, #tpu.memory_space<hbm>>) dst(%arg23 : memref<4x16xi32, #tpu.memory_space<vmem>>)
      tpu.yield
    }) : () -> ()
    %dma_start3A = arith.constant 0 : i32
    %dma_start3A_1 = arith.constant 0 : i32
    %dma_start3A_2 = arith.constant 0 : i32
    %dma_start3A_3 = arith.constant 0 : i32
    %dma_start3A_4 = tpu.memref_slice %arg24[%dma_start3A_1, %dma_start3A_2, %dma_start3A_3] : memref<2x128x128xf32, #tpu.memory_space<vmem>> -> memref<1x128x128xf32, #tpu.memory_space<vmem>>
    %dma_start3A_5 = tpu.memref_squeeze %dma_start3A_4 : memref<1x128x128xf32, #tpu.memory_space<vmem>> -> memref<128x128xf32, #tpu.memory_space<vmem>>
    %dma_start3A_6 = arith.constant 0 : i32
    %dma_start3A_7 = tpu.memref_slice %arg21[%dma_start3A, %dma_start3A_6] : memref<4x128xi32, #tpu.memory_space<vmem>> -> memref<1x128xi32, #tpu.memory_space<vmem>>
    %dma_start3A_8 = tpu.memref_squeeze %dma_start3A_7 : memref<1x128xi32, #tpu.memory_space<vmem>> -> memref<128xi32, #tpu.memory_space<vmem>>
    %dma_start3A_9 = arith.constant 0 : i32
    %dma_start3A_10 = arith.constant 0 : i32
    %dma_start3A_11 = tpu.memref_slice %arg9[%dma_start3A_9, %dma_start3A_10] : memref<500000x128xf32, #tpu.memory_space<hbm>> -> memref<500000x128xf32, #tpu.memory_space<hbm>>
    tpu.enqueue_indirect_dma source(%dma_start3A_11 : memref<500000x128xf32, #tpu.memory_space<hbm>>) target(%dma_start3A_5 : memref<128x128xf32, #tpu.memory_space<vmem>>) offsets(%dma_start3A_8 : memref<128xi32, #tpu.memory_space<vmem>>) semaphore(%arg32 : memref<!tpu.dma_semaphore, #tpu.memory_space<semaphore_mem>>)
    %dma_start3A_12 = arith.constant 0 : i32
    %dma_start3A_13 = arith.constant 0 : i32
    %dma_start3A_14 = arith.constant 0 : i32
    %dma_start3A_15 = arith.constant 0 : i32
    %dma_start3A_16 = tpu.memref_slice %arg25[%dma_start3A_13, %dma_start3A_14, %dma_start3A_15] : memref<2x128x128xf32, #tpu.memory_space<vmem>> -> memref<1x128x128xf32, #tpu.memory_space<vmem>>
    %dma_start3A_17 = tpu.memref_squeeze %dma_start3A_16 : memref<1x128x128xf32, #tpu.memory_space<vmem>> -> memref<128x128xf32, #tpu.memory_space<vmem>>
    %dma_start3A_18 = arith.constant 0 : i32
    %dma_start3A_19 = tpu.memref_slice %arg22[%dma_start3A_12, %dma_start3A_18] : memref<4x128xi32, #tpu.memory_space<vmem>> -> memref<1x128xi32, #tpu.memory_space<vmem>>
    %dma_start3A_20 = tpu.memref_squeeze %dma_start3A_19 : memref<1x128xi32, #tpu.memory_space<vmem>> -> memref<128xi32, #tpu.memory_space<vmem>>
    %dma_start3A_21 = arith.constant 0 : i32
    %dma_start3A_22 = arith.constant 0 : i32
    %dma_start3A_23 = tpu.memref_slice %arg10[%dma_start3A_21, %dma_start3A_22] : memref<50000x128xf32, #tpu.memory_space<hbm>> -> memref<50000x128xf32, #tpu.memory_space<hbm>>
    tpu.enqueue_indirect_dma source(%dma_start3A_23 : memref<50000x128xf32, #tpu.memory_space<hbm>>) target(%dma_start3A_17 : memref<128x128xf32, #tpu.memory_space<vmem>>) offsets(%dma_start3A_20 : memref<128xi32, #tpu.memory_space<vmem>>) semaphore(%arg32 : memref<!tpu.dma_semaphore, #tpu.memory_space<semaphore_mem>>)
    %dma_start3A_24 = arith.constant 0 : i32
    %dma_start3A_25 = arith.constant 0 : i32
    %dma_start3A_26 = tpu.memref_slice %arg26[%dma_start3A_25] : memref<512xf32, #tpu.memory_space<vmem>> -> memref<128xf32, #tpu.memory_space<vmem>>
    %dma_start3A_27 = arith.constant 0 : i32
    %dma_start3A_28 = tpu.memref_slice %arg17[%dma_start3A_24, %dma_start3A_27] : memref<4x128xi32, #tpu.memory_space<vmem>> -> memref<1x128xi32, #tpu.memory_space<vmem>>
    %dma_start3A_29 = tpu.memref_squeeze %dma_start3A_28 : memref<1x128xi32, #tpu.memory_space<vmem>> -> memref<128xi32, #tpu.memory_space<vmem>>
    %dma_start3A_30 = arith.constant 0 : i32
    %dma_start3A_31 = tpu.memref_slice %arg11[%dma_start3A_30] : memref<1000000xf32, #tpu.memory_space<hbm>> -> memref<1000000xf32, #tpu.memory_space<hbm>>
    tpu.enqueue_indirect_dma source(%dma_start3A_31 : memref<1000000xf32, #tpu.memory_space<hbm>>) target(%dma_start3A_26 : memref<128xf32, #tpu.memory_space<vmem>>) offsets(%dma_start3A_29 : memref<128xi32, #tpu.memory_space<vmem>>) semaphore(%arg34 : memref<!tpu.dma_semaphore, #tpu.memory_space<semaphore_mem>>)
    %dma_start3A_32 = arith.constant 0 : i32
    %dma_start3A_33 = arith.constant 0 : i32
    %dma_start3A_34 = tpu.memref_slice %arg27[%dma_start3A_33] : memref<512xf32, #tpu.memory_space<vmem>> -> memref<128xf32, #tpu.memory_space<vmem>>
    %dma_start3A_35 = arith.constant 0 : i32
    %dma_start3A_36 = tpu.memref_slice %arg18[%dma_start3A_32, %dma_start3A_35] : memref<4x128xi32, #tpu.memory_space<vmem>> -> memref<1x128xi32, #tpu.memory_space<vmem>>
    %dma_start3A_37 = tpu.memref_squeeze %dma_start3A_36 : memref<1x128xi32, #tpu.memory_space<vmem>> -> memref<128xi32, #tpu.memory_space<vmem>>
    %dma_start3A_38 = arith.constant 0 : i32
    %dma_start3A_39 = tpu.memref_slice %arg12[%dma_start3A_38] : memref<100000xf32, #tpu.memory_space<hbm>> -> memref<100000xf32, #tpu.memory_space<hbm>>
    tpu.enqueue_indirect_dma source(%dma_start3A_39 : memref<100000xf32, #tpu.memory_space<hbm>>) target(%dma_start3A_34 : memref<128xf32, #tpu.memory_space<vmem>>) offsets(%dma_start3A_37 : memref<128xi32, #tpu.memory_space<vmem>>) semaphore(%arg34 : memref<!tpu.dma_semaphore, #tpu.memory_space<semaphore_mem>>)
    %dma_start3A_40 = arith.constant 0 : i32
    %dma_start3A_41 = arith.constant 0 : i32
    %dma_start3A_42 = tpu.memref_slice %arg28[%dma_start3A_41] : memref<512xf32, #tpu.memory_space<vmem>> -> memref<128xf32, #tpu.memory_space<vmem>>
    %dma_start3A_43 = arith.constant 0 : i32
    %dma_start3A_44 = tpu.memref_slice %arg19[%dma_start3A_40, %dma_start3A_43] : memref<4x128xi32, #tpu.memory_space<vmem>> -> memref<1x128xi32, #tpu.memory_space<vmem>>
    %dma_start3A_45 = tpu.memref_squeeze %dma_start3A_44 : memref<1x128xi32, #tpu.memory_space<vmem>> -> memref<128xi32, #tpu.memory_space<vmem>>
    %dma_start3A_46 = arith.constant 0 : i32
    %dma_start3A_47 = tpu.memref_slice %arg13[%dma_start3A_46] : memref<20xf32, #tpu.memory_space<hbm>> -> memref<20xf32, #tpu.memory_space<hbm>>
    tpu.enqueue_indirect_dma source(%dma_start3A_47 : memref<20xf32, #tpu.memory_space<hbm>>) target(%dma_start3A_42 : memref<128xf32, #tpu.memory_space<vmem>>) offsets(%dma_start3A_45 : memref<128xi32, #tpu.memory_space<vmem>>) semaphore(%arg34 : memref<!tpu.dma_semaphore, #tpu.memory_space<semaphore_mem>>)
    %dma_start3A_48 = arith.constant 0 : i32
    %dma_start3A_49 = arith.constant 0 : i32
    %dma_start3A_50 = tpu.memref_slice %arg29[%dma_start3A_49] : memref<512xf32, #tpu.memory_space<vmem>> -> memref<128xf32, #tpu.memory_space<vmem>>
    %dma_start3A_51 = arith.constant 0 : i32
    %dma_start3A_52 = tpu.memref_slice %arg20[%dma_start3A_48, %dma_start3A_51] : memref<4x128xi32, #tpu.memory_space<vmem>> -> memref<1x128xi32, #tpu.memory_space<vmem>>
    %dma_start3A_53 = tpu.memref_squeeze %dma_start3A_52 : memref<1x128xi32, #tpu.memory_space<vmem>> -> memref<128xi32, #tpu.memory_space<vmem>>
    %dma_start3A_54 = arith.constant 0 : i32
    %dma_start3A_55 = tpu.memref_slice %arg14[%dma_start3A_54] : memref<12xf32, #tpu.memory_space<hbm>> -> memref<12xf32, #tpu.memory_space<hbm>>
    tpu.enqueue_indirect_dma source(%dma_start3A_55 : memref<12xf32, #tpu.memory_space<hbm>>) target(%dma_start3A_50 : memref<128xf32, #tpu.memory_space<vmem>>) offsets(%dma_start3A_53 : memref<128xi32, #tpu.memory_space<vmem>>) semaphore(%arg34 : memref<!tpu.dma_semaphore, #tpu.memory_space<semaphore_mem>>)
    %dma_start3A_56 = arith.constant 1 : i32
    %dma_start3A_57 = arith.constant 128 : i32
    %dma_start3A_58 = tpu.memref_slice %arg26[%dma_start3A_57] : memref<512xf32, #tpu.memory_space<vmem>> -> memref<128xf32, #tpu.memory_space<vmem>>
    %dma_start3A_59 = arith.constant 0 : i32
    %dma_start3A_60 = tpu.memref_slice %arg17[%dma_start3A_56, %dma_start3A_59] : memref<4x128xi32, #tpu.memory_space<vmem>> -> memref<1x128xi32, #tpu.memory_space<vmem>>
    %dma_start3A_61 = tpu.memref_squeeze %dma_start3A_60 : memref<1x128xi32, #tpu.memory_space<vmem>> -> memref<128xi32, #tpu.memory_space<vmem>>
    %dma_start3A_62 = arith.constant 0 : i32
    %dma_start3A_63 = tpu.memref_slice %arg11[%dma_start3A_62] : memref<1000000xf32, #tpu.memory_space<hbm>> -> memref<1000000xf32, #tpu.memory_space<hbm>>
    tpu.enqueue_indirect_dma source(%dma_start3A_63 : memref<1000000xf32, #tpu.memory_space<hbm>>) target(%dma_start3A_58 : memref<128xf32, #tpu.memory_space<vmem>>) offsets(%dma_start3A_61 : memref<128xi32, #tpu.memory_space<vmem>>) semaphore(%arg34 : memref<!tpu.dma_semaphore, #tpu.memory_space<semaphore_mem>>)
    %dma_start3A_64 = arith.constant 1 : i32
    %dma_start3A_65 = arith.constant 128 : i32
    %dma_start3A_66 = tpu.memref_slice %arg27[%dma_start3A_65] : memref<512xf32, #tpu.memory_space<vmem>> -> memref<128xf32, #tpu.memory_space<vmem>>
    %dma_start3A_67 = arith.constant 0 : i32
    %dma_start3A_68 = tpu.memref_slice %arg18[%dma_start3A_64, %dma_start3A_67] : memref<4x128xi32, #tpu.memory_space<vmem>> -> memref<1x128xi32, #tpu.memory_space<vmem>>
    %dma_start3A_69 = tpu.memref_squeeze %dma_start3A_68 : memref<1x128xi32, #tpu.memory_space<vmem>> -> memref<128xi32, #tpu.memory_space<vmem>>
    %dma_start3A_70 = arith.constant 0 : i32
    %dma_start3A_71 = tpu.memref_slice %arg12[%dma_start3A_70] : memref<100000xf32, #tpu.memory_space<hbm>> -> memref<100000xf32, #tpu.memory_space<hbm>>
    tpu.enqueue_indirect_dma source(%dma_start3A_71 : memref<100000xf32, #tpu.memory_space<hbm>>) target(%dma_start3A_66 : memref<128xf32, #tpu.memory_space<vmem>>) offsets(%dma_start3A_69 : memref<128xi32, #tpu.memory_space<vmem>>) semaphore(%arg34 : memref<!tpu.dma_semaphore, #tpu.memory_space<semaphore_mem>>)
    %dma_start3A_72 = arith.constant 1 : i32
    %dma_start3A_73 = arith.constant 128 : i32
    %dma_start3A_74 = tpu.memref_slice %arg28[%dma_start3A_73] : memref<512xf32, #tpu.memory_space<vmem>> -> memref<128xf32, #tpu.memory_space<vmem>>
    %dma_start3A_75 = arith.constant 0 : i32
    %dma_start3A_76 = tpu.memref_slice %arg19[%dma_start3A_72, %dma_start3A_75] : memref<4x128xi32, #tpu.memory_space<vmem>> -> memref<1x128xi32, #tpu.memory_space<vmem>>
    %dma_start3A_77 = tpu.memref_squeeze %dma_start3A_76 : memref<1x128xi32, #tpu.memory_space<vmem>> -> memref<128xi32, #tpu.memory_space<vmem>>
    %dma_start3A_78 = arith.constant 0 : i32
    %dma_start3A_79 = tpu.memref_slice %arg13[%dma_start3A_78] : memref<20xf32, #tpu.memory_space<hbm>> -> memref<20xf32, #tpu.memory_space<hbm>>
    tpu.enqueue_indirect_dma source(%dma_start3A_79 : memref<20xf32, #tpu.memory_space<hbm>>) target(%dma_start3A_74 : memref<128xf32, #tpu.memory_space<vmem>>) offsets(%dma_start3A_77 : memref<128xi32, #tpu.memory_space<vmem>>) semaphore(%arg34 : memref<!tpu.dma_semaphore, #tpu.memory_space<semaphore_mem>>)
    %dma_start3A_80 = arith.constant 1 : i32
    %dma_start3A_81 = arith.constant 128 : i32
    %dma_start3A_82 = tpu.memref_slice %arg29[%dma_start3A_81] : memref<512xf32, #tpu.memory_space<vmem>> -> memref<128xf32, #tpu.memory_space<vmem>>
    %dma_start3A_83 = arith.constant 0 : i32
    %dma_start3A_84 = tpu.memref_slice %arg20[%dma_start3A_80, %dma_start3A_83] : memref<4x128xi32, #tpu.memory_space<vmem>> -> memref<1x128xi32, #tpu.memory_space<vmem>>
    %dma_start3A_85 = tpu.memref_squeeze %dma_start3A_84 : memref<1x128xi32, #tpu.memory_space<vmem>> -> memref<128xi32, #tpu.memory_space<vmem>>
    %dma_start3A_86 = arith.constant 0 : i32
    %dma_start3A_87 = tpu.memref_slice %arg14[%dma_start3A_86] : memref<12xf32, #tpu.memory_space<hbm>> -> memref<12xf32, #tpu.memory_space<hbm>>
    tpu.enqueue_indirect_dma source(%dma_start3A_87 : memref<12xf32, #tpu.memory_space<hbm>>) target(%dma_start3A_82 : memref<128xf32, #tpu.memory_space<vmem>>) offsets(%dma_start3A_85 : memref<128xi32, #tpu.memory_space<vmem>>) semaphore(%arg34 : memref<!tpu.dma_semaphore, #tpu.memory_space<semaphore_mem>>)
    %dma_start3A_88 = arith.constant 2 : i32
    %dma_start3A_89 = arith.constant 256 : i32
    %dma_start3A_90 = tpu.memref_slice %arg26[%dma_start3A_89] : memref<512xf32, #tpu.memory_space<vmem>> -> memref<128xf32, #tpu.memory_space<vmem>>
    %dma_start3A_91 = arith.constant 0 : i32
    %dma_start3A_92 = tpu.memref_slice %arg17[%dma_start3A_88, %dma_start3A_91] : memref<4x128xi32, #tpu.memory_space<vmem>> -> memref<1x128xi32, #tpu.memory_space<vmem>>
    %dma_start3A_93 = tpu.memref_squeeze %dma_start3A_92 : memref<1x128xi32, #tpu.memory_space<vmem>> -> memref<128xi32, #tpu.memory_space<vmem>>
    %dma_start3A_94 = arith.constant 0 : i32
    %dma_start3A_95 = tpu.memref_slice %arg11[%dma_start3A_94] : memref<1000000xf32, #tpu.memory_space<hbm>> -> memref<1000000xf32, #tpu.memory_space<hbm>>
    tpu.enqueue_indirect_dma source(%dma_start3A_95 : memref<1000000xf32, #tpu.memory_space<hbm>>) target(%dma_start3A_90 : memref<128xf32, #tpu.memory_space<vmem>>) offsets(%dma_start3A_93 : memref<128xi32, #tpu.memory_space<vmem>>) semaphore(%arg34 : memref<!tpu.dma_semaphore, #tpu.memory_space<semaphore_mem>>)
    %dma_start3A_96 = arith.constant 2 : i32
    %dma_start3A_97 = arith.constant 256 : i32
    %dma_start3A_98 = tpu.memref_slice %arg27[%dma_start3A_97] : memref<512xf32, #tpu.memory_space<vmem>> -> memref<128xf32, #tpu.memory_space<vmem>>
    %dma_start3A_99 = arith.constant 0 : i32
    %dma_start3A_100 = tpu.memref_slice %arg18[%dma_start3A_96, %dma_start3A_99] : memref<4x128xi32, #tpu.memory_space<vmem>> -> memref<1x128xi32, #tpu.memory_space<vmem>>
    %dma_start3A_101 = tpu.memref_squeeze %dma_start3A_100 : memref<1x128xi32, #tpu.memory_space<vmem>> -> memref<128xi32, #tpu.memory_space<vmem>>
    %dma_start3A_102 = arith.constant 0 : i32
    %dma_start3A_103 = tpu.memref_slice %arg12[%dma_start3A_102] : memref<100000xf32, #tpu.memory_space<hbm>> -> memref<100000xf32, #tpu.memory_space<hbm>>
    tpu.enqueue_indirect_dma source(%dma_start3A_103 : memref<100000xf32, #tpu.memory_space<hbm>>) target(%dma_start3A_98 : memref<128xf32, #tpu.memory_space<vmem>>) offsets(%dma_start3A_101 : memref<128xi32, #tpu.memory_space<vmem>>) semaphore(%arg34 : memref<!tpu.dma_semaphore, #tpu.memory_space<semaphore_mem>>)
    %dma_start3A_104 = arith.constant 2 : i32
    %dma_start3A_105 = arith.constant 256 : i32
    %dma_start3A_106 = tpu.memref_slice %arg28[%dma_start3A_105] : memref<512xf32, #tpu.memory_space<vmem>> -> memref<128xf32, #tpu.memory_space<vmem>>
    %dma_start3A_107 = arith.constant 0 : i32
    %dma_start3A_108 = tpu.memref_slice %arg19[%dma_start3A_104, %dma_start3A_107] : memref<4x128xi32, #tpu.memory_space<vmem>> -> memref<1x128xi32, #tpu.memory_space<vmem>>
    %dma_start3A_109 = tpu.memref_squeeze %dma_start3A_108 : memref<1x128xi32, #tpu.memory_space<vmem>> -> memref<128xi32, #tpu.memory_space<vmem>>
    %dma_start3A_110 = arith.constant 0 : i32
    %dma_start3A_111 = tpu.memref_slice %arg13[%dma_start3A_110] : memref<20xf32, #tpu.memory_space<hbm>> -> memref<20xf32, #tpu.memory_space<hbm>>
    tpu.enqueue_indirect_dma source(%dma_start3A_111 : memref<20xf32, #tpu.memory_space<hbm>>) target(%dma_start3A_106 : memref<128xf32, #tpu.memory_space<vmem>>) offsets(%dma_start3A_109 : memref<128xi32, #tpu.memory_space<vmem>>) semaphore(%arg34 : memref<!tpu.dma_semaphore, #tpu.memory_space<semaphore_mem>>)
    %dma_start3A_112 = arith.constant 2 : i32
    %dma_start3A_113 = arith.constant 256 : i32
    %dma_start3A_114 = tpu.memref_slice %arg29[%dma_start3A_113] : memref<512xf32, #tpu.memory_space<vmem>> -> memref<128xf32, #tpu.memory_space<vmem>>
    %dma_start3A_115 = arith.constant 0 : i32
    %dma_start3A_116 = tpu.memref_slice %arg20[%dma_start3A_112, %dma_start3A_115] : memref<4x128xi32, #tpu.memory_space<vmem>> -> memref<1x128xi32, #tpu.memory_space<vmem>>
    %dma_start3A_117 = tpu.memref_squeeze %dma_start3A_116 : memref<1x128xi32, #tpu.memory_space<vmem>> -> memref<128xi32, #tpu.memory_space<vmem>>
    %dma_start3A_118 = arith.constant 0 : i32
    %dma_start3A_119 = tpu.memref_slice %arg14[%dma_start3A_118] : memref<12xf32, #tpu.memory_space<hbm>> -> memref<12xf32, #tpu.memory_space<hbm>>
    tpu.enqueue_indirect_dma source(%dma_start3A_119 : memref<12xf32, #tpu.memory_space<hbm>>) target(%dma_start3A_114 : memref<128xf32, #tpu.memory_space<vmem>>) offsets(%dma_start3A_117 : memref<128xi32, #tpu.memory_space<vmem>>) semaphore(%arg34 : memref<!tpu.dma_semaphore, #tpu.memory_space<semaphore_mem>>)
    %dma_start3A_120 = arith.constant 3 : i32
    %dma_start3A_121 = arith.constant 384 : i32
    %dma_start3A_122 = tpu.memref_slice %arg26[%dma_start3A_121] : memref<512xf32, #tpu.memory_space<vmem>> -> memref<128xf32, #tpu.memory_space<vmem>>
    %dma_start3A_123 = arith.constant 0 : i32
    %dma_start3A_124 = tpu.memref_slice %arg17[%dma_start3A_120, %dma_start3A_123] : memref<4x128xi32, #tpu.memory_space<vmem>> -> memref<1x128xi32, #tpu.memory_space<vmem>>
    %dma_start3A_125 = tpu.memref_squeeze %dma_start3A_124 : memref<1x128xi32, #tpu.memory_space<vmem>> -> memref<128xi32, #tpu.memory_space<vmem>>
    %dma_start3A_126 = arith.constant 0 : i32
    %dma_start3A_127 = tpu.memref_slice %arg11[%dma_start3A_126] : memref<1000000xf32, #tpu.memory_space<hbm>> -> memref<1000000xf32, #tpu.memory_space<hbm>>
    tpu.enqueue_indirect_dma source(%dma_start3A_127 : memref<1000000xf32, #tpu.memory_space<hbm>>) target(%dma_start3A_122 : memref<128xf32, #tpu.memory_space<vmem>>) offsets(%dma_start3A_125 : memref<128xi32, #tpu.memory_space<vmem>>) semaphore(%arg34 : memref<!tpu.dma_semaphore, #tpu.memory_space<semaphore_mem>>)
    %dma_start3A_128 = arith.constant 3 : i32
    %dma_start3A_129 = arith.constant 384 : i32
    %dma_start3A_130 = tpu.memref_slice %arg27[%dma_start3A_129] : memref<512xf32, #tpu.memory_space<vmem>> -> memref<128xf32, #tpu.memory_space<vmem>>
    %dma_start3A_131 = arith.constant 0 : i32
    %dma_start3A_132 = tpu.memref_slice %arg18[%dma_start3A_128, %dma_start3A_131] : memref<4x128xi32, #tpu.memory_space<vmem>> -> memref<1x128xi32, #tpu.memory_space<vmem>>
    %dma_start3A_133 = tpu.memref_squeeze %dma_start3A_132 : memref<1x128xi32, #tpu.memory_space<vmem>> -> memref<128xi32, #tpu.memory_space<vmem>>
    %dma_start3A_134 = arith.constant 0 : i32
    %dma_start3A_135 = tpu.memref_slice %arg12[%dma_start3A_134] : memref<100000xf32, #tpu.memory_space<hbm>> -> memref<100000xf32, #tpu.memory_space<hbm>>
    tpu.enqueue_indirect_dma source(%dma_start3A_135 : memref<100000xf32, #tpu.memory_space<hbm>>) target(%dma_start3A_130 : memref<128xf32, #tpu.memory_space<vmem>>) offsets(%dma_start3A_133 : memref<128xi32, #tpu.memory_space<vmem>>) semaphore(%arg34 : memref<!tpu.dma_semaphore, #tpu.memory_space<semaphore_mem>>)
    %dma_start3A_136 = arith.constant 3 : i32
    %dma_start3A_137 = arith.constant 384 : i32
    %dma_start3A_138 = tpu.memref_slice %arg28[%dma_start3A_137] : memref<512xf32, #tpu.memory_space<vmem>> -> memref<128xf32, #tpu.memory_space<vmem>>
    %dma_start3A_139 = arith.constant 0 : i32
    %dma_start3A_140 = tpu.memref_slice %arg19[%dma_start3A_136, %dma_start3A_139] : memref<4x128xi32, #tpu.memory_space<vmem>> -> memref<1x128xi32, #tpu.memory_space<vmem>>
    %dma_start3A_141 = tpu.memref_squeeze %dma_start3A_140 : memref<1x128xi32, #tpu.memory_space<vmem>> -> memref<128xi32, #tpu.memory_space<vmem>>
    %dma_start3A_142 = arith.constant 0 : i32
    %dma_start3A_143 = tpu.memref_slice %arg13[%dma_start3A_142] : memref<20xf32, #tpu.memory_space<hbm>> -> memref<20xf32, #tpu.memory_space<hbm>>
    tpu.enqueue_indirect_dma source(%dma_start3A_143 : memref<20xf32, #tpu.memory_space<hbm>>) target(%dma_start3A_138 : memref<128xf32, #tpu.memory_space<vmem>>) offsets(%dma_start3A_141 : memref<128xi32, #tpu.memory_space<vmem>>) semaphore(%arg34 : memref<!tpu.dma_semaphore, #tpu.memory_space<semaphore_mem>>)
    %dma_start3A_144 = arith.constant 3 : i32
    %dma_start3A_145 = arith.constant 384 : i32
    %dma_start3A_146 = tpu.memref_slice %arg29[%dma_start3A_145] : memref<512xf32, #tpu.memory_space<vmem>> -> memref<128xf32, #tpu.memory_space<vmem>>
    %dma_start3A_147 = arith.constant 0 : i32
    %dma_start3A_148 = tpu.memref_slice %arg20[%dma_start3A_144, %dma_start3A_147] : memref<4x128xi32, #tpu.memory_space<vmem>> -> memref<1x128xi32, #tpu.memory_space<vmem>>
    %dma_start3A_149 = tpu.memref_squeeze %dma_start3A_148 : memref<1x128xi32, #tpu.memory_space<vmem>> -> memref<128xi32, #tpu.memory_space<vmem>>
    %dma_start3A_150 = arith.constant 0 : i32
    %dma_start3A_151 = tpu.memref_slice %arg14[%dma_start3A_150] : memref<12xf32, #tpu.memory_space<hbm>> -> memref<12xf32, #tpu.memory_space<hbm>>
    tpu.enqueue_indirect_dma source(%dma_start3A_151 : memref<12xf32, #tpu.memory_space<hbm>>) target(%dma_start3A_146 : memref<128xf32, #tpu.memory_space<vmem>>) offsets(%dma_start3A_149 : memref<128xi32, #tpu.memory_space<vmem>>) semaphore(%arg34 : memref<!tpu.dma_semaphore, #tpu.memory_space<semaphore_mem>>)
    %broadcast_in_dim3A = arith.constant 0.000000e+00 : f32
    %broadcast_in_dim3A_152 = vector.broadcast %broadcast_in_dim3A : f32 to vector<16xf32>
    %dma_start3A_153 = arith.constant 1 : i32
    %dma_start3A_154 = arith.constant 1 : i32
    %dma_start3A_155 = arith.constant 0 : i32
    %dma_start3A_156 = arith.constant 0 : i32
    %dma_start3A_157 = tpu.memref_slice %arg24[%dma_start3A_154, %dma_start3A_155, %dma_start3A_156] : memref<2x128x128xf32, #tpu.memory_space<vmem>> -> memref<1x128x128xf32, #tpu.memory_space<vmem>>
    %dma_start3A_158 = tpu.memref_squeeze %dma_start3A_157 : memref<1x128x128xf32, #tpu.memory_space<vmem>> -> memref<128x128xf32, #tpu.memory_space<vmem>>
    %dma_start3A_159 = arith.constant 0 : i32
    %dma_start3A_160 = tpu.memref_slice %arg21[%dma_start3A_153, %dma_start3A_159] : memref<4x128xi32, #tpu.memory_space<vmem>> -> memref<1x128xi32, #tpu.memory_space<vmem>>
    %dma_start3A_161 = tpu.memref_squeeze %dma_start3A_160 : memref<1x128xi32, #tpu.memory_space<vmem>> -> memref<128xi32, #tpu.memory_space<vmem>>
    %dma_start3A_162 = arith.constant 0 : i32
    %dma_start3A_163 = arith.constant 0 : i32
    %dma_start3A_164 = tpu.memref_slice %arg9[%dma_start3A_162, %dma_start3A_163] : memref<500000x128xf32, #tpu.memory_space<hbm>> -> memref<500000x128xf32, #tpu.memory_space<hbm>>
    tpu.enqueue_indirect_dma source(%dma_start3A_164 : memref<500000x128xf32, #tpu.memory_space<hbm>>) target(%dma_start3A_158 : memref<128x128xf32, #tpu.memory_space<vmem>>) offsets(%dma_start3A_161 : memref<128xi32, #tpu.memory_space<vmem>>) semaphore(%arg33 : memref<!tpu.dma_semaphore, #tpu.memory_space<semaphore_mem>>)
    %dma_start3A_165 = arith.constant 1 : i32
    %dma_start3A_166 = arith.constant 1 : i32
    %dma_start3A_167 = arith.constant 0 : i32
    %dma_start3A_168 = arith.constant 0 : i32
    %dma_start3A_169 = tpu.memref_slice %arg25[%dma_start3A_166, %dma_start3A_167, %dma_start3A_168] : memref<2x128x128xf32, #tpu.memory_space<vmem>> -> memref<1x128x128xf32, #tpu.memory_space<vmem>>
    %dma_start3A_170 = tpu.memref_squeeze %dma_start3A_169 : memref<1x128x128xf32, #tpu.memory_space<vmem>> -> memref<128x128xf32, #tpu.memory_space<vmem>>
    %dma_start3A_171 = arith.constant 0 : i32
    %dma_start3A_172 = tpu.memref_slice %arg22[%dma_start3A_165, %dma_start3A_171] : memref<4x128xi32, #tpu.memory_space<vmem>> -> memref<1x128xi32, #tpu.memory_space<vmem>>
    %dma_start3A_173 = tpu.memref_squeeze %dma_start3A_172 : memref<1x128xi32, #tpu.memory_space<vmem>> -> memref<128xi32, #tpu.memory_space<vmem>>
    %dma_start3A_174 = arith.constant 0 : i32
    %dma_start3A_175 = arith.constant 0 : i32
    %dma_start3A_176 = tpu.memref_slice %arg10[%dma_start3A_174, %dma_start3A_175] : memref<50000x128xf32, #tpu.memory_space<hbm>> -> memref<50000x128xf32, #tpu.memory_space<hbm>>
    tpu.enqueue_indirect_dma source(%dma_start3A_176 : memref<50000x128xf32, #tpu.memory_space<hbm>>) target(%dma_start3A_170 : memref<128x128xf32, #tpu.memory_space<vmem>>) offsets(%dma_start3A_173 : memref<128xi32, #tpu.memory_space<vmem>>) semaphore(%arg33 : memref<!tpu.dma_semaphore, #tpu.memory_space<semaphore_mem>>)
    %dma_wait3A = arith.constant 0 : i32
    %dma_wait3A_177 = arith.constant 0 : i32
    %dma_wait3A_178 = arith.constant 0 : i32
    %dma_wait3A_179 = arith.constant 0 : i32
    %dma_wait3A_180 = tpu.memref_slice %arg24[%dma_wait3A_177, %dma_wait3A_178, %dma_wait3A_179] : memref<2x128x128xf32, #tpu.memory_space<vmem>> -> memref<1x128x128xf32, #tpu.memory_space<vmem>>
    %dma_wait3A_181 = tpu.memref_squeeze %dma_wait3A_180 : memref<1x128x128xf32, #tpu.memory_space<vmem>> -> memref<128x128xf32, #tpu.memory_space<vmem>>
    %dma_wait3A_182 = arith.constant 0 : i32
    %dma_wait3A_183 = tpu.memref_slice %arg21[%dma_wait3A, %dma_wait3A_182] : memref<4x128xi32, #tpu.memory_space<vmem>> -> memref<1x128xi32, #tpu.memory_space<vmem>>
    %dma_wait3A_184 = tpu.memref_squeeze %dma_wait3A_183 : memref<1x128xi32, #tpu.memory_space<vmem>> -> memref<128xi32, #tpu.memory_space<vmem>>
    %dma_wait3A_185 = arith.constant 0 : i32
    %dma_wait3A_186 = arith.constant 0 : i32
    %dma_wait3A_187 = tpu.memref_slice %arg9[%dma_wait3A_185, %dma_wait3A_186] : memref<500000x128xf32, #tpu.memory_space<hbm>> -> memref<500000x128xf32, #tpu.memory_space<hbm>>
    tpu.wait_indirect_dma semaphore(%arg32 : memref<!tpu.dma_semaphore, #tpu.memory_space<semaphore_mem>>) src(%dma_wait3A_187 : memref<500000x128xf32, #tpu.memory_space<hbm>>) dst(%dma_wait3A_181 : memref<128x128xf32, #tpu.memory_space<vmem>>)
    %dma_wait3A_188 = arith.constant 0 : i32
    %dma_wait3A_189 = arith.constant 0 : i32
    %dma_wait3A_190 = arith.constant 0 : i32
    %dma_wait3A_191 = arith.constant 0 : i32
    %dma_wait3A_192 = tpu.memref_slice %arg25[%dma_wait3A_189, %dma_wait3A_190, %dma_wait3A_191] : memref<2x128x128xf32, #tpu.memory_space<vmem>> -> memref<1x128x128xf32, #tpu.memory_space<vmem>>
    %dma_wait3A_193 = tpu.memref_squeeze %dma_wait3A_192 : memref<1x128x128xf32, #tpu.memory_space<vmem>> -> memref<128x128xf32, #tpu.memory_space<vmem>>
    %dma_wait3A_194 = arith.constant 0 : i32
    %dma_wait3A_195 = tpu.memref_slice %arg22[%dma_wait3A_188, %dma_wait3A_194] : memref<4x128xi32, #tpu.memory_space<vmem>> -> memref<1x128xi32, #tpu.memory_space<vmem>>
    %dma_wait3A_196 = tpu.memref_squeeze %dma_wait3A_195 : memref<1x128xi32, #tpu.memory_space<vmem>> -> memref<128xi32, #tpu.memory_space<vmem>>
    %dma_wait3A_197 = arith.constant 0 : i32
    %dma_wait3A_198 = arith.constant 0 : i32
    %dma_wait3A_199 = tpu.memref_slice %arg10[%dma_wait3A_197, %dma_wait3A_198] : memref<50000x128xf32, #tpu.memory_space<hbm>> -> memref<50000x128xf32, #tpu.memory_space<hbm>>
    tpu.wait_indirect_dma semaphore(%arg32 : memref<!tpu.dma_semaphore, #tpu.memory_space<semaphore_mem>>) src(%dma_wait3A_199 : memref<50000x128xf32, #tpu.memory_space<hbm>>) dst(%dma_wait3A_193 : memref<128x128xf32, #tpu.memory_space<vmem>>)
    %get3A = arith.constant 0 : i32
    %get3A_200 = arith.index_cast %get3A : i32 to index
    %get3A_201 = arith.constant 0 : index
    %get3A_202 = tpu.vector_load %arg23[%get3A_200, %get3A_201] {strides = array<i32>} : memref<4x16xi32, #tpu.memory_space<vmem>>, vector<1x16xi32>,
    %get3A_203 = vector.shape_cast %get3A_202 : vector<1x16xi32> to vector<16xi32>
    %slice3A = vector.extract_strided_slice %get3A_203 {offsets = [0], sizes = [1], strides = [1]} : vector<16xi32> to vector<1xi32>
    %squeeze3A = vector.extract %slice3A[0] : i32 from vector<1xi32>
    %slice3A_204 = vector.extract_strided_slice %get3A_203 {offsets = [4], sizes = [1], strides = [1]} : vector<16xi32> to vector<1xi32>
    %squeeze3A_205 = vector.extract %slice3A_204[0] : i32 from vector<1xi32>
    %while3A = arith.subi %squeeze3A_205, %squeeze3A : i32
    %while3A_206 = arith.addi %squeeze3A, %while3A : i32
    %while3A_207 = arith.constant 1 : i32
    %while3A_208 = arith.divsi %while3A, %while3A_207 : i32
    %while3A_209 = arith.muli %while3A_208, %while3A_207 : i32
    %while3A_210 = arith.addi %squeeze3A, %while3A_209 : i32
    %while3A_211 = arith.constant 1 : i32
    %while3A_212 = scf.for %while3A_1301 = %squeeze3A to %while3A_210 step %while3A_211 iter_args(%while3A_1302 = %broadcast_in_dim3A_152) -> (vector<16xf32>)  : i32 {
      %get3A_1303 = arith.constant 0 : i32
      %get3A_1304 = arith.index_cast %get3A_1303 : i32 to index
      %get3A_1305 = arith.index_cast %while3A_1301 : i32 to index
      %get3A_1306 = arith.constant 0 : index
      %get3A_1307 = tpu.vector_load %arg24[%get3A_1304, %get3A_1305, %get3A_1306] {strides = array<i32>} : memref<2x128x128xf32, #tpu.memory_space<vmem>>, vector<1x1x16xf32>,
      %get3A_1308 = vector.shape_cast %get3A_1307 : vector<1x1x16xf32> to vector<16xf32>
      %get3A_1309 = arith.constant 0 : i32
      %get3A_1310 = arith.index_cast %get3A_1309 : i32 to index
      %get3A_1311 = arith.index_cast %while3A_1301 : i32 to index
      %get3A_1312 = arith.constant 0 : index
      %get3A_1313 = tpu.vector_load %arg25[%get3A_1310, %get3A_1311, %get3A_1312] {strides = array<i32>} : memref<2x128x128xf32, #tpu.memory_space<vmem>>, vector<1x1x16xf32>,
      %get3A_1314 = vector.shape_cast %get3A_1313 : vector<1x1x16xf32> to vector<16xf32>
      %mul3A_1315 = arith.mulf %get3A_1308, %get3A_1314 : vector<16xf32>
      %add3A_1316 = arith.addf %while3A_1302, %mul3A_1315 : vector<16xf32>
      %get3A_1317 = arith.constant 0 : i32
      %get3A_1318 = arith.index_cast %get3A_1317 : i32 to index
      %get3A_1319 = arith.index_cast %while3A_1301 : i32 to index
      %get3A_1320 = arith.constant 16 : index
      %get3A_1321 = tpu.vector_load %arg24[%get3A_1318, %get3A_1319, %get3A_1320] {strides = array<i32>} : memref<2x128x128xf32, #tpu.memory_space<vmem>>, vector<1x1x16xf32>,
      %get3A_1322 = vector.shape_cast %get3A_1321 : vector<1x1x16xf32> to vector<16xf32>
      %get3A_1323 = arith.constant 0 : i32
      %get3A_1324 = arith.index_cast %get3A_1323 : i32 to index
      %get3A_1325 = arith.index_cast %while3A_1301 : i32 to index
      %get3A_1326 = arith.constant 16 : index
      %get3A_1327 = tpu.vector_load %arg25[%get3A_1324, %get3A_1325, %get3A_1326] {strides = array<i32>} : memref<2x128x128xf32, #tpu.memory_space<vmem>>, vector<1x1x16xf32>,
      %get3A_1328 = vector.shape_cast %get3A_1327 : vector<1x1x16xf32> to vector<16xf32>
      %mul3A_1329 = arith.mulf %get3A_1322, %get3A_1328 : vector<16xf32>
      %add3A_1330 = arith.addf %add3A_1316, %mul3A_1329 : vector<16xf32>
      %get3A_1331 = arith.constant 0 : i32
      %get3A_1332 = arith.index_cast %get3A_1331 : i32 to index
      %get3A_1333 = arith.index_cast %while3A_1301 : i32 to index
      %get3A_1334 = arith.constant 32 : index
      %get3A_1335 = tpu.vector_load %arg24[%get3A_1332, %get3A_1333, %get3A_1334] {strides = array<i32>} : memref<2x128x128xf32, #tpu.memory_space<vmem>>, vector<1x1x16xf32>,
      %get3A_1336 = vector.shape_cast %get3A_1335 : vector<1x1x16xf32> to vector<16xf32>
      %get3A_1337 = arith.constant 0 : i32
      %get3A_1338 = arith.index_cast %get3A_1337 : i32 to index
      %get3A_1339 = arith.index_cast %while3A_1301 : i32 to index
      %get3A_1340 = arith.constant 32 : index
      %get3A_1341 = tpu.vector_load %arg25[%get3A_1338, %get3A_1339, %get3A_1340] {strides = array<i32>} : memref<2x128x128xf32, #tpu.memory_space<vmem>>, vector<1x1x16xf32>,
      %get3A_1342 = vector.shape_cast %get3A_1341 : vector<1x1x16xf32> to vector<16xf32>
      %mul3A_1343 = arith.mulf %get3A_1336, %get3A_1342 : vector<16xf32>
      %add3A_1344 = arith.addf %add3A_1330, %mul3A_1343 : vector<16xf32>
      %get3A_1345 = arith.constant 0 : i32
      %get3A_1346 = arith.index_cast %get3A_1345 : i32 to index
      %get3A_1347 = arith.index_cast %while3A_1301 : i32 to index
      %get3A_1348 = arith.constant 48 : index
      %get3A_1349 = tpu.vector_load %arg24[%get3A_1346, %get3A_1347, %get3A_1348] {strides = array<i32>} : memref<2x128x128xf32, #tpu.memory_space<vmem>>, vector<1x1x16xf32>,
      %get3A_1350 = vector.shape_cast %get3A_1349 : vector<1x1x16xf32> to vector<16xf32>
      %get3A_1351 = arith.constant 0 : i32
      %get3A_1352 = arith.index_cast %get3A_1351 : i32 to index
      %get3A_1353 = arith.index_cast %while3A_1301 : i32 to index
      %get3A_1354 = arith.constant 48 : index
      %get3A_1355 = tpu.vector_load %arg25[%get3A_1352, %get3A_1353, %get3A_1354] {strides = array<i32>} : memref<2x128x128xf32, #tpu.memory_space<vmem>>, vector<1x1x16xf32>,
      %get3A_1356 = vector.shape_cast %get3A_1355 : vector<1x1x16xf32> to vector<16xf32>
      %mul3A_1357 = arith.mulf %get3A_1350, %get3A_1356 : vector<16xf32>
      %add3A_1358 = arith.addf %add3A_1344, %mul3A_1357 : vector<16xf32>
      scf.yield %add3A_1358 : vector<16xf32>
    }
    %while3A_213 = arith.constant 1 : i32
    %while3A_214 = scf.for %while3A_1301 = %while3A_210 to %while3A_206 step %while3A_213 iter_args(%while3A_1302 = %while3A_212) -> (vector<16xf32>)  : i32 {
      %get3A_1303 = arith.constant 0 : i32
      %get3A_1304 = arith.index_cast %get3A_1303 : i32 to index
      %get3A_1305 = arith.index_cast %while3A_1301 : i32 to index
      %get3A_1306 = arith.constant 0 : index
      %get3A_1307 = tpu.vector_load %arg24[%get3A_1304, %get3A_1305, %get3A_1306] {strides = array<i32>} : memref<2x128x128xf32, #tpu.memory_space<vmem>>, vector<1x1x16xf32>,
      %get3A_1308 = vector.shape_cast %get3A_1307 : vector<1x1x16xf32> to vector<16xf32>
      %get3A_1309 = arith.constant 0 : i32
      %get3A_1310 = arith.index_cast %get3A_1309 : i32 to index
      %get3A_1311 = arith.index_cast %while3A_1301 : i32 to index
      %get3A_1312 = arith.constant 0 : index
      %get3A_1313 = tpu.vector_load %arg25[%get3A_1310, %get3A_1311, %get3A_1312] {strides = array<i32>} : memref<2x128x128xf32, #tpu.memory_space<vmem>>, vector<1x1x16xf32>,
      %get3A_1314 = vector.shape_cast %get3A_1313 : vector<1x1x16xf32> to vector<16xf32>
      %mul3A_1315 = arith.mulf %get3A_1308, %get3A_1314 : vector<16xf32>
      %add3A_1316 = arith.addf %while3A_1302, %mul3A_1315 : vector<16xf32>
      %get3A_1317 = arith.constant 0 : i32
      %get3A_1318 = arith.index_cast %get3A_1317 : i32 to index
      %get3A_1319 = arith.index_cast %while3A_1301 : i32 to index
      %get3A_1320 = arith.constant 16 : index
      %get3A_1321 = tpu.vector_load %arg24[%get3A_1318, %get3A_1319, %get3A_1320] {strides = array<i32>} : memref<2x128x128xf32, #tpu.memory_space<vmem>>, vector<1x1x16xf32>,
      %get3A_1322 = vector.shape_cast %get3A_1321 : vector<1x1x16xf32> to vector<16xf32>
      %get3A_1323 = arith.constant 0 : i32
      %get3A_1324 = arith.index_cast %get3A_1323 : i32 to index
      %get3A_1325 = arith.index_cast %while3A_1301 : i32 to index
      %get3A_1326 = arith.constant 16 : index
      %get3A_1327 = tpu.vector_load %arg25[%get3A_1324, %get3A_1325, %get3A_1326] {strides = array<i32>} : memref<2x128x128xf32, #tpu.memory_space<vmem>>, vector<1x1x16xf32>,
      %get3A_1328 = vector.shape_cast %get3A_1327 : vector<1x1x16xf32> to vector<16xf32>
      %mul3A_1329 = arith.mulf %get3A_1322, %get3A_1328 : vector<16xf32>
      %add3A_1330 = arith.addf %add3A_1316, %mul3A_1329 : vector<16xf32>
      %get3A_1331 = arith.constant 0 : i32
      %get3A_1332 = arith.index_cast %get3A_1331 : i32 to index
      %get3A_1333 = arith.index_cast %while3A_1301 : i32 to index
      %get3A_1334 = arith.constant 32 : index
      %get3A_1335 = tpu.vector_load %arg24[%get3A_1332, %get3A_1333, %get3A_1334] {strides = array<i32>} : memref<2x128x128xf32, #tpu.memory_space<vmem>>, vector<1x1x16xf32>,
      %get3A_1336 = vector.shape_cast %get3A_1335 : vector<1x1x16xf32> to vector<16xf32>
      %get3A_1337 = arith.constant 0 : i32
      %get3A_1338 = arith.index_cast %get3A_1337 : i32 to index
      %get3A_1339 = arith.index_cast %while3A_1301 : i32 to index
      %get3A_1340 = arith.constant 32 : index
      %get3A_1341 = tpu.vector_load %arg25[%get3A_1338, %get3A_1339, %get3A_1340] {strides = array<i32>} : memref<2x128x128xf32, #tpu.memory_space<vmem>>, vector<1x1x16xf32>,
      %get3A_1342 = vector.shape_cast %get3A_1341 : vector<1x1x16xf32> to vector<16xf32>
      %mul3A_1343 = arith.mulf %get3A_1336, %get3A_1342 : vector<16xf32>
      %add3A_1344 = arith.addf %add3A_1330, %mul3A_1343 : vector<16xf32>
      %get3A_1345 = arith.constant 0 : i32
      %get3A_1346 = arith.index_cast %get3A_1345 : i32 to index
      %get3A_1347 = arith.index_cast %while3A_1301 : i32 to index
      %get3A_1348 = arith.constant 48 : index
      %get3A_1349 = tpu.vector_load %arg24[%get3A_1346, %get3A_1347, %get3A_1348] {strides = array<i32>} : memref<2x128x128xf32, #tpu.memory_space<vmem>>, vector<1x1x16xf32>,
      %get3A_1350 = vector.shape_cast %get3A_1349 : vector<1x1x16xf32> to vector<16xf32>
      %get3A_1351 = arith.constant 0 : i32
      %get3A_1352 = arith.index_cast %get3A_1351 : i32 to index
      %get3A_1353 = arith.index_cast %while3A_1301 : i32 to index
      %get3A_1354 = arith.constant 48 : index
      %get3A_1355 = tpu.vector_load %arg25[%get3A_1352, %get3A_1353, %get3A_1354] {strides = array<i32>} : memref<2x128x128xf32, #tpu.memory_space<vmem>>, vector<1x1x16xf32>,
      %get3A_1356 = vector.shape_cast %get3A_1355 : vector<1x1x16xf32> to vector<16xf32>
      %mul3A_1357 = arith.mulf %get3A_1350, %get3A_1356 : vector<16xf32>
      %add3A_1358 = arith.addf %add3A_1344, %mul3A_1357 : vector<16xf32>
      scf.yield %add3A_1358 : vector<16xf32>
    }
    %slice3A_215 = vector.extract_strided_slice %get3A_203 {offsets = [1], sizes = [1], strides = [1]} : vector<16xi32> to vector<1xi32>
    %squeeze3A_216 = vector.extract %slice3A_215[0] : i32 from vector<1xi32>
    %slice3A_217 = vector.extract_strided_slice %get3A_203 {offsets = [5], sizes = [1], strides = [1]} : vector<16xi32> to vector<1xi32>
    %squeeze3A_218 = vector.extract %slice3A_217[0] : i32 from vector<1xi32>
    %while3A_219 = arith.subi %squeeze3A_218, %squeeze3A_216 : i32
    %while3A_220 = arith.addi %squeeze3A_216, %while3A_219 : i32
    %while3A_221 = arith.constant 1 : i32
    %while3A_222 = arith.divsi %while3A_219, %while3A_221 : i32
    %while3A_223 = arith.muli %while3A_222, %while3A_221 : i32
    %while3A_224 = arith.addi %squeeze3A_216, %while3A_223 : i32
    %while3A_225 = arith.constant 1 : i32
    %while3A_226 = scf.for %while3A_1301 = %squeeze3A_216 to %while3A_224 step %while3A_225 iter_args(%while3A_1302 = %while3A_214) -> (vector<16xf32>)  : i32 {
      %get3A_1303 = arith.constant 0 : i32
      %get3A_1304 = arith.index_cast %get3A_1303 : i32 to index
      %get3A_1305 = arith.index_cast %while3A_1301 : i32 to index
      %get3A_1306 = arith.constant 64 : index
      %get3A_1307 = tpu.vector_load %arg24[%get3A_1304, %get3A_1305, %get3A_1306] {strides = array<i32>} : memref<2x128x128xf32, #tpu.memory_space<vmem>>, vector<1x1x16xf32>,
      %get3A_1308 = vector.shape_cast %get3A_1307 : vector<1x1x16xf32> to vector<16xf32>
      %get3A_1309 = arith.constant 0 : i32
      %get3A_1310 = arith.index_cast %get3A_1309 : i32 to index
      %get3A_1311 = arith.index_cast %while3A_1301 : i32 to index
      %get3A_1312 = arith.constant 0 : index
      %get3A_1313 = tpu.vector_load %arg25[%get3A_1310, %get3A_1311, %get3A_1312] {strides = array<i32>} : memref<2x128x128xf32, #tpu.memory_space<vmem>>, vector<1x1x16xf32>,
      %get3A_1314 = vector.shape_cast %get3A_1313 : vector<1x1x16xf32> to vector<16xf32>
      %mul3A_1315 = arith.mulf %get3A_1308, %get3A_1314 : vector<16xf32>
      %add3A_1316 = arith.addf %while3A_1302, %mul3A_1315 : vector<16xf32>
      %get3A_1317 = arith.constant 0 : i32
      %get3A_1318 = arith.index_cast %get3A_1317 : i32 to index
      %get3A_1319 = arith.index_cast %while3A_1301 : i32 to index
      %get3A_1320 = arith.constant 80 : index
      %get3A_1321 = tpu.vector_load %arg24[%get3A_1318, %get3A_1319, %get3A_1320] {strides = array<i32>} : memref<2x128x128xf32, #tpu.memory_space<vmem>>, vector<1x1x16xf32>,
      %get3A_1322 = vector.shape_cast %get3A_1321 : vector<1x1x16xf32> to vector<16xf32>
      %get3A_1323 = arith.constant 0 : i32
      %get3A_1324 = arith.index_cast %get3A_1323 : i32 to index
      %get3A_1325 = arith.index_cast %while3A_1301 : i32 to index
      %get3A_1326 = arith.constant 16 : index
      %get3A_1327 = tpu.vector_load %arg25[%get3A_1324, %get3A_1325, %get3A_1326] {strides = array<i32>} : memref<2x128x128xf32, #tpu.memory_space<vmem>>, vector<1x1x16xf32>,
      %get3A_1328 = vector.shape_cast %get3A_1327 : vector<1x1x16xf32> to vector<16xf32>
      %mul3A_1329 = arith.mulf %get3A_1322, %get3A_1328 : vector<16xf32>
      %add3A_1330 = arith.addf %add3A_1316, %mul3A_1329 : vector<16xf32>
      %get3A_1331 = arith.constant 0 : i32
      %get3A_1332 = arith.index_cast %get3A_1331 : i32 to index
      %get3A_1333 = arith.index_cast %while3A_1301 : i32 to index
      %get3A_1334 = arith.constant 96 : index
      %get3A_1335 = tpu.vector_load %arg24[%get3A_1332, %get3A_1333, %get3A_1334] {strides = array<i32>} : memref<2x128x128xf32, #tpu.memory_space<vmem>>, vector<1x1x16xf32>,
      %get3A_1336 = vector.shape_cast %get3A_1335 : vector<1x1x16xf32> to vector<16xf32>
      %get3A_1337 = arith.constant 0 : i32
      %get3A_1338 = arith.index_cast %get3A_1337 : i32 to index
      %get3A_1339 = arith.index_cast %while3A_1301 : i32 to index
      %get3A_1340 = arith.constant 32 : index
      %get3A_1341 = tpu.vector_load %arg25[%get3A_1338, %get3A_1339, %get3A_1340] {strides = array<i32>} : memref<2x128x128xf32, #tpu.memory_space<vmem>>, vector<1x1x16xf32>,
      %get3A_1342 = vector.shape_cast %get3A_1341 : vector<1x1x16xf32> to vector<16xf32>
      %mul3A_1343 = arith.mulf %get3A_1336, %get3A_1342 : vector<16xf32>
      %add3A_1344 = arith.addf %add3A_1330, %mul3A_1343 : vector<16xf32>
      %get3A_1345 = arith.constant 0 : i32
      %get3A_1346 = arith.index_cast %get3A_1345 : i32 to index
      %get3A_1347 = arith.index_cast %while3A_1301 : i32 to index
      %get3A_1348 = arith.constant 112 : index
      %get3A_1349 = tpu.vector_load %arg24[%get3A_1346, %get3A_1347, %get3A_1348] {strides = array<i32>} : memref<2x128x128xf32, #tpu.memory_space<vmem>>, vector<1x1x16xf32>,
      %get3A_1350 = vector.shape_cast %get3A_1349 : vector<1x1x16xf32> to vector<16xf32>
      %get3A_1351 = arith.constant 0 : i32
      %get3A_1352 = arith.index_cast %get3A_1351 : i32 to index
      %get3A_1353 = arith.index_cast %while3A_1301 : i32 to index
      %get3A_1354 = arith.constant 48 : index
      %get3A_1355 = tpu.vector_load %arg25[%get3A_1352, %get3A_1353, %get3A_1354] {strides = array<i32>} : memref<2x128x128xf32, #tpu.memory_space<vmem>>, vector<1x1x16xf32>,
      %get3A_1356 = vector.shape_cast %get3A_1355 : vector<1x1x16xf32> to vector<16xf32>
      %mul3A_1357 = arith.mulf %get3A_1350, %get3A_1356 : vector<16xf32>
      %add3A_1358 = arith.addf %add3A_1344, %mul3A_1357 : vector<16xf32>
      scf.yield %add3A_1358 : vector<16xf32>
    }
    %while3A_227 = arith.constant 1 : i32
    %while3A_228 = scf.for %while3A_1301 = %while3A_224 to %while3A_220 step %while3A_227 iter_args(%while3A_1302 = %while3A_226) -> (vector<16xf32>)  : i32 {
      %get3A_1303 = arith.constant 0 : i32
      %get3A_1304 = arith.index_cast %get3A_1303 : i32 to index
      %get3A_1305 = arith.index_cast %while3A_1301 : i32 to index
      %get3A_1306 = arith.constant 64 : index
      %get3A_1307 = tpu.vector_load %arg24[%get3A_1304, %get3A_1305, %get3A_1306] {strides = array<i32>} : memref<2x128x128xf32, #tpu.memory_space<vmem>>, vector<1x1x16xf32>,
      %get3A_1308 = vector.shape_cast %get3A_1307 : vector<1x1x16xf32> to vector<16xf32>
      %get3A_1309 = arith.constant 0 : i32
      %get3A_1310 = arith.index_cast %get3A_1309 : i32 to index
      %get3A_1311 = arith.index_cast %while3A_1301 : i32 to index
      %get3A_1312 = arith.constant 0 : index
      %get3A_1313 = tpu.vector_load %arg25[%get3A_1310, %get3A_1311, %get3A_1312] {strides = array<i32>} : memref<2x128x128xf32, #tpu.memory_space<vmem>>, vector<1x1x16xf32>,
      %get3A_1314 = vector.shape_cast %get3A_1313 : vector<1x1x16xf32> to vector<16xf32>
      %mul3A_1315 = arith.mulf %get3A_1308, %get3A_1314 : vector<16xf32>
      %add3A_1316 = arith.addf %while3A_1302, %mul3A_1315 : vector<16xf32>
      %get3A_1317 = arith.constant 0 : i32
      %get3A_1318 = arith.index_cast %get3A_1317 : i32 to index
      %get3A_1319 = arith.index_cast %while3A_1301 : i32 to index
      %get3A_1320 = arith.constant 80 : index
      %get3A_1321 = tpu.vector_load %arg24[%get3A_1318, %get3A_1319, %get3A_1320] {strides = array<i32>} : memref<2x128x128xf32, #tpu.memory_space<vmem>>, vector<1x1x16xf32>,
      %get3A_1322 = vector.shape_cast %get3A_1321 : vector<1x1x16xf32> to vector<16xf32>
      %get3A_1323 = arith.constant 0 : i32
      %get3A_1324 = arith.index_cast %get3A_1323 : i32 to index
      %get3A_1325 = arith.index_cast %while3A_1301 : i32 to index
      %get3A_1326 = arith.constant 16 : index
      %get3A_1327 = tpu.vector_load %arg25[%get3A_1324, %get3A_1325, %get3A_1326] {strides = array<i32>} : memref<2x128x128xf32, #tpu.memory_space<vmem>>, vector<1x1x16xf32>,
      %get3A_1328 = vector.shape_cast %get3A_1327 : vector<1x1x16xf32> to vector<16xf32>
      %mul3A_1329 = arith.mulf %get3A_1322, %get3A_1328 : vector<16xf32>
      %add3A_1330 = arith.addf %add3A_1316, %mul3A_1329 : vector<16xf32>
      %get3A_1331 = arith.constant 0 : i32
      %get3A_1332 = arith.index_cast %get3A_1331 : i32 to index
      %get3A_1333 = arith.index_cast %while3A_1301 : i32 to index
      %get3A_1334 = arith.constant 96 : index
      %get3A_1335 = tpu.vector_load %arg24[%get3A_1332, %get3A_1333, %get3A_1334] {strides = array<i32>} : memref<2x128x128xf32, #tpu.memory_space<vmem>>, vector<1x1x16xf32>,
      %get3A_1336 = vector.shape_cast %get3A_1335 : vector<1x1x16xf32> to vector<16xf32>
      %get3A_1337 = arith.constant 0 : i32
      %get3A_1338 = arith.index_cast %get3A_1337 : i32 to index
      %get3A_1339 = arith.index_cast %while3A_1301 : i32 to index
      %get3A_1340 = arith.constant 32 : index
      %get3A_1341 = tpu.vector_load %arg25[%get3A_1338, %get3A_1339, %get3A_1340] {strides = array<i32>} : memref<2x128x128xf32, #tpu.memory_space<vmem>>, vector<1x1x16xf32>,
      %get3A_1342 = vector.shape_cast %get3A_1341 : vector<1x1x16xf32> to vector<16xf32>
      %mul3A_1343 = arith.mulf %get3A_1336, %get3A_1342 : vector<16xf32>
      %add3A_1344 = arith.addf %add3A_1330, %mul3A_1343 : vector<16xf32>
      %get3A_1345 = arith.constant 0 : i32
      %get3A_1346 = arith.index_cast %get3A_1345 : i32 to index
      %get3A_1347 = arith.index_cast %while3A_1301 : i32 to index
      %get3A_1348 = arith.constant 112 : index
      %get3A_1349 = tpu.vector_load %arg24[%get3A_1346, %get3A_1347, %get3A_1348] {strides = array<i32>} : memref<2x128x128xf32, #tpu.memory_space<vmem>>, vector<1x1x16xf32>,
      %get3A_1350 = vector.shape_cast %get3A_1349 : vector<1x1x16xf32> to vector<16xf32>
      %get3A_1351 = arith.constant 0 : i32
      %get3A_1352 = arith.index_cast %get3A_1351 : i32 to index
      %get3A_1353 = arith.index_cast %while3A_1301 : i32 to index
      %get3A_1354 = arith.constant 48 : index
      %get3A_1355 = tpu.vector_load %arg25[%get3A_1352, %get3A_1353, %get3A_1354] {strides = array<i32>} : memref<2x128x128xf32, #tpu.memory_space<vmem>>, vector<1x1x16xf32>,
      %get3A_1356 = vector.shape_cast %get3A_1355 : vector<1x1x16xf32> to vector<16xf32>
      %mul3A_1357 = arith.mulf %get3A_1350, %get3A_1356 : vector<16xf32>
      %add3A_1358 = arith.addf %add3A_1344, %mul3A_1357 : vector<16xf32>
      scf.yield %add3A_1358 : vector<16xf32>
    }
    %slice3A_229 = vector.extract_strided_slice %get3A_203 {offsets = [2], sizes = [1], strides = [1]} : vector<16xi32> to vector<1xi32>
    %squeeze3A_230 = vector.extract %slice3A_229[0] : i32 from vector<1xi32>
    %slice3A_231 = vector.extract_strided_slice %get3A_203 {offsets = [6], sizes = [1], strides = [1]} : vector<16xi32> to vector<1xi32>
    %squeeze3A_232 = vector.extract %slice3A_231[0] : i32 from vector<1xi32>
    %while3A_233 = arith.subi %squeeze3A_232, %squeeze3A_230 : i32
    %while3A_234 = arith.addi %squeeze3A_230, %while3A_233 : i32
    %while3A_235 = arith.constant 1 : i32
    %while3A_236 = arith.divsi %while3A_233, %while3A_235 : i32
    %while3A_237 = arith.muli %while3A_236, %while3A_235 : i32
    %while3A_238 = arith.addi %squeeze3A_230, %while3A_237 : i32
    %while3A_239 = arith.constant 1 : i32
    %while3A_240 = scf.for %while3A_1301 = %squeeze3A_230 to %while3A_238 step %while3A_239 iter_args(%while3A_1302 = %while3A_228) -> (vector<16xf32>)  : i32 {
      %get3A_1303 = arith.constant 0 : i32
      %get3A_1304 = arith.index_cast %get3A_1303 : i32 to index
      %get3A_1305 = arith.index_cast %while3A_1301 : i32 to index
      %get3A_1306 = arith.constant 0 : index
      %get3A_1307 = tpu.vector_load %arg24[%get3A_1304, %get3A_1305, %get3A_1306] {strides = array<i32>} : memref<2x128x128xf32, #tpu.memory_space<vmem>>, vector<1x1x16xf32>,
      %get3A_1308 = vector.shape_cast %get3A_1307 : vector<1x1x16xf32> to vector<16xf32>
      %get3A_1309 = arith.constant 0 : i32
      %get3A_1310 = arith.index_cast %get3A_1309 : i32 to index
      %get3A_1311 = arith.index_cast %while3A_1301 : i32 to index
      %get3A_1312 = arith.constant 64 : index
      %get3A_1313 = tpu.vector_load %arg25[%get3A_1310, %get3A_1311, %get3A_1312] {strides = array<i32>} : memref<2x128x128xf32, #tpu.memory_space<vmem>>, vector<1x1x16xf32>,
      %get3A_1314 = vector.shape_cast %get3A_1313 : vector<1x1x16xf32> to vector<16xf32>
      %mul3A_1315 = arith.mulf %get3A_1308, %get3A_1314 : vector<16xf32>
      %add3A_1316 = arith.addf %while3A_1302, %mul3A_1315 : vector<16xf32>
      %get3A_1317 = arith.constant 0 : i32
      %get3A_1318 = arith.index_cast %get3A_1317 : i32 to index
      %get3A_1319 = arith.index_cast %while3A_1301 : i32 to index
      %get3A_1320 = arith.constant 16 : index
      %get3A_1321 = tpu.vector_load %arg24[%get3A_1318, %get3A_1319, %get3A_1320] {strides = array<i32>} : memref<2x128x128xf32, #tpu.memory_space<vmem>>, vector<1x1x16xf32>,
      %get3A_1322 = vector.shape_cast %get3A_1321 : vector<1x1x16xf32> to vector<16xf32>
      %get3A_1323 = arith.constant 0 : i32
      %get3A_1324 = arith.index_cast %get3A_1323 : i32 to index
      %get3A_1325 = arith.index_cast %while3A_1301 : i32 to index
      %get3A_1326 = arith.constant 80 : index
      %get3A_1327 = tpu.vector_load %arg25[%get3A_1324, %get3A_1325, %get3A_1326] {strides = array<i32>} : memref<2x128x128xf32, #tpu.memory_space<vmem>>, vector<1x1x16xf32>,
      %get3A_1328 = vector.shape_cast %get3A_1327 : vector<1x1x16xf32> to vector<16xf32>
      %mul3A_1329 = arith.mulf %get3A_1322, %get3A_1328 : vector<16xf32>
      %add3A_1330 = arith.addf %add3A_1316, %mul3A_1329 : vector<16xf32>
      %get3A_1331 = arith.constant 0 : i32
      %get3A_1332 = arith.index_cast %get3A_1331 : i32 to index
      %get3A_1333 = arith.index_cast %while3A_1301 : i32 to index
      %get3A_1334 = arith.constant 32 : index
      %get3A_1335 = tpu.vector_load %arg24[%get3A_1332, %get3A_1333, %get3A_1334] {strides = array<i32>} : memref<2x128x128xf32, #tpu.memory_space<vmem>>, vector<1x1x16xf32>,
      %get3A_1336 = vector.shape_cast %get3A_1335 : vector<1x1x16xf32> to vector<16xf32>
      %get3A_1337 = arith.constant 0 : i32
      %get3A_1338 = arith.index_cast %get3A_1337 : i32 to index
      %get3A_1339 = arith.index_cast %while3A_1301 : i32 to index
      %get3A_1340 = arith.constant 96 : index
      %get3A_1341 = tpu.vector_load %arg25[%get3A_1338, %get3A_1339, %get3A_1340] {strides = array<i32>} : memref<2x128x128xf32, #tpu.memory_space<vmem>>, vector<1x1x16xf32>,
      %get3A_1342 = vector.shape_cast %get3A_1341 : vector<1x1x16xf32> to vector<16xf32>
      %mul3A_1343 = arith.mulf %get3A_1336, %get3A_1342 : vector<16xf32>
      %add3A_1344 = arith.addf %add3A_1330, %mul3A_1343 : vector<16xf32>
      %get3A_1345 = arith.constant 0 : i32
      %get3A_1346 = arith.index_cast %get3A_1345 : i32 to index
      %get3A_1347 = arith.index_cast %while3A_1301 : i32 to index
      %get3A_1348 = arith.constant 48 : index
      %get3A_1349 = tpu.vector_load %arg24[%get3A_1346, %get3A_1347, %get3A_1348] {strides = array<i32>} : memref<2x128x128xf32, #tpu.memory_space<vmem>>, vector<1x1x16xf32>,
      %get3A_1350 = vector.shape_cast %get3A_1349 : vector<1x1x16xf32> to vector<16xf32>
      %get3A_1351 = arith.constant 0 : i32
      %get3A_1352 = arith.index_cast %get3A_1351 : i32 to index
      %get3A_1353 = arith.index_cast %while3A_1301 : i32 to index
      %get3A_1354 = arith.constant 112 : index
      %get3A_1355 = tpu.vector_load %arg25[%get3A_1352, %get3A_1353, %get3A_1354] {strides = array<i32>} : memref<2x128x128xf32, #tpu.memory_space<vmem>>, vector<1x1x16xf32>,
      %get3A_1356 = vector.shape_cast %get3A_1355 : vector<1x1x16xf32> to vector<16xf32>
      %mul3A_1357 = arith.mulf %get3A_1350, %get3A_1356 : vector<16xf32>
      %add3A_1358 = arith.addf %add3A_1344, %mul3A_1357 : vector<16xf32>
      scf.yield %add3A_1358 : vector<16xf32>
    }
    %while3A_241 = arith.constant 1 : i32
    %while3A_242 = scf.for %while3A_1301 = %while3A_238 to %while3A_234 step %while3A_241 iter_args(%while3A_1302 = %while3A_240) -> (vector<16xf32>)  : i32 {
      %get3A_1303 = arith.constant 0 : i32
      %get3A_1304 = arith.index_cast %get3A_1303 : i32 to index
      %get3A_1305 = arith.index_cast %while3A_1301 : i32 to index
      %get3A_1306 = arith.constant 0 : index
      %get3A_1307 = tpu.vector_load %arg24[%get3A_1304, %get3A_1305, %get3A_1306] {strides = array<i32>} : memref<2x128x128xf32, #tpu.memory_space<vmem>>, vector<1x1x16xf32>,
      %get3A_1308 = vector.shape_cast %get3A_1307 : vector<1x1x16xf32> to vector<16xf32>
      %get3A_1309 = arith.constant 0 : i32
      %get3A_1310 = arith.index_cast %get3A_1309 : i32 to index
      %get3A_1311 = arith.index_cast %while3A_1301 : i32 to index
      %get3A_1312 = arith.constant 64 : index
      %get3A_1313 = tpu.vector_load %arg25[%get3A_1310, %get3A_1311, %get3A_1312] {strides = array<i32>} : memref<2x128x128xf32, #tpu.memory_space<vmem>>, vector<1x1x16xf32>,
      %get3A_1314 = vector.shape_cast %get3A_1313 : vector<1x1x16xf32> to vector<16xf32>
      %mul3A_1315 = arith.mulf %get3A_1308, %get3A_1314 : vector<16xf32>
      %add3A_1316 = arith.addf %while3A_1302, %mul3A_1315 : vector<16xf32>
      %get3A_1317 = arith.constant 0 : i32
      %get3A_1318 = arith.index_cast %get3A_1317 : i32 to index
      %get3A_1319 = arith.index_cast %while3A_1301 : i32 to index
      %get3A_1320 = arith.constant 16 : index
      %get3A_1321 = tpu.vector_load %arg24[%get3A_1318, %get3A_1319, %get3A_1320] {strides = array<i32>} : memref<2x128x128xf32, #tpu.memory_space<vmem>>, vector<1x1x16xf32>,
      %get3A_1322 = vector.shape_cast %get3A_1321 : vector<1x1x16xf32> to vector<16xf32>
      %get3A_1323 = arith.constant 0 : i32
      %get3A_1324 = arith.index_cast %get3A_1323 : i32 to index
      %get3A_1325 = arith.index_cast %while3A_1301 : i32 to index
      %get3A_1326 = arith.constant 80 : index
      %get3A_1327 = tpu.vector_load %arg25[%get3A_1324, %get3A_1325, %get3A_1326] {strides = array<i32>} : memref<2x128x128xf32, #tpu.memory_space<vmem>>, vector<1x1x16xf32>,
      %get3A_1328 = vector.shape_cast %get3A_1327 : vector<1x1x16xf32> to vector<16xf32>
      %mul3A_1329 = arith.mulf %get3A_1322, %get3A_1328 : vector<16xf32>
      %add3A_1330 = arith.addf %add3A_1316, %mul3A_1329 : vector<16xf32>
      %get3A_1331 = arith.constant 0 : i32
      %get3A_1332 = arith.index_cast %get3A_1331 : i32 to index
      %get3A_1333 = arith.index_cast %while3A_1301 : i32 to index
      %get3A_1334 = arith.constant 32 : index
      %get3A_1335 = tpu.vector_load %arg24[%get3A_1332, %get3A_1333, %get3A_1334] {strides = array<i32>} : memref<2x128x128xf32, #tpu.memory_space<vmem>>, vector<1x1x16xf32>,
      %get3A_1336 = vector.shape_cast %get3A_1335 : vector<1x1x16xf32> to vector<16xf32>
      %get3A_1337 = arith.constant 0 : i32
      %get3A_1338 = arith.index_cast %get3A_1337 : i32 to index
      %get3A_1339 = arith.index_cast %while3A_1301 : i32 to index
      %get3A_1340 = arith.constant 96 : index
      %get3A_1341 = tpu.vector_load %arg25[%get3A_1338, %get3A_1339, %get3A_1340] {strides = array<i32>} : memref<2x128x128xf32, #tpu.memory_space<vmem>>, vector<1x1x16xf32>,
      %get3A_1342 = vector.shape_cast %get3A_1341 : vector<1x1x16xf32> to vector<16xf32>
      %mul3A_1343 = arith.mulf %get3A_1336, %get3A_1342 : vector<16xf32>
      %add3A_1344 = arith.addf %add3A_1330, %mul3A_1343 : vector<16xf32>
      %get3A_1345 = arith.constant 0 : i32
      %get3A_1346 = arith.index_cast %get3A_1345 : i32 to index
      %get3A_1347 = arith.index_cast %while3A_1301 : i32 to index
      %get3A_1348 = arith.constant 48 : index
      %get3A_1349 = tpu.vector_load %arg24[%get3A_1346, %get3A_1347, %get3A_1348] {strides = array<i32>} : memref<2x128x128xf32, #tpu.memory_space<vmem>>, vector<1x1x16xf32>,
      %get3A_1350 = vector.shape_cast %get3A_1349 : vector<1x1x16xf32> to vector<16xf32>
      %get3A_1351 = arith.constant 0 : i32
      %get3A_1352 = arith.index_cast %get3A_1351 : i32 to index
      %get3A_1353 = arith.index_cast %while3A_1301 : i32 to index
      %get3A_1354 = arith.constant 112 : index
      %get3A_1355 = tpu.vector_load %arg25[%get3A_1352, %get3A_1353, %get3A_1354] {strides = array<i32>} : memref<2x128x128xf32, #tpu.memory_space<vmem>>, vector<1x1x16xf32>,
      %get3A_1356 = vector.shape_cast %get3A_1355 : vector<1x1x16xf32> to vector<16xf32>
      %mul3A_1357 = arith.mulf %get3A_1350, %get3A_1356 : vector<16xf32>
      %add3A_1358 = arith.addf %add3A_1344, %mul3A_1357 : vector<16xf32>
      scf.yield %add3A_1358 : vector<16xf32>
    }
    %slice3A_243 = vector.extract_strided_slice %get3A_203 {offsets = [3], sizes = [1], strides = [1]} : vector<16xi32> to vector<1xi32>
    %squeeze3A_244 = vector.extract %slice3A_243[0] : i32 from vector<1xi32>
    %slice3A_245 = vector.extract_strided_slice %get3A_203 {offsets = [7], sizes = [1], strides = [1]} : vector<16xi32> to vector<1xi32>
    %squeeze3A_246 = vector.extract %slice3A_245[0] : i32 from vector<1xi32>
    %while3A_247 = arith.subi %squeeze3A_246, %squeeze3A_244 : i32
    %while3A_248 = arith.addi %squeeze3A_244, %while3A_247 : i32
    %while3A_249 = arith.constant 1 : i32
    %while3A_250 = arith.divsi %while3A_247, %while3A_249 : i32
    %while3A_251 = arith.muli %while3A_250, %while3A_249 : i32
    %while3A_252 = arith.addi %squeeze3A_244, %while3A_251 : i32
    %while3A_253 = arith.constant 1 : i32
    %while3A_254 = scf.for %while3A_1301 = %squeeze3A_244 to %while3A_252 step %while3A_253 iter_args(%while3A_1302 = %while3A_242) -> (vector<16xf32>)  : i32 {
      %get3A_1303 = arith.constant 0 : i32
      %get3A_1304 = arith.index_cast %get3A_1303 : i32 to index
      %get3A_1305 = arith.index_cast %while3A_1301 : i32 to index
      %get3A_1306 = arith.constant 64 : index
      %get3A_1307 = tpu.vector_load %arg24[%get3A_1304, %get3A_1305, %get3A_1306] {strides = array<i32>} : memref<2x128x128xf32, #tpu.memory_space<vmem>>, vector<1x1x16xf32>,
      %get3A_1308 = vector.shape_cast %get3A_1307 : vector<1x1x16xf32> to vector<16xf32>
      %get3A_1309 = arith.constant 0 : i32
      %get3A_1310 = arith.index_cast %get3A_1309 : i32 to index
      %get3A_1311 = arith.index_cast %while3A_1301 : i32 to index
      %get3A_1312 = arith.constant 64 : index
      %get3A_1313 = tpu.vector_load %arg25[%get3A_1310, %get3A_1311, %get3A_1312] {strides = array<i32>} : memref<2x128x128xf32, #tpu.memory_space<vmem>>, vector<1x1x16xf32>,
      %get3A_1314 = vector.shape_cast %get3A_1313 : vector<1x1x16xf32> to vector<16xf32>
      %mul3A_1315 = arith.mulf %get3A_1308, %get3A_1314 : vector<16xf32>
      %add3A_1316 = arith.addf %while3A_1302, %mul3A_1315 : vector<16xf32>
      %get3A_1317 = arith.constant 0 : i32
      %get3A_1318 = arith.index_cast %get3A_1317 : i32 to index
      %get3A_1319 = arith.index_cast %while3A_1301 : i32 to index
      %get3A_1320 = arith.constant 80 : index
      %get3A_1321 = tpu.vector_load %arg24[%get3A_1318, %get3A_1319, %get3A_1320] {strides = array<i32>} : memref<2x128x128xf32, #tpu.memory_space<vmem>>, vector<1x1x16xf32>,
      %get3A_1322 = vector.shape_cast %get3A_1321 : vector<1x1x16xf32> to vector<16xf32>
      %get3A_1323 = arith.constant 0 : i32
      %get3A_1324 = arith.index_cast %get3A_1323 : i32 to index
      %get3A_1325 = arith.index_cast %while3A_1301 : i32 to index
      %get3A_1326 = arith.constant 80 : index
      %get3A_1327 = tpu.vector_load %arg25[%get3A_1324, %get3A_1325, %get3A_1326] {strides = array<i32>} : memref<2x128x128xf32, #tpu.memory_space<vmem>>, vector<1x1x16xf32>,
      %get3A_1328 = vector.shape_cast %get3A_1327 : vector<1x1x16xf32> to vector<16xf32>
      %mul3A_1329 = arith.mulf %get3A_1322, %get3A_1328 : vector<16xf32>
      %add3A_1330 = arith.addf %add3A_1316, %mul3A_1329 : vector<16xf32>
      %get3A_1331 = arith.constant 0 : i32
      %get3A_1332 = arith.index_cast %get3A_1331 : i32 to index
      %get3A_1333 = arith.index_cast %while3A_1301 : i32 to index
      %get3A_1334 = arith.constant 96 : index
      %get3A_1335 = tpu.vector_load %arg24[%get3A_1332, %get3A_1333, %get3A_1334] {strides = array<i32>} : memref<2x128x128xf32, #tpu.memory_space<vmem>>, vector<1x1x16xf32>,
      %get3A_1336 = vector.shape_cast %get3A_1335 : vector<1x1x16xf32> to vector<16xf32>
      %get3A_1337 = arith.constant 0 : i32
      %get3A_1338 = arith.index_cast %get3A_1337 : i32 to index
      %get3A_1339 = arith.index_cast %while3A_1301 : i32 to index
      %get3A_1340 = arith.constant 96 : index
      %get3A_1341 = tpu.vector_load %arg25[%get3A_1338, %get3A_1339, %get3A_1340] {strides = array<i32>} : memref<2x128x128xf32, #tpu.memory_space<vmem>>, vector<1x1x16xf32>,
      %get3A_1342 = vector.shape_cast %get3A_1341 : vector<1x1x16xf32> to vector<16xf32>
      %mul3A_1343 = arith.mulf %get3A_1336, %get3A_1342 : vector<16xf32>
      %add3A_1344 = arith.addf %add3A_1330, %mul3A_1343 : vector<16xf32>
      %get3A_1345 = arith.constant 0 : i32
      %get3A_1346 = arith.index_cast %get3A_1345 : i32 to index
      %get3A_1347 = arith.index_cast %while3A_1301 : i32 to index
      %get3A_1348 = arith.constant 112 : index
      %get3A_1349 = tpu.vector_load %arg24[%get3A_1346, %get3A_1347, %get3A_1348] {strides = array<i32>} : memref<2x128x128xf32, #tpu.memory_space<vmem>>, vector<1x1x16xf32>,
      %get3A_1350 = vector.shape_cast %get3A_1349 : vector<1x1x16xf32> to vector<16xf32>
      %get3A_1351 = arith.constant 0 : i32
      %get3A_1352 = arith.index_cast %get3A_1351 : i32 to index
      %get3A_1353 = arith.index_cast %while3A_1301 : i32 to index
      %get3A_1354 = arith.constant 112 : index
      %get3A_1355 = tpu.vector_load %arg25[%get3A_1352, %get3A_1353, %get3A_1354] {strides = array<i32>} : memref<2x128x128xf32, #tpu.memory_space<vmem>>, vector<1x1x16xf32>,
      %get3A_1356 = vector.shape_cast %get3A_1355 : vector<1x1x16xf32> to vector<16xf32>
      %mul3A_1357 = arith.mulf %get3A_1350, %get3A_1356 : vector<16xf32>
      %add3A_1358 = arith.addf %add3A_1344, %mul3A_1357 : vector<16xf32>
      scf.yield %add3A_1358 : vector<16xf32>
    }
    %while3A_255 = arith.constant 1 : i32
    %while3A_256 = scf.for %while3A_1301 = %while3A_252 to %while3A_248 step %while3A_255 iter_args(%while3A_1302 = %while3A_254) -> (vector<16xf32>)  : i32 {
      %get3A_1303 = arith.constant 0 : i32
      %get3A_1304 = arith.index_cast %get3A_1303 : i32 to index
      %get3A_1305 = arith.index_cast %while3A_1301 : i32 to index
      %get3A_1306 = arith.constant 64 : index
      %get3A_1307 = tpu.vector_load %arg24[%get3A_1304, %get3A_1305, %get3A_1306] {strides = array<i32>} : memref<2x128x128xf32, #tpu.memory_space<vmem>>, vector<1x1x16xf32>,
      %get3A_1308 = vector.shape_cast %get3A_1307 : vector<1x1x16xf32> to vector<16xf32>
      %get3A_1309 = arith.constant 0 : i32
      %get3A_1310 = arith.index_cast %get3A_1309 : i32 to index
      %get3A_1311 = arith.index_cast %while3A_1301 : i32 to index
      %get3A_1312 = arith.constant 64 : index
      %get3A_1313 = tpu.vector_load %arg25[%get3A_1310, %get3A_1311, %get3A_1312] {strides = array<i32>} : memref<2x128x128xf32, #tpu.memory_space<vmem>>, vector<1x1x16xf32>,
      %get3A_1314 = vector.shape_cast %get3A_1313 : vector<1x1x16xf32> to vector<16xf32>
      %mul3A_1315 = arith.mulf %get3A_1308, %get3A_1314 : vector<16xf32>
      %add3A_1316 = arith.addf %while3A_1302, %mul3A_1315 : vector<16xf32>
      %get3A_1317 = arith.constant 0 : i32
      %get3A_1318 = arith.index_cast %get3A_1317 : i32 to index
      %get3A_1319 = arith.index_cast %while3A_1301 : i32 to index
      %get3A_1320 = arith.constant 80 : index
      %get3A_1321 = tpu.vector_load %arg24[%get3A_1318, %get3A_1319, %get3A_1320] {strides = array<i32>} : memref<2x128x128xf32, #tpu.memory_space<vmem>>, vector<1x1x16xf32>,
      %get3A_1322 = vector.shape_cast %get3A_1321 : vector<1x1x16xf32> to vector<16xf32>
      %get3A_1323 = arith.constant 0 : i32
      %get3A_1324 = arith.index_cast %get3A_1323 : i32 to index
      %get3A_1325 = arith.index_cast %while3A_1301 : i32 to index
      %get3A_1326 = arith.constant 80 : index
      %get3A_1327 = tpu.vector_load %arg25[%get3A_1324, %get3A_1325, %get3A_1326] {strides = array<i32>} : memref<2x128x128xf32, #tpu.memory_space<vmem>>, vector<1x1x16xf32>,
      %get3A_1328 = vector.shape_cast %get3A_1327 : vector<1x1x16xf32> to vector<16xf32>
      %mul3A_1329 = arith.mulf %get3A_1322, %get3A_1328 : vector<16xf32>
      %add3A_1330 = arith.addf %add3A_1316, %mul3A_1329 : vector<16xf32>
      %get3A_1331 = arith.constant 0 : i32
      %get3A_1332 = arith.index_cast %get3A_1331 : i32 to index
      %get3A_1333 = arith.index_cast %while3A_1301 : i32 to index
      %get3A_1334 = arith.constant 96 : index
      %get3A_1335 = tpu.vector_load %arg24[%get3A_1332, %get3A_1333, %get3A_1334] {strides = array<i32>} : memref<2x128x128xf32, #tpu.memory_space<vmem>>, vector<1x1x16xf32>,
      %get3A_1336 = vector.shape_cast %get3A_1335 : vector<1x1x16xf32> to vector<16xf32>
      %get3A_1337 = arith.constant 0 : i32
      %get3A_1338 = arith.index_cast %get3A_1337 : i32 to index
      %get3A_1339 = arith.index_cast %while3A_1301 : i32 to index
      %get3A_1340 = arith.constant 96 : index
      %get3A_1341 = tpu.vector_load %arg25[%get3A_1338, %get3A_1339, %get3A_1340] {strides = array<i32>} : memref<2x128x128xf32, #tpu.memory_space<vmem>>, vector<1x1x16xf32>,
      %get3A_1342 = vector.shape_cast %get3A_1341 : vector<1x1x16xf32> to vector<16xf32>
      %mul3A_1343 = arith.mulf %get3A_1336, %get3A_1342 : vector<16xf32>
      %add3A_1344 = arith.addf %add3A_1330, %mul3A_1343 : vector<16xf32>
      %get3A_1345 = arith.constant 0 : i32
      %get3A_1346 = arith.index_cast %get3A_1345 : i32 to index
      %get3A_1347 = arith.index_cast %while3A_1301 : i32 to index
      %get3A_1348 = arith.constant 112 : index
      %get3A_1349 = tpu.vector_load %arg24[%get3A_1346, %get3A_1347, %get3A_1348] {strides = array<i32>} : memref<2x128x128xf32, #tpu.memory_space<vmem>>, vector<1x1x16xf32>,
      %get3A_1350 = vector.shape_cast %get3A_1349 : vector<1x1x16xf32> to vector<16xf32>
      %get3A_1351 = arith.constant 0 : i32
      %get3A_1352 = arith.index_cast %get3A_1351 : i32 to index
      %get3A_1353 = arith.index_cast %while3A_1301 : i32 to index
      %get3A_1354 = arith.constant 112 : index
      %get3A_1355 = tpu.vector_load %arg25[%get3A_1352, %get3A_1353, %get3A_1354] {strides = array<i32>} : memref<2x128x128xf32, #tpu.memory_space<vmem>>, vector<1x1x16xf32>,
      %get3A_1356 = vector.shape_cast %get3A_1355 : vector<1x1x16xf32> to vector<16xf32>
      %mul3A_1357 = arith.mulf %get3A_1350, %get3A_1356 : vector<16xf32>
      %add3A_1358 = arith.addf %add3A_1344, %mul3A_1357 : vector<16xf32>
      scf.yield %add3A_1358 : vector<16xf32>
    }
    %dma_start3A_257 = arith.constant 2 : i32
    %dma_start3A_258 = arith.constant 0 : i32
    %dma_start3A_259 = arith.constant 0 : i32
    %dma_start3A_260 = arith.constant 0 : i32
    %dma_start3A_261 = tpu.memref_slice %arg24[%dma_start3A_258, %dma_start3A_259, %dma_start3A_260] : memref<2x128x128xf32, #tpu.memory_space<vmem>> -> memref<1x128x128xf32, #tpu.memory_space<vmem>>
    %dma_start3A_262 = tpu.memref_squeeze %dma_start3A_261 : memref<1x128x128xf32, #tpu.memory_space<vmem>> -> memref<128x128xf32, #tpu.memory_space<vmem>>
    %dma_start3A_263 = arith.constant 0 : i32
    %dma_start3A_264 = tpu.memref_slice %arg21[%dma_start3A_257, %dma_start3A_263] : memref<4x128xi32, #tpu.memory_space<vmem>> -> memref<1x128xi32, #tpu.memory_space<vmem>>
    %dma_start3A_265 = tpu.memref_squeeze %dma_start3A_264 : memref<1x128xi32, #tpu.memory_space<vmem>> -> memref<128xi32, #tpu.memory_space<vmem>>
    %dma_start3A_266 = arith.constant 0 : i32
    %dma_start3A_267 = arith.constant 0 : i32
    %dma_start3A_268 = tpu.memref_slice %arg9[%dma_start3A_266, %dma_start3A_267] : memref<500000x128xf32, #tpu.memory_space<hbm>> -> memref<500000x128xf32, #tpu.memory_space<hbm>>
    tpu.enqueue_indirect_dma source(%dma_start3A_268 : memref<500000x128xf32, #tpu.memory_space<hbm>>) target(%dma_start3A_262 : memref<128x128xf32, #tpu.memory_space<vmem>>) offsets(%dma_start3A_265 : memref<128xi32, #tpu.memory_space<vmem>>) semaphore(%arg32 : memref<!tpu.dma_semaphore, #tpu.memory_space<semaphore_mem>>)
    %dma_start3A_269 = arith.constant 2 : i32
    %dma_start3A_270 = arith.constant 0 : i32
    %dma_start3A_271 = arith.constant 0 : i32
    %dma_start3A_272 = arith.constant 0 : i32
    %dma_start3A_273 = tpu.memref_slice %arg25[%dma_start3A_270, %dma_start3A_271, %dma_start3A_272] : memref<2x128x128xf32, #tpu.memory_space<vmem>> -> memref<1x128x128xf32, #tpu.memory_space<vmem>>
    %dma_start3A_274 = tpu.memref_squeeze %dma_start3A_273 : memref<1x128x128xf32, #tpu.memory_space<vmem>> -> memref<128x128xf32, #tpu.memory_space<vmem>>
    %dma_start3A_275 = arith.constant 0 : i32
    %dma_start3A_276 = tpu.memref_slice %arg22[%dma_start3A_269, %dma_start3A_275] : memref<4x128xi32, #tpu.memory_space<vmem>> -> memref<1x128xi32, #tpu.memory_space<vmem>>
    %dma_start3A_277 = tpu.memref_squeeze %dma_start3A_276 : memref<1x128xi32, #tpu.memory_space<vmem>> -> memref<128xi32, #tpu.memory_space<vmem>>
    %dma_start3A_278 = arith.constant 0 : i32
    %dma_start3A_279 = arith.constant 0 : i32
    %dma_start3A_280 = tpu.memref_slice %arg10[%dma_start3A_278, %dma_start3A_279] : memref<50000x128xf32, #tpu.memory_space<hbm>> -> memref<50000x128xf32, #tpu.memory_space<hbm>>
    tpu.enqueue_indirect_dma source(%dma_start3A_280 : memref<50000x128xf32, #tpu.memory_space<hbm>>) target(%dma_start3A_274 : memref<128x128xf32, #tpu.memory_space<vmem>>) offsets(%dma_start3A_277 : memref<128xi32, #tpu.memory_space<vmem>>) semaphore(%arg32 : memref<!tpu.dma_semaphore, #tpu.memory_space<semaphore_mem>>)
    %dma_wait3A_281 = arith.constant 1 : i32
    %dma_wait3A_282 = arith.constant 1 : i32
    %dma_wait3A_283 = arith.constant 0 : i32
    %dma_wait3A_284 = arith.constant 0 : i32
    %dma_wait3A_285 = tpu.memref_slice %arg24[%dma_wait3A_282, %dma_wait3A_283, %dma_wait3A_284] : memref<2x128x128xf32, #tpu.memory_space<vmem>> -> memref<1x128x128xf32, #tpu.memory_space<vmem>>
    %dma_wait3A_286 = tpu.memref_squeeze %dma_wait3A_285 : memref<1x128x128xf32, #tpu.memory_space<vmem>> -> memref<128x128xf32, #tpu.memory_space<vmem>>
    %dma_wait3A_287 = arith.constant 0 : i32
    %dma_wait3A_288 = tpu.memref_slice %arg21[%dma_wait3A_281, %dma_wait3A_287] : memref<4x128xi32, #tpu.memory_space<vmem>> -> memref<1x128xi32, #tpu.memory_space<vmem>>
    %dma_wait3A_289 = tpu.memref_squeeze %dma_wait3A_288 : memref<1x128xi32, #tpu.memory_space<vmem>> -> memref<128xi32, #tpu.memory_space<vmem>>
    %dma_wait3A_290 = arith.constant 0 : i32
    %dma_wait3A_291 = arith.constant 0 : i32
    %dma_wait3A_292 = tpu.memref_slice %arg9[%dma_wait3A_290, %dma_wait3A_291] : memref<500000x128xf32, #tpu.memory_space<hbm>> -> memref<500000x128xf32, #tpu.memory_space<hbm>>
    tpu.wait_indirect_dma semaphore(%arg33 : memref<!tpu.dma_semaphore, #tpu.memory_space<semaphore_mem>>) src(%dma_wait3A_292 : memref<500000x128xf32, #tpu.memory_space<hbm>>) dst(%dma_wait3A_286 : memref<128x128xf32, #tpu.memory_space<vmem>>)
    %dma_wait3A_293 = arith.constant 1 : i32
    %dma_wait3A_294 = arith.constant 1 : i32
    %dma_wait3A_295 = arith.constant 0 : i32
    %dma_wait3A_296 = arith.constant 0 : i32
    %dma_wait3A_297 = tpu.memref_slice %arg25[%dma_wait3A_294, %dma_wait3A_295, %dma_wait3A_296] : memref<2x128x128xf32, #tpu.memory_space<vmem>> -> memref<1x128x128xf32, #tpu.memory_space<vmem>>
    %dma_wait3A_298 = tpu.memref_squeeze %dma_wait3A_297 : memref<1x128x128xf32, #tpu.memory_space<vmem>> -> memref<128x128xf32, #tpu.memory_space<vmem>>
    %dma_wait3A_299 = arith.constant 0 : i32
    %dma_wait3A_300 = tpu.memref_slice %arg22[%dma_wait3A_293, %dma_wait3A_299] : memref<4x128xi32, #tpu.memory_space<vmem>> -> memref<1x128xi32, #tpu.memory_space<vmem>>
    %dma_wait3A_301 = tpu.memref_squeeze %dma_wait3A_300 : memref<1x128xi32, #tpu.memory_space<vmem>> -> memref<128xi32, #tpu.memory_space<vmem>>
    %dma_wait3A_302 = arith.constant 0 : i32
    %dma_wait3A_303 = arith.constant 0 : i32
    %dma_wait3A_304 = tpu.memref_slice %arg10[%dma_wait3A_302, %dma_wait3A_303] : memref<50000x128xf32, #tpu.memory_space<hbm>> -> memref<50000x128xf32, #tpu.memory_space<hbm>>
    tpu.wait_indirect_dma semaphore(%arg33 : memref<!tpu.dma_semaphore, #tpu.memory_space<semaphore_mem>>) src(%dma_wait3A_304 : memref<50000x128xf32, #tpu.memory_space<hbm>>) dst(%dma_wait3A_298 : memref<128x128xf32, #tpu.memory_space<vmem>>)
    %get3A_305 = arith.constant 1 : i32
    %get3A_306 = arith.index_cast %get3A_305 : i32 to index
    %get3A_307 = arith.constant 0 : index
    %get3A_308 = tpu.vector_load %arg23[%get3A_306, %get3A_307] {strides = array<i32>} : memref<4x16xi32, #tpu.memory_space<vmem>>, vector<1x16xi32>,
    %get3A_309 = vector.shape_cast %get3A_308 : vector<1x16xi32> to vector<16xi32>
    %slice3A_310 = vector.extract_strided_slice %get3A_309 {offsets = [0], sizes = [1], strides = [1]} : vector<16xi32> to vector<1xi32>
    %squeeze3A_311 = vector.extract %slice3A_310[0] : i32 from vector<1xi32>
    %slice3A_312 = vector.extract_strided_slice %get3A_309 {offsets = [4], sizes = [1], strides = [1]} : vector<16xi32> to vector<1xi32>
    %squeeze3A_313 = vector.extract %slice3A_312[0] : i32 from vector<1xi32>
    %while3A_314 = arith.subi %squeeze3A_313, %squeeze3A_311 : i32
    %while3A_315 = arith.addi %squeeze3A_311, %while3A_314 : i32
    %while3A_316 = arith.constant 1 : i32
    %while3A_317 = arith.divsi %while3A_314, %while3A_316 : i32
    %while3A_318 = arith.muli %while3A_317, %while3A_316 : i32
    %while3A_319 = arith.addi %squeeze3A_311, %while3A_318 : i32
    %while3A_320 = arith.constant 1 : i32
    %while3A_321 = scf.for %while3A_1301 = %squeeze3A_311 to %while3A_319 step %while3A_320 iter_args(%while3A_1302 = %while3A_256) -> (vector<16xf32>)  : i32 {
      %get3A_1303 = arith.constant 1 : i32
      %get3A_1304 = arith.index_cast %get3A_1303 : i32 to index
      %get3A_1305 = arith.index_cast %while3A_1301 : i32 to index
      %get3A_1306 = arith.constant 0 : index
      %get3A_1307 = tpu.vector_load %arg24[%get3A_1304, %get3A_1305, %get3A_1306] {strides = array<i32>} : memref<2x128x128xf32, #tpu.memory_space<vmem>>, vector<1x1x16xf32>,
      %get3A_1308 = vector.shape_cast %get3A_1307 : vector<1x1x16xf32> to vector<16xf32>
      %get3A_1309 = arith.constant 1 : i32
      %get3A_1310 = arith.index_cast %get3A_1309 : i32 to index
      %get3A_1311 = arith.index_cast %while3A_1301 : i32 to index
      %get3A_1312 = arith.constant 0 : index
      %get3A_1313 = tpu.vector_load %arg25[%get3A_1310, %get3A_1311, %get3A_1312] {strides = array<i32>} : memref<2x128x128xf32, #tpu.memory_space<vmem>>, vector<1x1x16xf32>,
      %get3A_1314 = vector.shape_cast %get3A_1313 : vector<1x1x16xf32> to vector<16xf32>
      %mul3A_1315 = arith.mulf %get3A_1308, %get3A_1314 : vector<16xf32>
      %add3A_1316 = arith.addf %while3A_1302, %mul3A_1315 : vector<16xf32>
      %get3A_1317 = arith.constant 1 : i32
      %get3A_1318 = arith.index_cast %get3A_1317 : i32 to index
      %get3A_1319 = arith.index_cast %while3A_1301 : i32 to index
      %get3A_1320 = arith.constant 16 : index
      %get3A_1321 = tpu.vector_load %arg24[%get3A_1318, %get3A_1319, %get3A_1320] {strides = array<i32>} : memref<2x128x128xf32, #tpu.memory_space<vmem>>, vector<1x1x16xf32>,
      %get3A_1322 = vector.shape_cast %get3A_1321 : vector<1x1x16xf32> to vector<16xf32>
      %get3A_1323 = arith.constant 1 : i32
      %get3A_1324 = arith.index_cast %get3A_1323 : i32 to index
      %get3A_1325 = arith.index_cast %while3A_1301 : i32 to index
      %get3A_1326 = arith.constant 16 : index
      %get3A_1327 = tpu.vector_load %arg25[%get3A_1324, %get3A_1325, %get3A_1326] {strides = array<i32>} : memref<2x128x128xf32, #tpu.memory_space<vmem>>, vector<1x1x16xf32>,
      %get3A_1328 = vector.shape_cast %get3A_1327 : vector<1x1x16xf32> to vector<16xf32>
      %mul3A_1329 = arith.mulf %get3A_1322, %get3A_1328 : vector<16xf32>
      %add3A_1330 = arith.addf %add3A_1316, %mul3A_1329 : vector<16xf32>
      %get3A_1331 = arith.constant 1 : i32
      %get3A_1332 = arith.index_cast %get3A_1331 : i32 to index
      %get3A_1333 = arith.index_cast %while3A_1301 : i32 to index
      %get3A_1334 = arith.constant 32 : index
      %get3A_1335 = tpu.vector_load %arg24[%get3A_1332, %get3A_1333, %get3A_1334] {strides = array<i32>} : memref<2x128x128xf32, #tpu.memory_space<vmem>>, vector<1x1x16xf32>,
      %get3A_1336 = vector.shape_cast %get3A_1335 : vector<1x1x16xf32> to vector<16xf32>
      %get3A_1337 = arith.constant 1 : i32
      %get3A_1338 = arith.index_cast %get3A_1337 : i32 to index
      %get3A_1339 = arith.index_cast %while3A_1301 : i32 to index
      %get3A_1340 = arith.constant 32 : index
      %get3A_1341 = tpu.vector_load %arg25[%get3A_1338, %get3A_1339, %get3A_1340] {strides = array<i32>} : memref<2x128x128xf32, #tpu.memory_space<vmem>>, vector<1x1x16xf32>,
      %get3A_1342 = vector.shape_cast %get3A_1341 : vector<1x1x16xf32> to vector<16xf32>
      %mul3A_1343 = arith.mulf %get3A_1336, %get3A_1342 : vector<16xf32>
      %add3A_1344 = arith.addf %add3A_1330, %mul3A_1343 : vector<16xf32>
      %get3A_1345 = arith.constant 1 : i32
      %get3A_1346 = arith.index_cast %get3A_1345 : i32 to index
      %get3A_1347 = arith.index_cast %while3A_1301 : i32 to index
      %get3A_1348 = arith.constant 48 : index
      %get3A_1349 = tpu.vector_load %arg24[%get3A_1346, %get3A_1347, %get3A_1348] {strides = array<i32>} : memref<2x128x128xf32, #tpu.memory_space<vmem>>, vector<1x1x16xf32>,
      %get3A_1350 = vector.shape_cast %get3A_1349 : vector<1x1x16xf32> to vector<16xf32>
      %get3A_1351 = arith.constant 1 : i32
      %get3A_1352 = arith.index_cast %get3A_1351 : i32 to index
      %get3A_1353 = arith.index_cast %while3A_1301 : i32 to index
      %get3A_1354 = arith.constant 48 : index
      %get3A_1355 = tpu.vector_load %arg25[%get3A_1352, %get3A_1353, %get3A_1354] {strides = array<i32>} : memref<2x128x128xf32, #tpu.memory_space<vmem>>, vector<1x1x16xf32>,
      %get3A_1356 = vector.shape_cast %get3A_1355 : vector<1x1x16xf32> to vector<16xf32>
      %mul3A_1357 = arith.mulf %get3A_1350, %get3A_1356 : vector<16xf32>
      %add3A_1358 = arith.addf %add3A_1344, %mul3A_1357 : vector<16xf32>
      scf.yield %add3A_1358 : vector<16xf32>
    }
    %while3A_322 = arith.constant 1 : i32
    %while3A_323 = scf.for %while3A_1301 = %while3A_319 to %while3A_315 step %while3A_322 iter_args(%while3A_1302 = %while3A_321) -> (vector<16xf32>)  : i32 {
      %get3A_1303 = arith.constant 1 : i32
      %get3A_1304 = arith.index_cast %get3A_1303 : i32 to index
      %get3A_1305 = arith.index_cast %while3A_1301 : i32 to index
      %get3A_1306 = arith.constant 0 : index
      %get3A_1307 = tpu.vector_load %arg24[%get3A_1304, %get3A_1305, %get3A_1306] {strides = array<i32>} : memref<2x128x128xf32, #tpu.memory_space<vmem>>, vector<1x1x16xf32>,
      %get3A_1308 = vector.shape_cast %get3A_1307 : vector<1x1x16xf32> to vector<16xf32>
      %get3A_1309 = arith.constant 1 : i32
      %get3A_1310 = arith.index_cast %get3A_1309 : i32 to index
      %get3A_1311 = arith.index_cast %while3A_1301 : i32 to index
      %get3A_1312 = arith.constant 0 : index
      %get3A_1313 = tpu.vector_load %arg25[%get3A_1310, %get3A_1311, %get3A_1312] {strides = array<i32>} : memref<2x128x128xf32, #tpu.memory_space<vmem>>, vector<1x1x16xf32>,
      %get3A_1314 = vector.shape_cast %get3A_1313 : vector<1x1x16xf32> to vector<16xf32>
      %mul3A_1315 = arith.mulf %get3A_1308, %get3A_1314 : vector<16xf32>
      %add3A_1316 = arith.addf %while3A_1302, %mul3A_1315 : vector<16xf32>
      %get3A_1317 = arith.constant 1 : i32
      %get3A_1318 = arith.index_cast %get3A_1317 : i32 to index
      %get3A_1319 = arith.index_cast %while3A_1301 : i32 to index
      %get3A_1320 = arith.constant 16 : index
      %get3A_1321 = tpu.vector_load %arg24[%get3A_1318, %get3A_1319, %get3A_1320] {strides = array<i32>} : memref<2x128x128xf32, #tpu.memory_space<vmem>>, vector<1x1x16xf32>,
      %get3A_1322 = vector.shape_cast %get3A_1321 : vector<1x1x16xf32> to vector<16xf32>
      %get3A_1323 = arith.constant 1 : i32
      %get3A_1324 = arith.index_cast %get3A_1323 : i32 to index
      %get3A_1325 = arith.index_cast %while3A_1301 : i32 to index
      %get3A_1326 = arith.constant 16 : index
      %get3A_1327 = tpu.vector_load %arg25[%get3A_1324, %get3A_1325, %get3A_1326] {strides = array<i32>} : memref<2x128x128xf32, #tpu.memory_space<vmem>>, vector<1x1x16xf32>,
      %get3A_1328 = vector.shape_cast %get3A_1327 : vector<1x1x16xf32> to vector<16xf32>
      %mul3A_1329 = arith.mulf %get3A_1322, %get3A_1328 : vector<16xf32>
      %add3A_1330 = arith.addf %add3A_1316, %mul3A_1329 : vector<16xf32>
      %get3A_1331 = arith.constant 1 : i32
      %get3A_1332 = arith.index_cast %get3A_1331 : i32 to index
      %get3A_1333 = arith.index_cast %while3A_1301 : i32 to index
      %get3A_1334 = arith.constant 32 : index
      %get3A_1335 = tpu.vector_load %arg24[%get3A_1332, %get3A_1333, %get3A_1334] {strides = array<i32>} : memref<2x128x128xf32, #tpu.memory_space<vmem>>, vector<1x1x16xf32>,
      %get3A_1336 = vector.shape_cast %get3A_1335 : vector<1x1x16xf32> to vector<16xf32>
      %get3A_1337 = arith.constant 1 : i32
      %get3A_1338 = arith.index_cast %get3A_1337 : i32 to index
      %get3A_1339 = arith.index_cast %while3A_1301 : i32 to index
      %get3A_1340 = arith.constant 32 : index
      %get3A_1341 = tpu.vector_load %arg25[%get3A_1338, %get3A_1339, %get3A_1340] {strides = array<i32>} : memref<2x128x128xf32, #tpu.memory_space<vmem>>, vector<1x1x16xf32>,
      %get3A_1342 = vector.shape_cast %get3A_1341 : vector<1x1x16xf32> to vector<16xf32>
      %mul3A_1343 = arith.mulf %get3A_1336, %get3A_1342 : vector<16xf32>
      %add3A_1344 = arith.addf %add3A_1330, %mul3A_1343 : vector<16xf32>
      %get3A_1345 = arith.constant 1 : i32
      %get3A_1346 = arith.index_cast %get3A_1345 : i32 to index
      %get3A_1347 = arith.index_cast %while3A_1301 : i32 to index
      %get3A_1348 = arith.constant 48 : index
      %get3A_1349 = tpu.vector_load %arg24[%get3A_1346, %get3A_1347, %get3A_1348] {strides = array<i32>} : memref<2x128x128xf32, #tpu.memory_space<vmem>>, vector<1x1x16xf32>,
      %get3A_1350 = vector.shape_cast %get3A_1349 : vector<1x1x16xf32> to vector<16xf32>
      %get3A_1351 = arith.constant 1 : i32
      %get3A_1352 = arith.index_cast %get3A_1351 : i32 to index
      %get3A_1353 = arith.index_cast %while3A_1301 : i32 to index
      %get3A_1354 = arith.constant 48 : index
      %get3A_1355 = tpu.vector_load %arg25[%get3A_1352, %get3A_1353, %get3A_1354] {strides = array<i32>} : memref<2x128x128xf32, #tpu.memory_space<vmem>>, vector<1x1x16xf32>,
      %get3A_1356 = vector.shape_cast %get3A_1355 : vector<1x1x16xf32> to vector<16xf32>
      %mul3A_1357 = arith.mulf %get3A_1350, %get3A_1356 : vector<16xf32>
      %add3A_1358 = arith.addf %add3A_1344, %mul3A_1357 : vector<16xf32>
      scf.yield %add3A_1358 : vector<16xf32>
    }
    %slice3A_324 = vector.extract_strided_slice %get3A_309 {offsets = [1], sizes = [1], strides = [1]} : vector<16xi32> to vector<1xi32>
    %squeeze3A_325 = vector.extract %slice3A_324[0] : i32 from vector<1xi32>
    %slice3A_326 = vector.extract_strided_slice %get3A_309 {offsets = [5], sizes = [1], strides = [1]} : vector<16xi32> to vector<1xi32>
    %squeeze3A_327 = vector.extract %slice3A_326[0] : i32 from vector<1xi32>
    %while3A_328 = arith.subi %squeeze3A_327, %squeeze3A_325 : i32
    %while3A_329 = arith.addi %squeeze3A_325, %while3A_328 : i32
    %while3A_330 = arith.constant 1 : i32
    %while3A_331 = arith.divsi %while3A_328, %while3A_330 : i32
    %while3A_332 = arith.muli %while3A_331, %while3A_330 : i32
    %while3A_333 = arith.addi %squeeze3A_325, %while3A_332 : i32
    %while3A_334 = arith.constant 1 : i32
    %while3A_335 = scf.for %while3A_1301 = %squeeze3A_325 to %while3A_333 step %while3A_334 iter_args(%while3A_1302 = %while3A_323) -> (vector<16xf32>)  : i32 {
      %get3A_1303 = arith.constant 1 : i32
      %get3A_1304 = arith.index_cast %get3A_1303 : i32 to index
      %get3A_1305 = arith.index_cast %while3A_1301 : i32 to index
      %get3A_1306 = arith.constant 64 : index
      %get3A_1307 = tpu.vector_load %arg24[%get3A_1304, %get3A_1305, %get3A_1306] {strides = array<i32>} : memref<2x128x128xf32, #tpu.memory_space<vmem>>, vector<1x1x16xf32>,
      %get3A_1308 = vector.shape_cast %get3A_1307 : vector<1x1x16xf32> to vector<16xf32>
      %get3A_1309 = arith.constant 1 : i32
      %get3A_1310 = arith.index_cast %get3A_1309 : i32 to index
      %get3A_1311 = arith.index_cast %while3A_1301 : i32 to index
      %get3A_1312 = arith.constant 0 : index
      %get3A_1313 = tpu.vector_load %arg25[%get3A_1310, %get3A_1311, %get3A_1312] {strides = array<i32>} : memref<2x128x128xf32, #tpu.memory_space<vmem>>, vector<1x1x16xf32>,
      %get3A_1314 = vector.shape_cast %get3A_1313 : vector<1x1x16xf32> to vector<16xf32>
      %mul3A_1315 = arith.mulf %get3A_1308, %get3A_1314 : vector<16xf32>
      %add3A_1316 = arith.addf %while3A_1302, %mul3A_1315 : vector<16xf32>
      %get3A_1317 = arith.constant 1 : i32
      %get3A_1318 = arith.index_cast %get3A_1317 : i32 to index
      %get3A_1319 = arith.index_cast %while3A_1301 : i32 to index
      %get3A_1320 = arith.constant 80 : index
      %get3A_1321 = tpu.vector_load %arg24[%get3A_1318, %get3A_1319, %get3A_1320] {strides = array<i32>} : memref<2x128x128xf32, #tpu.memory_space<vmem>>, vector<1x1x16xf32>,
      %get3A_1322 = vector.shape_cast %get3A_1321 : vector<1x1x16xf32> to vector<16xf32>
      %get3A_1323 = arith.constant 1 : i32
      %get3A_1324 = arith.index_cast %get3A_1323 : i32 to index
      %get3A_1325 = arith.index_cast %while3A_1301 : i32 to index
      %get3A_1326 = arith.constant 16 : index
      %get3A_1327 = tpu.vector_load %arg25[%get3A_1324, %get3A_1325, %get3A_1326] {strides = array<i32>} : memref<2x128x128xf32, #tpu.memory_space<vmem>>, vector<1x1x16xf32>,
      %get3A_1328 = vector.shape_cast %get3A_1327 : vector<1x1x16xf32> to vector<16xf32>
      %mul3A_1329 = arith.mulf %get3A_1322, %get3A_1328 : vector<16xf32>
      %add3A_1330 = arith.addf %add3A_1316, %mul3A_1329 : vector<16xf32>
      %get3A_1331 = arith.constant 1 : i32
      %get3A_1332 = arith.index_cast %get3A_1331 : i32 to index
      %get3A_1333 = arith.index_cast %while3A_1301 : i32 to index
      %get3A_1334 = arith.constant 96 : index
      %get3A_1335 = tpu.vector_load %arg24[%get3A_1332, %get3A_1333, %get3A_1334] {strides = array<i32>} : memref<2x128x128xf32, #tpu.memory_space<vmem>>, vector<1x1x16xf32>,
      %get3A_1336 = vector.shape_cast %get3A_1335 : vector<1x1x16xf32> to vector<16xf32>
      %get3A_1337 = arith.constant 1 : i32
      %get3A_1338 = arith.index_cast %get3A_1337 : i32 to index
      %get3A_1339 = arith.index_cast %while3A_1301 : i32 to index
      %get3A_1340 = arith.constant 32 : index
      %get3A_1341 = tpu.vector_load %arg25[%get3A_1338, %get3A_1339, %get3A_1340] {strides = array<i32>} : memref<2x128x128xf32, #tpu.memory_space<vmem>>, vector<1x1x16xf32>,
      %get3A_1342 = vector.shape_cast %get3A_1341 : vector<1x1x16xf32> to vector<16xf32>
      %mul3A_1343 = arith.mulf %get3A_1336, %get3A_1342 : vector<16xf32>
      %add3A_1344 = arith.addf %add3A_1330, %mul3A_1343 : vector<16xf32>
      %get3A_1345 = arith.constant 1 : i32
      %get3A_1346 = arith.index_cast %get3A_1345 : i32 to index
      %get3A_1347 = arith.index_cast %while3A_1301 : i32 to index
      %get3A_1348 = arith.constant 112 : index
      %get3A_1349 = tpu.vector_load %arg24[%get3A_1346, %get3A_1347, %get3A_1348] {strides = array<i32>} : memref<2x128x128xf32, #tpu.memory_space<vmem>>, vector<1x1x16xf32>,
      %get3A_1350 = vector.shape_cast %get3A_1349 : vector<1x1x16xf32> to vector<16xf32>
      %get3A_1351 = arith.constant 1 : i32
      %get3A_1352 = arith.index_cast %get3A_1351 : i32 to index
      %get3A_1353 = arith.index_cast %while3A_1301 : i32 to index
      %get3A_1354 = arith.constant 48 : index
      %get3A_1355 = tpu.vector_load %arg25[%get3A_1352, %get3A_1353, %get3A_1354] {strides = array<i32>} : memref<2x128x128xf32, #tpu.memory_space<vmem>>, vector<1x1x16xf32>,
      %get3A_1356 = vector.shape_cast %get3A_1355 : vector<1x1x16xf32> to vector<16xf32>
      %mul3A_1357 = arith.mulf %get3A_1350, %get3A_1356 : vector<16xf32>
      %add3A_1358 = arith.addf %add3A_1344, %mul3A_1357 : vector<16xf32>
      scf.yield %add3A_1358 : vector<16xf32>
    }
    %while3A_336 = arith.constant 1 : i32
    %while3A_337 = scf.for %while3A_1301 = %while3A_333 to %while3A_329 step %while3A_336 iter_args(%while3A_1302 = %while3A_335) -> (vector<16xf32>)  : i32 {
      %get3A_1303 = arith.constant 1 : i32
      %get3A_1304 = arith.index_cast %get3A_1303 : i32 to index
      %get3A_1305 = arith.index_cast %while3A_1301 : i32 to index
      %get3A_1306 = arith.constant 64 : index
      %get3A_1307 = tpu.vector_load %arg24[%get3A_1304, %get3A_1305, %get3A_1306] {strides = array<i32>} : memref<2x128x128xf32, #tpu.memory_space<vmem>>, vector<1x1x16xf32>,
      %get3A_1308 = vector.shape_cast %get3A_1307 : vector<1x1x16xf32> to vector<16xf32>
      %get3A_1309 = arith.constant 1 : i32
      %get3A_1310 = arith.index_cast %get3A_1309 : i32 to index
      %get3A_1311 = arith.index_cast %while3A_1301 : i32 to index
      %get3A_1312 = arith.constant 0 : index
      %get3A_1313 = tpu.vector_load %arg25[%get3A_1310, %get3A_1311, %get3A_1312] {strides = array<i32>} : memref<2x128x128xf32, #tpu.memory_space<vmem>>, vector<1x1x16xf32>,
      %get3A_1314 = vector.shape_cast %get3A_1313 : vector<1x1x16xf32> to vector<16xf32>
      %mul3A_1315 = arith.mulf %get3A_1308, %get3A_1314 : vector<16xf32>
      %add3A_1316 = arith.addf %while3A_1302, %mul3A_1315 : vector<16xf32>
      %get3A_1317 = arith.constant 1 : i32
      %get3A_1318 = arith.index_cast %get3A_1317 : i32 to index
      %get3A_1319 = arith.index_cast %while3A_1301 : i32 to index
      %get3A_1320 = arith.constant 80 : index
      %get3A_1321 = tpu.vector_load %arg24[%get3A_1318, %get3A_1319, %get3A_1320] {strides = array<i32>} : memref<2x128x128xf32, #tpu.memory_space<vmem>>, vector<1x1x16xf32>,
      %get3A_1322 = vector.shape_cast %get3A_1321 : vector<1x1x16xf32> to vector<16xf32>
      %get3A_1323 = arith.constant 1 : i32
      %get3A_1324 = arith.index_cast %get3A_1323 : i32 to index
      %get3A_1325 = arith.index_cast %while3A_1301 : i32 to index
      %get3A_1326 = arith.constant 16 : index
      %get3A_1327 = tpu.vector_load %arg25[%get3A_1324, %get3A_1325, %get3A_1326] {strides = array<i32>} : memref<2x128x128xf32, #tpu.memory_space<vmem>>, vector<1x1x16xf32>,
      %get3A_1328 = vector.shape_cast %get3A_1327 : vector<1x1x16xf32> to vector<16xf32>
      %mul3A_1329 = arith.mulf %get3A_1322, %get3A_1328 : vector<16xf32>
      %add3A_1330 = arith.addf %add3A_1316, %mul3A_1329 : vector<16xf32>
      %get3A_1331 = arith.constant 1 : i32
      %get3A_1332 = arith.index_cast %get3A_1331 : i32 to index
      %get3A_1333 = arith.index_cast %while3A_1301 : i32 to index
      %get3A_1334 = arith.constant 96 : index
      %get3A_1335 = tpu.vector_load %arg24[%get3A_1332, %get3A_1333, %get3A_1334] {strides = array<i32>} : memref<2x128x128xf32, #tpu.memory_space<vmem>>, vector<1x1x16xf32>,
      %get3A_1336 = vector.shape_cast %get3A_1335 : vector<1x1x16xf32> to vector<16xf32>
      %get3A_1337 = arith.constant 1 : i32
      %get3A_1338 = arith.index_cast %get3A_1337 : i32 to index
      %get3A_1339 = arith.index_cast %while3A_1301 : i32 to index
      %get3A_1340 = arith.constant 32 : index
      %get3A_1341 = tpu.vector_load %arg25[%get3A_1338, %get3A_1339, %get3A_1340] {strides = array<i32>} : memref<2x128x128xf32, #tpu.memory_space<vmem>>, vector<1x1x16xf32>,
      %get3A_1342 = vector.shape_cast %get3A_1341 : vector<1x1x16xf32> to vector<16xf32>
      %mul3A_1343 = arith.mulf %get3A_1336, %get3A_1342 : vector<16xf32>
      %add3A_1344 = arith.addf %add3A_1330, %mul3A_1343 : vector<16xf32>
      %get3A_1345 = arith.constant 1 : i32
      %get3A_1346 = arith.index_cast %get3A_1345 : i32 to index
      %get3A_1347 = arith.index_cast %while3A_1301 : i32 to index
      %get3A_1348 = arith.constant 112 : index
      %get3A_1349 = tpu.vector_load %arg24[%get3A_1346, %get3A_1347, %get3A_1348] {strides = array<i32>} : memref<2x128x128xf32, #tpu.memory_space<vmem>>, vector<1x1x16xf32>,
      %get3A_1350 = vector.shape_cast %get3A_1349 : vector<1x1x16xf32> to vector<16xf32>
      %get3A_1351 = arith.constant 1 : i32
      %get3A_1352 = arith.index_cast %get3A_1351 : i32 to index
      %get3A_1353 = arith.index_cast %while3A_1301 : i32 to index
      %get3A_1354 = arith.constant 48 : index
      %get3A_1355 = tpu.vector_load %arg25[%get3A_1352, %get3A_1353, %get3A_1354] {strides = array<i32>} : memref<2x128x128xf32, #tpu.memory_space<vmem>>, vector<1x1x16xf32>,
      %get3A_1356 = vector.shape_cast %get3A_1355 : vector<1x1x16xf32> to vector<16xf32>
      %mul3A_1357 = arith.mulf %get3A_1350, %get3A_1356 : vector<16xf32>
      %add3A_1358 = arith.addf %add3A_1344, %mul3A_1357 : vector<16xf32>
      scf.yield %add3A_1358 : vector<16xf32>
    }
    %slice3A_338 = vector.extract_strided_slice %get3A_309 {offsets = [2], sizes = [1], strides = [1]} : vector<16xi32> to vector<1xi32>
    %squeeze3A_339 = vector.extract %slice3A_338[0] : i32 from vector<1xi32>
    %slice3A_340 = vector.extract_strided_slice %get3A_309 {offsets = [6], sizes = [1], strides = [1]} : vector<16xi32> to vector<1xi32>
    %squeeze3A_341 = vector.extract %slice3A_340[0] : i32 from vector<1xi32>
    %while3A_342 = arith.subi %squeeze3A_341, %squeeze3A_339 : i32
    %while3A_343 = arith.addi %squeeze3A_339, %while3A_342 : i32
    %while3A_344 = arith.constant 1 : i32
    %while3A_345 = arith.divsi %while3A_342, %while3A_344 : i32
    %while3A_346 = arith.muli %while3A_345, %while3A_344 : i32
    %while3A_347 = arith.addi %squeeze3A_339, %while3A_346 : i32
    %while3A_348 = arith.constant 1 : i32
    %while3A_349 = scf.for %while3A_1301 = %squeeze3A_339 to %while3A_347 step %while3A_348 iter_args(%while3A_1302 = %while3A_337) -> (vector<16xf32>)  : i32 {
      %get3A_1303 = arith.constant 1 : i32
      %get3A_1304 = arith.index_cast %get3A_1303 : i32 to index
      %get3A_1305 = arith.index_cast %while3A_1301 : i32 to index
      %get3A_1306 = arith.constant 0 : index
      %get3A_1307 = tpu.vector_load %arg24[%get3A_1304, %get3A_1305, %get3A_1306] {strides = array<i32>} : memref<2x128x128xf32, #tpu.memory_space<vmem>>, vector<1x1x16xf32>,
      %get3A_1308 = vector.shape_cast %get3A_1307 : vector<1x1x16xf32> to vector<16xf32>
      %get3A_1309 = arith.constant 1 : i32
      %get3A_1310 = arith.index_cast %get3A_1309 : i32 to index
      %get3A_1311 = arith.index_cast %while3A_1301 : i32 to index
      %get3A_1312 = arith.constant 64 : index
      %get3A_1313 = tpu.vector_load %arg25[%get3A_1310, %get3A_1311, %get3A_1312] {strides = array<i32>} : memref<2x128x128xf32, #tpu.memory_space<vmem>>, vector<1x1x16xf32>,
      %get3A_1314 = vector.shape_cast %get3A_1313 : vector<1x1x16xf32> to vector<16xf32>
      %mul3A_1315 = arith.mulf %get3A_1308, %get3A_1314 : vector<16xf32>
      %add3A_1316 = arith.addf %while3A_1302, %mul3A_1315 : vector<16xf32>
      %get3A_1317 = arith.constant 1 : i32
      %get3A_1318 = arith.index_cast %get3A_1317 : i32 to index
      %get3A_1319 = arith.index_cast %while3A_1301 : i32 to index
      %get3A_1320 = arith.constant 16 : index
      %get3A_1321 = tpu.vector_load %arg24[%get3A_1318, %get3A_1319, %get3A_1320] {strides = array<i32>} : memref<2x128x128xf32, #tpu.memory_space<vmem>>, vector<1x1x16xf32>,
      %get3A_1322 = vector.shape_cast %get3A_1321 : vector<1x1x16xf32> to vector<16xf32>
      %get3A_1323 = arith.constant 1 : i32
      %get3A_1324 = arith.index_cast %get3A_1323 : i32 to index
      %get3A_1325 = arith.index_cast %while3A_1301 : i32 to index
      %get3A_1326 = arith.constant 80 : index
      %get3A_1327 = tpu.vector_load %arg25[%get3A_1324, %get3A_1325, %get3A_1326] {strides = array<i32>} : memref<2x128x128xf32, #tpu.memory_space<vmem>>, vector<1x1x16xf32>,
      %get3A_1328 = vector.shape_cast %get3A_1327 : vector<1x1x16xf32> to vector<16xf32>
      %mul3A_1329 = arith.mulf %get3A_1322, %get3A_1328 : vector<16xf32>
      %add3A_1330 = arith.addf %add3A_1316, %mul3A_1329 : vector<16xf32>
      %get3A_1331 = arith.constant 1 : i32
      %get3A_1332 = arith.index_cast %get3A_1331 : i32 to index
      %get3A_1333 = arith.index_cast %while3A_1301 : i32 to index
      %get3A_1334 = arith.constant 32 : index
      %get3A_1335 = tpu.vector_load %arg24[%get3A_1332, %get3A_1333, %get3A_1334] {strides = array<i32>} : memref<2x128x128xf32, #tpu.memory_space<vmem>>, vector<1x1x16xf32>,
      %get3A_1336 = vector.shape_cast %get3A_1335 : vector<1x1x16xf32> to vector<16xf32>
      %get3A_1337 = arith.constant 1 : i32
      %get3A_1338 = arith.index_cast %get3A_1337 : i32 to index
      %get3A_1339 = arith.index_cast %while3A_1301 : i32 to index
      %get3A_1340 = arith.constant 96 : index
      %get3A_1341 = tpu.vector_load %arg25[%get3A_1338, %get3A_1339, %get3A_1340] {strides = array<i32>} : memref<2x128x128xf32, #tpu.memory_space<vmem>>, vector<1x1x16xf32>,
      %get3A_1342 = vector.shape_cast %get3A_1341 : vector<1x1x16xf32> to vector<16xf32>
      %mul3A_1343 = arith.mulf %get3A_1336, %get3A_1342 : vector<16xf32>
      %add3A_1344 = arith.addf %add3A_1330, %mul3A_1343 : vector<16xf32>
      %get3A_1345 = arith.constant 1 : i32
      %get3A_1346 = arith.index_cast %get3A_1345 : i32 to index
      %get3A_1347 = arith.index_cast %while3A_1301 : i32 to index
      %get3A_1348 = arith.constant 48 : index
      %get3A_1349 = tpu.vector_load %arg24[%get3A_1346, %get3A_1347, %get3A_1348] {strides = array<i32>} : memref<2x128x128xf32, #tpu.memory_space<vmem>>, vector<1x1x16xf32>,
      %get3A_1350 = vector.shape_cast %get3A_1349 : vector<1x1x16xf32> to vector<16xf32>
      %get3A_1351 = arith.constant 1 : i32
      %get3A_1352 = arith.index_cast %get3A_1351 : i32 to index
      %get3A_1353 = arith.index_cast %while3A_1301 : i32 to index
      %get3A_1354 = arith.constant 112 : index
      %get3A_1355 = tpu.vector_load %arg25[%get3A_1352, %get3A_1353, %get3A_1354] {strides = array<i32>} : memref<2x128x128xf32, #tpu.memory_space<vmem>>, vector<1x1x16xf32>,
      %get3A_1356 = vector.shape_cast %get3A_1355 : vector<1x1x16xf32> to vector<16xf32>
      %mul3A_1357 = arith.mulf %get3A_1350, %get3A_1356 : vector<16xf32>
      %add3A_1358 = arith.addf %add3A_1344, %mul3A_1357 : vector<16xf32>
      scf.yield %add3A_1358 : vector<16xf32>
    }
    %while3A_350 = arith.constant 1 : i32
    %while3A_351 = scf.for %while3A_1301 = %while3A_347 to %while3A_343 step %while3A_350 iter_args(%while3A_1302 = %while3A_349) -> (vector<16xf32>)  : i32 {
      %get3A_1303 = arith.constant 1 : i32
      %get3A_1304 = arith.index_cast %get3A_1303 : i32 to index
      %get3A_1305 = arith.index_cast %while3A_1301 : i32 to index
      %get3A_1306 = arith.constant 0 : index
      %get3A_1307 = tpu.vector_load %arg24[%get3A_1304, %get3A_1305, %get3A_1306] {strides = array<i32>} : memref<2x128x128xf32, #tpu.memory_space<vmem>>, vector<1x1x16xf32>,
      %get3A_1308 = vector.shape_cast %get3A_1307 : vector<1x1x16xf32> to vector<16xf32>
      %get3A_1309 = arith.constant 1 : i32
      %get3A_1310 = arith.index_cast %get3A_1309 : i32 to index
      %get3A_1311 = arith.index_cast %while3A_1301 : i32 to index
      %get3A_1312 = arith.constant 64 : index
      %get3A_1313 = tpu.vector_load %arg25[%get3A_1310, %get3A_1311, %get3A_1312] {strides = array<i32>} : memref<2x128x128xf32, #tpu.memory_space<vmem>>, vector<1x1x16xf32>,
      %get3A_1314 = vector.shape_cast %get3A_1313 : vector<1x1x16xf32> to vector<16xf32>
      %mul3A_1315 = arith.mulf %get3A_1308, %get3A_1314 : vector<16xf32>
      %add3A_1316 = arith.addf %while3A_1302, %mul3A_1315 : vector<16xf32>
      %get3A_1317 = arith.constant 1 : i32
      %get3A_1318 = arith.index_cast %get3A_1317 : i32 to index
      %get3A_1319 = arith.index_cast %while3A_1301 : i32 to index
      %get3A_1320 = arith.constant 16 : index
      %get3A_1321 = tpu.vector_load %arg24[%get3A_1318, %get3A_1319, %get3A_1320] {strides = array<i32>} : memref<2x128x128xf32, #tpu.memory_space<vmem>>, vector<1x1x16xf32>,
      %get3A_1322 = vector.shape_cast %get3A_1321 : vector<1x1x16xf32> to vector<16xf32>
      %get3A_1323 = arith.constant 1 : i32
      %get3A_1324 = arith.index_cast %get3A_1323 : i32 to index
      %get3A_1325 = arith.index_cast %while3A_1301 : i32 to index
      %get3A_1326 = arith.constant 80 : index
      %get3A_1327 = tpu.vector_load %arg25[%get3A_1324, %get3A_1325, %get3A_1326] {strides = array<i32>} : memref<2x128x128xf32, #tpu.memory_space<vmem>>, vector<1x1x16xf32>,
      %get3A_1328 = vector.shape_cast %get3A_1327 : vector<1x1x16xf32> to vector<16xf32>
      %mul3A_1329 = arith.mulf %get3A_1322, %get3A_1328 : vector<16xf32>
      %add3A_1330 = arith.addf %add3A_1316, %mul3A_1329 : vector<16xf32>
      %get3A_1331 = arith.constant 1 : i32
      %get3A_1332 = arith.index_cast %get3A_1331 : i32 to index
      %get3A_1333 = arith.index_cast %while3A_1301 : i32 to index
      %get3A_1334 = arith.constant 32 : index
      %get3A_1335 = tpu.vector_load %arg24[%get3A_1332, %get3A_1333, %get3A_1334] {strides = array<i32>} : memref<2x128x128xf32, #tpu.memory_space<vmem>>, vector<1x1x16xf32>,
      %get3A_1336 = vector.shape_cast %get3A_1335 : vector<1x1x16xf32> to vector<16xf32>
      %get3A_1337 = arith.constant 1 : i32
      %get3A_1338 = arith.index_cast %get3A_1337 : i32 to index
      %get3A_1339 = arith.index_cast %while3A_1301 : i32 to index
      %get3A_1340 = arith.constant 96 : index
      %get3A_1341 = tpu.vector_load %arg25[%get3A_1338, %get3A_1339, %get3A_1340] {strides = array<i32>} : memref<2x128x128xf32, #tpu.memory_space<vmem>>, vector<1x1x16xf32>,
      %get3A_1342 = vector.shape_cast %get3A_1341 : vector<1x1x16xf32> to vector<16xf32>
      %mul3A_1343 = arith.mulf %get3A_1336, %get3A_1342 : vector<16xf32>
      %add3A_1344 = arith.addf %add3A_1330, %mul3A_1343 : vector<16xf32>
      %get3A_1345 = arith.constant 1 : i32
      %get3A_1346 = arith.index_cast %get3A_1345 : i32 to index
      %get3A_1347 = arith.index_cast %while3A_1301 : i32 to index
      %get3A_1348 = arith.constant 48 : index
      %get3A_1349 = tpu.vector_load %arg24[%get3A_1346, %get3A_1347, %get3A_1348] {strides = array<i32>} : memref<2x128x128xf32, #tpu.memory_space<vmem>>, vector<1x1x16xf32>,
      %get3A_1350 = vector.shape_cast %get3A_1349 : vector<1x1x16xf32> to vector<16xf32>
      %get3A_1351 = arith.constant 1 : i32
      %get3A_1352 = arith.index_cast %get3A_1351 : i32 to index
      %get3A_1353 = arith.index_cast %while3A_1301 : i32 to index
      %get3A_1354 = arith.constant 112 : index
      %get3A_1355 = tpu.vector_load %arg25[%get3A_1352, %get3A_1353, %get3A_1354] {strides = array<i32>} : memref<2x128x128xf32, #tpu.memory_space<vmem>>, vector<1x1x16xf32>,
      %get3A_1356 = vector.shape_cast %get3A_1355 : vector<1x1x16xf32> to vector<16xf32>
      %mul3A_1357 = arith.mulf %get3A_1350, %get3A_1356 : vector<16xf32>
      %add3A_1358 = arith.addf %add3A_1344, %mul3A_1357 : vector<16xf32>
      scf.yield %add3A_1358 : vector<16xf32>
    }
    %slice3A_352 = vector.extract_strided_slice %get3A_309 {offsets = [3], sizes = [1], strides = [1]} : vector<16xi32> to vector<1xi32>
    %squeeze3A_353 = vector.extract %slice3A_352[0] : i32 from vector<1xi32>
    %slice3A_354 = vector.extract_strided_slice %get3A_309 {offsets = [7], sizes = [1], strides = [1]} : vector<16xi32> to vector<1xi32>
    %squeeze3A_355 = vector.extract %slice3A_354[0] : i32 from vector<1xi32>
    %while3A_356 = arith.subi %squeeze3A_355, %squeeze3A_353 : i32
    %while3A_357 = arith.addi %squeeze3A_353, %while3A_356 : i32
    %while3A_358 = arith.constant 1 : i32
    %while3A_359 = arith.divsi %while3A_356, %while3A_358 : i32
    %while3A_360 = arith.muli %while3A_359, %while3A_358 : i32
    %while3A_361 = arith.addi %squeeze3A_353, %while3A_360 : i32
    %while3A_362 = arith.constant 1 : i32
    %while3A_363 = scf.for %while3A_1301 = %squeeze3A_353 to %while3A_361 step %while3A_362 iter_args(%while3A_1302 = %while3A_351) -> (vector<16xf32>)  : i32 {
      %get3A_1303 = arith.constant 1 : i32
      %get3A_1304 = arith.index_cast %get3A_1303 : i32 to index
      %get3A_1305 = arith.index_cast %while3A_1301 : i32 to index
      %get3A_1306 = arith.constant 64 : index
      %get3A_1307 = tpu.vector_load %arg24[%get3A_1304, %get3A_1305, %get3A_1306] {strides = array<i32>} : memref<2x128x128xf32, #tpu.memory_space<vmem>>, vector<1x1x16xf32>,
      %get3A_1308 = vector.shape_cast %get3A_1307 : vector<1x1x16xf32> to vector<16xf32>
      %get3A_1309 = arith.constant 1 : i32
      %get3A_1310 = arith.index_cast %get3A_1309 : i32 to index
      %get3A_1311 = arith.index_cast %while3A_1301 : i32 to index
      %get3A_1312 = arith.constant 64 : index
      %get3A_1313 = tpu.vector_load %arg25[%get3A_1310, %get3A_1311, %get3A_1312] {strides = array<i32>} : memref<2x128x128xf32, #tpu.memory_space<vmem>>, vector<1x1x16xf32>,
      %get3A_1314 = vector.shape_cast %get3A_1313 : vector<1x1x16xf32> to vector<16xf32>
      %mul3A_1315 = arith.mulf %get3A_1308, %get3A_1314 : vector<16xf32>
      %add3A_1316 = arith.addf %while3A_1302, %mul3A_1315 : vector<16xf32>
      %get3A_1317 = arith.constant 1 : i32
      %get3A_1318 = arith.index_cast %get3A_1317 : i32 to index
      %get3A_1319 = arith.index_cast %while3A_1301 : i32 to index
      %get3A_1320 = arith.constant 80 : index
      %get3A_1321 = tpu.vector_load %arg24[%get3A_1318, %get3A_1319, %get3A_1320] {strides = array<i32>} : memref<2x128x128xf32, #tpu.memory_space<vmem>>, vector<1x1x16xf32>,
      %get3A_1322 = vector.shape_cast %get3A_1321 : vector<1x1x16xf32> to vector<16xf32>
      %get3A_1323 = arith.constant 1 : i32
      %get3A_1324 = arith.index_cast %get3A_1323 : i32 to index
      %get3A_1325 = arith.index_cast %while3A_1301 : i32 to index
      %get3A_1326 = arith.constant 80 : index
      %get3A_1327 = tpu.vector_load %arg25[%get3A_1324, %get3A_1325, %get3A_1326] {strides = array<i32>} : memref<2x128x128xf32, #tpu.memory_space<vmem>>, vector<1x1x16xf32>,
      %get3A_1328 = vector.shape_cast %get3A_1327 : vector<1x1x16xf32> to vector<16xf32>
      %mul3A_1329 = arith.mulf %get3A_1322, %get3A_1328 : vector<16xf32>
      %add3A_1330 = arith.addf %add3A_1316, %mul3A_1329 : vector<16xf32>
      %get3A_1331 = arith.constant 1 : i32
      %get3A_1332 = arith.index_cast %get3A_1331 : i32 to index
      %get3A_1333 = arith.index_cast %while3A_1301 : i32 to index
      %get3A_1334 = arith.constant 96 : index
      %get3A_1335 = tpu.vector_load %arg24[%get3A_1332, %get3A_1333, %get3A_1334] {strides = array<i32>} : memref<2x128x128xf32, #tpu.memory_space<vmem>>, vector<1x1x16xf32>,
      %get3A_1336 = vector.shape_cast %get3A_1335 : vector<1x1x16xf32> to vector<16xf32>
      %get3A_1337 = arith.constant 1 : i32
      %get3A_1338 = arith.index_cast %get3A_1337 : i32 to index
      %get3A_1339 = arith.index_cast %while3A_1301 : i32 to index
      %get3A_1340 = arith.constant 96 : index
      %get3A_1341 = tpu.vector_load %arg25[%get3A_1338, %get3A_1339, %get3A_1340] {strides = array<i32>} : memref<2x128x128xf32, #tpu.memory_space<vmem>>, vector<1x1x16xf32>,
      %get3A_1342 = vector.shape_cast %get3A_1341 : vector<1x1x16xf32> to vector<16xf32>
      %mul3A_1343 = arith.mulf %get3A_1336, %get3A_1342 : vector<16xf32>
      %add3A_1344 = arith.addf %add3A_1330, %mul3A_1343 : vector<16xf32>
      %get3A_1345 = arith.constant 1 : i32
      %get3A_1346 = arith.index_cast %get3A_1345 : i32 to index
      %get3A_1347 = arith.index_cast %while3A_1301 : i32 to index
      %get3A_1348 = arith.constant 112 : index
      %get3A_1349 = tpu.vector_load %arg24[%get3A_1346, %get3A_1347, %get3A_1348] {strides = array<i32>} : memref<2x128x128xf32, #tpu.memory_space<vmem>>, vector<1x1x16xf32>,
      %get3A_1350 = vector.shape_cast %get3A_1349 : vector<1x1x16xf32> to vector<16xf32>
      %get3A_1351 = arith.constant 1 : i32
      %get3A_1352 = arith.index_cast %get3A_1351 : i32 to index
      %get3A_1353 = arith.index_cast %while3A_1301 : i32 to index
      %get3A_1354 = arith.constant 112 : index
      %get3A_1355 = tpu.vector_load %arg25[%get3A_1352, %get3A_1353, %get3A_1354] {strides = array<i32>} : memref<2x128x128xf32, #tpu.memory_space<vmem>>, vector<1x1x16xf32>,
      %get3A_1356 = vector.shape_cast %get3A_1355 : vector<1x1x16xf32> to vector<16xf32>
      %mul3A_1357 = arith.mulf %get3A_1350, %get3A_1356 : vector<16xf32>
      %add3A_1358 = arith.addf %add3A_1344, %mul3A_1357 : vector<16xf32>
      scf.yield %add3A_1358 : vector<16xf32>
    }
    %while3A_364 = arith.constant 1 : i32
    %while3A_365 = scf.for %while3A_1301 = %while3A_361 to %while3A_357 step %while3A_364 iter_args(%while3A_1302 = %while3A_363) -> (vector<16xf32>)  : i32 {
      %get3A_1303 = arith.constant 1 : i32
      %get3A_1304 = arith.index_cast %get3A_1303 : i32 to index
      %get3A_1305 = arith.index_cast %while3A_1301 : i32 to index
      %get3A_1306 = arith.constant 64 : index
      %get3A_1307 = tpu.vector_load %arg24[%get3A_1304, %get3A_1305, %get3A_1306] {strides = array<i32>} : memref<2x128x128xf32, #tpu.memory_space<vmem>>, vector<1x1x16xf32>,
      %get3A_1308 = vector.shape_cast %get3A_1307 : vector<1x1x16xf32> to vector<16xf32>
      %get3A_1309 = arith.constant 1 : i32
      %get3A_1310 = arith.index_cast %get3A_1309 : i32 to index
      %get3A_1311 = arith.index_cast %while3A_1301 : i32 to index
      %get3A_1312 = arith.constant 64 : index
      %get3A_1313 = tpu.vector_load %arg25[%get3A_1310, %get3A_1311, %get3A_1312] {strides = array<i32>} : memref<2x128x128xf32, #tpu.memory_space<vmem>>, vector<1x1x16xf32>,
      %get3A_1314 = vector.shape_cast %get3A_1313 : vector<1x1x16xf32> to vector<16xf32>
      %mul3A_1315 = arith.mulf %get3A_1308, %get3A_1314 : vector<16xf32>
      %add3A_1316 = arith.addf %while3A_1302, %mul3A_1315 : vector<16xf32>
      %get3A_1317 = arith.constant 1 : i32
      %get3A_1318 = arith.index_cast %get3A_1317 : i32 to index
      %get3A_1319 = arith.index_cast %while3A_1301 : i32 to index
      %get3A_1320 = arith.constant 80 : index
      %get3A_1321 = tpu.vector_load %arg24[%get3A_1318, %get3A_1319, %get3A_1320] {strides = array<i32>} : memref<2x128x128xf32, #tpu.memory_space<vmem>>, vector<1x1x16xf32>,
      %get3A_1322 = vector.shape_cast %get3A_1321 : vector<1x1x16xf32> to vector<16xf32>
      %get3A_1323 = arith.constant 1 : i32
      %get3A_1324 = arith.index_cast %get3A_1323 : i32 to index
      %get3A_1325 = arith.index_cast %while3A_1301 : i32 to index
      %get3A_1326 = arith.constant 80 : index
      %get3A_1327 = tpu.vector_load %arg25[%get3A_1324, %get3A_1325, %get3A_1326] {strides = array<i32>} : memref<2x128x128xf32, #tpu.memory_space<vmem>>, vector<1x1x16xf32>,
      %get3A_1328 = vector.shape_cast %get3A_1327 : vector<1x1x16xf32> to vector<16xf32>
      %mul3A_1329 = arith.mulf %get3A_1322, %get3A_1328 : vector<16xf32>
      %add3A_1330 = arith.addf %add3A_1316, %mul3A_1329 : vector<16xf32>
      %get3A_1331 = arith.constant 1 : i32
      %get3A_1332 = arith.index_cast %get3A_1331 : i32 to index
      %get3A_1333 = arith.index_cast %while3A_1301 : i32 to index
      %get3A_1334 = arith.constant 96 : index
      %get3A_1335 = tpu.vector_load %arg24[%get3A_1332, %get3A_1333, %get3A_1334] {strides = array<i32>} : memref<2x128x128xf32, #tpu.memory_space<vmem>>, vector<1x1x16xf32>,
      %get3A_1336 = vector.shape_cast %get3A_1335 : vector<1x1x16xf32> to vector<16xf32>
      %get3A_1337 = arith.constant 1 : i32
      %get3A_1338 = arith.index_cast %get3A_1337 : i32 to index
      %get3A_1339 = arith.index_cast %while3A_1301 : i32 to index
      %get3A_1340 = arith.constant 96 : index
      %get3A_1341 = tpu.vector_load %arg25[%get3A_1338, %get3A_1339, %get3A_1340] {strides = array<i32>} : memref<2x128x128xf32, #tpu.memory_space<vmem>>, vector<1x1x16xf32>,
      %get3A_1342 = vector.shape_cast %get3A_1341 : vector<1x1x16xf32> to vector<16xf32>
      %mul3A_1343 = arith.mulf %get3A_1336, %get3A_1342 : vector<16xf32>
      %add3A_1344 = arith.addf %add3A_1330, %mul3A_1343 : vector<16xf32>
      %get3A_1345 = arith.constant 1 : i32
      %get3A_1346 = arith.index_cast %get3A_1345 : i32 to index
      %get3A_1347 = arith.index_cast %while3A_1301 : i32 to index
      %get3A_1348 = arith.constant 112 : index
      %get3A_1349 = tpu.vector_load %arg24[%get3A_1346, %get3A_1347, %get3A_1348] {strides = array<i32>} : memref<2x128x128xf32, #tpu.memory_space<vmem>>, vector<1x1x16xf32>,
      %get3A_1350 = vector.shape_cast %get3A_1349 : vector<1x1x16xf32> to vector<16xf32>
      %get3A_1351 = arith.constant 1 : i32
      %get3A_1352 = arith.index_cast %get3A_1351 : i32 to index
      %get3A_1353 = arith.index_cast %while3A_1301 : i32 to index
      %get3A_1354 = arith.constant 112 : index
      %get3A_1355 = tpu.vector_load %arg25[%get3A_1352, %get3A_1353, %get3A_1354] {strides = array<i32>} : memref<2x128x128xf32, #tpu.memory_space<vmem>>, vector<1x1x16xf32>,
      %get3A_1356 = vector.shape_cast %get3A_1355 : vector<1x1x16xf32> to vector<16xf32>
      %mul3A_1357 = arith.mulf %get3A_1350, %get3A_1356 : vector<16xf32>
      %add3A_1358 = arith.addf %add3A_1344, %mul3A_1357 : vector<16xf32>
      scf.yield %add3A_1358 : vector<16xf32>
    }
    %dma_start3A_366 = arith.constant 3 : i32
    %dma_start3A_367 = arith.constant 1 : i32
    %dma_start3A_368 = arith.constant 0 : i32
    %dma_start3A_369 = arith.constant 0 : i32
    %dma_start3A_370 = tpu.memref_slice %arg24[%dma_start3A_367, %dma_start3A_368, %dma_start3A_369] : memref<2x128x128xf32, #tpu.memory_space<vmem>> -> memref<1x128x128xf32, #tpu.memory_space<vmem>>
    %dma_start3A_371 = tpu.memref_squeeze %dma_start3A_370 : memref<1x128x128xf32, #tpu.memory_space<vmem>> -> memref<128x128xf32, #tpu.memory_space<vmem>>
    %dma_start3A_372 = arith.constant 0 : i32
    %dma_start3A_373 = tpu.memref_slice %arg21[%dma_start3A_366, %dma_start3A_372] : memref<4x128xi32, #tpu.memory_space<vmem>> -> memref<1x128xi32, #tpu.memory_space<vmem>>
    %dma_start3A_374 = tpu.memref_squeeze %dma_start3A_373 : memref<1x128xi32, #tpu.memory_space<vmem>> -> memref<128xi32, #tpu.memory_space<vmem>>
    %dma_start3A_375 = arith.constant 0 : i32
    %dma_start3A_376 = arith.constant 0 : i32
    %dma_start3A_377 = tpu.memref_slice %arg9[%dma_start3A_375, %dma_start3A_376] : memref<500000x128xf32, #tpu.memory_space<hbm>> -> memref<500000x128xf32, #tpu.memory_space<hbm>>
    tpu.enqueue_indirect_dma source(%dma_start3A_377 : memref<500000x128xf32, #tpu.memory_space<hbm>>) target(%dma_start3A_371 : memref<128x128xf32, #tpu.memory_space<vmem>>) offsets(%dma_start3A_374 : memref<128xi32, #tpu.memory_space<vmem>>) semaphore(%arg33 : memref<!tpu.dma_semaphore, #tpu.memory_space<semaphore_mem>>)
    %dma_start3A_378 = arith.constant 3 : i32
    %dma_start3A_379 = arith.constant 1 : i32
    %dma_start3A_380 = arith.constant 0 : i32
    %dma_start3A_381 = arith.constant 0 : i32
    %dma_start3A_382 = tpu.memref_slice %arg25[%dma_start3A_379, %dma_start3A_380, %dma_start3A_381] : memref<2x128x128xf32, #tpu.memory_space<vmem>> -> memref<1x128x128xf32, #tpu.memory_space<vmem>>
    %dma_start3A_383 = tpu.memref_squeeze %dma_start3A_382 : memref<1x128x128xf32, #tpu.memory_space<vmem>> -> memref<128x128xf32, #tpu.memory_space<vmem>>
    %dma_start3A_384 = arith.constant 0 : i32
    %dma_start3A_385 = tpu.memref_slice %arg22[%dma_start3A_378, %dma_start3A_384] : memref<4x128xi32, #tpu.memory_space<vmem>> -> memref<1x128xi32, #tpu.memory_space<vmem>>
    %dma_start3A_386 = tpu.memref_squeeze %dma_start3A_385 : memref<1x128xi32, #tpu.memory_space<vmem>> -> memref<128xi32, #tpu.memory_space<vmem>>
    %dma_start3A_387 = arith.constant 0 : i32
    %dma_start3A_388 = arith.constant 0 : i32
    %dma_start3A_389 = tpu.memref_slice %arg10[%dma_start3A_387, %dma_start3A_388] : memref<50000x128xf32, #tpu.memory_space<hbm>> -> memref<50000x128xf32, #tpu.memory_space<hbm>>
    tpu.enqueue_indirect_dma source(%dma_start3A_389 : memref<50000x128xf32, #tpu.memory_space<hbm>>) target(%dma_start3A_383 : memref<128x128xf32, #tpu.memory_space<vmem>>) offsets(%dma_start3A_386 : memref<128xi32, #tpu.memory_space<vmem>>) semaphore(%arg33 : memref<!tpu.dma_semaphore, #tpu.memory_space<semaphore_mem>>)
    %dma_wait3A_390 = arith.constant 2 : i32
    %dma_wait3A_391 = arith.constant 0 : i32
    %dma_wait3A_392 = arith.constant 0 : i32
    %dma_wait3A_393 = arith.constant 0 : i32
    %dma_wait3A_394 = tpu.memref_slice %arg24[%dma_wait3A_391, %dma_wait3A_392, %dma_wait3A_393] : memref<2x128x128xf32, #tpu.memory_space<vmem>> -> memref<1x128x128xf32, #tpu.memory_space<vmem>>
    %dma_wait3A_395 = tpu.memref_squeeze %dma_wait3A_394 : memref<1x128x128xf32, #tpu.memory_space<vmem>> -> memref<128x128xf32, #tpu.memory_space<vmem>>
    %dma_wait3A_396 = arith.constant 0 : i32
    %dma_wait3A_397 = tpu.memref_slice %arg21[%dma_wait3A_390, %dma_wait3A_396] : memref<4x128xi32, #tpu.memory_space<vmem>> -> memref<1x128xi32, #tpu.memory_space<vmem>>
    %dma_wait3A_398 = tpu.memref_squeeze %dma_wait3A_397 : memref<1x128xi32, #tpu.memory_space<vmem>> -> memref<128xi32, #tpu.memory_space<vmem>>
    %dma_wait3A_399 = arith.constant 0 : i32
    %dma_wait3A_400 = arith.constant 0 : i32
    %dma_wait3A_401 = tpu.memref_slice %arg9[%dma_wait3A_399, %dma_wait3A_400] : memref<500000x128xf32, #tpu.memory_space<hbm>> -> memref<500000x128xf32, #tpu.memory_space<hbm>>
    tpu.wait_indirect_dma semaphore(%arg32 : memref<!tpu.dma_semaphore, #tpu.memory_space<semaphore_mem>>) src(%dma_wait3A_401 : memref<500000x128xf32, #tpu.memory_space<hbm>>) dst(%dma_wait3A_395 : memref<128x128xf32, #tpu.memory_space<vmem>>)
    %dma_wait3A_402 = arith.constant 2 : i32
    %dma_wait3A_403 = arith.constant 0 : i32
    %dma_wait3A_404 = arith.constant 0 : i32
    %dma_wait3A_405 = arith.constant 0 : i32
    %dma_wait3A_406 = tpu.memref_slice %arg25[%dma_wait3A_403, %dma_wait3A_404, %dma_wait3A_405] : memref<2x128x128xf32, #tpu.memory_space<vmem>> -> memref<1x128x128xf32, #tpu.memory_space<vmem>>
    %dma_wait3A_407 = tpu.memref_squeeze %dma_wait3A_406 : memref<1x128x128xf32, #tpu.memory_space<vmem>> -> memref<128x128xf32, #tpu.memory_space<vmem>>
    %dma_wait3A_408 = arith.constant 0 : i32
    %dma_wait3A_409 = tpu.memref_slice %arg22[%dma_wait3A_402, %dma_wait3A_408] : memref<4x128xi32, #tpu.memory_space<vmem>> -> memref<1x128xi32, #tpu.memory_space<vmem>>
    %dma_wait3A_410 = tpu.memref_squeeze %dma_wait3A_409 : memref<1x128xi32, #tpu.memory_space<vmem>> -> memref<128xi32, #tpu.memory_space<vmem>>
    %dma_wait3A_411 = arith.constant 0 : i32
    %dma_wait3A_412 = arith.constant 0 : i32
    %dma_wait3A_413 = tpu.memref_slice %arg10[%dma_wait3A_411, %dma_wait3A_412] : memref<50000x128xf32, #tpu.memory_space<hbm>> -> memref<50000x128xf32, #tpu.memory_space<hbm>>
    tpu.wait_indirect_dma semaphore(%arg32 : memref<!tpu.dma_semaphore, #tpu.memory_space<semaphore_mem>>) src(%dma_wait3A_413 : memref<50000x128xf32, #tpu.memory_space<hbm>>) dst(%dma_wait3A_407 : memref<128x128xf32, #tpu.memory_space<vmem>>)
    %get3A_414 = arith.constant 2 : i32
    %get3A_415 = arith.index_cast %get3A_414 : i32 to index
    %get3A_416 = arith.constant 0 : index
    %get3A_417 = tpu.vector_load %arg23[%get3A_415, %get3A_416] {strides = array<i32>} : memref<4x16xi32, #tpu.memory_space<vmem>>, vector<1x16xi32>,
    %get3A_418 = vector.shape_cast %get3A_417 : vector<1x16xi32> to vector<16xi32>
    %slice3A_419 = vector.extract_strided_slice %get3A_418 {offsets = [0], sizes = [1], strides = [1]} : vector<16xi32> to vector<1xi32>
    %squeeze3A_420 = vector.extract %slice3A_419[0] : i32 from vector<1xi32>
    %slice3A_421 = vector.extract_strided_slice %get3A_418 {offsets = [4], sizes = [1], strides = [1]} : vector<16xi32> to vector<1xi32>
    %squeeze3A_422 = vector.extract %slice3A_421[0] : i32 from vector<1xi32>
    %while3A_423 = arith.subi %squeeze3A_422, %squeeze3A_420 : i32
    %while3A_424 = arith.addi %squeeze3A_420, %while3A_423 : i32
    %while3A_425 = arith.constant 1 : i32
    %while3A_426 = arith.divsi %while3A_423, %while3A_425 : i32
    %while3A_427 = arith.muli %while3A_426, %while3A_425 : i32
    %while3A_428 = arith.addi %squeeze3A_420, %while3A_427 : i32
    %while3A_429 = arith.constant 1 : i32
    %while3A_430 = scf.for %while3A_1301 = %squeeze3A_420 to %while3A_428 step %while3A_429 iter_args(%while3A_1302 = %while3A_365) -> (vector<16xf32>)  : i32 {
      %get3A_1303 = arith.constant 0 : i32
      %get3A_1304 = arith.index_cast %get3A_1303 : i32 to index
      %get3A_1305 = arith.index_cast %while3A_1301 : i32 to index
      %get3A_1306 = arith.constant 0 : index
      %get3A_1307 = tpu.vector_load %arg24[%get3A_1304, %get3A_1305, %get3A_1306] {strides = array<i32>} : memref<2x128x128xf32, #tpu.memory_space<vmem>>, vector<1x1x16xf32>,
      %get3A_1308 = vector.shape_cast %get3A_1307 : vector<1x1x16xf32> to vector<16xf32>
      %get3A_1309 = arith.constant 0 : i32
      %get3A_1310 = arith.index_cast %get3A_1309 : i32 to index
      %get3A_1311 = arith.index_cast %while3A_1301 : i32 to index
      %get3A_1312 = arith.constant 0 : index
      %get3A_1313 = tpu.vector_load %arg25[%get3A_1310, %get3A_1311, %get3A_1312] {strides = array<i32>} : memref<2x128x128xf32, #tpu.memory_space<vmem>>, vector<1x1x16xf32>,
      %get3A_1314 = vector.shape_cast %get3A_1313 : vector<1x1x16xf32> to vector<16xf32>
      %mul3A_1315 = arith.mulf %get3A_1308, %get3A_1314 : vector<16xf32>
      %add3A_1316 = arith.addf %while3A_1302, %mul3A_1315 : vector<16xf32>
      %get3A_1317 = arith.constant 0 : i32
      %get3A_1318 = arith.index_cast %get3A_1317 : i32 to index
      %get3A_1319 = arith.index_cast %while3A_1301 : i32 to index
      %get3A_1320 = arith.constant 16 : index
      %get3A_1321 = tpu.vector_load %arg24[%get3A_1318, %get3A_1319, %get3A_1320] {strides = array<i32>} : memref<2x128x128xf32, #tpu.memory_space<vmem>>, vector<1x1x16xf32>,
      %get3A_1322 = vector.shape_cast %get3A_1321 : vector<1x1x16xf32> to vector<16xf32>
      %get3A_1323 = arith.constant 0 : i32
      %get3A_1324 = arith.index_cast %get3A_1323 : i32 to index
      %get3A_1325 = arith.index_cast %while3A_1301 : i32 to index
      %get3A_1326 = arith.constant 16 : index
      %get3A_1327 = tpu.vector_load %arg25[%get3A_1324, %get3A_1325, %get3A_1326] {strides = array<i32>} : memref<2x128x128xf32, #tpu.memory_space<vmem>>, vector<1x1x16xf32>,
      %get3A_1328 = vector.shape_cast %get3A_1327 : vector<1x1x16xf32> to vector<16xf32>
      %mul3A_1329 = arith.mulf %get3A_1322, %get3A_1328 : vector<16xf32>
      %add3A_1330 = arith.addf %add3A_1316, %mul3A_1329 : vector<16xf32>
      %get3A_1331 = arith.constant 0 : i32
      %get3A_1332 = arith.index_cast %get3A_1331 : i32 to index
      %get3A_1333 = arith.index_cast %while3A_1301 : i32 to index
      %get3A_1334 = arith.constant 32 : index
      %get3A_1335 = tpu.vector_load %arg24[%get3A_1332, %get3A_1333, %get3A_1334] {strides = array<i32>} : memref<2x128x128xf32, #tpu.memory_space<vmem>>, vector<1x1x16xf32>,
      %get3A_1336 = vector.shape_cast %get3A_1335 : vector<1x1x16xf32> to vector<16xf32>
      %get3A_1337 = arith.constant 0 : i32
      %get3A_1338 = arith.index_cast %get3A_1337 : i32 to index
      %get3A_1339 = arith.index_cast %while3A_1301 : i32 to index
      %get3A_1340 = arith.constant 32 : index
      %get3A_1341 = tpu.vector_load %arg25[%get3A_1338, %get3A_1339, %get3A_1340] {strides = array<i32>} : memref<2x128x128xf32, #tpu.memory_space<vmem>>, vector<1x1x16xf32>,
      %get3A_1342 = vector.shape_cast %get3A_1341 : vector<1x1x16xf32> to vector<16xf32>
      %mul3A_1343 = arith.mulf %get3A_1336, %get3A_1342 : vector<16xf32>
      %add3A_1344 = arith.addf %add3A_1330, %mul3A_1343 : vector<16xf32>
      %get3A_1345 = arith.constant 0 : i32
      %get3A_1346 = arith.index_cast %get3A_1345 : i32 to index
      %get3A_1347 = arith.index_cast %while3A_1301 : i32 to index
      %get3A_1348 = arith.constant 48 : index
      %get3A_1349 = tpu.vector_load %arg24[%get3A_1346, %get3A_1347, %get3A_1348] {strides = array<i32>} : memref<2x128x128xf32, #tpu.memory_space<vmem>>, vector<1x1x16xf32>,
      %get3A_1350 = vector.shape_cast %get3A_1349 : vector<1x1x16xf32> to vector<16xf32>
      %get3A_1351 = arith.constant 0 : i32
      %get3A_1352 = arith.index_cast %get3A_1351 : i32 to index
      %get3A_1353 = arith.index_cast %while3A_1301 : i32 to index
      %get3A_1354 = arith.constant 48 : index
      %get3A_1355 = tpu.vector_load %arg25[%get3A_1352, %get3A_1353, %get3A_1354] {strides = array<i32>} : memref<2x128x128xf32, #tpu.memory_space<vmem>>, vector<1x1x16xf32>,
      %get3A_1356 = vector.shape_cast %get3A_1355 : vector<1x1x16xf32> to vector<16xf32>
      %mul3A_1357 = arith.mulf %get3A_1350, %get3A_1356 : vector<16xf32>
      %add3A_1358 = arith.addf %add3A_1344, %mul3A_1357 : vector<16xf32>
      scf.yield %add3A_1358 : vector<16xf32>
    }
    %while3A_431 = arith.constant 1 : i32
    %while3A_432 = scf.for %while3A_1301 = %while3A_428 to %while3A_424 step %while3A_431 iter_args(%while3A_1302 = %while3A_430) -> (vector<16xf32>)  : i32 {
      %get3A_1303 = arith.constant 0 : i32
      %get3A_1304 = arith.index_cast %get3A_1303 : i32 to index
      %get3A_1305 = arith.index_cast %while3A_1301 : i32 to index
      %get3A_1306 = arith.constant 0 : index
      %get3A_1307 = tpu.vector_load %arg24[%get3A_1304, %get3A_1305, %get3A_1306] {strides = array<i32>} : memref<2x128x128xf32, #tpu.memory_space<vmem>>, vector<1x1x16xf32>,
      %get3A_1308 = vector.shape_cast %get3A_1307 : vector<1x1x16xf32> to vector<16xf32>
      %get3A_1309 = arith.constant 0 : i32
      %get3A_1310 = arith.index_cast %get3A_1309 : i32 to index
      %get3A_1311 = arith.index_cast %while3A_1301 : i32 to index
      %get3A_1312 = arith.constant 0 : index
      %get3A_1313 = tpu.vector_load %arg25[%get3A_1310, %get3A_1311, %get3A_1312] {strides = array<i32>} : memref<2x128x128xf32, #tpu.memory_space<vmem>>, vector<1x1x16xf32>,
      %get3A_1314 = vector.shape_cast %get3A_1313 : vector<1x1x16xf32> to vector<16xf32>
      %mul3A_1315 = arith.mulf %get3A_1308, %get3A_1314 : vector<16xf32>
      %add3A_1316 = arith.addf %while3A_1302, %mul3A_1315 : vector<16xf32>
      %get3A_1317 = arith.constant 0 : i32
      %get3A_1318 = arith.index_cast %get3A_1317 : i32 to index
      %get3A_1319 = arith.index_cast %while3A_1301 : i32 to index
      %get3A_1320 = arith.constant 16 : index
      %get3A_1321 = tpu.vector_load %arg24[%get3A_1318, %get3A_1319, %get3A_1320] {strides = array<i32>} : memref<2x128x128xf32, #tpu.memory_space<vmem>>, vector<1x1x16xf32>,
      %get3A_1322 = vector.shape_cast %get3A_1321 : vector<1x1x16xf32> to vector<16xf32>
      %get3A_1323 = arith.constant 0 : i32
      %get3A_1324 = arith.index_cast %get3A_1323 : i32 to index
      %get3A_1325 = arith.index_cast %while3A_1301 : i32 to index
      %get3A_1326 = arith.constant 16 : index
      %get3A_1327 = tpu.vector_load %arg25[%get3A_1324, %get3A_1325, %get3A_1326] {strides = array<i32>} : memref<2x128x128xf32, #tpu.memory_space<vmem>>, vector<1x1x16xf32>,
      %get3A_1328 = vector.shape_cast %get3A_1327 : vector<1x1x16xf32> to vector<16xf32>
      %mul3A_1329 = arith.mulf %get3A_1322, %get3A_1328 : vector<16xf32>
      %add3A_1330 = arith.addf %add3A_1316, %mul3A_1329 : vector<16xf32>
      %get3A_1331 = arith.constant 0 : i32
      %get3A_1332 = arith.index_cast %get3A_1331 : i32 to index
      %get3A_1333 = arith.index_cast %while3A_1301 : i32 to index
      %get3A_1334 = arith.constant 32 : index
      %get3A_1335 = tpu.vector_load %arg24[%get3A_1332, %get3A_1333, %get3A_1334] {strides = array<i32>} : memref<2x128x128xf32, #tpu.memory_space<vmem>>, vector<1x1x16xf32>,
      %get3A_1336 = vector.shape_cast %get3A_1335 : vector<1x1x16xf32> to vector<16xf32>
      %get3A_1337 = arith.constant 0 : i32
      %get3A_1338 = arith.index_cast %get3A_1337 : i32 to index
      %get3A_1339 = arith.index_cast %while3A_1301 : i32 to index
      %get3A_1340 = arith.constant 32 : index
      %get3A_1341 = tpu.vector_load %arg25[%get3A_1338, %get3A_1339, %get3A_1340] {strides = array<i32>} : memref<2x128x128xf32, #tpu.memory_space<vmem>>, vector<1x1x16xf32>,
      %get3A_1342 = vector.shape_cast %get3A_1341 : vector<1x1x16xf32> to vector<16xf32>
      %mul3A_1343 = arith.mulf %get3A_1336, %get3A_1342 : vector<16xf32>
      %add3A_1344 = arith.addf %add3A_1330, %mul3A_1343 : vector<16xf32>
      %get3A_1345 = arith.constant 0 : i32
      %get3A_1346 = arith.index_cast %get3A_1345 : i32 to index
      %get3A_1347 = arith.index_cast %while3A_1301 : i32 to index
      %get3A_1348 = arith.constant 48 : index
      %get3A_1349 = tpu.vector_load %arg24[%get3A_1346, %get3A_1347, %get3A_1348] {strides = array<i32>} : memref<2x128x128xf32, #tpu.memory_space<vmem>>, vector<1x1x16xf32>,
      %get3A_1350 = vector.shape_cast %get3A_1349 : vector<1x1x16xf32> to vector<16xf32>
      %get3A_1351 = arith.constant 0 : i32
      %get3A_1352 = arith.index_cast %get3A_1351 : i32 to index
      %get3A_1353 = arith.index_cast %while3A_1301 : i32 to index
      %get3A_1354 = arith.constant 48 : index
      %get3A_1355 = tpu.vector_load %arg25[%get3A_1352, %get3A_1353, %get3A_1354] {strides = array<i32>} : memref<2x128x128xf32, #tpu.memory_space<vmem>>, vector<1x1x16xf32>,
      %get3A_1356 = vector.shape_cast %get3A_1355 : vector<1x1x16xf32> to vector<16xf32>
      %mul3A_1357 = arith.mulf %get3A_1350, %get3A_1356 : vector<16xf32>
      %add3A_1358 = arith.addf %add3A_1344, %mul3A_1357 : vector<16xf32>
      scf.yield %add3A_1358 : vector<16xf32>
    }
    %slice3A_433 = vector.extract_strided_slice %get3A_418 {offsets = [1], sizes = [1], strides = [1]} : vector<16xi32> to vector<1xi32>
    %squeeze3A_434 = vector.extract %slice3A_433[0] : i32 from vector<1xi32>
    %slice3A_435 = vector.extract_strided_slice %get3A_418 {offsets = [5], sizes = [1], strides = [1]} : vector<16xi32> to vector<1xi32>
    %squeeze3A_436 = vector.extract %slice3A_435[0] : i32 from vector<1xi32>
    %while3A_437 = arith.subi %squeeze3A_436, %squeeze3A_434 : i32
    %while3A_438 = arith.addi %squeeze3A_434, %while3A_437 : i32
    %while3A_439 = arith.constant 1 : i32
    %while3A_440 = arith.divsi %while3A_437, %while3A_439 : i32
    %while3A_441 = arith.muli %while3A_440, %while3A_439 : i32
    %while3A_442 = arith.addi %squeeze3A_434, %while3A_441 : i32
    %while3A_443 = arith.constant 1 : i32
    %while3A_444 = scf.for %while3A_1301 = %squeeze3A_434 to %while3A_442 step %while3A_443 iter_args(%while3A_1302 = %while3A_432) -> (vector<16xf32>)  : i32 {
      %get3A_1303 = arith.constant 0 : i32
      %get3A_1304 = arith.index_cast %get3A_1303 : i32 to index
      %get3A_1305 = arith.index_cast %while3A_1301 : i32 to index
      %get3A_1306 = arith.constant 64 : index
      %get3A_1307 = tpu.vector_load %arg24[%get3A_1304, %get3A_1305, %get3A_1306] {strides = array<i32>} : memref<2x128x128xf32, #tpu.memory_space<vmem>>, vector<1x1x16xf32>,
      %get3A_1308 = vector.shape_cast %get3A_1307 : vector<1x1x16xf32> to vector<16xf32>
      %get3A_1309 = arith.constant 0 : i32
      %get3A_1310 = arith.index_cast %get3A_1309 : i32 to index
      %get3A_1311 = arith.index_cast %while3A_1301 : i32 to index
      %get3A_1312 = arith.constant 0 : index
      %get3A_1313 = tpu.vector_load %arg25[%get3A_1310, %get3A_1311, %get3A_1312] {strides = array<i32>} : memref<2x128x128xf32, #tpu.memory_space<vmem>>, vector<1x1x16xf32>,
      %get3A_1314 = vector.shape_cast %get3A_1313 : vector<1x1x16xf32> to vector<16xf32>
      %mul3A_1315 = arith.mulf %get3A_1308, %get3A_1314 : vector<16xf32>
      %add3A_1316 = arith.addf %while3A_1302, %mul3A_1315 : vector<16xf32>
      %get3A_1317 = arith.constant 0 : i32
      %get3A_1318 = arith.index_cast %get3A_1317 : i32 to index
      %get3A_1319 = arith.index_cast %while3A_1301 : i32 to index
      %get3A_1320 = arith.constant 80 : index
      %get3A_1321 = tpu.vector_load %arg24[%get3A_1318, %get3A_1319, %get3A_1320] {strides = array<i32>} : memref<2x128x128xf32, #tpu.memory_space<vmem>>, vector<1x1x16xf32>,
      %get3A_1322 = vector.shape_cast %get3A_1321 : vector<1x1x16xf32> to vector<16xf32>
      %get3A_1323 = arith.constant 0 : i32
      %get3A_1324 = arith.index_cast %get3A_1323 : i32 to index
      %get3A_1325 = arith.index_cast %while3A_1301 : i32 to index
      %get3A_1326 = arith.constant 16 : index
      %get3A_1327 = tpu.vector_load %arg25[%get3A_1324, %get3A_1325, %get3A_1326] {strides = array<i32>} : memref<2x128x128xf32, #tpu.memory_space<vmem>>, vector<1x1x16xf32>,
      %get3A_1328 = vector.shape_cast %get3A_1327 : vector<1x1x16xf32> to vector<16xf32>
      %mul3A_1329 = arith.mulf %get3A_1322, %get3A_1328 : vector<16xf32>
      %add3A_1330 = arith.addf %add3A_1316, %mul3A_1329 : vector<16xf32>
      %get3A_1331 = arith.constant 0 : i32
      %get3A_1332 = arith.index_cast %get3A_1331 : i32 to index
      %get3A_1333 = arith.index_cast %while3A_1301 : i32 to index
      %get3A_1334 = arith.constant 96 : index
      %get3A_1335 = tpu.vector_load %arg24[%get3A_1332, %get3A_1333, %get3A_1334] {strides = array<i32>} : memref<2x128x128xf32, #tpu.memory_space<vmem>>, vector<1x1x16xf32>,
      %get3A_1336 = vector.shape_cast %get3A_1335 : vector<1x1x16xf32> to vector<16xf32>
      %get3A_1337 = arith.constant 0 : i32
      %get3A_1338 = arith.index_cast %get3A_1337 : i32 to index
      %get3A_1339 = arith.index_cast %while3A_1301 : i32 to index
      %get3A_1340 = arith.constant 32 : index
      %get3A_1341 = tpu.vector_load %arg25[%get3A_1338, %get3A_1339, %get3A_1340] {strides = array<i32>} : memref<2x128x128xf32, #tpu.memory_space<vmem>>, vector<1x1x16xf32>,
      %get3A_1342 = vector.shape_cast %get3A_1341 : vector<1x1x16xf32> to vector<16xf32>
      %mul3A_1343 = arith.mulf %get3A_1336, %get3A_1342 : vector<16xf32>
      %add3A_1344 = arith.addf %add3A_1330, %mul3A_1343 : vector<16xf32>
      %get3A_1345 = arith.constant 0 : i32
      %get3A_1346 = arith.index_cast %get3A_1345 : i32 to index
      %get3A_1347 = arith.index_cast %while3A_1301 : i32 to index
      %get3A_1348 = arith.constant 112 : index
      %get3A_1349 = tpu.vector_load %arg24[%get3A_1346, %get3A_1347, %get3A_1348] {strides = array<i32>} : memref<2x128x128xf32, #tpu.memory_space<vmem>>, vector<1x1x16xf32>,
      %get3A_1350 = vector.shape_cast %get3A_1349 : vector<1x1x16xf32> to vector<16xf32>
      %get3A_1351 = arith.constant 0 : i32
      %get3A_1352 = arith.index_cast %get3A_1351 : i32 to index
      %get3A_1353 = arith.index_cast %while3A_1301 : i32 to index
      %get3A_1354 = arith.constant 48 : index
      %get3A_1355 = tpu.vector_load %arg25[%get3A_1352, %get3A_1353, %get3A_1354] {strides = array<i32>} : memref<2x128x128xf32, #tpu.memory_space<vmem>>, vector<1x1x16xf32>,
      %get3A_1356 = vector.shape_cast %get3A_1355 : vector<1x1x16xf32> to vector<16xf32>
      %mul3A_1357 = arith.mulf %get3A_1350, %get3A_1356 : vector<16xf32>
      %add3A_1358 = arith.addf %add3A_1344, %mul3A_1357 : vector<16xf32>
      scf.yield %add3A_1358 : vector<16xf32>
    }
    %while3A_445 = arith.constant 1 : i32
    %while3A_446 = scf.for %while3A_1301 = %while3A_442 to %while3A_438 step %while3A_445 iter_args(%while3A_1302 = %while3A_444) -> (vector<16xf32>)  : i32 {
      %get3A_1303 = arith.constant 0 : i32
      %get3A_1304 = arith.index_cast %get3A_1303 : i32 to index
      %get3A_1305 = arith.index_cast %while3A_1301 : i32 to index
      %get3A_1306 = arith.constant 64 : index
      %get3A_1307 = tpu.vector_load %arg24[%get3A_1304, %get3A_1305, %get3A_1306] {strides = array<i32>} : memref<2x128x128xf32, #tpu.memory_space<vmem>>, vector<1x1x16xf32>,
      %get3A_1308 = vector.shape_cast %get3A_1307 : vector<1x1x16xf32> to vector<16xf32>
      %get3A_1309 = arith.constant 0 : i32
      %get3A_1310 = arith.index_cast %get3A_1309 : i32 to index
      %get3A_1311 = arith.index_cast %while3A_1301 : i32 to index
      %get3A_1312 = arith.constant 0 : index
      %get3A_1313 = tpu.vector_load %arg25[%get3A_1310, %get3A_1311, %get3A_1312] {strides = array<i32>} : memref<2x128x128xf32, #tpu.memory_space<vmem>>, vector<1x1x16xf32>,
      %get3A_1314 = vector.shape_cast %get3A_1313 : vector<1x1x16xf32> to vector<16xf32>
      %mul3A_1315 = arith.mulf %get3A_1308, %get3A_1314 : vector<16xf32>
      %add3A_1316 = arith.addf %while3A_1302, %mul3A_1315 : vector<16xf32>
      %get3A_1317 = arith.constant 0 : i32
      %get3A_1318 = arith.index_cast %get3A_1317 : i32 to index
      %get3A_1319 = arith.index_cast %while3A_1301 : i32 to index
      %get3A_1320 = arith.constant 80 : index
      %get3A_1321 = tpu.vector_load %arg24[%get3A_1318, %get3A_1319, %get3A_1320] {strides = array<i32>} : memref<2x128x128xf32, #tpu.memory_space<vmem>>, vector<1x1x16xf32>,
      %get3A_1322 = vector.shape_cast %get3A_1321 : vector<1x1x16xf32> to vector<16xf32>
      %get3A_1323 = arith.constant 0 : i32
      %get3A_1324 = arith.index_cast %get3A_1323 : i32 to index
      %get3A_1325 = arith.index_cast %while3A_1301 : i32 to index
      %get3A_1326 = arith.constant 16 : index
      %get3A_1327 = tpu.vector_load %arg25[%get3A_1324, %get3A_1325, %get3A_1326] {strides = array<i32>} : memref<2x128x128xf32, #tpu.memory_space<vmem>>, vector<1x1x16xf32>,
      %get3A_1328 = vector.shape_cast %get3A_1327 : vector<1x1x16xf32> to vector<16xf32>
      %mul3A_1329 = arith.mulf %get3A_1322, %get3A_1328 : vector<16xf32>
      %add3A_1330 = arith.addf %add3A_1316, %mul3A_1329 : vector<16xf32>
      %get3A_1331 = arith.constant 0 : i32
      %get3A_1332 = arith.index_cast %get3A_1331 : i32 to index
      %get3A_1333 = arith.index_cast %while3A_1301 : i32 to index
      %get3A_1334 = arith.constant 96 : index
      %get3A_1335 = tpu.vector_load %arg24[%get3A_1332, %get3A_1333, %get3A_1334] {strides = array<i32>} : memref<2x128x128xf32, #tpu.memory_space<vmem>>, vector<1x1x16xf32>,
      %get3A_1336 = vector.shape_cast %get3A_1335 : vector<1x1x16xf32> to vector<16xf32>
      %get3A_1337 = arith.constant 0 : i32
      %get3A_1338 = arith.index_cast %get3A_1337 : i32 to index
      %get3A_1339 = arith.index_cast %while3A_1301 : i32 to index
      %get3A_1340 = arith.constant 32 : index
      %get3A_1341 = tpu.vector_load %arg25[%get3A_1338, %get3A_1339, %get3A_1340] {strides = array<i32>} : memref<2x128x128xf32, #tpu.memory_space<vmem>>, vector<1x1x16xf32>,
      %get3A_1342 = vector.shape_cast %get3A_1341 : vector<1x1x16xf32> to vector<16xf32>
      %mul3A_1343 = arith.mulf %get3A_1336, %get3A_1342 : vector<16xf32>
      %add3A_1344 = arith.addf %add3A_1330, %mul3A_1343 : vector<16xf32>
      %get3A_1345 = arith.constant 0 : i32
      %get3A_1346 = arith.index_cast %get3A_1345 : i32 to index
      %get3A_1347 = arith.index_cast %while3A_1301 : i32 to index
      %get3A_1348 = arith.constant 112 : index
      %get3A_1349 = tpu.vector_load %arg24[%get3A_1346, %get3A_1347, %get3A_1348] {strides = array<i32>} : memref<2x128x128xf32, #tpu.memory_space<vmem>>, vector<1x1x16xf32>,
      %get3A_1350 = vector.shape_cast %get3A_1349 : vector<1x1x16xf32> to vector<16xf32>
      %get3A_1351 = arith.constant 0 : i32
      %get3A_1352 = arith.index_cast %get3A_1351 : i32 to index
      %get3A_1353 = arith.index_cast %while3A_1301 : i32 to index
      %get3A_1354 = arith.constant 48 : index
      %get3A_1355 = tpu.vector_load %arg25[%get3A_1352, %get3A_1353, %get3A_1354] {strides = array<i32>} : memref<2x128x128xf32, #tpu.memory_space<vmem>>, vector<1x1x16xf32>,
      %get3A_1356 = vector.shape_cast %get3A_1355 : vector<1x1x16xf32> to vector<16xf32>
      %mul3A_1357 = arith.mulf %get3A_1350, %get3A_1356 : vector<16xf32>
      %add3A_1358 = arith.addf %add3A_1344, %mul3A_1357 : vector<16xf32>
      scf.yield %add3A_1358 : vector<16xf32>
    }
    %slice3A_447 = vector.extract_strided_slice %get3A_418 {offsets = [2], sizes = [1], strides = [1]} : vector<16xi32> to vector<1xi32>
    %squeeze3A_448 = vector.extract %slice3A_447[0] : i32 from vector<1xi32>
    %slice3A_449 = vector.extract_strided_slice %get3A_418 {offsets = [6], sizes = [1], strides = [1]} : vector<16xi32> to vector<1xi32>
    %squeeze3A_450 = vector.extract %slice3A_449[0] : i32 from vector<1xi32>
    %while3A_451 = arith.subi %squeeze3A_450, %squeeze3A_448 : i32
    %while3A_452 = arith.addi %squeeze3A_448, %while3A_451 : i32
    %while3A_453 = arith.constant 1 : i32
    %while3A_454 = arith.divsi %while3A_451, %while3A_453 : i32
    %while3A_455 = arith.muli %while3A_454, %while3A_453 : i32
    %while3A_456 = arith.addi %squeeze3A_448, %while3A_455 : i32
    %while3A_457 = arith.constant 1 : i32
    %while3A_458 = scf.for %while3A_1301 = %squeeze3A_448 to %while3A_456 step %while3A_457 iter_args(%while3A_1302 = %while3A_446) -> (vector<16xf32>)  : i32 {
      %get3A_1303 = arith.constant 0 : i32
      %get3A_1304 = arith.index_cast %get3A_1303 : i32 to index
      %get3A_1305 = arith.index_cast %while3A_1301 : i32 to index
      %get3A_1306 = arith.constant 0 : index
      %get3A_1307 = tpu.vector_load %arg24[%get3A_1304, %get3A_1305, %get3A_1306] {strides = array<i32>} : memref<2x128x128xf32, #tpu.memory_space<vmem>>, vector<1x1x16xf32>,
      %get3A_1308 = vector.shape_cast %get3A_1307 : vector<1x1x16xf32> to vector<16xf32>
      %get3A_1309 = arith.constant 0 : i32
      %get3A_1310 = arith.index_cast %get3A_1309 : i32 to index
      %get3A_1311 = arith.index_cast %while3A_1301 : i32 to index
      %get3A_1312 = arith.constant 64 : index
      %get3A_1313 = tpu.vector_load %arg25[%get3A_1310, %get3A_1311, %get3A_1312] {strides = array<i32>} : memref<2x128x128xf32, #tpu.memory_space<vmem>>, vector<1x1x16xf32>,
      %get3A_1314 = vector.shape_cast %get3A_1313 : vector<1x1x16xf32> to vector<16xf32>
      %mul3A_1315 = arith.mulf %get3A_1308, %get3A_1314 : vector<16xf32>
      %add3A_1316 = arith.addf %while3A_1302, %mul3A_1315 : vector<16xf32>
      %get3A_1317 = arith.constant 0 : i32
      %get3A_1318 = arith.index_cast %get3A_1317 : i32 to index
      %get3A_1319 = arith.index_cast %while3A_1301 : i32 to index
      %get3A_1320 = arith.constant 16 : index
      %get3A_1321 = tpu.vector_load %arg24[%get3A_1318, %get3A_1319, %get3A_1320] {strides = array<i32>} : memref<2x128x128xf32, #tpu.memory_space<vmem>>, vector<1x1x16xf32>,
      %get3A_1322 = vector.shape_cast %get3A_1321 : vector<1x1x16xf32> to vector<16xf32>
      %get3A_1323 = arith.constant 0 : i32
      %get3A_1324 = arith.index_cast %get3A_1323 : i32 to index
      %get3A_1325 = arith.index_cast %while3A_1301 : i32 to index
      %get3A_1326 = arith.constant 80 : index
      %get3A_1327 = tpu.vector_load %arg25[%get3A_1324, %get3A_1325, %get3A_1326] {strides = array<i32>} : memref<2x128x128xf32, #tpu.memory_space<vmem>>, vector<1x1x16xf32>,
      %get3A_1328 = vector.shape_cast %get3A_1327 : vector<1x1x16xf32> to vector<16xf32>
      %mul3A_1329 = arith.mulf %get3A_1322, %get3A_1328 : vector<16xf32>
      %add3A_1330 = arith.addf %add3A_1316, %mul3A_1329 : vector<16xf32>
      %get3A_1331 = arith.constant 0 : i32
      %get3A_1332 = arith.index_cast %get3A_1331 : i32 to index
      %get3A_1333 = arith.index_cast %while3A_1301 : i32 to index
      %get3A_1334 = arith.constant 32 : index
      %get3A_1335 = tpu.vector_load %arg24[%get3A_1332, %get3A_1333, %get3A_1334] {strides = array<i32>} : memref<2x128x128xf32, #tpu.memory_space<vmem>>, vector<1x1x16xf32>,
      %get3A_1336 = vector.shape_cast %get3A_1335 : vector<1x1x16xf32> to vector<16xf32>
      %get3A_1337 = arith.constant 0 : i32
      %get3A_1338 = arith.index_cast %get3A_1337 : i32 to index
      %get3A_1339 = arith.index_cast %while3A_1301 : i32 to index
      %get3A_1340 = arith.constant 96 : index
      %get3A_1341 = tpu.vector_load %arg25[%get3A_1338, %get3A_1339, %get3A_1340] {strides = array<i32>} : memref<2x128x128xf32, #tpu.memory_space<vmem>>, vector<1x1x16xf32>,
      %get3A_1342 = vector.shape_cast %get3A_1341 : vector<1x1x16xf32> to vector<16xf32>
      %mul3A_1343 = arith.mulf %get3A_1336, %get3A_1342 : vector<16xf32>
      %add3A_1344 = arith.addf %add3A_1330, %mul3A_1343 : vector<16xf32>
      %get3A_1345 = arith.constant 0 : i32
      %get3A_1346 = arith.index_cast %get3A_1345 : i32 to index
      %get3A_1347 = arith.index_cast %while3A_1301 : i32 to index
      %get3A_1348 = arith.constant 48 : index
      %get3A_1349 = tpu.vector_load %arg24[%get3A_1346, %get3A_1347, %get3A_1348] {strides = array<i32>} : memref<2x128x128xf32, #tpu.memory_space<vmem>>, vector<1x1x16xf32>,
      %get3A_1350 = vector.shape_cast %get3A_1349 : vector<1x1x16xf32> to vector<16xf32>
      %get3A_1351 = arith.constant 0 : i32
      %get3A_1352 = arith.index_cast %get3A_1351 : i32 to index
      %get3A_1353 = arith.index_cast %while3A_1301 : i32 to index
      %get3A_1354 = arith.constant 112 : index
      %get3A_1355 = tpu.vector_load %arg25[%get3A_1352, %get3A_1353, %get3A_1354] {strides = array<i32>} : memref<2x128x128xf32, #tpu.memory_space<vmem>>, vector<1x1x16xf32>,
      %get3A_1356 = vector.shape_cast %get3A_1355 : vector<1x1x16xf32> to vector<16xf32>
      %mul3A_1357 = arith.mulf %get3A_1350, %get3A_1356 : vector<16xf32>
      %add3A_1358 = arith.addf %add3A_1344, %mul3A_1357 : vector<16xf32>
      scf.yield %add3A_1358 : vector<16xf32>
    }
    %while3A_459 = arith.constant 1 : i32
    %while3A_460 = scf.for %while3A_1301 = %while3A_456 to %while3A_452 step %while3A_459 iter_args(%while3A_1302 = %while3A_458) -> (vector<16xf32>)  : i32 {
      %get3A_1303 = arith.constant 0 : i32
      %get3A_1304 = arith.index_cast %get3A_1303 : i32 to index
      %get3A_1305 = arith.index_cast %while3A_1301 : i32 to index
      %get3A_1306 = arith.constant 0 : index
      %get3A_1307 = tpu.vector_load %arg24[%get3A_1304, %get3A_1305, %get3A_1306] {strides = array<i32>} : memref<2x128x128xf32, #tpu.memory_space<vmem>>, vector<1x1x16xf32>,
      %get3A_1308 = vector.shape_cast %get3A_1307 : vector<1x1x16xf32> to vector<16xf32>
      %get3A_1309 = arith.constant 0 : i32
      %get3A_1310 = arith.index_cast %get3A_1309 : i32 to index
      %get3A_1311 = arith.index_cast %while3A_1301 : i32 to index
      %get3A_1312 = arith.constant 64 : index
      %get3A_1313 = tpu.vector_load %arg25[%get3A_1310, %get3A_1311, %get3A_1312] {strides = array<i32>} : memref<2x128x128xf32, #tpu.memory_space<vmem>>, vector<1x1x16xf32>,
      %get3A_1314 = vector.shape_cast %get3A_1313 : vector<1x1x16xf32> to vector<16xf32>
      %mul3A_1315 = arith.mulf %get3A_1308, %get3A_1314 : vector<16xf32>
      %add3A_1316 = arith.addf %while3A_1302, %mul3A_1315 : vector<16xf32>
      %get3A_1317 = arith.constant 0 : i32
      %get3A_1318 = arith.index_cast %get3A_1317 : i32 to index
      %get3A_1319 = arith.index_cast %while3A_1301 : i32 to index
      %get3A_1320 = arith.constant 16 : index
      %get3A_1321 = tpu.vector_load %arg24[%get3A_1318, %get3A_1319, %get3A_1320] {strides = array<i32>} : memref<2x128x128xf32, #tpu.memory_space<vmem>>, vector<1x1x16xf32>,
      %get3A_1322 = vector.shape_cast %get3A_1321 : vector<1x1x16xf32> to vector<16xf32>
      %get3A_1323 = arith.constant 0 : i32
      %get3A_1324 = arith.index_cast %get3A_1323 : i32 to index
      %get3A_1325 = arith.index_cast %while3A_1301 : i32 to index
      %get3A_1326 = arith.constant 80 : index
      %get3A_1327 = tpu.vector_load %arg25[%get3A_1324, %get3A_1325, %get3A_1326] {strides = array<i32>} : memref<2x128x128xf32, #tpu.memory_space<vmem>>, vector<1x1x16xf32>,
      %get3A_1328 = vector.shape_cast %get3A_1327 : vector<1x1x16xf32> to vector<16xf32>
      %mul3A_1329 = arith.mulf %get3A_1322, %get3A_1328 : vector<16xf32>
      %add3A_1330 = arith.addf %add3A_1316, %mul3A_1329 : vector<16xf32>
      %get3A_1331 = arith.constant 0 : i32
      %get3A_1332 = arith.index_cast %get3A_1331 : i32 to index
      %get3A_1333 = arith.index_cast %while3A_1301 : i32 to index
      %get3A_1334 = arith.constant 32 : index
      %get3A_1335 = tpu.vector_load %arg24[%get3A_1332, %get3A_1333, %get3A_1334] {strides = array<i32>} : memref<2x128x128xf32, #tpu.memory_space<vmem>>, vector<1x1x16xf32>,
      %get3A_1336 = vector.shape_cast %get3A_1335 : vector<1x1x16xf32> to vector<16xf32>
      %get3A_1337 = arith.constant 0 : i32
      %get3A_1338 = arith.index_cast %get3A_1337 : i32 to index
      %get3A_1339 = arith.index_cast %while3A_1301 : i32 to index
      %get3A_1340 = arith.constant 96 : index
      %get3A_1341 = tpu.vector_load %arg25[%get3A_1338, %get3A_1339, %get3A_1340] {strides = array<i32>} : memref<2x128x128xf32, #tpu.memory_space<vmem>>, vector<1x1x16xf32>,
      %get3A_1342 = vector.shape_cast %get3A_1341 : vector<1x1x16xf32> to vector<16xf32>
      %mul3A_1343 = arith.mulf %get3A_1336, %get3A_1342 : vector<16xf32>
      %add3A_1344 = arith.addf %add3A_1330, %mul3A_1343 : vector<16xf32>
      %get3A_1345 = arith.constant 0 : i32
      %get3A_1346 = arith.index_cast %get3A_1345 : i32 to index
      %get3A_1347 = arith.index_cast %while3A_1301 : i32 to index
      %get3A_1348 = arith.constant 48 : index
      %get3A_1349 = tpu.vector_load %arg24[%get3A_1346, %get3A_1347, %get3A_1348] {strides = array<i32>} : memref<2x128x128xf32, #tpu.memory_space<vmem>>, vector<1x1x16xf32>,
      %get3A_1350 = vector.shape_cast %get3A_1349 : vector<1x1x16xf32> to vector<16xf32>
      %get3A_1351 = arith.constant 0 : i32
      %get3A_1352 = arith.index_cast %get3A_1351 : i32 to index
      %get3A_1353 = arith.index_cast %while3A_1301 : i32 to index
      %get3A_1354 = arith.constant 112 : index
      %get3A_1355 = tpu.vector_load %arg25[%get3A_1352, %get3A_1353, %get3A_1354] {strides = array<i32>} : memref<2x128x128xf32, #tpu.memory_space<vmem>>, vector<1x1x16xf32>,
      %get3A_1356 = vector.shape_cast %get3A_1355 : vector<1x1x16xf32> to vector<16xf32>
      %mul3A_1357 = arith.mulf %get3A_1350, %get3A_1356 : vector<16xf32>
      %add3A_1358 = arith.addf %add3A_1344, %mul3A_1357 : vector<16xf32>
      scf.yield %add3A_1358 : vector<16xf32>
    }
    %slice3A_461 = vector.extract_strided_slice %get3A_418 {offsets = [3], sizes = [1], strides = [1]} : vector<16xi32> to vector<1xi32>
    %squeeze3A_462 = vector.extract %slice3A_461[0] : i32 from vector<1xi32>
    %slice3A_463 = vector.extract_strided_slice %get3A_418 {offsets = [7], sizes = [1], strides = [1]} : vector<16xi32> to vector<1xi32>
    %squeeze3A_464 = vector.extract %slice3A_463[0] : i32 from vector<1xi32>
    %while3A_465 = arith.subi %squeeze3A_464, %squeeze3A_462 : i32
    %while3A_466 = arith.addi %squeeze3A_462, %while3A_465 : i32
    %while3A_467 = arith.constant 1 : i32
    %while3A_468 = arith.divsi %while3A_465, %while3A_467 : i32
    %while3A_469 = arith.muli %while3A_468, %while3A_467 : i32
    %while3A_470 = arith.addi %squeeze3A_462, %while3A_469 : i32
    %while3A_471 = arith.constant 1 : i32
    %while3A_472 = scf.for %while3A_1301 = %squeeze3A_462 to %while3A_470 step %while3A_471 iter_args(%while3A_1302 = %while3A_460) -> (vector<16xf32>)  : i32 {
      %get3A_1303 = arith.constant 0 : i32
      %get3A_1304 = arith.index_cast %get3A_1303 : i32 to index
      %get3A_1305 = arith.index_cast %while3A_1301 : i32 to index
      %get3A_1306 = arith.constant 64 : index
      %get3A_1307 = tpu.vector_load %arg24[%get3A_1304, %get3A_1305, %get3A_1306] {strides = array<i32>} : memref<2x128x128xf32, #tpu.memory_space<vmem>>, vector<1x1x16xf32>,
      %get3A_1308 = vector.shape_cast %get3A_1307 : vector<1x1x16xf32> to vector<16xf32>
      %get3A_1309 = arith.constant 0 : i32
      %get3A_1310 = arith.index_cast %get3A_1309 : i32 to index
      %get3A_1311 = arith.index_cast %while3A_1301 : i32 to index
      %get3A_1312 = arith.constant 64 : index
      %get3A_1313 = tpu.vector_load %arg25[%get3A_1310, %get3A_1311, %get3A_1312] {strides = array<i32>} : memref<2x128x128xf32, #tpu.memory_space<vmem>>, vector<1x1x16xf32>,
      %get3A_1314 = vector.shape_cast %get3A_1313 : vector<1x1x16xf32> to vector<16xf32>
      %mul3A_1315 = arith.mulf %get3A_1308, %get3A_1314 : vector<16xf32>
      %add3A_1316 = arith.addf %while3A_1302, %mul3A_1315 : vector<16xf32>
      %get3A_1317 = arith.constant 0 : i32
      %get3A_1318 = arith.index_cast %get3A_1317 : i32 to index
      %get3A_1319 = arith.index_cast %while3A_1301 : i32 to index
      %get3A_1320 = arith.constant 80 : index
      %get3A_1321 = tpu.vector_load %arg24[%get3A_1318, %get3A_1319, %get3A_1320] {strides = array<i32>} : memref<2x128x128xf32, #tpu.memory_space<vmem>>, vector<1x1x16xf32>,
      %get3A_1322 = vector.shape_cast %get3A_1321 : vector<1x1x16xf32> to vector<16xf32>
      %get3A_1323 = arith.constant 0 : i32
      %get3A_1324 = arith.index_cast %get3A_1323 : i32 to index
      %get3A_1325 = arith.index_cast %while3A_1301 : i32 to index
      %get3A_1326 = arith.constant 80 : index
      %get3A_1327 = tpu.vector_load %arg25[%get3A_1324, %get3A_1325, %get3A_1326] {strides = array<i32>} : memref<2x128x128xf32, #tpu.memory_space<vmem>>, vector<1x1x16xf32>,
      %get3A_1328 = vector.shape_cast %get3A_1327 : vector<1x1x16xf32> to vector<16xf32>
      %mul3A_1329 = arith.mulf %get3A_1322, %get3A_1328 : vector<16xf32>
      %add3A_1330 = arith.addf %add3A_1316, %mul3A_1329 : vector<16xf32>
      %get3A_1331 = arith.constant 0 : i32
      %get3A_1332 = arith.index_cast %get3A_1331 : i32 to index
      %get3A_1333 = arith.index_cast %while3A_1301 : i32 to index
      %get3A_1334 = arith.constant 96 : index
      %get3A_1335 = tpu.vector_load %arg24[%get3A_1332, %get3A_1333, %get3A_1334] {strides = array<i32>} : memref<2x128x128xf32, #tpu.memory_space<vmem>>, vector<1x1x16xf32>,
      %get3A_1336 = vector.shape_cast %get3A_1335 : vector<1x1x16xf32> to vector<16xf32>
      %get3A_1337 = arith.constant 0 : i32
      %get3A_1338 = arith.index_cast %get3A_1337 : i32 to index
      %get3A_1339 = arith.index_cast %while3A_1301 : i32 to index
      %get3A_1340 = arith.constant 96 : index
      %get3A_1341 = tpu.vector_load %arg25[%get3A_1338, %get3A_1339, %get3A_1340] {strides = array<i32>} : memref<2x128x128xf32, #tpu.memory_space<vmem>>, vector<1x1x16xf32>,
      %get3A_1342 = vector.shape_cast %get3A_1341 : vector<1x1x16xf32> to vector<16xf32>
      %mul3A_1343 = arith.mulf %get3A_1336, %get3A_1342 : vector<16xf32>
      %add3A_1344 = arith.addf %add3A_1330, %mul3A_1343 : vector<16xf32>
      %get3A_1345 = arith.constant 0 : i32
      %get3A_1346 = arith.index_cast %get3A_1345 : i32 to index
      %get3A_1347 = arith.index_cast %while3A_1301 : i32 to index
      %get3A_1348 = arith.constant 112 : index
      %get3A_1349 = tpu.vector_load %arg24[%get3A_1346, %get3A_1347, %get3A_1348] {strides = array<i32>} : memref<2x128x128xf32, #tpu.memory_space<vmem>>, vector<1x1x16xf32>,
      %get3A_1350 = vector.shape_cast %get3A_1349 : vector<1x1x16xf32> to vector<16xf32>
      %get3A_1351 = arith.constant 0 : i32
      %get3A_1352 = arith.index_cast %get3A_1351 : i32 to index
      %get3A_1353 = arith.index_cast %while3A_1301 : i32 to index
      %get3A_1354 = arith.constant 112 : index
      %get3A_1355 = tpu.vector_load %arg25[%get3A_1352, %get3A_1353, %get3A_1354] {strides = array<i32>} : memref<2x128x128xf32, #tpu.memory_space<vmem>>, vector<1x1x16xf32>,
      %get3A_1356 = vector.shape_cast %get3A_1355 : vector<1x1x16xf32> to vector<16xf32>
      %mul3A_1357 = arith.mulf %get3A_1350, %get3A_1356 : vector<16xf32>
      %add3A_1358 = arith.addf %add3A_1344, %mul3A_1357 : vector<16xf32>
      scf.yield %add3A_1358 : vector<16xf32>
    }
    %while3A_473 = arith.constant 1 : i32
    %while3A_474 = scf.for %while3A_1301 = %while3A_470 to %while3A_466 step %while3A_473 iter_args(%while3A_1302 = %while3A_472) -> (vector<16xf32>)  : i32 {
      %get3A_1303 = arith.constant 0 : i32
      %get3A_1304 = arith.index_cast %get3A_1303 : i32 to index
      %get3A_1305 = arith.index_cast %while3A_1301 : i32 to index
      %get3A_1306 = arith.constant 64 : index
      %get3A_1307 = tpu.vector_load %arg24[%get3A_1304, %get3A_1305, %get3A_1306] {strides = array<i32>} : memref<2x128x128xf32, #tpu.memory_space<vmem>>, vector<1x1x16xf32>,
      %get3A_1308 = vector.shape_cast %get3A_1307 : vector<1x1x16xf32> to vector<16xf32>
      %get3A_1309 = arith.constant 0 : i32
      %get3A_1310 = arith.index_cast %get3A_1309 : i32 to index
      %get3A_1311 = arith.index_cast %while3A_1301 : i32 to index
      %get3A_1312 = arith.constant 64 : index
      %get3A_1313 = tpu.vector_load %arg25[%get3A_1310, %get3A_1311, %get3A_1312] {strides = array<i32>} : memref<2x128x128xf32, #tpu.memory_space<vmem>>, vector<1x1x16xf32>,
      %get3A_1314 = vector.shape_cast %get3A_1313 : vector<1x1x16xf32> to vector<16xf32>
      %mul3A_1315 = arith.mulf %get3A_1308, %get3A_1314 : vector<16xf32>
      %add3A_1316 = arith.addf %while3A_1302, %mul3A_1315 : vector<16xf32>
      %get3A_1317 = arith.constant 0 : i32
      %get3A_1318 = arith.index_cast %get3A_1317 : i32 to index
      %get3A_1319 = arith.index_cast %while3A_1301 : i32 to index
      %get3A_1320 = arith.constant 80 : index
      %get3A_1321 = tpu.vector_load %arg24[%get3A_1318, %get3A_1319, %get3A_1320] {strides = array<i32>} : memref<2x128x128xf32, #tpu.memory_space<vmem>>, vector<1x1x16xf32>,
      %get3A_1322 = vector.shape_cast %get3A_1321 : vector<1x1x16xf32> to vector<16xf32>
      %get3A_1323 = arith.constant 0 : i32
      %get3A_1324 = arith.index_cast %get3A_1323 : i32 to index
      %get3A_1325 = arith.index_cast %while3A_1301 : i32 to index
      %get3A_1326 = arith.constant 80 : index
      %get3A_1327 = tpu.vector_load %arg25[%get3A_1324, %get3A_1325, %get3A_1326] {strides = array<i32>} : memref<2x128x128xf32, #tpu.memory_space<vmem>>, vector<1x1x16xf32>,
      %get3A_1328 = vector.shape_cast %get3A_1327 : vector<1x1x16xf32> to vector<16xf32>
      %mul3A_1329 = arith.mulf %get3A_1322, %get3A_1328 : vector<16xf32>
      %add3A_1330 = arith.addf %add3A_1316, %mul3A_1329 : vector<16xf32>
      %get3A_1331 = arith.constant 0 : i32
      %get3A_1332 = arith.index_cast %get3A_1331 : i32 to index
      %get3A_1333 = arith.index_cast %while3A_1301 : i32 to index
      %get3A_1334 = arith.constant 96 : index
      %get3A_1335 = tpu.vector_load %arg24[%get3A_1332, %get3A_1333, %get3A_1334] {strides = array<i32>} : memref<2x128x128xf32, #tpu.memory_space<vmem>>, vector<1x1x16xf32>,
      %get3A_1336 = vector.shape_cast %get3A_1335 : vector<1x1x16xf32> to vector<16xf32>
      %get3A_1337 = arith.constant 0 : i32
      %get3A_1338 = arith.index_cast %get3A_1337 : i32 to index
      %get3A_1339 = arith.index_cast %while3A_1301 : i32 to index
      %get3A_1340 = arith.constant 96 : index
      %get3A_1341 = tpu.vector_load %arg25[%get3A_1338, %get3A_1339, %get3A_1340] {strides = array<i32>} : memref<2x128x128xf32, #tpu.memory_space<vmem>>, vector<1x1x16xf32>,
      %get3A_1342 = vector.shape_cast %get3A_1341 : vector<1x1x16xf32> to vector<16xf32>
      %mul3A_1343 = arith.mulf %get3A_1336, %get3A_1342 : vector<16xf32>
      %add3A_1344 = arith.addf %add3A_1330, %mul3A_1343 : vector<16xf32>
      %get3A_1345 = arith.constant 0 : i32
      %get3A_1346 = arith.index_cast %get3A_1345 : i32 to index
      %get3A_1347 = arith.index_cast %while3A_1301 : i32 to index
      %get3A_1348 = arith.constant 112 : index
      %get3A_1349 = tpu.vector_load %arg24[%get3A_1346, %get3A_1347, %get3A_1348] {strides = array<i32>} : memref<2x128x128xf32, #tpu.memory_space<vmem>>, vector<1x1x16xf32>,
      %get3A_1350 = vector.shape_cast %get3A_1349 : vector<1x1x16xf32> to vector<16xf32>
      %get3A_1351 = arith.constant 0 : i32
      %get3A_1352 = arith.index_cast %get3A_1351 : i32 to index
      %get3A_1353 = arith.index_cast %while3A_1301 : i32 to index
      %get3A_1354 = arith.constant 112 : index
      %get3A_1355 = tpu.vector_load %arg25[%get3A_1352, %get3A_1353, %get3A_1354] {strides = array<i32>} : memref<2x128x128xf32, #tpu.memory_space<vmem>>, vector<1x1x16xf32>,
      %get3A_1356 = vector.shape_cast %get3A_1355 : vector<1x1x16xf32> to vector<16xf32>
      %mul3A_1357 = arith.mulf %get3A_1350, %get3A_1356 : vector<16xf32>
      %add3A_1358 = arith.addf %add3A_1344, %mul3A_1357 : vector<16xf32>
      scf.yield %add3A_1358 : vector<16xf32>
    }
    %dma_wait3A_475 = arith.constant 3 : i32
    %dma_wait3A_476 = arith.constant 1 : i32
    %dma_wait3A_477 = arith.constant 0 : i32
    %dma_wait3A_478 = arith.constant 0 : i32
    %dma_wait3A_479 = tpu.memref_slice %arg24[%dma_wait3A_476, %dma_wait3A_477, %dma_wait3A_478] : memref<2x128x128xf32, #tpu.memory_space<vmem>> -> memref<1x128x128xf32, #tpu.memory_space<vmem>>
    %dma_wait3A_480 = tpu.memref_squeeze %dma_wait3A_479 : memref<1x128x128xf32, #tpu.memory_space<vmem>> -> memref<128x128xf32, #tpu.memory_space<vmem>>
    %dma_wait3A_481 = arith.constant 0 : i32
    %dma_wait3A_482 = tpu.memref_slice %arg21[%dma_wait3A_475, %dma_wait3A_481] : memref<4x128xi32, #tpu.memory_space<vmem>> -> memref<1x128xi32, #tpu.memory_space<vmem>>
    %dma_wait3A_483 = tpu.memref_squeeze %dma_wait3A_482 : memref<1x128xi32, #tpu.memory_space<vmem>> -> memref<128xi32, #tpu.memory_space<vmem>>
    %dma_wait3A_484 = arith.constant 0 : i32
    %dma_wait3A_485 = arith.constant 0 : i32
    %dma_wait3A_486 = tpu.memref_slice %arg9[%dma_wait3A_484, %dma_wait3A_485] : memref<500000x128xf32, #tpu.memory_space<hbm>> -> memref<500000x128xf32, #tpu.memory_space<hbm>>
    tpu.wait_indirect_dma semaphore(%arg33 : memref<!tpu.dma_semaphore, #tpu.memory_space<semaphore_mem>>) src(%dma_wait3A_486 : memref<500000x128xf32, #tpu.memory_space<hbm>>) dst(%dma_wait3A_480 : memref<128x128xf32, #tpu.memory_space<vmem>>)
    %dma_wait3A_487 = arith.constant 3 : i32
    %dma_wait3A_488 = arith.constant 1 : i32
    %dma_wait3A_489 = arith.constant 0 : i32
    %dma_wait3A_490 = arith.constant 0 : i32
    %dma_wait3A_491 = tpu.memref_slice %arg25[%dma_wait3A_488, %dma_wait3A_489, %dma_wait3A_490] : memref<2x128x128xf32, #tpu.memory_space<vmem>> -> memref<1x128x128xf32, #tpu.memory_space<vmem>>
    %dma_wait3A_492 = tpu.memref_squeeze %dma_wait3A_491 : memref<1x128x128xf32, #tpu.memory_space<vmem>> -> memref<128x128xf32, #tpu.memory_space<vmem>>
    %dma_wait3A_493 = arith.constant 0 : i32
    %dma_wait3A_494 = tpu.memref_slice %arg22[%dma_wait3A_487, %dma_wait3A_493] : memref<4x128xi32, #tpu.memory_space<vmem>> -> memref<1x128xi32, #tpu.memory_space<vmem>>
    %dma_wait3A_495 = tpu.memref_squeeze %dma_wait3A_494 : memref<1x128xi32, #tpu.memory_space<vmem>> -> memref<128xi32, #tpu.memory_space<vmem>>
    %dma_wait3A_496 = arith.constant 0 : i32
    %dma_wait3A_497 = arith.constant 0 : i32
    %dma_wait3A_498 = tpu.memref_slice %arg10[%dma_wait3A_496, %dma_wait3A_497] : memref<50000x128xf32, #tpu.memory_space<hbm>> -> memref<50000x128xf32, #tpu.memory_space<hbm>>
    tpu.wait_indirect_dma semaphore(%arg33 : memref<!tpu.dma_semaphore, #tpu.memory_space<semaphore_mem>>) src(%dma_wait3A_498 : memref<50000x128xf32, #tpu.memory_space<hbm>>) dst(%dma_wait3A_492 : memref<128x128xf32, #tpu.memory_space<vmem>>)
    %get3A_499 = arith.constant 3 : i32
    %get3A_500 = arith.index_cast %get3A_499 : i32 to index
    %get3A_501 = arith.constant 0 : index
    %get3A_502 = tpu.vector_load %arg23[%get3A_500, %get3A_501] {strides = array<i32>} : memref<4x16xi32, #tpu.memory_space<vmem>>, vector<1x16xi32>,
    %get3A_503 = vector.shape_cast %get3A_502 : vector<1x16xi32> to vector<16xi32>
    %slice3A_504 = vector.extract_strided_slice %get3A_503 {offsets = [0], sizes = [1], strides = [1]} : vector<16xi32> to vector<1xi32>
    %squeeze3A_505 = vector.extract %slice3A_504[0] : i32 from vector<1xi32>
    %slice3A_506 = vector.extract_strided_slice %get3A_503 {offsets = [4], sizes = [1], strides = [1]} : vector<16xi32> to vector<1xi32>
    %squeeze3A_507 = vector.extract %slice3A_506[0] : i32 from vector<1xi32>
    %while3A_508 = arith.subi %squeeze3A_507, %squeeze3A_505 : i32
    %while3A_509 = arith.addi %squeeze3A_505, %while3A_508 : i32
    %while3A_510 = arith.constant 1 : i32
    %while3A_511 = arith.divsi %while3A_508, %while3A_510 : i32
    %while3A_512 = arith.muli %while3A_511, %while3A_510 : i32
    %while3A_513 = arith.addi %squeeze3A_505, %while3A_512 : i32
    %while3A_514 = arith.constant 1 : i32
    %while3A_515 = scf.for %while3A_1301 = %squeeze3A_505 to %while3A_513 step %while3A_514 iter_args(%while3A_1302 = %while3A_474) -> (vector<16xf32>)  : i32 {
      %get3A_1303 = arith.constant 1 : i32
      %get3A_1304 = arith.index_cast %get3A_1303 : i32 to index
      %get3A_1305 = arith.index_cast %while3A_1301 : i32 to index
      %get3A_1306 = arith.constant 0 : index
      %get3A_1307 = tpu.vector_load %arg24[%get3A_1304, %get3A_1305, %get3A_1306] {strides = array<i32>} : memref<2x128x128xf32, #tpu.memory_space<vmem>>, vector<1x1x16xf32>,
      %get3A_1308 = vector.shape_cast %get3A_1307 : vector<1x1x16xf32> to vector<16xf32>
      %get3A_1309 = arith.constant 1 : i32
      %get3A_1310 = arith.index_cast %get3A_1309 : i32 to index
      %get3A_1311 = arith.index_cast %while3A_1301 : i32 to index
      %get3A_1312 = arith.constant 0 : index
      %get3A_1313 = tpu.vector_load %arg25[%get3A_1310, %get3A_1311, %get3A_1312] {strides = array<i32>} : memref<2x128x128xf32, #tpu.memory_space<vmem>>, vector<1x1x16xf32>,
      %get3A_1314 = vector.shape_cast %get3A_1313 : vector<1x1x16xf32> to vector<16xf32>
      %mul3A_1315 = arith.mulf %get3A_1308, %get3A_1314 : vector<16xf32>
      %add3A_1316 = arith.addf %while3A_1302, %mul3A_1315 : vector<16xf32>
      %get3A_1317 = arith.constant 1 : i32
      %get3A_1318 = arith.index_cast %get3A_1317 : i32 to index
      %get3A_1319 = arith.index_cast %while3A_1301 : i32 to index
      %get3A_1320 = arith.constant 16 : index
      %get3A_1321 = tpu.vector_load %arg24[%get3A_1318, %get3A_1319, %get3A_1320] {strides = array<i32>} : memref<2x128x128xf32, #tpu.memory_space<vmem>>, vector<1x1x16xf32>,
      %get3A_1322 = vector.shape_cast %get3A_1321 : vector<1x1x16xf32> to vector<16xf32>
      %get3A_1323 = arith.constant 1 : i32
      %get3A_1324 = arith.index_cast %get3A_1323 : i32 to index
      %get3A_1325 = arith.index_cast %while3A_1301 : i32 to index
      %get3A_1326 = arith.constant 16 : index
      %get3A_1327 = tpu.vector_load %arg25[%get3A_1324, %get3A_1325, %get3A_1326] {strides = array<i32>} : memref<2x128x128xf32, #tpu.memory_space<vmem>>, vector<1x1x16xf32>,
      %get3A_1328 = vector.shape_cast %get3A_1327 : vector<1x1x16xf32> to vector<16xf32>
      %mul3A_1329 = arith.mulf %get3A_1322, %get3A_1328 : vector<16xf32>
      %add3A_1330 = arith.addf %add3A_1316, %mul3A_1329 : vector<16xf32>
      %get3A_1331 = arith.constant 1 : i32
      %get3A_1332 = arith.index_cast %get3A_1331 : i32 to index
      %get3A_1333 = arith.index_cast %while3A_1301 : i32 to index
      %get3A_1334 = arith.constant 32 : index
      %get3A_1335 = tpu.vector_load %arg24[%get3A_1332, %get3A_1333, %get3A_1334] {strides = array<i32>} : memref<2x128x128xf32, #tpu.memory_space<vmem>>, vector<1x1x16xf32>,
      %get3A_1336 = vector.shape_cast %get3A_1335 : vector<1x1x16xf32> to vector<16xf32>
      %get3A_1337 = arith.constant 1 : i32
      %get3A_1338 = arith.index_cast %get3A_1337 : i32 to index
      %get3A_1339 = arith.index_cast %while3A_1301 : i32 to index
      %get3A_1340 = arith.constant 32 : index
      %get3A_1341 = tpu.vector_load %arg25[%get3A_1338, %get3A_1339, %get3A_1340] {strides = array<i32>} : memref<2x128x128xf32, #tpu.memory_space<vmem>>, vector<1x1x16xf32>,
      %get3A_1342 = vector.shape_cast %get3A_1341 : vector<1x1x16xf32> to vector<16xf32>
      %mul3A_1343 = arith.mulf %get3A_1336, %get3A_1342 : vector<16xf32>
      %add3A_1344 = arith.addf %add3A_1330, %mul3A_1343 : vector<16xf32>
      %get3A_1345 = arith.constant 1 : i32
      %get3A_1346 = arith.index_cast %get3A_1345 : i32 to index
      %get3A_1347 = arith.index_cast %while3A_1301 : i32 to index
      %get3A_1348 = arith.constant 48 : index
      %get3A_1349 = tpu.vector_load %arg24[%get3A_1346, %get3A_1347, %get3A_1348] {strides = array<i32>} : memref<2x128x128xf32, #tpu.memory_space<vmem>>, vector<1x1x16xf32>,
      %get3A_1350 = vector.shape_cast %get3A_1349 : vector<1x1x16xf32> to vector<16xf32>
      %get3A_1351 = arith.constant 1 : i32
      %get3A_1352 = arith.index_cast %get3A_1351 : i32 to index
      %get3A_1353 = arith.index_cast %while3A_1301 : i32 to index
      %get3A_1354 = arith.constant 48 : index
      %get3A_1355 = tpu.vector_load %arg25[%get3A_1352, %get3A_1353, %get3A_1354] {strides = array<i32>} : memref<2x128x128xf32, #tpu.memory_space<vmem>>, vector<1x1x16xf32>,
      %get3A_1356 = vector.shape_cast %get3A_1355 : vector<1x1x16xf32> to vector<16xf32>
      %mul3A_1357 = arith.mulf %get3A_1350, %get3A_1356 : vector<16xf32>
      %add3A_1358 = arith.addf %add3A_1344, %mul3A_1357 : vector<16xf32>
      scf.yield %add3A_1358 : vector<16xf32>
    }
    %while3A_516 = arith.constant 1 : i32
    %while3A_517 = scf.for %while3A_1301 = %while3A_513 to %while3A_509 step %while3A_516 iter_args(%while3A_1302 = %while3A_515) -> (vector<16xf32>)  : i32 {
      %get3A_1303 = arith.constant 1 : i32
      %get3A_1304 = arith.index_cast %get3A_1303 : i32 to index
      %get3A_1305 = arith.index_cast %while3A_1301 : i32 to index
      %get3A_1306 = arith.constant 0 : index
      %get3A_1307 = tpu.vector_load %arg24[%get3A_1304, %get3A_1305, %get3A_1306] {strides = array<i32>} : memref<2x128x128xf32, #tpu.memory_space<vmem>>, vector<1x1x16xf32>,
      %get3A_1308 = vector.shape_cast %get3A_1307 : vector<1x1x16xf32> to vector<16xf32>
      %get3A_1309 = arith.constant 1 : i32
      %get3A_1310 = arith.index_cast %get3A_1309 : i32 to index
      %get3A_1311 = arith.index_cast %while3A_1301 : i32 to index
      %get3A_1312 = arith.constant 0 : index
      %get3A_1313 = tpu.vector_load %arg25[%get3A_1310, %get3A_1311, %get3A_1312] {strides = array<i32>} : memref<2x128x128xf32, #tpu.memory_space<vmem>>, vector<1x1x16xf32>,
      %get3A_1314 = vector.shape_cast %get3A_1313 : vector<1x1x16xf32> to vector<16xf32>
      %mul3A_1315 = arith.mulf %get3A_1308, %get3A_1314 : vector<16xf32>
      %add3A_1316 = arith.addf %while3A_1302, %mul3A_1315 : vector<16xf32>
      %get3A_1317 = arith.constant 1 : i32
      %get3A_1318 = arith.index_cast %get3A_1317 : i32 to index
      %get3A_1319 = arith.index_cast %while3A_1301 : i32 to index
      %get3A_1320 = arith.constant 16 : index
      %get3A_1321 = tpu.vector_load %arg24[%get3A_1318, %get3A_1319, %get3A_1320] {strides = array<i32>} : memref<2x128x128xf32, #tpu.memory_space<vmem>>, vector<1x1x16xf32>,
      %get3A_1322 = vector.shape_cast %get3A_1321 : vector<1x1x16xf32> to vector<16xf32>
      %get3A_1323 = arith.constant 1 : i32
      %get3A_1324 = arith.index_cast %get3A_1323 : i32 to index
      %get3A_1325 = arith.index_cast %while3A_1301 : i32 to index
      %get3A_1326 = arith.constant 16 : index
      %get3A_1327 = tpu.vector_load %arg25[%get3A_1324, %get3A_1325, %get3A_1326] {strides = array<i32>} : memref<2x128x128xf32, #tpu.memory_space<vmem>>, vector<1x1x16xf32>,
      %get3A_1328 = vector.shape_cast %get3A_1327 : vector<1x1x16xf32> to vector<16xf32>
      %mul3A_1329 = arith.mulf %get3A_1322, %get3A_1328 : vector<16xf32>
      %add3A_1330 = arith.addf %add3A_1316, %mul3A_1329 : vector<16xf32>
      %get3A_1331 = arith.constant 1 : i32
      %get3A_1332 = arith.index_cast %get3A_1331 : i32 to index
      %get3A_1333 = arith.index_cast %while3A_1301 : i32 to index
      %get3A_1334 = arith.constant 32 : index
      %get3A_1335 = tpu.vector_load %arg24[%get3A_1332, %get3A_1333, %get3A_1334] {strides = array<i32>} : memref<2x128x128xf32, #tpu.memory_space<vmem>>, vector<1x1x16xf32>,
      %get3A_1336 = vector.shape_cast %get3A_1335 : vector<1x1x16xf32> to vector<16xf32>
      %get3A_1337 = arith.constant 1 : i32
      %get3A_1338 = arith.index_cast %get3A_1337 : i32 to index
      %get3A_1339 = arith.index_cast %while3A_1301 : i32 to index
      %get3A_1340 = arith.constant 32 : index
      %get3A_1341 = tpu.vector_load %arg25[%get3A_1338, %get3A_1339, %get3A_1340] {strides = array<i32>} : memref<2x128x128xf32, #tpu.memory_space<vmem>>, vector<1x1x16xf32>,
      %get3A_1342 = vector.shape_cast %get3A_1341 : vector<1x1x16xf32> to vector<16xf32>
      %mul3A_1343 = arith.mulf %get3A_1336, %get3A_1342 : vector<16xf32>
      %add3A_1344 = arith.addf %add3A_1330, %mul3A_1343 : vector<16xf32>
      %get3A_1345 = arith.constant 1 : i32
      %get3A_1346 = arith.index_cast %get3A_1345 : i32 to index
      %get3A_1347 = arith.index_cast %while3A_1301 : i32 to index
      %get3A_1348 = arith.constant 48 : index
      %get3A_1349 = tpu.vector_load %arg24[%get3A_1346, %get3A_1347, %get3A_1348] {strides = array<i32>} : memref<2x128x128xf32, #tpu.memory_space<vmem>>, vector<1x1x16xf32>,
      %get3A_1350 = vector.shape_cast %get3A_1349 : vector<1x1x16xf32> to vector<16xf32>
      %get3A_1351 = arith.constant 1 : i32
      %get3A_1352 = arith.index_cast %get3A_1351 : i32 to index
      %get3A_1353 = arith.index_cast %while3A_1301 : i32 to index
      %get3A_1354 = arith.constant 48 : index
      %get3A_1355 = tpu.vector_load %arg25[%get3A_1352, %get3A_1353, %get3A_1354] {strides = array<i32>} : memref<2x128x128xf32, #tpu.memory_space<vmem>>, vector<1x1x16xf32>,
      %get3A_1356 = vector.shape_cast %get3A_1355 : vector<1x1x16xf32> to vector<16xf32>
      %mul3A_1357 = arith.mulf %get3A_1350, %get3A_1356 : vector<16xf32>
      %add3A_1358 = arith.addf %add3A_1344, %mul3A_1357 : vector<16xf32>
      scf.yield %add3A_1358 : vector<16xf32>
    }
    %slice3A_518 = vector.extract_strided_slice %get3A_503 {offsets = [1], sizes = [1], strides = [1]} : vector<16xi32> to vector<1xi32>
    %squeeze3A_519 = vector.extract %slice3A_518[0] : i32 from vector<1xi32>
    %slice3A_520 = vector.extract_strided_slice %get3A_503 {offsets = [5], sizes = [1], strides = [1]} : vector<16xi32> to vector<1xi32>
    %squeeze3A_521 = vector.extract %slice3A_520[0] : i32 from vector<1xi32>
    %while3A_522 = arith.subi %squeeze3A_521, %squeeze3A_519 : i32
    %while3A_523 = arith.addi %squeeze3A_519, %while3A_522 : i32
    %while3A_524 = arith.constant 1 : i32
    %while3A_525 = arith.divsi %while3A_522, %while3A_524 : i32
    %while3A_526 = arith.muli %while3A_525, %while3A_524 : i32
    %while3A_527 = arith.addi %squeeze3A_519, %while3A_526 : i32
    %while3A_528 = arith.constant 1 : i32
    %while3A_529 = scf.for %while3A_1301 = %squeeze3A_519 to %while3A_527 step %while3A_528 iter_args(%while3A_1302 = %while3A_517) -> (vector<16xf32>)  : i32 {
      %get3A_1303 = arith.constant 1 : i32
      %get3A_1304 = arith.index_cast %get3A_1303 : i32 to index
      %get3A_1305 = arith.index_cast %while3A_1301 : i32 to index
      %get3A_1306 = arith.constant 64 : index
      %get3A_1307 = tpu.vector_load %arg24[%get3A_1304, %get3A_1305, %get3A_1306] {strides = array<i32>} : memref<2x128x128xf32, #tpu.memory_space<vmem>>, vector<1x1x16xf32>,
      %get3A_1308 = vector.shape_cast %get3A_1307 : vector<1x1x16xf32> to vector<16xf32>
      %get3A_1309 = arith.constant 1 : i32
      %get3A_1310 = arith.index_cast %get3A_1309 : i32 to index
      %get3A_1311 = arith.index_cast %while3A_1301 : i32 to index
      %get3A_1312 = arith.constant 0 : index
      %get3A_1313 = tpu.vector_load %arg25[%get3A_1310, %get3A_1311, %get3A_1312] {strides = array<i32>} : memref<2x128x128xf32, #tpu.memory_space<vmem>>, vector<1x1x16xf32>,
      %get3A_1314 = vector.shape_cast %get3A_1313 : vector<1x1x16xf32> to vector<16xf32>
      %mul3A_1315 = arith.mulf %get3A_1308, %get3A_1314 : vector<16xf32>
      %add3A_1316 = arith.addf %while3A_1302, %mul3A_1315 : vector<16xf32>
      %get3A_1317 = arith.constant 1 : i32
      %get3A_1318 = arith.index_cast %get3A_1317 : i32 to index
      %get3A_1319 = arith.index_cast %while3A_1301 : i32 to index
      %get3A_1320 = arith.constant 80 : index
      %get3A_1321 = tpu.vector_load %arg24[%get3A_1318, %get3A_1319, %get3A_1320] {strides = array<i32>} : memref<2x128x128xf32, #tpu.memory_space<vmem>>, vector<1x1x16xf32>,
      %get3A_1322 = vector.shape_cast %get3A_1321 : vector<1x1x16xf32> to vector<16xf32>
      %get3A_1323 = arith.constant 1 : i32
      %get3A_1324 = arith.index_cast %get3A_1323 : i32 to index
      %get3A_1325 = arith.index_cast %while3A_1301 : i32 to index
      %get3A_1326 = arith.constant 16 : index
      %get3A_1327 = tpu.vector_load %arg25[%get3A_1324, %get3A_1325, %get3A_1326] {strides = array<i32>} : memref<2x128x128xf32, #tpu.memory_space<vmem>>, vector<1x1x16xf32>,
      %get3A_1328 = vector.shape_cast %get3A_1327 : vector<1x1x16xf32> to vector<16xf32>
      %mul3A_1329 = arith.mulf %get3A_1322, %get3A_1328 : vector<16xf32>
      %add3A_1330 = arith.addf %add3A_1316, %mul3A_1329 : vector<16xf32>
      %get3A_1331 = arith.constant 1 : i32
      %get3A_1332 = arith.index_cast %get3A_1331 : i32 to index
      %get3A_1333 = arith.index_cast %while3A_1301 : i32 to index
      %get3A_1334 = arith.constant 96 : index
      %get3A_1335 = tpu.vector_load %arg24[%get3A_1332, %get3A_1333, %get3A_1334] {strides = array<i32>} : memref<2x128x128xf32, #tpu.memory_space<vmem>>, vector<1x1x16xf32>,
      %get3A_1336 = vector.shape_cast %get3A_1335 : vector<1x1x16xf32> to vector<16xf32>
      %get3A_1337 = arith.constant 1 : i32
      %get3A_1338 = arith.index_cast %get3A_1337 : i32 to index
      %get3A_1339 = arith.index_cast %while3A_1301 : i32 to index
      %get3A_1340 = arith.constant 32 : index
      %get3A_1341 = tpu.vector_load %arg25[%get3A_1338, %get3A_1339, %get3A_1340] {strides = array<i32>} : memref<2x128x128xf32, #tpu.memory_space<vmem>>, vector<1x1x16xf32>,
      %get3A_1342 = vector.shape_cast %get3A_1341 : vector<1x1x16xf32> to vector<16xf32>
      %mul3A_1343 = arith.mulf %get3A_1336, %get3A_1342 : vector<16xf32>
      %add3A_1344 = arith.addf %add3A_1330, %mul3A_1343 : vector<16xf32>
      %get3A_1345 = arith.constant 1 : i32
      %get3A_1346 = arith.index_cast %get3A_1345 : i32 to index
      %get3A_1347 = arith.index_cast %while3A_1301 : i32 to index
      %get3A_1348 = arith.constant 112 : index
      %get3A_1349 = tpu.vector_load %arg24[%get3A_1346, %get3A_1347, %get3A_1348] {strides = array<i32>} : memref<2x128x128xf32, #tpu.memory_space<vmem>>, vector<1x1x16xf32>,
      %get3A_1350 = vector.shape_cast %get3A_1349 : vector<1x1x16xf32> to vector<16xf32>
      %get3A_1351 = arith.constant 1 : i32
      %get3A_1352 = arith.index_cast %get3A_1351 : i32 to index
      %get3A_1353 = arith.index_cast %while3A_1301 : i32 to index
      %get3A_1354 = arith.constant 48 : index
      %get3A_1355 = tpu.vector_load %arg25[%get3A_1352, %get3A_1353, %get3A_1354] {strides = array<i32>} : memref<2x128x128xf32, #tpu.memory_space<vmem>>, vector<1x1x16xf32>,
      %get3A_1356 = vector.shape_cast %get3A_1355 : vector<1x1x16xf32> to vector<16xf32>
      %mul3A_1357 = arith.mulf %get3A_1350, %get3A_1356 : vector<16xf32>
      %add3A_1358 = arith.addf %add3A_1344, %mul3A_1357 : vector<16xf32>
      scf.yield %add3A_1358 : vector<16xf32>
    }
    %while3A_530 = arith.constant 1 : i32
    %while3A_531 = scf.for %while3A_1301 = %while3A_527 to %while3A_523 step %while3A_530 iter_args(%while3A_1302 = %while3A_529) -> (vector<16xf32>)  : i32 {
      %get3A_1303 = arith.constant 1 : i32
      %get3A_1304 = arith.index_cast %get3A_1303 : i32 to index
      %get3A_1305 = arith.index_cast %while3A_1301 : i32 to index
      %get3A_1306 = arith.constant 64 : index
      %get3A_1307 = tpu.vector_load %arg24[%get3A_1304, %get3A_1305, %get3A_1306] {strides = array<i32>} : memref<2x128x128xf32, #tpu.memory_space<vmem>>, vector<1x1x16xf32>,
      %get3A_1308 = vector.shape_cast %get3A_1307 : vector<1x1x16xf32> to vector<16xf32>
      %get3A_1309 = arith.constant 1 : i32
      %get3A_1310 = arith.index_cast %get3A_1309 : i32 to index
      %get3A_1311 = arith.index_cast %while3A_1301 : i32 to index
      %get3A_1312 = arith.constant 0 : index
      %get3A_1313 = tpu.vector_load %arg25[%get3A_1310, %get3A_1311, %get3A_1312] {strides = array<i32>} : memref<2x128x128xf32, #tpu.memory_space<vmem>>, vector<1x1x16xf32>,
      %get3A_1314 = vector.shape_cast %get3A_1313 : vector<1x1x16xf32> to vector<16xf32>
      %mul3A_1315 = arith.mulf %get3A_1308, %get3A_1314 : vector<16xf32>
      %add3A_1316 = arith.addf %while3A_1302, %mul3A_1315 : vector<16xf32>
      %get3A_1317 = arith.constant 1 : i32
      %get3A_1318 = arith.index_cast %get3A_1317 : i32 to index
      %get3A_1319 = arith.index_cast %while3A_1301 : i32 to index
      %get3A_1320 = arith.constant 80 : index
      %get3A_1321 = tpu.vector_load %arg24[%get3A_1318, %get3A_1319, %get3A_1320] {strides = array<i32>} : memref<2x128x128xf32, #tpu.memory_space<vmem>>, vector<1x1x16xf32>,
      %get3A_1322 = vector.shape_cast %get3A_1321 : vector<1x1x16xf32> to vector<16xf32>
      %get3A_1323 = arith.constant 1 : i32
      %get3A_1324 = arith.index_cast %get3A_1323 : i32 to index
      %get3A_1325 = arith.index_cast %while3A_1301 : i32 to index
      %get3A_1326 = arith.constant 16 : index
      %get3A_1327 = tpu.vector_load %arg25[%get3A_1324, %get3A_1325, %get3A_1326] {strides = array<i32>} : memref<2x128x128xf32, #tpu.memory_space<vmem>>, vector<1x1x16xf32>,
      %get3A_1328 = vector.shape_cast %get3A_1327 : vector<1x1x16xf32> to vector<16xf32>
      %mul3A_1329 = arith.mulf %get3A_1322, %get3A_1328 : vector<16xf32>
      %add3A_1330 = arith.addf %add3A_1316, %mul3A_1329 : vector<16xf32>
      %get3A_1331 = arith.constant 1 : i32
      %get3A_1332 = arith.index_cast %get3A_1331 : i32 to index
      %get3A_1333 = arith.index_cast %while3A_1301 : i32 to index
      %get3A_1334 = arith.constant 96 : index
      %get3A_1335 = tpu.vector_load %arg24[%get3A_1332, %get3A_1333, %get3A_1334] {strides = array<i32>} : memref<2x128x128xf32, #tpu.memory_space<vmem>>, vector<1x1x16xf32>,
      %get3A_1336 = vector.shape_cast %get3A_1335 : vector<1x1x16xf32> to vector<16xf32>
      %get3A_1337 = arith.constant 1 : i32
      %get3A_1338 = arith.index_cast %get3A_1337 : i32 to index
      %get3A_1339 = arith.index_cast %while3A_1301 : i32 to index
      %get3A_1340 = arith.constant 32 : index
      %get3A_1341 = tpu.vector_load %arg25[%get3A_1338, %get3A_1339, %get3A_1340] {strides = array<i32>} : memref<2x128x128xf32, #tpu.memory_space<vmem>>, vector<1x1x16xf32>,
      %get3A_1342 = vector.shape_cast %get3A_1341 : vector<1x1x16xf32> to vector<16xf32>
      %mul3A_1343 = arith.mulf %get3A_1336, %get3A_1342 : vector<16xf32>
      %add3A_1344 = arith.addf %add3A_1330, %mul3A_1343 : vector<16xf32>
      %get3A_1345 = arith.constant 1 : i32
      %get3A_1346 = arith.index_cast %get3A_1345 : i32 to index
      %get3A_1347 = arith.index_cast %while3A_1301 : i32 to index
      %get3A_1348 = arith.constant 112 : index
      %get3A_1349 = tpu.vector_load %arg24[%get3A_1346, %get3A_1347, %get3A_1348] {strides = array<i32>} : memref<2x128x128xf32, #tpu.memory_space<vmem>>, vector<1x1x16xf32>,
      %get3A_1350 = vector.shape_cast %get3A_1349 : vector<1x1x16xf32> to vector<16xf32>
      %get3A_1351 = arith.constant 1 : i32
      %get3A_1352 = arith.index_cast %get3A_1351 : i32 to index
      %get3A_1353 = arith.index_cast %while3A_1301 : i32 to index
      %get3A_1354 = arith.constant 48 : index
      %get3A_1355 = tpu.vector_load %arg25[%get3A_1352, %get3A_1353, %get3A_1354] {strides = array<i32>} : memref<2x128x128xf32, #tpu.memory_space<vmem>>, vector<1x1x16xf32>,
      %get3A_1356 = vector.shape_cast %get3A_1355 : vector<1x1x16xf32> to vector<16xf32>
      %mul3A_1357 = arith.mulf %get3A_1350, %get3A_1356 : vector<16xf32>
      %add3A_1358 = arith.addf %add3A_1344, %mul3A_1357 : vector<16xf32>
      scf.yield %add3A_1358 : vector<16xf32>
    }
    %slice3A_532 = vector.extract_strided_slice %get3A_503 {offsets = [2], sizes = [1], strides = [1]} : vector<16xi32> to vector<1xi32>
    %squeeze3A_533 = vector.extract %slice3A_532[0] : i32 from vector<1xi32>
    %slice3A_534 = vector.extract_strided_slice %get3A_503 {offsets = [6], sizes = [1], strides = [1]} : vector<16xi32> to vector<1xi32>
    %squeeze3A_535 = vector.extract %slice3A_534[0] : i32 from vector<1xi32>
    %while3A_536 = arith.subi %squeeze3A_535, %squeeze3A_533 : i32
    %while3A_537 = arith.addi %squeeze3A_533, %while3A_536 : i32
    %while3A_538 = arith.constant 1 : i32
    %while3A_539 = arith.divsi %while3A_536, %while3A_538 : i32
    %while3A_540 = arith.muli %while3A_539, %while3A_538 : i32
    %while3A_541 = arith.addi %squeeze3A_533, %while3A_540 : i32
    %while3A_542 = arith.constant 1 : i32
    %while3A_543 = scf.for %while3A_1301 = %squeeze3A_533 to %while3A_541 step %while3A_542 iter_args(%while3A_1302 = %while3A_531) -> (vector<16xf32>)  : i32 {
      %get3A_1303 = arith.constant 1 : i32
      %get3A_1304 = arith.index_cast %get3A_1303 : i32 to index
      %get3A_1305 = arith.index_cast %while3A_1301 : i32 to index
      %get3A_1306 = arith.constant 0 : index
      %get3A_1307 = tpu.vector_load %arg24[%get3A_1304, %get3A_1305, %get3A_1306] {strides = array<i32>} : memref<2x128x128xf32, #tpu.memory_space<vmem>>, vector<1x1x16xf32>,
      %get3A_1308 = vector.shape_cast %get3A_1307 : vector<1x1x16xf32> to vector<16xf32>
      %get3A_1309 = arith.constant 1 : i32
      %get3A_1310 = arith.index_cast %get3A_1309 : i32 to index
      %get3A_1311 = arith.index_cast %while3A_1301 : i32 to index
      %get3A_1312 = arith.constant 64 : index
      %get3A_1313 = tpu.vector_load %arg25[%get3A_1310, %get3A_1311, %get3A_1312] {strides = array<i32>} : memref<2x128x128xf32, #tpu.memory_space<vmem>>, vector<1x1x16xf32>,
      %get3A_1314 = vector.shape_cast %get3A_1313 : vector<1x1x16xf32> to vector<16xf32>
      %mul3A_1315 = arith.mulf %get3A_1308, %get3A_1314 : vector<16xf32>
      %add3A_1316 = arith.addf %while3A_1302, %mul3A_1315 : vector<16xf32>
      %get3A_1317 = arith.constant 1 : i32
      %get3A_1318 = arith.index_cast %get3A_1317 : i32 to index
      %get3A_1319 = arith.index_cast %while3A_1301 : i32 to index
      %get3A_1320 = arith.constant 16 : index
      %get3A_1321 = tpu.vector_load %arg24[%get3A_1318, %get3A_1319, %get3A_1320] {strides = array<i32>} : memref<2x128x128xf32, #tpu.memory_space<vmem>>, vector<1x1x16xf32>,
      %get3A_1322 = vector.shape_cast %get3A_1321 : vector<1x1x16xf32> to vector<16xf32>
      %get3A_1323 = arith.constant 1 : i32
      %get3A_1324 = arith.index_cast %get3A_1323 : i32 to index
      %get3A_1325 = arith.index_cast %while3A_1301 : i32 to index
      %get3A_1326 = arith.constant 80 : index
      %get3A_1327 = tpu.vector_load %arg25[%get3A_1324, %get3A_1325, %get3A_1326] {strides = array<i32>} : memref<2x128x128xf32, #tpu.memory_space<vmem>>, vector<1x1x16xf32>,
      %get3A_1328 = vector.shape_cast %get3A_1327 : vector<1x1x16xf32> to vector<16xf32>
      %mul3A_1329 = arith.mulf %get3A_1322, %get3A_1328 : vector<16xf32>
      %add3A_1330 = arith.addf %add3A_1316, %mul3A_1329 : vector<16xf32>
      %get3A_1331 = arith.constant 1 : i32
      %get3A_1332 = arith.index_cast %get3A_1331 : i32 to index
      %get3A_1333 = arith.index_cast %while3A_1301 : i32 to index
      %get3A_1334 = arith.constant 32 : index
      %get3A_1335 = tpu.vector_load %arg24[%get3A_1332, %get3A_1333, %get3A_1334] {strides = array<i32>} : memref<2x128x128xf32, #tpu.memory_space<vmem>>, vector<1x1x16xf32>,
      %get3A_1336 = vector.shape_cast %get3A_1335 : vector<1x1x16xf32> to vector<16xf32>
      %get3A_1337 = arith.constant 1 : i32
      %get3A_1338 = arith.index_cast %get3A_1337 : i32 to index
      %get3A_1339 = arith.index_cast %while3A_1301 : i32 to index
      %get3A_1340 = arith.constant 96 : index
      %get3A_1341 = tpu.vector_load %arg25[%get3A_1338, %get3A_1339, %get3A_1340] {strides = array<i32>} : memref<2x128x128xf32, #tpu.memory_space<vmem>>, vector<1x1x16xf32>,
      %get3A_1342 = vector.shape_cast %get3A_1341 : vector<1x1x16xf32> to vector<16xf32>
      %mul3A_1343 = arith.mulf %get3A_1336, %get3A_1342 : vector<16xf32>
      %add3A_1344 = arith.addf %add3A_1330, %mul3A_1343 : vector<16xf32>
      %get3A_1345 = arith.constant 1 : i32
      %get3A_1346 = arith.index_cast %get3A_1345 : i32 to index
      %get3A_1347 = arith.index_cast %while3A_1301 : i32 to index
      %get3A_1348 = arith.constant 48 : index
      %get3A_1349 = tpu.vector_load %arg24[%get3A_1346, %get3A_1347, %get3A_1348] {strides = array<i32>} : memref<2x128x128xf32, #tpu.memory_space<vmem>>, vector<1x1x16xf32>,
      %get3A_1350 = vector.shape_cast %get3A_1349 : vector<1x1x16xf32> to vector<16xf32>
      %get3A_1351 = arith.constant 1 : i32
      %get3A_1352 = arith.index_cast %get3A_1351 : i32 to index
      %get3A_1353 = arith.index_cast %while3A_1301 : i32 to index
      %get3A_1354 = arith.constant 112 : index
      %get3A_1355 = tpu.vector_load %arg25[%get3A_1352, %get3A_1353, %get3A_1354] {strides = array<i32>} : memref<2x128x128xf32, #tpu.memory_space<vmem>>, vector<1x1x16xf32>,
      %get3A_1356 = vector.shape_cast %get3A_1355 : vector<1x1x16xf32> to vector<16xf32>
      %mul3A_1357 = arith.mulf %get3A_1350, %get3A_1356 : vector<16xf32>
      %add3A_1358 = arith.addf %add3A_1344, %mul3A_1357 : vector<16xf32>
      scf.yield %add3A_1358 : vector<16xf32>
    }
    %while3A_544 = arith.constant 1 : i32
    %while3A_545 = scf.for %while3A_1301 = %while3A_541 to %while3A_537 step %while3A_544 iter_args(%while3A_1302 = %while3A_543) -> (vector<16xf32>)  : i32 {
      %get3A_1303 = arith.constant 1 : i32
      %get3A_1304 = arith.index_cast %get3A_1303 : i32 to index
      %get3A_1305 = arith.index_cast %while3A_1301 : i32 to index
      %get3A_1306 = arith.constant 0 : index
      %get3A_1307 = tpu.vector_load %arg24[%get3A_1304, %get3A_1305, %get3A_1306] {strides = array<i32>} : memref<2x128x128xf32, #tpu.memory_space<vmem>>, vector<1x1x16xf32>,
      %get3A_1308 = vector.shape_cast %get3A_1307 : vector<1x1x16xf32> to vector<16xf32>
      %get3A_1309 = arith.constant 1 : i32
      %get3A_1310 = arith.index_cast %get3A_1309 : i32 to index
      %get3A_1311 = arith.index_cast %while3A_1301 : i32 to index
      %get3A_1312 = arith.constant 64 : index
      %get3A_1313 = tpu.vector_load %arg25[%get3A_1310, %get3A_1311, %get3A_1312] {strides = array<i32>} : memref<2x128x128xf32, #tpu.memory_space<vmem>>, vector<1x1x16xf32>,
      %get3A_1314 = vector.shape_cast %get3A_1313 : vector<1x1x16xf32> to vector<16xf32>
      %mul3A_1315 = arith.mulf %get3A_1308, %get3A_1314 : vector<16xf32>
      %add3A_1316 = arith.addf %while3A_1302, %mul3A_1315 : vector<16xf32>
      %get3A_1317 = arith.constant 1 : i32
      %get3A_1318 = arith.index_cast %get3A_1317 : i32 to index
      %get3A_1319 = arith.index_cast %while3A_1301 : i32 to index
      %get3A_1320 = arith.constant 16 : index
      %get3A_1321 = tpu.vector_load %arg24[%get3A_1318, %get3A_1319, %get3A_1320] {strides = array<i32>} : memref<2x128x128xf32, #tpu.memory_space<vmem>>, vector<1x1x16xf32>,
      %get3A_1322 = vector.shape_cast %get3A_1321 : vector<1x1x16xf32> to vector<16xf32>
      %get3A_1323 = arith.constant 1 : i32
      %get3A_1324 = arith.index_cast %get3A_1323 : i32 to index
      %get3A_1325 = arith.index_cast %while3A_1301 : i32 to index
      %get3A_1326 = arith.constant 80 : index
      %get3A_1327 = tpu.vector_load %arg25[%get3A_1324, %get3A_1325, %get3A_1326] {strides = array<i32>} : memref<2x128x128xf32, #tpu.memory_space<vmem>>, vector<1x1x16xf32>,
      %get3A_1328 = vector.shape_cast %get3A_1327 : vector<1x1x16xf32> to vector<16xf32>
      %mul3A_1329 = arith.mulf %get3A_1322, %get3A_1328 : vector<16xf32>
      %add3A_1330 = arith.addf %add3A_1316, %mul3A_1329 : vector<16xf32>
      %get3A_1331 = arith.constant 1 : i32
      %get3A_1332 = arith.index_cast %get3A_1331 : i32 to index
      %get3A_1333 = arith.index_cast %while3A_1301 : i32 to index
      %get3A_1334 = arith.constant 32 : index
      %get3A_1335 = tpu.vector_load %arg24[%get3A_1332, %get3A_1333, %get3A_1334] {strides = array<i32>} : memref<2x128x128xf32, #tpu.memory_space<vmem>>, vector<1x1x16xf32>,
      %get3A_1336 = vector.shape_cast %get3A_1335 : vector<1x1x16xf32> to vector<16xf32>
      %get3A_1337 = arith.constant 1 : i32
      %get3A_1338 = arith.index_cast %get3A_1337 : i32 to index
      %get3A_1339 = arith.index_cast %while3A_1301 : i32 to index
      %get3A_1340 = arith.constant 96 : index
      %get3A_1341 = tpu.vector_load %arg25[%get3A_1338, %get3A_1339, %get3A_1340] {strides = array<i32>} : memref<2x128x128xf32, #tpu.memory_space<vmem>>, vector<1x1x16xf32>,
      %get3A_1342 = vector.shape_cast %get3A_1341 : vector<1x1x16xf32> to vector<16xf32>
      %mul3A_1343 = arith.mulf %get3A_1336, %get3A_1342 : vector<16xf32>
      %add3A_1344 = arith.addf %add3A_1330, %mul3A_1343 : vector<16xf32>
      %get3A_1345 = arith.constant 1 : i32
      %get3A_1346 = arith.index_cast %get3A_1345 : i32 to index
      %get3A_1347 = arith.index_cast %while3A_1301 : i32 to index
      %get3A_1348 = arith.constant 48 : index
      %get3A_1349 = tpu.vector_load %arg24[%get3A_1346, %get3A_1347, %get3A_1348] {strides = array<i32>} : memref<2x128x128xf32, #tpu.memory_space<vmem>>, vector<1x1x16xf32>,
      %get3A_1350 = vector.shape_cast %get3A_1349 : vector<1x1x16xf32> to vector<16xf32>
      %get3A_1351 = arith.constant 1 : i32
      %get3A_1352 = arith.index_cast %get3A_1351 : i32 to index
      %get3A_1353 = arith.index_cast %while3A_1301 : i32 to index
      %get3A_1354 = arith.constant 112 : index
      %get3A_1355 = tpu.vector_load %arg25[%get3A_1352, %get3A_1353, %get3A_1354] {strides = array<i32>} : memref<2x128x128xf32, #tpu.memory_space<vmem>>, vector<1x1x16xf32>,
      %get3A_1356 = vector.shape_cast %get3A_1355 : vector<1x1x16xf32> to vector<16xf32>
      %mul3A_1357 = arith.mulf %get3A_1350, %get3A_1356 : vector<16xf32>
      %add3A_1358 = arith.addf %add3A_1344, %mul3A_1357 : vector<16xf32>
      scf.yield %add3A_1358 : vector<16xf32>
    }
    %slice3A_546 = vector.extract_strided_slice %get3A_503 {offsets = [3], sizes = [1], strides = [1]} : vector<16xi32> to vector<1xi32>
    %squeeze3A_547 = vector.extract %slice3A_546[0] : i32 from vector<1xi32>
    %slice3A_548 = vector.extract_strided_slice %get3A_503 {offsets = [7], sizes = [1], strides = [1]} : vector<16xi32> to vector<1xi32>
    %squeeze3A_549 = vector.extract %slice3A_548[0] : i32 from vector<1xi32>
    %while3A_550 = arith.subi %squeeze3A_549, %squeeze3A_547 : i32
    %while3A_551 = arith.addi %squeeze3A_547, %while3A_550 : i32
    %while3A_552 = arith.constant 1 : i32
    %while3A_553 = arith.divsi %while3A_550, %while3A_552 : i32
    %while3A_554 = arith.muli %while3A_553, %while3A_552 : i32
    %while3A_555 = arith.addi %squeeze3A_547, %while3A_554 : i32
    %while3A_556 = arith.constant 1 : i32
    %while3A_557 = scf.for %while3A_1301 = %squeeze3A_547 to %while3A_555 step %while3A_556 iter_args(%while3A_1302 = %while3A_545) -> (vector<16xf32>)  : i32 {
      %get3A_1303 = arith.constant 1 : i32
      %get3A_1304 = arith.index_cast %get3A_1303 : i32 to index
      %get3A_1305 = arith.index_cast %while3A_1301 : i32 to index
      %get3A_1306 = arith.constant 64 : index
      %get3A_1307 = tpu.vector_load %arg24[%get3A_1304, %get3A_1305, %get3A_1306] {strides = array<i32>} : memref<2x128x128xf32, #tpu.memory_space<vmem>>, vector<1x1x16xf32>,
      %get3A_1308 = vector.shape_cast %get3A_1307 : vector<1x1x16xf32> to vector<16xf32>
      %get3A_1309 = arith.constant 1 : i32
      %get3A_1310 = arith.index_cast %get3A_1309 : i32 to index
      %get3A_1311 = arith.index_cast %while3A_1301 : i32 to index
      %get3A_1312 = arith.constant 64 : index
      %get3A_1313 = tpu.vector_load %arg25[%get3A_1310, %get3A_1311, %get3A_1312] {strides = array<i32>} : memref<2x128x128xf32, #tpu.memory_space<vmem>>, vector<1x1x16xf32>,
      %get3A_1314 = vector.shape_cast %get3A_1313 : vector<1x1x16xf32> to vector<16xf32>
      %mul3A_1315 = arith.mulf %get3A_1308, %get3A_1314 : vector<16xf32>
      %add3A_1316 = arith.addf %while3A_1302, %mul3A_1315 : vector<16xf32>
      %get3A_1317 = arith.constant 1 : i32
      %get3A_1318 = arith.index_cast %get3A_1317 : i32 to index
      %get3A_1319 = arith.index_cast %while3A_1301 : i32 to index
      %get3A_1320 = arith.constant 80 : index
      %get3A_1321 = tpu.vector_load %arg24[%get3A_1318, %get3A_1319, %get3A_1320] {strides = array<i32>} : memref<2x128x128xf32, #tpu.memory_space<vmem>>, vector<1x1x16xf32>,
      %get3A_1322 = vector.shape_cast %get3A_1321 : vector<1x1x16xf32> to vector<16xf32>
      %get3A_1323 = arith.constant 1 : i32
      %get3A_1324 = arith.index_cast %get3A_1323 : i32 to index
      %get3A_1325 = arith.index_cast %while3A_1301 : i32 to index
      %get3A_1326 = arith.constant 80 : index
      %get3A_1327 = tpu.vector_load %arg25[%get3A_1324, %get3A_1325, %get3A_1326] {strides = array<i32>} : memref<2x128x128xf32, #tpu.memory_space<vmem>>, vector<1x1x16xf32>,
      %get3A_1328 = vector.shape_cast %get3A_1327 : vector<1x1x16xf32> to vector<16xf32>
      %mul3A_1329 = arith.mulf %get3A_1322, %get3A_1328 : vector<16xf32>
      %add3A_1330 = arith.addf %add3A_1316, %mul3A_1329 : vector<16xf32>
      %get3A_1331 = arith.constant 1 : i32
      %get3A_1332 = arith.index_cast %get3A_1331 : i32 to index
      %get3A_1333 = arith.index_cast %while3A_1301 : i32 to index
      %get3A_1334 = arith.constant 96 : index
      %get3A_1335 = tpu.vector_load %arg24[%get3A_1332, %get3A_1333, %get3A_1334] {strides = array<i32>} : memref<2x128x128xf32, #tpu.memory_space<vmem>>, vector<1x1x16xf32>,
      %get3A_1336 = vector.shape_cast %get3A_1335 : vector<1x1x16xf32> to vector<16xf32>
      %get3A_1337 = arith.constant 1 : i32
      %get3A_1338 = arith.index_cast %get3A_1337 : i32 to index
      %get3A_1339 = arith.index_cast %while3A_1301 : i32 to index
      %get3A_1340 = arith.constant 96 : index
      %get3A_1341 = tpu.vector_load %arg25[%get3A_1338, %get3A_1339, %get3A_1340] {strides = array<i32>} : memref<2x128x128xf32, #tpu.memory_space<vmem>>, vector<1x1x16xf32>,
      %get3A_1342 = vector.shape_cast %get3A_1341 : vector<1x1x16xf32> to vector<16xf32>
      %mul3A_1343 = arith.mulf %get3A_1336, %get3A_1342 : vector<16xf32>
      %add3A_1344 = arith.addf %add3A_1330, %mul3A_1343 : vector<16xf32>
      %get3A_1345 = arith.constant 1 : i32
      %get3A_1346 = arith.index_cast %get3A_1345 : i32 to index
      %get3A_1347 = arith.index_cast %while3A_1301 : i32 to index
      %get3A_1348 = arith.constant 112 : index
      %get3A_1349 = tpu.vector_load %arg24[%get3A_1346, %get3A_1347, %get3A_1348] {strides = array<i32>} : memref<2x128x128xf32, #tpu.memory_space<vmem>>, vector<1x1x16xf32>,
      %get3A_1350 = vector.shape_cast %get3A_1349 : vector<1x1x16xf32> to vector<16xf32>
      %get3A_1351 = arith.constant 1 : i32
      %get3A_1352 = arith.index_cast %get3A_1351 : i32 to index
      %get3A_1353 = arith.index_cast %while3A_1301 : i32 to index
      %get3A_1354 = arith.constant 112 : index
      %get3A_1355 = tpu.vector_load %arg25[%get3A_1352, %get3A_1353, %get3A_1354] {strides = array<i32>} : memref<2x128x128xf32, #tpu.memory_space<vmem>>, vector<1x1x16xf32>,
      %get3A_1356 = vector.shape_cast %get3A_1355 : vector<1x1x16xf32> to vector<16xf32>
      %mul3A_1357 = arith.mulf %get3A_1350, %get3A_1356 : vector<16xf32>
      %add3A_1358 = arith.addf %add3A_1344, %mul3A_1357 : vector<16xf32>
      scf.yield %add3A_1358 : vector<16xf32>
    }
    %while3A_558 = arith.constant 1 : i32
    %while3A_559 = scf.for %while3A_1301 = %while3A_555 to %while3A_551 step %while3A_558 iter_args(%while3A_1302 = %while3A_557) -> (vector<16xf32>)  : i32 {
      %get3A_1303 = arith.constant 1 : i32
      %get3A_1304 = arith.index_cast %get3A_1303 : i32 to index
      %get3A_1305 = arith.index_cast %while3A_1301 : i32 to index
      %get3A_1306 = arith.constant 64 : index
      %get3A_1307 = tpu.vector_load %arg24[%get3A_1304, %get3A_1305, %get3A_1306] {strides = array<i32>} : memref<2x128x128xf32, #tpu.memory_space<vmem>>, vector<1x1x16xf32>,
      %get3A_1308 = vector.shape_cast %get3A_1307 : vector<1x1x16xf32> to vector<16xf32>
      %get3A_1309 = arith.constant 1 : i32
      %get3A_1310 = arith.index_cast %get3A_1309 : i32 to index
      %get3A_1311 = arith.index_cast %while3A_1301 : i32 to index
      %get3A_1312 = arith.constant 64 : index
      %get3A_1313 = tpu.vector_load %arg25[%get3A_1310, %get3A_1311, %get3A_1312] {strides = array<i32>} : memref<2x128x128xf32, #tpu.memory_space<vmem>>, vector<1x1x16xf32>,
      %get3A_1314 = vector.shape_cast %get3A_1313 : vector<1x1x16xf32> to vector<16xf32>
      %mul3A_1315 = arith.mulf %get3A_1308, %get3A_1314 : vector<16xf32>
      %add3A_1316 = arith.addf %while3A_1302, %mul3A_1315 : vector<16xf32>
      %get3A_1317 = arith.constant 1 : i32
      %get3A_1318 = arith.index_cast %get3A_1317 : i32 to index
      %get3A_1319 = arith.index_cast %while3A_1301 : i32 to index
      %get3A_1320 = arith.constant 80 : index
      %get3A_1321 = tpu.vector_load %arg24[%get3A_1318, %get3A_1319, %get3A_1320] {strides = array<i32>} : memref<2x128x128xf32, #tpu.memory_space<vmem>>, vector<1x1x16xf32>,
      %get3A_1322 = vector.shape_cast %get3A_1321 : vector<1x1x16xf32> to vector<16xf32>
      %get3A_1323 = arith.constant 1 : i32
      %get3A_1324 = arith.index_cast %get3A_1323 : i32 to index
      %get3A_1325 = arith.index_cast %while3A_1301 : i32 to index
      %get3A_1326 = arith.constant 80 : index
      %get3A_1327 = tpu.vector_load %arg25[%get3A_1324, %get3A_1325, %get3A_1326] {strides = array<i32>} : memref<2x128x128xf32, #tpu.memory_space<vmem>>, vector<1x1x16xf32>,
      %get3A_1328 = vector.shape_cast %get3A_1327 : vector<1x1x16xf32> to vector<16xf32>
      %mul3A_1329 = arith.mulf %get3A_1322, %get3A_1328 : vector<16xf32>
      %add3A_1330 = arith.addf %add3A_1316, %mul3A_1329 : vector<16xf32>
      %get3A_1331 = arith.constant 1 : i32
      %get3A_1332 = arith.index_cast %get3A_1331 : i32 to index
      %get3A_1333 = arith.index_cast %while3A_1301 : i32 to index
      %get3A_1334 = arith.constant 96 : index
      %get3A_1335 = tpu.vector_load %arg24[%get3A_1332, %get3A_1333, %get3A_1334] {strides = array<i32>} : memref<2x128x128xf32, #tpu.memory_space<vmem>>, vector<1x1x16xf32>,
      %get3A_1336 = vector.shape_cast %get3A_1335 : vector<1x1x16xf32> to vector<16xf32>
      %get3A_1337 = arith.constant 1 : i32
      %get3A_1338 = arith.index_cast %get3A_1337 : i32 to index
      %get3A_1339 = arith.index_cast %while3A_1301 : i32 to index
      %get3A_1340 = arith.constant 96 : index
      %get3A_1341 = tpu.vector_load %arg25[%get3A_1338, %get3A_1339, %get3A_1340] {strides = array<i32>} : memref<2x128x128xf32, #tpu.memory_space<vmem>>, vector<1x1x16xf32>,
      %get3A_1342 = vector.shape_cast %get3A_1341 : vector<1x1x16xf32> to vector<16xf32>
      %mul3A_1343 = arith.mulf %get3A_1336, %get3A_1342 : vector<16xf32>
      %add3A_1344 = arith.addf %add3A_1330, %mul3A_1343 : vector<16xf32>
      %get3A_1345 = arith.constant 1 : i32
      %get3A_1346 = arith.index_cast %get3A_1345 : i32 to index
      %get3A_1347 = arith.index_cast %while3A_1301 : i32 to index
      %get3A_1348 = arith.constant 112 : index
      %get3A_1349 = tpu.vector_load %arg24[%get3A_1346, %get3A_1347, %get3A_1348] {strides = array<i32>} : memref<2x128x128xf32, #tpu.memory_space<vmem>>, vector<1x1x16xf32>,
      %get3A_1350 = vector.shape_cast %get3A_1349 : vector<1x1x16xf32> to vector<16xf32>
      %get3A_1351 = arith.constant 1 : i32
      %get3A_1352 = arith.index_cast %get3A_1351 : i32 to index
      %get3A_1353 = arith.index_cast %while3A_1301 : i32 to index
      %get3A_1354 = arith.constant 112 : index
      %get3A_1355 = tpu.vector_load %arg25[%get3A_1352, %get3A_1353, %get3A_1354] {strides = array<i32>} : memref<2x128x128xf32, #tpu.memory_space<vmem>>, vector<1x1x16xf32>,
      %get3A_1356 = vector.shape_cast %get3A_1355 : vector<1x1x16xf32> to vector<16xf32>
      %mul3A_1357 = arith.mulf %get3A_1350, %get3A_1356 : vector<16xf32>
      %add3A_1358 = arith.addf %add3A_1344, %mul3A_1357 : vector<16xf32>
      scf.yield %add3A_1358 : vector<16xf32>
    }
    %dma_wait3A_560 = arith.constant 0 : i32
    %dma_wait3A_561 = arith.constant 0 : i32
    %dma_wait3A_562 = tpu.memref_slice %arg26[%dma_wait3A_561] : memref<512xf32, #tpu.memory_space<vmem>> -> memref<128xf32, #tpu.memory_space<vmem>>
    %dma_wait3A_563 = arith.constant 0 : i32
    %dma_wait3A_564 = tpu.memref_slice %arg17[%dma_wait3A_560, %dma_wait3A_563] : memref<4x128xi32, #tpu.memory_space<vmem>> -> memref<1x128xi32, #tpu.memory_space<vmem>>
    %dma_wait3A_565 = tpu.memref_squeeze %dma_wait3A_564 : memref<1x128xi32, #tpu.memory_space<vmem>> -> memref<128xi32, #tpu.memory_space<vmem>>
    %dma_wait3A_566 = arith.constant 0 : i32
    %dma_wait3A_567 = tpu.memref_slice %arg11[%dma_wait3A_566] : memref<1000000xf32, #tpu.memory_space<hbm>> -> memref<1000000xf32, #tpu.memory_space<hbm>>
    tpu.wait_indirect_dma semaphore(%arg34 : memref<!tpu.dma_semaphore, #tpu.memory_space<semaphore_mem>>) src(%dma_wait3A_567 : memref<1000000xf32, #tpu.memory_space<hbm>>) dst(%dma_wait3A_562 : memref<128xf32, #tpu.memory_space<vmem>>)
    %dma_wait3A_568 = arith.constant 0 : i32
    %dma_wait3A_569 = arith.constant 0 : i32
    %dma_wait3A_570 = tpu.memref_slice %arg27[%dma_wait3A_569] : memref<512xf32, #tpu.memory_space<vmem>> -> memref<128xf32, #tpu.memory_space<vmem>>
    %dma_wait3A_571 = arith.constant 0 : i32
    %dma_wait3A_572 = tpu.memref_slice %arg18[%dma_wait3A_568, %dma_wait3A_571] : memref<4x128xi32, #tpu.memory_space<vmem>> -> memref<1x128xi32, #tpu.memory_space<vmem>>
    %dma_wait3A_573 = tpu.memref_squeeze %dma_wait3A_572 : memref<1x128xi32, #tpu.memory_space<vmem>> -> memref<128xi32, #tpu.memory_space<vmem>>
    %dma_wait3A_574 = arith.constant 0 : i32
    %dma_wait3A_575 = tpu.memref_slice %arg12[%dma_wait3A_574] : memref<100000xf32, #tpu.memory_space<hbm>> -> memref<100000xf32, #tpu.memory_space<hbm>>
    tpu.wait_indirect_dma semaphore(%arg34 : memref<!tpu.dma_semaphore, #tpu.memory_space<semaphore_mem>>) src(%dma_wait3A_575 : memref<100000xf32, #tpu.memory_space<hbm>>) dst(%dma_wait3A_570 : memref<128xf32, #tpu.memory_space<vmem>>)
    %dma_wait3A_576 = arith.constant 0 : i32
    %dma_wait3A_577 = arith.constant 0 : i32
    %dma_wait3A_578 = tpu.memref_slice %arg28[%dma_wait3A_577] : memref<512xf32, #tpu.memory_space<vmem>> -> memref<128xf32, #tpu.memory_space<vmem>>
    %dma_wait3A_579 = arith.constant 0 : i32
    %dma_wait3A_580 = tpu.memref_slice %arg19[%dma_wait3A_576, %dma_wait3A_579] : memref<4x128xi32, #tpu.memory_space<vmem>> -> memref<1x128xi32, #tpu.memory_space<vmem>>
    %dma_wait3A_581 = tpu.memref_squeeze %dma_wait3A_580 : memref<1x128xi32, #tpu.memory_space<vmem>> -> memref<128xi32, #tpu.memory_space<vmem>>
    %dma_wait3A_582 = arith.constant 0 : i32
    %dma_wait3A_583 = tpu.memref_slice %arg13[%dma_wait3A_582] : memref<20xf32, #tpu.memory_space<hbm>> -> memref<20xf32, #tpu.memory_space<hbm>>
    tpu.wait_indirect_dma semaphore(%arg34 : memref<!tpu.dma_semaphore, #tpu.memory_space<semaphore_mem>>) src(%dma_wait3A_583 : memref<20xf32, #tpu.memory_space<hbm>>) dst(%dma_wait3A_578 : memref<128xf32, #tpu.memory_space<vmem>>)
    %dma_wait3A_584 = arith.constant 0 : i32
    %dma_wait3A_585 = arith.constant 0 : i32
    %dma_wait3A_586 = tpu.memref_slice %arg29[%dma_wait3A_585] : memref<512xf32, #tpu.memory_space<vmem>> -> memref<128xf32, #tpu.memory_space<vmem>>
    %dma_wait3A_587 = arith.constant 0 : i32
    %dma_wait3A_588 = tpu.memref_slice %arg20[%dma_wait3A_584, %dma_wait3A_587] : memref<4x128xi32, #tpu.memory_space<vmem>> -> memref<1x128xi32, #tpu.memory_space<vmem>>
    %dma_wait3A_589 = tpu.memref_squeeze %dma_wait3A_588 : memref<1x128xi32, #tpu.memory_space<vmem>> -> memref<128xi32, #tpu.memory_space<vmem>>
    %dma_wait3A_590 = arith.constant 0 : i32
    %dma_wait3A_591 = tpu.memref_slice %arg14[%dma_wait3A_590] : memref<12xf32, #tpu.memory_space<hbm>> -> memref<12xf32, #tpu.memory_space<hbm>>
    tpu.wait_indirect_dma semaphore(%arg34 : memref<!tpu.dma_semaphore, #tpu.memory_space<semaphore_mem>>) src(%dma_wait3A_591 : memref<12xf32, #tpu.memory_space<hbm>>) dst(%dma_wait3A_586 : memref<128xf32, #tpu.memory_space<vmem>>)
    %dma_wait3A_592 = arith.constant 1 : i32
    %dma_wait3A_593 = arith.constant 128 : i32
    %dma_wait3A_594 = tpu.memref_slice %arg26[%dma_wait3A_593] : memref<512xf32, #tpu.memory_space<vmem>> -> memref<128xf32, #tpu.memory_space<vmem>>
    %dma_wait3A_595 = arith.constant 0 : i32
    %dma_wait3A_596 = tpu.memref_slice %arg17[%dma_wait3A_592, %dma_wait3A_595] : memref<4x128xi32, #tpu.memory_space<vmem>> -> memref<1x128xi32, #tpu.memory_space<vmem>>
    %dma_wait3A_597 = tpu.memref_squeeze %dma_wait3A_596 : memref<1x128xi32, #tpu.memory_space<vmem>> -> memref<128xi32, #tpu.memory_space<vmem>>
    %dma_wait3A_598 = arith.constant 0 : i32
    %dma_wait3A_599 = tpu.memref_slice %arg11[%dma_wait3A_598] : memref<1000000xf32, #tpu.memory_space<hbm>> -> memref<1000000xf32, #tpu.memory_space<hbm>>
    tpu.wait_indirect_dma semaphore(%arg34 : memref<!tpu.dma_semaphore, #tpu.memory_space<semaphore_mem>>) src(%dma_wait3A_599 : memref<1000000xf32, #tpu.memory_space<hbm>>) dst(%dma_wait3A_594 : memref<128xf32, #tpu.memory_space<vmem>>)
    %dma_wait3A_600 = arith.constant 1 : i32
    %dma_wait3A_601 = arith.constant 128 : i32
    %dma_wait3A_602 = tpu.memref_slice %arg27[%dma_wait3A_601] : memref<512xf32, #tpu.memory_space<vmem>> -> memref<128xf32, #tpu.memory_space<vmem>>
    %dma_wait3A_603 = arith.constant 0 : i32
    %dma_wait3A_604 = tpu.memref_slice %arg18[%dma_wait3A_600, %dma_wait3A_603] : memref<4x128xi32, #tpu.memory_space<vmem>> -> memref<1x128xi32, #tpu.memory_space<vmem>>
    %dma_wait3A_605 = tpu.memref_squeeze %dma_wait3A_604 : memref<1x128xi32, #tpu.memory_space<vmem>> -> memref<128xi32, #tpu.memory_space<vmem>>
    %dma_wait3A_606 = arith.constant 0 : i32
    %dma_wait3A_607 = tpu.memref_slice %arg12[%dma_wait3A_606] : memref<100000xf32, #tpu.memory_space<hbm>> -> memref<100000xf32, #tpu.memory_space<hbm>>
    tpu.wait_indirect_dma semaphore(%arg34 : memref<!tpu.dma_semaphore, #tpu.memory_space<semaphore_mem>>) src(%dma_wait3A_607 : memref<100000xf32, #tpu.memory_space<hbm>>) dst(%dma_wait3A_602 : memref<128xf32, #tpu.memory_space<vmem>>)
    %dma_wait3A_608 = arith.constant 1 : i32
    %dma_wait3A_609 = arith.constant 128 : i32
    %dma_wait3A_610 = tpu.memref_slice %arg28[%dma_wait3A_609] : memref<512xf32, #tpu.memory_space<vmem>> -> memref<128xf32, #tpu.memory_space<vmem>>
    %dma_wait3A_611 = arith.constant 0 : i32
    %dma_wait3A_612 = tpu.memref_slice %arg19[%dma_wait3A_608, %dma_wait3A_611] : memref<4x128xi32, #tpu.memory_space<vmem>> -> memref<1x128xi32, #tpu.memory_space<vmem>>
    %dma_wait3A_613 = tpu.memref_squeeze %dma_wait3A_612 : memref<1x128xi32, #tpu.memory_space<vmem>> -> memref<128xi32, #tpu.memory_space<vmem>>
    %dma_wait3A_614 = arith.constant 0 : i32
    %dma_wait3A_615 = tpu.memref_slice %arg13[%dma_wait3A_614] : memref<20xf32, #tpu.memory_space<hbm>> -> memref<20xf32, #tpu.memory_space<hbm>>
    tpu.wait_indirect_dma semaphore(%arg34 : memref<!tpu.dma_semaphore, #tpu.memory_space<semaphore_mem>>) src(%dma_wait3A_615 : memref<20xf32, #tpu.memory_space<hbm>>) dst(%dma_wait3A_610 : memref<128xf32, #tpu.memory_space<vmem>>)
    %dma_wait3A_616 = arith.constant 1 : i32
    %dma_wait3A_617 = arith.constant 128 : i32
    %dma_wait3A_618 = tpu.memref_slice %arg29[%dma_wait3A_617] : memref<512xf32, #tpu.memory_space<vmem>> -> memref<128xf32, #tpu.memory_space<vmem>>
    %dma_wait3A_619 = arith.constant 0 : i32
    %dma_wait3A_620 = tpu.memref_slice %arg20[%dma_wait3A_616, %dma_wait3A_619] : memref<4x128xi32, #tpu.memory_space<vmem>> -> memref<1x128xi32, #tpu.memory_space<vmem>>
    %dma_wait3A_621 = tpu.memref_squeeze %dma_wait3A_620 : memref<1x128xi32, #tpu.memory_space<vmem>> -> memref<128xi32, #tpu.memory_space<vmem>>
    %dma_wait3A_622 = arith.constant 0 : i32
    %dma_wait3A_623 = tpu.memref_slice %arg14[%dma_wait3A_622] : memref<12xf32, #tpu.memory_space<hbm>> -> memref<12xf32, #tpu.memory_space<hbm>>
    tpu.wait_indirect_dma semaphore(%arg34 : memref<!tpu.dma_semaphore, #tpu.memory_space<semaphore_mem>>) src(%dma_wait3A_623 : memref<12xf32, #tpu.memory_space<hbm>>) dst(%dma_wait3A_618 : memref<128xf32, #tpu.memory_space<vmem>>)
    %dma_wait3A_624 = arith.constant 2 : i32
    %dma_wait3A_625 = arith.constant 256 : i32
    %dma_wait3A_626 = tpu.memref_slice %arg26[%dma_wait3A_625] : memref<512xf32, #tpu.memory_space<vmem>> -> memref<128xf32, #tpu.memory_space<vmem>>
    %dma_wait3A_627 = arith.constant 0 : i32
    %dma_wait3A_628 = tpu.memref_slice %arg17[%dma_wait3A_624, %dma_wait3A_627] : memref<4x128xi32, #tpu.memory_space<vmem>> -> memref<1x128xi32, #tpu.memory_space<vmem>>
    %dma_wait3A_629 = tpu.memref_squeeze %dma_wait3A_628 : memref<1x128xi32, #tpu.memory_space<vmem>> -> memref<128xi32, #tpu.memory_space<vmem>>
    %dma_wait3A_630 = arith.constant 0 : i32
    %dma_wait3A_631 = tpu.memref_slice %arg11[%dma_wait3A_630] : memref<1000000xf32, #tpu.memory_space<hbm>> -> memref<1000000xf32, #tpu.memory_space<hbm>>
    tpu.wait_indirect_dma semaphore(%arg34 : memref<!tpu.dma_semaphore, #tpu.memory_space<semaphore_mem>>) src(%dma_wait3A_631 : memref<1000000xf32, #tpu.memory_space<hbm>>) dst(%dma_wait3A_626 : memref<128xf32, #tpu.memory_space<vmem>>)
    %dma_wait3A_632 = arith.constant 2 : i32
    %dma_wait3A_633 = arith.constant 256 : i32
    %dma_wait3A_634 = tpu.memref_slice %arg27[%dma_wait3A_633] : memref<512xf32, #tpu.memory_space<vmem>> -> memref<128xf32, #tpu.memory_space<vmem>>
    %dma_wait3A_635 = arith.constant 0 : i32
    %dma_wait3A_636 = tpu.memref_slice %arg18[%dma_wait3A_632, %dma_wait3A_635] : memref<4x128xi32, #tpu.memory_space<vmem>> -> memref<1x128xi32, #tpu.memory_space<vmem>>
    %dma_wait3A_637 = tpu.memref_squeeze %dma_wait3A_636 : memref<1x128xi32, #tpu.memory_space<vmem>> -> memref<128xi32, #tpu.memory_space<vmem>>
    %dma_wait3A_638 = arith.constant 0 : i32
    %dma_wait3A_639 = tpu.memref_slice %arg12[%dma_wait3A_638] : memref<100000xf32, #tpu.memory_space<hbm>> -> memref<100000xf32, #tpu.memory_space<hbm>>
    tpu.wait_indirect_dma semaphore(%arg34 : memref<!tpu.dma_semaphore, #tpu.memory_space<semaphore_mem>>) src(%dma_wait3A_639 : memref<100000xf32, #tpu.memory_space<hbm>>) dst(%dma_wait3A_634 : memref<128xf32, #tpu.memory_space<vmem>>)
    %dma_wait3A_640 = arith.constant 2 : i32
    %dma_wait3A_641 = arith.constant 256 : i32
    %dma_wait3A_642 = tpu.memref_slice %arg28[%dma_wait3A_641] : memref<512xf32, #tpu.memory_space<vmem>> -> memref<128xf32, #tpu.memory_space<vmem>>
    %dma_wait3A_643 = arith.constant 0 : i32
    %dma_wait3A_644 = tpu.memref_slice %arg19[%dma_wait3A_640, %dma_wait3A_643] : memref<4x128xi32, #tpu.memory_space<vmem>> -> memref<1x128xi32, #tpu.memory_space<vmem>>
    %dma_wait3A_645 = tpu.memref_squeeze %dma_wait3A_644 : memref<1x128xi32, #tpu.memory_space<vmem>> -> memref<128xi32, #tpu.memory_space<vmem>>
    %dma_wait3A_646 = arith.constant 0 : i32
    %dma_wait3A_647 = tpu.memref_slice %arg13[%dma_wait3A_646] : memref<20xf32, #tpu.memory_space<hbm>> -> memref<20xf32, #tpu.memory_space<hbm>>
    tpu.wait_indirect_dma semaphore(%arg34 : memref<!tpu.dma_semaphore, #tpu.memory_space<semaphore_mem>>) src(%dma_wait3A_647 : memref<20xf32, #tpu.memory_space<hbm>>) dst(%dma_wait3A_642 : memref<128xf32, #tpu.memory_space<vmem>>)
    %dma_wait3A_648 = arith.constant 2 : i32
    %dma_wait3A_649 = arith.constant 256 : i32
    %dma_wait3A_650 = tpu.memref_slice %arg29[%dma_wait3A_649] : memref<512xf32, #tpu.memory_space<vmem>> -> memref<128xf32, #tpu.memory_space<vmem>>
    %dma_wait3A_651 = arith.constant 0 : i32
    %dma_wait3A_652 = tpu.memref_slice %arg20[%dma_wait3A_648, %dma_wait3A_651] : memref<4x128xi32, #tpu.memory_space<vmem>> -> memref<1x128xi32, #tpu.memory_space<vmem>>
    %dma_wait3A_653 = tpu.memref_squeeze %dma_wait3A_652 : memref<1x128xi32, #tpu.memory_space<vmem>> -> memref<128xi32, #tpu.memory_space<vmem>>
    %dma_wait3A_654 = arith.constant 0 : i32
    %dma_wait3A_655 = tpu.memref_slice %arg14[%dma_wait3A_654] : memref<12xf32, #tpu.memory_space<hbm>> -> memref<12xf32, #tpu.memory_space<hbm>>
    tpu.wait_indirect_dma semaphore(%arg34 : memref<!tpu.dma_semaphore, #tpu.memory_space<semaphore_mem>>) src(%dma_wait3A_655 : memref<12xf32, #tpu.memory_space<hbm>>) dst(%dma_wait3A_650 : memref<128xf32, #tpu.memory_space<vmem>>)
    %dma_wait3A_656 = arith.constant 3 : i32
    %dma_wait3A_657 = arith.constant 384 : i32
    %dma_wait3A_658 = tpu.memref_slice %arg26[%dma_wait3A_657] : memref<512xf32, #tpu.memory_space<vmem>> -> memref<128xf32, #tpu.memory_space<vmem>>
    %dma_wait3A_659 = arith.constant 0 : i32
    %dma_wait3A_660 = tpu.memref_slice %arg17[%dma_wait3A_656, %dma_wait3A_659] : memref<4x128xi32, #tpu.memory_space<vmem>> -> memref<1x128xi32, #tpu.memory_space<vmem>>
    %dma_wait3A_661 = tpu.memref_squeeze %dma_wait3A_660 : memref<1x128xi32, #tpu.memory_space<vmem>> -> memref<128xi32, #tpu.memory_space<vmem>>
    %dma_wait3A_662 = arith.constant 0 : i32
    %dma_wait3A_663 = tpu.memref_slice %arg11[%dma_wait3A_662] : memref<1000000xf32, #tpu.memory_space<hbm>> -> memref<1000000xf32, #tpu.memory_space<hbm>>
    tpu.wait_indirect_dma semaphore(%arg34 : memref<!tpu.dma_semaphore, #tpu.memory_space<semaphore_mem>>) src(%dma_wait3A_663 : memref<1000000xf32, #tpu.memory_space<hbm>>) dst(%dma_wait3A_658 : memref<128xf32, #tpu.memory_space<vmem>>)
    %dma_wait3A_664 = arith.constant 3 : i32
    %dma_wait3A_665 = arith.constant 384 : i32
    %dma_wait3A_666 = tpu.memref_slice %arg27[%dma_wait3A_665] : memref<512xf32, #tpu.memory_space<vmem>> -> memref<128xf32, #tpu.memory_space<vmem>>
    %dma_wait3A_667 = arith.constant 0 : i32
    %dma_wait3A_668 = tpu.memref_slice %arg18[%dma_wait3A_664, %dma_wait3A_667] : memref<4x128xi32, #tpu.memory_space<vmem>> -> memref<1x128xi32, #tpu.memory_space<vmem>>
    %dma_wait3A_669 = tpu.memref_squeeze %dma_wait3A_668 : memref<1x128xi32, #tpu.memory_space<vmem>> -> memref<128xi32, #tpu.memory_space<vmem>>
    %dma_wait3A_670 = arith.constant 0 : i32
    %dma_wait3A_671 = tpu.memref_slice %arg12[%dma_wait3A_670] : memref<100000xf32, #tpu.memory_space<hbm>> -> memref<100000xf32, #tpu.memory_space<hbm>>
    tpu.wait_indirect_dma semaphore(%arg34 : memref<!tpu.dma_semaphore, #tpu.memory_space<semaphore_mem>>) src(%dma_wait3A_671 : memref<100000xf32, #tpu.memory_space<hbm>>) dst(%dma_wait3A_666 : memref<128xf32, #tpu.memory_space<vmem>>)
    %dma_wait3A_672 = arith.constant 3 : i32
    %dma_wait3A_673 = arith.constant 384 : i32
    %dma_wait3A_674 = tpu.memref_slice %arg28[%dma_wait3A_673] : memref<512xf32, #tpu.memory_space<vmem>> -> memref<128xf32, #tpu.memory_space<vmem>>
    %dma_wait3A_675 = arith.constant 0 : i32
    %dma_wait3A_676 = tpu.memref_slice %arg19[%dma_wait3A_672, %dma_wait3A_675] : memref<4x128xi32, #tpu.memory_space<vmem>> -> memref<1x128xi32, #tpu.memory_space<vmem>>
    %dma_wait3A_677 = tpu.memref_squeeze %dma_wait3A_676 : memref<1x128xi32, #tpu.memory_space<vmem>> -> memref<128xi32, #tpu.memory_space<vmem>>
    %dma_wait3A_678 = arith.constant 0 : i32
    %dma_wait3A_679 = tpu.memref_slice %arg13[%dma_wait3A_678] : memref<20xf32, #tpu.memory_space<hbm>> -> memref<20xf32, #tpu.memory_space<hbm>>
    tpu.wait_indirect_dma semaphore(%arg34 : memref<!tpu.dma_semaphore, #tpu.memory_space<semaphore_mem>>) src(%dma_wait3A_679 : memref<20xf32, #tpu.memory_space<hbm>>) dst(%dma_wait3A_674 : memref<128xf32, #tpu.memory_space<vmem>>)
    %dma_wait3A_680 = arith.constant 3 : i32
    %dma_wait3A_681 = arith.constant 384 : i32
    %dma_wait3A_682 = tpu.memref_slice %arg29[%dma_wait3A_681] : memref<512xf32, #tpu.memory_space<vmem>> -> memref<128xf32, #tpu.memory_space<vmem>>
    %dma_wait3A_683 = arith.constant 0 : i32
    %dma_wait3A_684 = tpu.memref_slice %arg20[%dma_wait3A_680, %dma_wait3A_683] : memref<4x128xi32, #tpu.memory_space<vmem>> -> memref<1x128xi32, #tpu.memory_space<vmem>>
    %dma_wait3A_685 = tpu.memref_squeeze %dma_wait3A_684 : memref<1x128xi32, #tpu.memory_space<vmem>> -> memref<128xi32, #tpu.memory_space<vmem>>
    %dma_wait3A_686 = arith.constant 0 : i32
    %dma_wait3A_687 = tpu.memref_slice %arg14[%dma_wait3A_686] : memref<12xf32, #tpu.memory_space<hbm>> -> memref<12xf32, #tpu.memory_space<hbm>>
    tpu.wait_indirect_dma semaphore(%arg34 : memref<!tpu.dma_semaphore, #tpu.memory_space<semaphore_mem>>) src(%dma_wait3A_687 : memref<12xf32, #tpu.memory_space<hbm>>) dst(%dma_wait3A_682 : memref<128xf32, #tpu.memory_space<vmem>>)
    %get3A_688 = arith.constant 0 : index
    %get3A_689 = tpu.vector_load %arg26[%get3A_688] {strides = array<i32>} : memref<512xf32, #tpu.memory_space<vmem>>, vector<16xf32>,
    %get3A_690 = vector.shape_cast %get3A_689 : vector<16xf32> to vector<16xf32>
    %get3A_691 = arith.constant 0 : index
    %get3A_692 = tpu.vector_load %arg27[%get3A_691] {strides = array<i32>} : memref<512xf32, #tpu.memory_space<vmem>>, vector<16xf32>,
    %get3A_693 = vector.shape_cast %get3A_692 : vector<16xf32> to vector<16xf32>
    %add3A_694 = arith.addf %get3A_690, %get3A_693 : vector<16xf32>
    %get3A_695 = arith.constant 0 : index
    %get3A_696 = tpu.vector_load %arg28[%get3A_695] {strides = array<i32>} : memref<512xf32, #tpu.memory_space<vmem>>, vector<16xf32>,
    %get3A_697 = vector.shape_cast %get3A_696 : vector<16xf32> to vector<16xf32>
    %add3A_698 = arith.addf %add3A_694, %get3A_697 : vector<16xf32>
    %get3A_699 = arith.constant 0 : index
    %get3A_700 = tpu.vector_load %arg29[%get3A_699] {strides = array<i32>} : memref<512xf32, #tpu.memory_space<vmem>>, vector<16xf32>,
    %get3A_701 = vector.shape_cast %get3A_700 : vector<16xf32> to vector<16xf32>
    %add3A_702 = arith.addf %add3A_698, %get3A_701 : vector<16xf32>
    %swap3A = arith.constant 0 : index
    %swap3A_703 = tpu.vector_load %arg30[%swap3A] {strides = array<i32>} : memref<512xf32, #tpu.memory_space<vmem>>, vector<16xf32>,
    %swap3A_704 = vector.shape_cast %swap3A_703 : vector<16xf32> to vector<16xf32>
    %swap3A_705 = vector.shape_cast %add3A_702 : vector<16xf32> to vector<16xf32>
    tpu.vector_store %arg30[%swap3A], %swap3A_705 {strides = array<i32>} : memref<512xf32, #tpu.memory_space<vmem>>, vector<16xf32>,
    %get3A_706 = arith.constant 16 : index
    %get3A_707 = tpu.vector_load %arg26[%get3A_706] {strides = array<i32>} : memref<512xf32, #tpu.memory_space<vmem>>, vector<16xf32>,
    %get3A_708 = vector.shape_cast %get3A_707 : vector<16xf32> to vector<16xf32>
    %get3A_709 = arith.constant 16 : index
    %get3A_710 = tpu.vector_load %arg27[%get3A_709] {strides = array<i32>} : memref<512xf32, #tpu.memory_space<vmem>>, vector<16xf32>,
    %get3A_711 = vector.shape_cast %get3A_710 : vector<16xf32> to vector<16xf32>
    %add3A_712 = arith.addf %get3A_708, %get3A_711 : vector<16xf32>
    %get3A_713 = arith.constant 16 : index
    %get3A_714 = tpu.vector_load %arg28[%get3A_713] {strides = array<i32>} : memref<512xf32, #tpu.memory_space<vmem>>, vector<16xf32>,
    %get3A_715 = vector.shape_cast %get3A_714 : vector<16xf32> to vector<16xf32>
    %add3A_716 = arith.addf %add3A_712, %get3A_715 : vector<16xf32>
    %get3A_717 = arith.constant 16 : index
    %get3A_718 = tpu.vector_load %arg29[%get3A_717] {strides = array<i32>} : memref<512xf32, #tpu.memory_space<vmem>>, vector<16xf32>,
    %get3A_719 = vector.shape_cast %get3A_718 : vector<16xf32> to vector<16xf32>
    %add3A_720 = arith.addf %add3A_716, %get3A_719 : vector<16xf32>
    %swap3A_721 = arith.constant 16 : index
    %swap3A_722 = tpu.vector_load %arg30[%swap3A_721] {strides = array<i32>} : memref<512xf32, #tpu.memory_space<vmem>>, vector<16xf32>,
    %swap3A_723 = vector.shape_cast %swap3A_722 : vector<16xf32> to vector<16xf32>
    %swap3A_724 = vector.shape_cast %add3A_720 : vector<16xf32> to vector<16xf32>
    tpu.vector_store %arg30[%swap3A_721], %swap3A_724 {strides = array<i32>} : memref<512xf32, #tpu.memory_space<vmem>>, vector<16xf32>,
    %get3A_725 = arith.constant 32 : index
    %get3A_726 = tpu.vector_load %arg26[%get3A_725] {strides = array<i32>} : memref<512xf32, #tpu.memory_space<vmem>>, vector<16xf32>,
    %get3A_727 = vector.shape_cast %get3A_726 : vector<16xf32> to vector<16xf32>
    %get3A_728 = arith.constant 32 : index
    %get3A_729 = tpu.vector_load %arg27[%get3A_728] {strides = array<i32>} : memref<512xf32, #tpu.memory_space<vmem>>, vector<16xf32>,
    %get3A_730 = vector.shape_cast %get3A_729 : vector<16xf32> to vector<16xf32>
    %add3A_731 = arith.addf %get3A_727, %get3A_730 : vector<16xf32>
    %get3A_732 = arith.constant 32 : index
    %get3A_733 = tpu.vector_load %arg28[%get3A_732] {strides = array<i32>} : memref<512xf32, #tpu.memory_space<vmem>>, vector<16xf32>,
    %get3A_734 = vector.shape_cast %get3A_733 : vector<16xf32> to vector<16xf32>
    %add3A_735 = arith.addf %add3A_731, %get3A_734 : vector<16xf32>
    %get3A_736 = arith.constant 32 : index
    %get3A_737 = tpu.vector_load %arg29[%get3A_736] {strides = array<i32>} : memref<512xf32, #tpu.memory_space<vmem>>, vector<16xf32>,
    %get3A_738 = vector.shape_cast %get3A_737 : vector<16xf32> to vector<16xf32>
    %add3A_739 = arith.addf %add3A_735, %get3A_738 : vector<16xf32>
    %swap3A_740 = arith.constant 32 : index
    %swap3A_741 = tpu.vector_load %arg30[%swap3A_740] {strides = array<i32>} : memref<512xf32, #tpu.memory_space<vmem>>, vector<16xf32>,
    %swap3A_742 = vector.shape_cast %swap3A_741 : vector<16xf32> to vector<16xf32>
    %swap3A_743 = vector.shape_cast %add3A_739 : vector<16xf32> to vector<16xf32>
    tpu.vector_store %arg30[%swap3A_740], %swap3A_743 {strides = array<i32>} : memref<512xf32, #tpu.memory_space<vmem>>, vector<16xf32>,
    %get3A_744 = arith.constant 48 : index
    %get3A_745 = tpu.vector_load %arg26[%get3A_744] {strides = array<i32>} : memref<512xf32, #tpu.memory_space<vmem>>, vector<16xf32>,
    %get3A_746 = vector.shape_cast %get3A_745 : vector<16xf32> to vector<16xf32>
    %get3A_747 = arith.constant 48 : index
    %get3A_748 = tpu.vector_load %arg27[%get3A_747] {strides = array<i32>} : memref<512xf32, #tpu.memory_space<vmem>>, vector<16xf32>,
    %get3A_749 = vector.shape_cast %get3A_748 : vector<16xf32> to vector<16xf32>
    %add3A_750 = arith.addf %get3A_746, %get3A_749 : vector<16xf32>
    %get3A_751 = arith.constant 48 : index
    %get3A_752 = tpu.vector_load %arg28[%get3A_751] {strides = array<i32>} : memref<512xf32, #tpu.memory_space<vmem>>, vector<16xf32>,
    %get3A_753 = vector.shape_cast %get3A_752 : vector<16xf32> to vector<16xf32>
    %add3A_754 = arith.addf %add3A_750, %get3A_753 : vector<16xf32>
    %get3A_755 = arith.constant 48 : index
    %get3A_756 = tpu.vector_load %arg29[%get3A_755] {strides = array<i32>} : memref<512xf32, #tpu.memory_space<vmem>>, vector<16xf32>,
    %get3A_757 = vector.shape_cast %get3A_756 : vector<16xf32> to vector<16xf32>
    %add3A_758 = arith.addf %add3A_754, %get3A_757 : vector<16xf32>
    %swap3A_759 = arith.constant 48 : index
    %swap3A_760 = tpu.vector_load %arg30[%swap3A_759] {strides = array<i32>} : memref<512xf32, #tpu.memory_space<vmem>>, vector<16xf32>,
    %swap3A_761 = vector.shape_cast %swap3A_760 : vector<16xf32> to vector<16xf32>
    %swap3A_762 = vector.shape_cast %add3A_758 : vector<16xf32> to vector<16xf32>
    tpu.vector_store %arg30[%swap3A_759], %swap3A_762 {strides = array<i32>} : memref<512xf32, #tpu.memory_space<vmem>>, vector<16xf32>,
    %get3A_763 = arith.constant 64 : index
    %get3A_764 = tpu.vector_load %arg26[%get3A_763] {strides = array<i32>} : memref<512xf32, #tpu.memory_space<vmem>>, vector<16xf32>,
    %get3A_765 = vector.shape_cast %get3A_764 : vector<16xf32> to vector<16xf32>
    %get3A_766 = arith.constant 64 : index
    %get3A_767 = tpu.vector_load %arg27[%get3A_766] {strides = array<i32>} : memref<512xf32, #tpu.memory_space<vmem>>, vector<16xf32>,
    %get3A_768 = vector.shape_cast %get3A_767 : vector<16xf32> to vector<16xf32>
    %add3A_769 = arith.addf %get3A_765, %get3A_768 : vector<16xf32>
    %get3A_770 = arith.constant 64 : index
    %get3A_771 = tpu.vector_load %arg28[%get3A_770] {strides = array<i32>} : memref<512xf32, #tpu.memory_space<vmem>>, vector<16xf32>,
    %get3A_772 = vector.shape_cast %get3A_771 : vector<16xf32> to vector<16xf32>
    %add3A_773 = arith.addf %add3A_769, %get3A_772 : vector<16xf32>
    %get3A_774 = arith.constant 64 : index
    %get3A_775 = tpu.vector_load %arg29[%get3A_774] {strides = array<i32>} : memref<512xf32, #tpu.memory_space<vmem>>, vector<16xf32>,
    %get3A_776 = vector.shape_cast %get3A_775 : vector<16xf32> to vector<16xf32>
    %add3A_777 = arith.addf %add3A_773, %get3A_776 : vector<16xf32>
    %swap3A_778 = arith.constant 64 : index
    %swap3A_779 = tpu.vector_load %arg30[%swap3A_778] {strides = array<i32>} : memref<512xf32, #tpu.memory_space<vmem>>, vector<16xf32>,
    %swap3A_780 = vector.shape_cast %swap3A_779 : vector<16xf32> to vector<16xf32>
    %swap3A_781 = vector.shape_cast %add3A_777 : vector<16xf32> to vector<16xf32>
    tpu.vector_store %arg30[%swap3A_778], %swap3A_781 {strides = array<i32>} : memref<512xf32, #tpu.memory_space<vmem>>, vector<16xf32>,
    %get3A_782 = arith.constant 80 : index
    %get3A_783 = tpu.vector_load %arg26[%get3A_782] {strides = array<i32>} : memref<512xf32, #tpu.memory_space<vmem>>, vector<16xf32>,
    %get3A_784 = vector.shape_cast %get3A_783 : vector<16xf32> to vector<16xf32>
    %get3A_785 = arith.constant 80 : index
    %get3A_786 = tpu.vector_load %arg27[%get3A_785] {strides = array<i32>} : memref<512xf32, #tpu.memory_space<vmem>>, vector<16xf32>,
    %get3A_787 = vector.shape_cast %get3A_786 : vector<16xf32> to vector<16xf32>
    %add3A_788 = arith.addf %get3A_784, %get3A_787 : vector<16xf32>
    %get3A_789 = arith.constant 80 : index
    %get3A_790 = tpu.vector_load %arg28[%get3A_789] {strides = array<i32>} : memref<512xf32, #tpu.memory_space<vmem>>, vector<16xf32>,
    %get3A_791 = vector.shape_cast %get3A_790 : vector<16xf32> to vector<16xf32>
    %add3A_792 = arith.addf %add3A_788, %get3A_791 : vector<16xf32>
    %get3A_793 = arith.constant 80 : index
    %get3A_794 = tpu.vector_load %arg29[%get3A_793] {strides = array<i32>} : memref<512xf32, #tpu.memory_space<vmem>>, vector<16xf32>,
    %get3A_795 = vector.shape_cast %get3A_794 : vector<16xf32> to vector<16xf32>
    %add3A_796 = arith.addf %add3A_792, %get3A_795 : vector<16xf32>
    %swap3A_797 = arith.constant 80 : index
    %swap3A_798 = tpu.vector_load %arg30[%swap3A_797] {strides = array<i32>} : memref<512xf32, #tpu.memory_space<vmem>>, vector<16xf32>,
    %swap3A_799 = vector.shape_cast %swap3A_798 : vector<16xf32> to vector<16xf32>
    %swap3A_800 = vector.shape_cast %add3A_796 : vector<16xf32> to vector<16xf32>
    tpu.vector_store %arg30[%swap3A_797], %swap3A_800 {strides = array<i32>} : memref<512xf32, #tpu.memory_space<vmem>>, vector<16xf32>,
    %get3A_801 = arith.constant 96 : index
    %get3A_802 = tpu.vector_load %arg26[%get3A_801] {strides = array<i32>} : memref<512xf32, #tpu.memory_space<vmem>>, vector<16xf32>,
    %get3A_803 = vector.shape_cast %get3A_802 : vector<16xf32> to vector<16xf32>
    %get3A_804 = arith.constant 96 : index
    %get3A_805 = tpu.vector_load %arg27[%get3A_804] {strides = array<i32>} : memref<512xf32, #tpu.memory_space<vmem>>, vector<16xf32>,
    %get3A_806 = vector.shape_cast %get3A_805 : vector<16xf32> to vector<16xf32>
    %add3A_807 = arith.addf %get3A_803, %get3A_806 : vector<16xf32>
    %get3A_808 = arith.constant 96 : index
    %get3A_809 = tpu.vector_load %arg28[%get3A_808] {strides = array<i32>} : memref<512xf32, #tpu.memory_space<vmem>>, vector<16xf32>,
    %get3A_810 = vector.shape_cast %get3A_809 : vector<16xf32> to vector<16xf32>
    %add3A_811 = arith.addf %add3A_807, %get3A_810 : vector<16xf32>
    %get3A_812 = arith.constant 96 : index
    %get3A_813 = tpu.vector_load %arg29[%get3A_812] {strides = array<i32>} : memref<512xf32, #tpu.memory_space<vmem>>, vector<16xf32>,
    %get3A_814 = vector.shape_cast %get3A_813 : vector<16xf32> to vector<16xf32>
    %add3A_815 = arith.addf %add3A_811, %get3A_814 : vector<16xf32>
    %swap3A_816 = arith.constant 96 : index
    %swap3A_817 = tpu.vector_load %arg30[%swap3A_816] {strides = array<i32>} : memref<512xf32, #tpu.memory_space<vmem>>, vector<16xf32>,
    %swap3A_818 = vector.shape_cast %swap3A_817 : vector<16xf32> to vector<16xf32>
    %swap3A_819 = vector.shape_cast %add3A_815 : vector<16xf32> to vector<16xf32>
    tpu.vector_store %arg30[%swap3A_816], %swap3A_819 {strides = array<i32>} : memref<512xf32, #tpu.memory_space<vmem>>, vector<16xf32>,
    %get3A_820 = arith.constant 112 : index
    %get3A_821 = tpu.vector_load %arg26[%get3A_820] {strides = array<i32>} : memref<512xf32, #tpu.memory_space<vmem>>, vector<16xf32>,
    %get3A_822 = vector.shape_cast %get3A_821 : vector<16xf32> to vector<16xf32>
    %get3A_823 = arith.constant 112 : index
    %get3A_824 = tpu.vector_load %arg27[%get3A_823] {strides = array<i32>} : memref<512xf32, #tpu.memory_space<vmem>>, vector<16xf32>,
    %get3A_825 = vector.shape_cast %get3A_824 : vector<16xf32> to vector<16xf32>
    %add3A_826 = arith.addf %get3A_822, %get3A_825 : vector<16xf32>
    %get3A_827 = arith.constant 112 : index
    %get3A_828 = tpu.vector_load %arg28[%get3A_827] {strides = array<i32>} : memref<512xf32, #tpu.memory_space<vmem>>, vector<16xf32>,
    %get3A_829 = vector.shape_cast %get3A_828 : vector<16xf32> to vector<16xf32>
    %add3A_830 = arith.addf %add3A_826, %get3A_829 : vector<16xf32>
    %get3A_831 = arith.constant 112 : index
    %get3A_832 = tpu.vector_load %arg29[%get3A_831] {strides = array<i32>} : memref<512xf32, #tpu.memory_space<vmem>>, vector<16xf32>,
    %get3A_833 = vector.shape_cast %get3A_832 : vector<16xf32> to vector<16xf32>
    %add3A_834 = arith.addf %add3A_830, %get3A_833 : vector<16xf32>
    %swap3A_835 = arith.constant 112 : index
    %swap3A_836 = tpu.vector_load %arg30[%swap3A_835] {strides = array<i32>} : memref<512xf32, #tpu.memory_space<vmem>>, vector<16xf32>,
    %swap3A_837 = vector.shape_cast %swap3A_836 : vector<16xf32> to vector<16xf32>
    %swap3A_838 = vector.shape_cast %add3A_834 : vector<16xf32> to vector<16xf32>
    tpu.vector_store %arg30[%swap3A_835], %swap3A_838 {strides = array<i32>} : memref<512xf32, #tpu.memory_space<vmem>>, vector<16xf32>,
    %get3A_839 = arith.constant 128 : index
    %get3A_840 = tpu.vector_load %arg26[%get3A_839] {strides = array<i32>} : memref<512xf32, #tpu.memory_space<vmem>>, vector<16xf32>,
    %get3A_841 = vector.shape_cast %get3A_840 : vector<16xf32> to vector<16xf32>
    %get3A_842 = arith.constant 128 : index
    %get3A_843 = tpu.vector_load %arg27[%get3A_842] {strides = array<i32>} : memref<512xf32, #tpu.memory_space<vmem>>, vector<16xf32>,
    %get3A_844 = vector.shape_cast %get3A_843 : vector<16xf32> to vector<16xf32>
    %add3A_845 = arith.addf %get3A_841, %get3A_844 : vector<16xf32>
    %get3A_846 = arith.constant 128 : index
    %get3A_847 = tpu.vector_load %arg28[%get3A_846] {strides = array<i32>} : memref<512xf32, #tpu.memory_space<vmem>>, vector<16xf32>,
    %get3A_848 = vector.shape_cast %get3A_847 : vector<16xf32> to vector<16xf32>
    %add3A_849 = arith.addf %add3A_845, %get3A_848 : vector<16xf32>
    %get3A_850 = arith.constant 128 : index
    %get3A_851 = tpu.vector_load %arg29[%get3A_850] {strides = array<i32>} : memref<512xf32, #tpu.memory_space<vmem>>, vector<16xf32>,
    %get3A_852 = vector.shape_cast %get3A_851 : vector<16xf32> to vector<16xf32>
    %add3A_853 = arith.addf %add3A_849, %get3A_852 : vector<16xf32>
    %swap3A_854 = arith.constant 128 : index
    %swap3A_855 = tpu.vector_load %arg30[%swap3A_854] {strides = array<i32>} : memref<512xf32, #tpu.memory_space<vmem>>, vector<16xf32>,
    %swap3A_856 = vector.shape_cast %swap3A_855 : vector<16xf32> to vector<16xf32>
    %swap3A_857 = vector.shape_cast %add3A_853 : vector<16xf32> to vector<16xf32>
    tpu.vector_store %arg30[%swap3A_854], %swap3A_857 {strides = array<i32>} : memref<512xf32, #tpu.memory_space<vmem>>, vector<16xf32>,
    %get3A_858 = arith.constant 144 : index
    %get3A_859 = tpu.vector_load %arg26[%get3A_858] {strides = array<i32>} : memref<512xf32, #tpu.memory_space<vmem>>, vector<16xf32>,
    %get3A_860 = vector.shape_cast %get3A_859 : vector<16xf32> to vector<16xf32>
    %get3A_861 = arith.constant 144 : index
    %get3A_862 = tpu.vector_load %arg27[%get3A_861] {strides = array<i32>} : memref<512xf32, #tpu.memory_space<vmem>>, vector<16xf32>,
    %get3A_863 = vector.shape_cast %get3A_862 : vector<16xf32> to vector<16xf32>
    %add3A_864 = arith.addf %get3A_860, %get3A_863 : vector<16xf32>
    %get3A_865 = arith.constant 144 : index
    %get3A_866 = tpu.vector_load %arg28[%get3A_865] {strides = array<i32>} : memref<512xf32, #tpu.memory_space<vmem>>, vector<16xf32>,
    %get3A_867 = vector.shape_cast %get3A_866 : vector<16xf32> to vector<16xf32>
    %add3A_868 = arith.addf %add3A_864, %get3A_867 : vector<16xf32>
    %get3A_869 = arith.constant 144 : index
    %get3A_870 = tpu.vector_load %arg29[%get3A_869] {strides = array<i32>} : memref<512xf32, #tpu.memory_space<vmem>>, vector<16xf32>,
    %get3A_871 = vector.shape_cast %get3A_870 : vector<16xf32> to vector<16xf32>
    %add3A_872 = arith.addf %add3A_868, %get3A_871 : vector<16xf32>
    %swap3A_873 = arith.constant 144 : index
    %swap3A_874 = tpu.vector_load %arg30[%swap3A_873] {strides = array<i32>} : memref<512xf32, #tpu.memory_space<vmem>>, vector<16xf32>,
    %swap3A_875 = vector.shape_cast %swap3A_874 : vector<16xf32> to vector<16xf32>
    %swap3A_876 = vector.shape_cast %add3A_872 : vector<16xf32> to vector<16xf32>
    tpu.vector_store %arg30[%swap3A_873], %swap3A_876 {strides = array<i32>} : memref<512xf32, #tpu.memory_space<vmem>>, vector<16xf32>,
    %get3A_877 = arith.constant 160 : index
    %get3A_878 = tpu.vector_load %arg26[%get3A_877] {strides = array<i32>} : memref<512xf32, #tpu.memory_space<vmem>>, vector<16xf32>,
    %get3A_879 = vector.shape_cast %get3A_878 : vector<16xf32> to vector<16xf32>
    %get3A_880 = arith.constant 160 : index
    %get3A_881 = tpu.vector_load %arg27[%get3A_880] {strides = array<i32>} : memref<512xf32, #tpu.memory_space<vmem>>, vector<16xf32>,
    %get3A_882 = vector.shape_cast %get3A_881 : vector<16xf32> to vector<16xf32>
    %add3A_883 = arith.addf %get3A_879, %get3A_882 : vector<16xf32>
    %get3A_884 = arith.constant 160 : index
    %get3A_885 = tpu.vector_load %arg28[%get3A_884] {strides = array<i32>} : memref<512xf32, #tpu.memory_space<vmem>>, vector<16xf32>,
    %get3A_886 = vector.shape_cast %get3A_885 : vector<16xf32> to vector<16xf32>
    %add3A_887 = arith.addf %add3A_883, %get3A_886 : vector<16xf32>
    %get3A_888 = arith.constant 160 : index
    %get3A_889 = tpu.vector_load %arg29[%get3A_888] {strides = array<i32>} : memref<512xf32, #tpu.memory_space<vmem>>, vector<16xf32>,
    %get3A_890 = vector.shape_cast %get3A_889 : vector<16xf32> to vector<16xf32>
    %add3A_891 = arith.addf %add3A_887, %get3A_890 : vector<16xf32>
    %swap3A_892 = arith.constant 160 : index
    %swap3A_893 = tpu.vector_load %arg30[%swap3A_892] {strides = array<i32>} : memref<512xf32, #tpu.memory_space<vmem>>, vector<16xf32>,
    %swap3A_894 = vector.shape_cast %swap3A_893 : vector<16xf32> to vector<16xf32>
    %swap3A_895 = vector.shape_cast %add3A_891 : vector<16xf32> to vector<16xf32>
    tpu.vector_store %arg30[%swap3A_892], %swap3A_895 {strides = array<i32>} : memref<512xf32, #tpu.memory_space<vmem>>, vector<16xf32>,
    %get3A_896 = arith.constant 176 : index
    %get3A_897 = tpu.vector_load %arg26[%get3A_896] {strides = array<i32>} : memref<512xf32, #tpu.memory_space<vmem>>, vector<16xf32>,
    %get3A_898 = vector.shape_cast %get3A_897 : vector<16xf32> to vector<16xf32>
    %get3A_899 = arith.constant 176 : index
    %get3A_900 = tpu.vector_load %arg27[%get3A_899] {strides = array<i32>} : memref<512xf32, #tpu.memory_space<vmem>>, vector<16xf32>,
    %get3A_901 = vector.shape_cast %get3A_900 : vector<16xf32> to vector<16xf32>
    %add3A_902 = arith.addf %get3A_898, %get3A_901 : vector<16xf32>
    %get3A_903 = arith.constant 176 : index
    %get3A_904 = tpu.vector_load %arg28[%get3A_903] {strides = array<i32>} : memref<512xf32, #tpu.memory_space<vmem>>, vector<16xf32>,
    %get3A_905 = vector.shape_cast %get3A_904 : vector<16xf32> to vector<16xf32>
    %add3A_906 = arith.addf %add3A_902, %get3A_905 : vector<16xf32>
    %get3A_907 = arith.constant 176 : index
    %get3A_908 = tpu.vector_load %arg29[%get3A_907] {strides = array<i32>} : memref<512xf32, #tpu.memory_space<vmem>>, vector<16xf32>,
    %get3A_909 = vector.shape_cast %get3A_908 : vector<16xf32> to vector<16xf32>
    %add3A_910 = arith.addf %add3A_906, %get3A_909 : vector<16xf32>
    %swap3A_911 = arith.constant 176 : index
    %swap3A_912 = tpu.vector_load %arg30[%swap3A_911] {strides = array<i32>} : memref<512xf32, #tpu.memory_space<vmem>>, vector<16xf32>,
    %swap3A_913 = vector.shape_cast %swap3A_912 : vector<16xf32> to vector<16xf32>
    %swap3A_914 = vector.shape_cast %add3A_910 : vector<16xf32> to vector<16xf32>
    tpu.vector_store %arg30[%swap3A_911], %swap3A_914 {strides = array<i32>} : memref<512xf32, #tpu.memory_space<vmem>>, vector<16xf32>,
    %get3A_915 = arith.constant 192 : index
    %get3A_916 = tpu.vector_load %arg26[%get3A_915] {strides = array<i32>} : memref<512xf32, #tpu.memory_space<vmem>>, vector<16xf32>,
    %get3A_917 = vector.shape_cast %get3A_916 : vector<16xf32> to vector<16xf32>
    %get3A_918 = arith.constant 192 : index
    %get3A_919 = tpu.vector_load %arg27[%get3A_918] {strides = array<i32>} : memref<512xf32, #tpu.memory_space<vmem>>, vector<16xf32>,
    %get3A_920 = vector.shape_cast %get3A_919 : vector<16xf32> to vector<16xf32>
    %add3A_921 = arith.addf %get3A_917, %get3A_920 : vector<16xf32>
    %get3A_922 = arith.constant 192 : index
    %get3A_923 = tpu.vector_load %arg28[%get3A_922] {strides = array<i32>} : memref<512xf32, #tpu.memory_space<vmem>>, vector<16xf32>,
    %get3A_924 = vector.shape_cast %get3A_923 : vector<16xf32> to vector<16xf32>
    %add3A_925 = arith.addf %add3A_921, %get3A_924 : vector<16xf32>
    %get3A_926 = arith.constant 192 : index
    %get3A_927 = tpu.vector_load %arg29[%get3A_926] {strides = array<i32>} : memref<512xf32, #tpu.memory_space<vmem>>, vector<16xf32>,
    %get3A_928 = vector.shape_cast %get3A_927 : vector<16xf32> to vector<16xf32>
    %add3A_929 = arith.addf %add3A_925, %get3A_928 : vector<16xf32>
    %swap3A_930 = arith.constant 192 : index
    %swap3A_931 = tpu.vector_load %arg30[%swap3A_930] {strides = array<i32>} : memref<512xf32, #tpu.memory_space<vmem>>, vector<16xf32>,
    %swap3A_932 = vector.shape_cast %swap3A_931 : vector<16xf32> to vector<16xf32>
    %swap3A_933 = vector.shape_cast %add3A_929 : vector<16xf32> to vector<16xf32>
    tpu.vector_store %arg30[%swap3A_930], %swap3A_933 {strides = array<i32>} : memref<512xf32, #tpu.memory_space<vmem>>, vector<16xf32>,
    %get3A_934 = arith.constant 208 : index
    %get3A_935 = tpu.vector_load %arg26[%get3A_934] {strides = array<i32>} : memref<512xf32, #tpu.memory_space<vmem>>, vector<16xf32>,
    %get3A_936 = vector.shape_cast %get3A_935 : vector<16xf32> to vector<16xf32>
    %get3A_937 = arith.constant 208 : index
    %get3A_938 = tpu.vector_load %arg27[%get3A_937] {strides = array<i32>} : memref<512xf32, #tpu.memory_space<vmem>>, vector<16xf32>,
    %get3A_939 = vector.shape_cast %get3A_938 : vector<16xf32> to vector<16xf32>
    %add3A_940 = arith.addf %get3A_936, %get3A_939 : vector<16xf32>
    %get3A_941 = arith.constant 208 : index
    %get3A_942 = tpu.vector_load %arg28[%get3A_941] {strides = array<i32>} : memref<512xf32, #tpu.memory_space<vmem>>, vector<16xf32>,
    %get3A_943 = vector.shape_cast %get3A_942 : vector<16xf32> to vector<16xf32>
    %add3A_944 = arith.addf %add3A_940, %get3A_943 : vector<16xf32>
    %get3A_945 = arith.constant 208 : index
    %get3A_946 = tpu.vector_load %arg29[%get3A_945] {strides = array<i32>} : memref<512xf32, #tpu.memory_space<vmem>>, vector<16xf32>,
    %get3A_947 = vector.shape_cast %get3A_946 : vector<16xf32> to vector<16xf32>
    %add3A_948 = arith.addf %add3A_944, %get3A_947 : vector<16xf32>
    %swap3A_949 = arith.constant 208 : index
    %swap3A_950 = tpu.vector_load %arg30[%swap3A_949] {strides = array<i32>} : memref<512xf32, #tpu.memory_space<vmem>>, vector<16xf32>,
    %swap3A_951 = vector.shape_cast %swap3A_950 : vector<16xf32> to vector<16xf32>
    %swap3A_952 = vector.shape_cast %add3A_948 : vector<16xf32> to vector<16xf32>
    tpu.vector_store %arg30[%swap3A_949], %swap3A_952 {strides = array<i32>} : memref<512xf32, #tpu.memory_space<vmem>>, vector<16xf32>,
    %get3A_953 = arith.constant 224 : index
    %get3A_954 = tpu.vector_load %arg26[%get3A_953] {strides = array<i32>} : memref<512xf32, #tpu.memory_space<vmem>>, vector<16xf32>,
    %get3A_955 = vector.shape_cast %get3A_954 : vector<16xf32> to vector<16xf32>
    %get3A_956 = arith.constant 224 : index
    %get3A_957 = tpu.vector_load %arg27[%get3A_956] {strides = array<i32>} : memref<512xf32, #tpu.memory_space<vmem>>, vector<16xf32>,
    %get3A_958 = vector.shape_cast %get3A_957 : vector<16xf32> to vector<16xf32>
    %add3A_959 = arith.addf %get3A_955, %get3A_958 : vector<16xf32>
    %get3A_960 = arith.constant 224 : index
    %get3A_961 = tpu.vector_load %arg28[%get3A_960] {strides = array<i32>} : memref<512xf32, #tpu.memory_space<vmem>>, vector<16xf32>,
    %get3A_962 = vector.shape_cast %get3A_961 : vector<16xf32> to vector<16xf32>
    %add3A_963 = arith.addf %add3A_959, %get3A_962 : vector<16xf32>
    %get3A_964 = arith.constant 224 : index
    %get3A_965 = tpu.vector_load %arg29[%get3A_964] {strides = array<i32>} : memref<512xf32, #tpu.memory_space<vmem>>, vector<16xf32>,
    %get3A_966 = vector.shape_cast %get3A_965 : vector<16xf32> to vector<16xf32>
    %add3A_967 = arith.addf %add3A_963, %get3A_966 : vector<16xf32>
    %swap3A_968 = arith.constant 224 : index
    %swap3A_969 = tpu.vector_load %arg30[%swap3A_968] {strides = array<i32>} : memref<512xf32, #tpu.memory_space<vmem>>, vector<16xf32>,
    %swap3A_970 = vector.shape_cast %swap3A_969 : vector<16xf32> to vector<16xf32>
    %swap3A_971 = vector.shape_cast %add3A_967 : vector<16xf32> to vector<16xf32>
    tpu.vector_store %arg30[%swap3A_968], %swap3A_971 {strides = array<i32>} : memref<512xf32, #tpu.memory_space<vmem>>, vector<16xf32>,
    %get3A_972 = arith.constant 240 : index
    %get3A_973 = tpu.vector_load %arg26[%get3A_972] {strides = array<i32>} : memref<512xf32, #tpu.memory_space<vmem>>, vector<16xf32>,
    %get3A_974 = vector.shape_cast %get3A_973 : vector<16xf32> to vector<16xf32>
    %get3A_975 = arith.constant 240 : index
    %get3A_976 = tpu.vector_load %arg27[%get3A_975] {strides = array<i32>} : memref<512xf32, #tpu.memory_space<vmem>>, vector<16xf32>,
    %get3A_977 = vector.shape_cast %get3A_976 : vector<16xf32> to vector<16xf32>
    %add3A_978 = arith.addf %get3A_974, %get3A_977 : vector<16xf32>
    %get3A_979 = arith.constant 240 : index
    %get3A_980 = tpu.vector_load %arg28[%get3A_979] {strides = array<i32>} : memref<512xf32, #tpu.memory_space<vmem>>, vector<16xf32>,
    %get3A_981 = vector.shape_cast %get3A_980 : vector<16xf32> to vector<16xf32>
    %add3A_982 = arith.addf %add3A_978, %get3A_981 : vector<16xf32>
    %get3A_983 = arith.constant 240 : index
    %get3A_984 = tpu.vector_load %arg29[%get3A_983] {strides = array<i32>} : memref<512xf32, #tpu.memory_space<vmem>>, vector<16xf32>,
    %get3A_985 = vector.shape_cast %get3A_984 : vector<16xf32> to vector<16xf32>
    %add3A_986 = arith.addf %add3A_982, %get3A_985 : vector<16xf32>
    %swap3A_987 = arith.constant 240 : index
    %swap3A_988 = tpu.vector_load %arg30[%swap3A_987] {strides = array<i32>} : memref<512xf32, #tpu.memory_space<vmem>>, vector<16xf32>,
    %swap3A_989 = vector.shape_cast %swap3A_988 : vector<16xf32> to vector<16xf32>
    %swap3A_990 = vector.shape_cast %add3A_986 : vector<16xf32> to vector<16xf32>
    tpu.vector_store %arg30[%swap3A_987], %swap3A_990 {strides = array<i32>} : memref<512xf32, #tpu.memory_space<vmem>>, vector<16xf32>,
    %get3A_991 = arith.constant 256 : index
    %get3A_992 = tpu.vector_load %arg26[%get3A_991] {strides = array<i32>} : memref<512xf32, #tpu.memory_space<vmem>>, vector<16xf32>,
    %get3A_993 = vector.shape_cast %get3A_992 : vector<16xf32> to vector<16xf32>
    %get3A_994 = arith.constant 256 : index
    %get3A_995 = tpu.vector_load %arg27[%get3A_994] {strides = array<i32>} : memref<512xf32, #tpu.memory_space<vmem>>, vector<16xf32>,
    %get3A_996 = vector.shape_cast %get3A_995 : vector<16xf32> to vector<16xf32>
    %add3A_997 = arith.addf %get3A_993, %get3A_996 : vector<16xf32>
    %get3A_998 = arith.constant 256 : index
    %get3A_999 = tpu.vector_load %arg28[%get3A_998] {strides = array<i32>} : memref<512xf32, #tpu.memory_space<vmem>>, vector<16xf32>,
    %get3A_1000 = vector.shape_cast %get3A_999 : vector<16xf32> to vector<16xf32>
    %add3A_1001 = arith.addf %add3A_997, %get3A_1000 : vector<16xf32>
    %get3A_1002 = arith.constant 256 : index
    %get3A_1003 = tpu.vector_load %arg29[%get3A_1002] {strides = array<i32>} : memref<512xf32, #tpu.memory_space<vmem>>, vector<16xf32>,
    %get3A_1004 = vector.shape_cast %get3A_1003 : vector<16xf32> to vector<16xf32>
    %add3A_1005 = arith.addf %add3A_1001, %get3A_1004 : vector<16xf32>
    %swap3A_1006 = arith.constant 256 : index
    %swap3A_1007 = tpu.vector_load %arg30[%swap3A_1006] {strides = array<i32>} : memref<512xf32, #tpu.memory_space<vmem>>, vector<16xf32>,
    %swap3A_1008 = vector.shape_cast %swap3A_1007 : vector<16xf32> to vector<16xf32>
    %swap3A_1009 = vector.shape_cast %add3A_1005 : vector<16xf32> to vector<16xf32>
    tpu.vector_store %arg30[%swap3A_1006], %swap3A_1009 {strides = array<i32>} : memref<512xf32, #tpu.memory_space<vmem>>, vector<16xf32>,
    %get3A_1010 = arith.constant 272 : index
    %get3A_1011 = tpu.vector_load %arg26[%get3A_1010] {strides = array<i32>} : memref<512xf32, #tpu.memory_space<vmem>>, vector<16xf32>,
    %get3A_1012 = vector.shape_cast %get3A_1011 : vector<16xf32> to vector<16xf32>
    %get3A_1013 = arith.constant 272 : index
    %get3A_1014 = tpu.vector_load %arg27[%get3A_1013] {strides = array<i32>} : memref<512xf32, #tpu.memory_space<vmem>>, vector<16xf32>,
    %get3A_1015 = vector.shape_cast %get3A_1014 : vector<16xf32> to vector<16xf32>
    %add3A_1016 = arith.addf %get3A_1012, %get3A_1015 : vector<16xf32>
    %get3A_1017 = arith.constant 272 : index
    %get3A_1018 = tpu.vector_load %arg28[%get3A_1017] {strides = array<i32>} : memref<512xf32, #tpu.memory_space<vmem>>, vector<16xf32>,
    %get3A_1019 = vector.shape_cast %get3A_1018 : vector<16xf32> to vector<16xf32>
    %add3A_1020 = arith.addf %add3A_1016, %get3A_1019 : vector<16xf32>
    %get3A_1021 = arith.constant 272 : index
    %get3A_1022 = tpu.vector_load %arg29[%get3A_1021] {strides = array<i32>} : memref<512xf32, #tpu.memory_space<vmem>>, vector<16xf32>,
    %get3A_1023 = vector.shape_cast %get3A_1022 : vector<16xf32> to vector<16xf32>
    %add3A_1024 = arith.addf %add3A_1020, %get3A_1023 : vector<16xf32>
    %swap3A_1025 = arith.constant 272 : index
    %swap3A_1026 = tpu.vector_load %arg30[%swap3A_1025] {strides = array<i32>} : memref<512xf32, #tpu.memory_space<vmem>>, vector<16xf32>,
    %swap3A_1027 = vector.shape_cast %swap3A_1026 : vector<16xf32> to vector<16xf32>
    %swap3A_1028 = vector.shape_cast %add3A_1024 : vector<16xf32> to vector<16xf32>
    tpu.vector_store %arg30[%swap3A_1025], %swap3A_1028 {strides = array<i32>} : memref<512xf32, #tpu.memory_space<vmem>>, vector<16xf32>,
    %get3A_1029 = arith.constant 288 : index
    %get3A_1030 = tpu.vector_load %arg26[%get3A_1029] {strides = array<i32>} : memref<512xf32, #tpu.memory_space<vmem>>, vector<16xf32>,
    %get3A_1031 = vector.shape_cast %get3A_1030 : vector<16xf32> to vector<16xf32>
    %get3A_1032 = arith.constant 288 : index
    %get3A_1033 = tpu.vector_load %arg27[%get3A_1032] {strides = array<i32>} : memref<512xf32, #tpu.memory_space<vmem>>, vector<16xf32>,
    %get3A_1034 = vector.shape_cast %get3A_1033 : vector<16xf32> to vector<16xf32>
    %add3A_1035 = arith.addf %get3A_1031, %get3A_1034 : vector<16xf32>
    %get3A_1036 = arith.constant 288 : index
    %get3A_1037 = tpu.vector_load %arg28[%get3A_1036] {strides = array<i32>} : memref<512xf32, #tpu.memory_space<vmem>>, vector<16xf32>,
    %get3A_1038 = vector.shape_cast %get3A_1037 : vector<16xf32> to vector<16xf32>
    %add3A_1039 = arith.addf %add3A_1035, %get3A_1038 : vector<16xf32>
    %get3A_1040 = arith.constant 288 : index
    %get3A_1041 = tpu.vector_load %arg29[%get3A_1040] {strides = array<i32>} : memref<512xf32, #tpu.memory_space<vmem>>, vector<16xf32>,
    %get3A_1042 = vector.shape_cast %get3A_1041 : vector<16xf32> to vector<16xf32>
    %add3A_1043 = arith.addf %add3A_1039, %get3A_1042 : vector<16xf32>
    %swap3A_1044 = arith.constant 288 : index
    %swap3A_1045 = tpu.vector_load %arg30[%swap3A_1044] {strides = array<i32>} : memref<512xf32, #tpu.memory_space<vmem>>, vector<16xf32>,
    %swap3A_1046 = vector.shape_cast %swap3A_1045 : vector<16xf32> to vector<16xf32>
    %swap3A_1047 = vector.shape_cast %add3A_1043 : vector<16xf32> to vector<16xf32>
    tpu.vector_store %arg30[%swap3A_1044], %swap3A_1047 {strides = array<i32>} : memref<512xf32, #tpu.memory_space<vmem>>, vector<16xf32>,
    %get3A_1048 = arith.constant 304 : index
    %get3A_1049 = tpu.vector_load %arg26[%get3A_1048] {strides = array<i32>} : memref<512xf32, #tpu.memory_space<vmem>>, vector<16xf32>,
    %get3A_1050 = vector.shape_cast %get3A_1049 : vector<16xf32> to vector<16xf32>
    %get3A_1051 = arith.constant 304 : index
    %get3A_1052 = tpu.vector_load %arg27[%get3A_1051] {strides = array<i32>} : memref<512xf32, #tpu.memory_space<vmem>>, vector<16xf32>,
    %get3A_1053 = vector.shape_cast %get3A_1052 : vector<16xf32> to vector<16xf32>
    %add3A_1054 = arith.addf %get3A_1050, %get3A_1053 : vector<16xf32>
    %get3A_1055 = arith.constant 304 : index
    %get3A_1056 = tpu.vector_load %arg28[%get3A_1055] {strides = array<i32>} : memref<512xf32, #tpu.memory_space<vmem>>, vector<16xf32>,
    %get3A_1057 = vector.shape_cast %get3A_1056 : vector<16xf32> to vector<16xf32>
    %add3A_1058 = arith.addf %add3A_1054, %get3A_1057 : vector<16xf32>
    %get3A_1059 = arith.constant 304 : index
    %get3A_1060 = tpu.vector_load %arg29[%get3A_1059] {strides = array<i32>} : memref<512xf32, #tpu.memory_space<vmem>>, vector<16xf32>,
    %get3A_1061 = vector.shape_cast %get3A_1060 : vector<16xf32> to vector<16xf32>
    %add3A_1062 = arith.addf %add3A_1058, %get3A_1061 : vector<16xf32>
    %swap3A_1063 = arith.constant 304 : index
    %swap3A_1064 = tpu.vector_load %arg30[%swap3A_1063] {strides = array<i32>} : memref<512xf32, #tpu.memory_space<vmem>>, vector<16xf32>,
    %swap3A_1065 = vector.shape_cast %swap3A_1064 : vector<16xf32> to vector<16xf32>
    %swap3A_1066 = vector.shape_cast %add3A_1062 : vector<16xf32> to vector<16xf32>
    tpu.vector_store %arg30[%swap3A_1063], %swap3A_1066 {strides = array<i32>} : memref<512xf32, #tpu.memory_space<vmem>>, vector<16xf32>,
    %get3A_1067 = arith.constant 320 : index
    %get3A_1068 = tpu.vector_load %arg26[%get3A_1067] {strides = array<i32>} : memref<512xf32, #tpu.memory_space<vmem>>, vector<16xf32>,
    %get3A_1069 = vector.shape_cast %get3A_1068 : vector<16xf32> to vector<16xf32>
    %get3A_1070 = arith.constant 320 : index
    %get3A_1071 = tpu.vector_load %arg27[%get3A_1070] {strides = array<i32>} : memref<512xf32, #tpu.memory_space<vmem>>, vector<16xf32>,
    %get3A_1072 = vector.shape_cast %get3A_1071 : vector<16xf32> to vector<16xf32>
    %add3A_1073 = arith.addf %get3A_1069, %get3A_1072 : vector<16xf32>
    %get3A_1074 = arith.constant 320 : index
    %get3A_1075 = tpu.vector_load %arg28[%get3A_1074] {strides = array<i32>} : memref<512xf32, #tpu.memory_space<vmem>>, vector<16xf32>,
    %get3A_1076 = vector.shape_cast %get3A_1075 : vector<16xf32> to vector<16xf32>
    %add3A_1077 = arith.addf %add3A_1073, %get3A_1076 : vector<16xf32>
    %get3A_1078 = arith.constant 320 : index
    %get3A_1079 = tpu.vector_load %arg29[%get3A_1078] {strides = array<i32>} : memref<512xf32, #tpu.memory_space<vmem>>, vector<16xf32>,
    %get3A_1080 = vector.shape_cast %get3A_1079 : vector<16xf32> to vector<16xf32>
    %add3A_1081 = arith.addf %add3A_1077, %get3A_1080 : vector<16xf32>
    %swap3A_1082 = arith.constant 320 : index
    %swap3A_1083 = tpu.vector_load %arg30[%swap3A_1082] {strides = array<i32>} : memref<512xf32, #tpu.memory_space<vmem>>, vector<16xf32>,
    %swap3A_1084 = vector.shape_cast %swap3A_1083 : vector<16xf32> to vector<16xf32>
    %swap3A_1085 = vector.shape_cast %add3A_1081 : vector<16xf32> to vector<16xf32>
    tpu.vector_store %arg30[%swap3A_1082], %swap3A_1085 {strides = array<i32>} : memref<512xf32, #tpu.memory_space<vmem>>, vector<16xf32>,
    %get3A_1086 = arith.constant 336 : index
    %get3A_1087 = tpu.vector_load %arg26[%get3A_1086] {strides = array<i32>} : memref<512xf32, #tpu.memory_space<vmem>>, vector<16xf32>,
    %get3A_1088 = vector.shape_cast %get3A_1087 : vector<16xf32> to vector<16xf32>
    %get3A_1089 = arith.constant 336 : index
    %get3A_1090 = tpu.vector_load %arg27[%get3A_1089] {strides = array<i32>} : memref<512xf32, #tpu.memory_space<vmem>>, vector<16xf32>,
    %get3A_1091 = vector.shape_cast %get3A_1090 : vector<16xf32> to vector<16xf32>
    %add3A_1092 = arith.addf %get3A_1088, %get3A_1091 : vector<16xf32>
    %get3A_1093 = arith.constant 336 : index
    %get3A_1094 = tpu.vector_load %arg28[%get3A_1093] {strides = array<i32>} : memref<512xf32, #tpu.memory_space<vmem>>, vector<16xf32>,
    %get3A_1095 = vector.shape_cast %get3A_1094 : vector<16xf32> to vector<16xf32>
    %add3A_1096 = arith.addf %add3A_1092, %get3A_1095 : vector<16xf32>
    %get3A_1097 = arith.constant 336 : index
    %get3A_1098 = tpu.vector_load %arg29[%get3A_1097] {strides = array<i32>} : memref<512xf32, #tpu.memory_space<vmem>>, vector<16xf32>,
    %get3A_1099 = vector.shape_cast %get3A_1098 : vector<16xf32> to vector<16xf32>
    %add3A_1100 = arith.addf %add3A_1096, %get3A_1099 : vector<16xf32>
    %swap3A_1101 = arith.constant 336 : index
    %swap3A_1102 = tpu.vector_load %arg30[%swap3A_1101] {strides = array<i32>} : memref<512xf32, #tpu.memory_space<vmem>>, vector<16xf32>,
    %swap3A_1103 = vector.shape_cast %swap3A_1102 : vector<16xf32> to vector<16xf32>
    %swap3A_1104 = vector.shape_cast %add3A_1100 : vector<16xf32> to vector<16xf32>
    tpu.vector_store %arg30[%swap3A_1101], %swap3A_1104 {strides = array<i32>} : memref<512xf32, #tpu.memory_space<vmem>>, vector<16xf32>,
    %get3A_1105 = arith.constant 352 : index
    %get3A_1106 = tpu.vector_load %arg26[%get3A_1105] {strides = array<i32>} : memref<512xf32, #tpu.memory_space<vmem>>, vector<16xf32>,
    %get3A_1107 = vector.shape_cast %get3A_1106 : vector<16xf32> to vector<16xf32>
    %get3A_1108 = arith.constant 352 : index
    %get3A_1109 = tpu.vector_load %arg27[%get3A_1108] {strides = array<i32>} : memref<512xf32, #tpu.memory_space<vmem>>, vector<16xf32>,
    %get3A_1110 = vector.shape_cast %get3A_1109 : vector<16xf32> to vector<16xf32>
    %add3A_1111 = arith.addf %get3A_1107, %get3A_1110 : vector<16xf32>
    %get3A_1112 = arith.constant 352 : index
    %get3A_1113 = tpu.vector_load %arg28[%get3A_1112] {strides = array<i32>} : memref<512xf32, #tpu.memory_space<vmem>>, vector<16xf32>,
    %get3A_1114 = vector.shape_cast %get3A_1113 : vector<16xf32> to vector<16xf32>
    %add3A_1115 = arith.addf %add3A_1111, %get3A_1114 : vector<16xf32>
    %get3A_1116 = arith.constant 352 : index
    %get3A_1117 = tpu.vector_load %arg29[%get3A_1116] {strides = array<i32>} : memref<512xf32, #tpu.memory_space<vmem>>, vector<16xf32>,
    %get3A_1118 = vector.shape_cast %get3A_1117 : vector<16xf32> to vector<16xf32>
    %add3A_1119 = arith.addf %add3A_1115, %get3A_1118 : vector<16xf32>
    %swap3A_1120 = arith.constant 352 : index
    %swap3A_1121 = tpu.vector_load %arg30[%swap3A_1120] {strides = array<i32>} : memref<512xf32, #tpu.memory_space<vmem>>, vector<16xf32>,
    %swap3A_1122 = vector.shape_cast %swap3A_1121 : vector<16xf32> to vector<16xf32>
    %swap3A_1123 = vector.shape_cast %add3A_1119 : vector<16xf32> to vector<16xf32>
    tpu.vector_store %arg30[%swap3A_1120], %swap3A_1123 {strides = array<i32>} : memref<512xf32, #tpu.memory_space<vmem>>, vector<16xf32>,
    %get3A_1124 = arith.constant 368 : index
    %get3A_1125 = tpu.vector_load %arg26[%get3A_1124] {strides = array<i32>} : memref<512xf32, #tpu.memory_space<vmem>>, vector<16xf32>,
    %get3A_1126 = vector.shape_cast %get3A_1125 : vector<16xf32> to vector<16xf32>
    %get3A_1127 = arith.constant 368 : index
    %get3A_1128 = tpu.vector_load %arg27[%get3A_1127] {strides = array<i32>} : memref<512xf32, #tpu.memory_space<vmem>>, vector<16xf32>,
    %get3A_1129 = vector.shape_cast %get3A_1128 : vector<16xf32> to vector<16xf32>
    %add3A_1130 = arith.addf %get3A_1126, %get3A_1129 : vector<16xf32>
    %get3A_1131 = arith.constant 368 : index
    %get3A_1132 = tpu.vector_load %arg28[%get3A_1131] {strides = array<i32>} : memref<512xf32, #tpu.memory_space<vmem>>, vector<16xf32>,
    %get3A_1133 = vector.shape_cast %get3A_1132 : vector<16xf32> to vector<16xf32>
    %add3A_1134 = arith.addf %add3A_1130, %get3A_1133 : vector<16xf32>
    %get3A_1135 = arith.constant 368 : index
    %get3A_1136 = tpu.vector_load %arg29[%get3A_1135] {strides = array<i32>} : memref<512xf32, #tpu.memory_space<vmem>>, vector<16xf32>,
    %get3A_1137 = vector.shape_cast %get3A_1136 : vector<16xf32> to vector<16xf32>
    %add3A_1138 = arith.addf %add3A_1134, %get3A_1137 : vector<16xf32>
    %swap3A_1139 = arith.constant 368 : index
    %swap3A_1140 = tpu.vector_load %arg30[%swap3A_1139] {strides = array<i32>} : memref<512xf32, #tpu.memory_space<vmem>>, vector<16xf32>,
    %swap3A_1141 = vector.shape_cast %swap3A_1140 : vector<16xf32> to vector<16xf32>
    %swap3A_1142 = vector.shape_cast %add3A_1138 : vector<16xf32> to vector<16xf32>
    tpu.vector_store %arg30[%swap3A_1139], %swap3A_1142 {strides = array<i32>} : memref<512xf32, #tpu.memory_space<vmem>>, vector<16xf32>,
    %get3A_1143 = arith.constant 384 : index
    %get3A_1144 = tpu.vector_load %arg26[%get3A_1143] {strides = array<i32>} : memref<512xf32, #tpu.memory_space<vmem>>, vector<16xf32>,
    %get3A_1145 = vector.shape_cast %get3A_1144 : vector<16xf32> to vector<16xf32>
    %get3A_1146 = arith.constant 384 : index
    %get3A_1147 = tpu.vector_load %arg27[%get3A_1146] {strides = array<i32>} : memref<512xf32, #tpu.memory_space<vmem>>, vector<16xf32>,
    %get3A_1148 = vector.shape_cast %get3A_1147 : vector<16xf32> to vector<16xf32>
    %add3A_1149 = arith.addf %get3A_1145, %get3A_1148 : vector<16xf32>
    %get3A_1150 = arith.constant 384 : index
    %get3A_1151 = tpu.vector_load %arg28[%get3A_1150] {strides = array<i32>} : memref<512xf32, #tpu.memory_space<vmem>>, vector<16xf32>,
    %get3A_1152 = vector.shape_cast %get3A_1151 : vector<16xf32> to vector<16xf32>
    %add3A_1153 = arith.addf %add3A_1149, %get3A_1152 : vector<16xf32>
    %get3A_1154 = arith.constant 384 : index
    %get3A_1155 = tpu.vector_load %arg29[%get3A_1154] {strides = array<i32>} : memref<512xf32, #tpu.memory_space<vmem>>, vector<16xf32>,
    %get3A_1156 = vector.shape_cast %get3A_1155 : vector<16xf32> to vector<16xf32>
    %add3A_1157 = arith.addf %add3A_1153, %get3A_1156 : vector<16xf32>
    %swap3A_1158 = arith.constant 384 : index
    %swap3A_1159 = tpu.vector_load %arg30[%swap3A_1158] {strides = array<i32>} : memref<512xf32, #tpu.memory_space<vmem>>, vector<16xf32>,
    %swap3A_1160 = vector.shape_cast %swap3A_1159 : vector<16xf32> to vector<16xf32>
    %swap3A_1161 = vector.shape_cast %add3A_1157 : vector<16xf32> to vector<16xf32>
    tpu.vector_store %arg30[%swap3A_1158], %swap3A_1161 {strides = array<i32>} : memref<512xf32, #tpu.memory_space<vmem>>, vector<16xf32>,
    %get3A_1162 = arith.constant 400 : index
    %get3A_1163 = tpu.vector_load %arg26[%get3A_1162] {strides = array<i32>} : memref<512xf32, #tpu.memory_space<vmem>>, vector<16xf32>,
    %get3A_1164 = vector.shape_cast %get3A_1163 : vector<16xf32> to vector<16xf32>
    %get3A_1165 = arith.constant 400 : index
    %get3A_1166 = tpu.vector_load %arg27[%get3A_1165] {strides = array<i32>} : memref<512xf32, #tpu.memory_space<vmem>>, vector<16xf32>,
    %get3A_1167 = vector.shape_cast %get3A_1166 : vector<16xf32> to vector<16xf32>
    %add3A_1168 = arith.addf %get3A_1164, %get3A_1167 : vector<16xf32>
    %get3A_1169 = arith.constant 400 : index
    %get3A_1170 = tpu.vector_load %arg28[%get3A_1169] {strides = array<i32>} : memref<512xf32, #tpu.memory_space<vmem>>, vector<16xf32>,
    %get3A_1171 = vector.shape_cast %get3A_1170 : vector<16xf32> to vector<16xf32>
    %add3A_1172 = arith.addf %add3A_1168, %get3A_1171 : vector<16xf32>
    %get3A_1173 = arith.constant 400 : index
    %get3A_1174 = tpu.vector_load %arg29[%get3A_1173] {strides = array<i32>} : memref<512xf32, #tpu.memory_space<vmem>>, vector<16xf32>,
    %get3A_1175 = vector.shape_cast %get3A_1174 : vector<16xf32> to vector<16xf32>
    %add3A_1176 = arith.addf %add3A_1172, %get3A_1175 : vector<16xf32>
    %swap3A_1177 = arith.constant 400 : index
    %swap3A_1178 = tpu.vector_load %arg30[%swap3A_1177] {strides = array<i32>} : memref<512xf32, #tpu.memory_space<vmem>>, vector<16xf32>,
    %swap3A_1179 = vector.shape_cast %swap3A_1178 : vector<16xf32> to vector<16xf32>
    %swap3A_1180 = vector.shape_cast %add3A_1176 : vector<16xf32> to vector<16xf32>
    tpu.vector_store %arg30[%swap3A_1177], %swap3A_1180 {strides = array<i32>} : memref<512xf32, #tpu.memory_space<vmem>>, vector<16xf32>,
    %get3A_1181 = arith.constant 416 : index
    %get3A_1182 = tpu.vector_load %arg26[%get3A_1181] {strides = array<i32>} : memref<512xf32, #tpu.memory_space<vmem>>, vector<16xf32>,
    %get3A_1183 = vector.shape_cast %get3A_1182 : vector<16xf32> to vector<16xf32>
    %get3A_1184 = arith.constant 416 : index
    %get3A_1185 = tpu.vector_load %arg27[%get3A_1184] {strides = array<i32>} : memref<512xf32, #tpu.memory_space<vmem>>, vector<16xf32>,
    %get3A_1186 = vector.shape_cast %get3A_1185 : vector<16xf32> to vector<16xf32>
    %add3A_1187 = arith.addf %get3A_1183, %get3A_1186 : vector<16xf32>
    %get3A_1188 = arith.constant 416 : index
    %get3A_1189 = tpu.vector_load %arg28[%get3A_1188] {strides = array<i32>} : memref<512xf32, #tpu.memory_space<vmem>>, vector<16xf32>,
    %get3A_1190 = vector.shape_cast %get3A_1189 : vector<16xf32> to vector<16xf32>
    %add3A_1191 = arith.addf %add3A_1187, %get3A_1190 : vector<16xf32>
    %get3A_1192 = arith.constant 416 : index
    %get3A_1193 = tpu.vector_load %arg29[%get3A_1192] {strides = array<i32>} : memref<512xf32, #tpu.memory_space<vmem>>, vector<16xf32>,
    %get3A_1194 = vector.shape_cast %get3A_1193 : vector<16xf32> to vector<16xf32>
    %add3A_1195 = arith.addf %add3A_1191, %get3A_1194 : vector<16xf32>
    %swap3A_1196 = arith.constant 416 : index
    %swap3A_1197 = tpu.vector_load %arg30[%swap3A_1196] {strides = array<i32>} : memref<512xf32, #tpu.memory_space<vmem>>, vector<16xf32>,
    %swap3A_1198 = vector.shape_cast %swap3A_1197 : vector<16xf32> to vector<16xf32>
    %swap3A_1199 = vector.shape_cast %add3A_1195 : vector<16xf32> to vector<16xf32>
    tpu.vector_store %arg30[%swap3A_1196], %swap3A_1199 {strides = array<i32>} : memref<512xf32, #tpu.memory_space<vmem>>, vector<16xf32>,
    %get3A_1200 = arith.constant 432 : index
    %get3A_1201 = tpu.vector_load %arg26[%get3A_1200] {strides = array<i32>} : memref<512xf32, #tpu.memory_space<vmem>>, vector<16xf32>,
    %get3A_1202 = vector.shape_cast %get3A_1201 : vector<16xf32> to vector<16xf32>
    %get3A_1203 = arith.constant 432 : index
    %get3A_1204 = tpu.vector_load %arg27[%get3A_1203] {strides = array<i32>} : memref<512xf32, #tpu.memory_space<vmem>>, vector<16xf32>,
    %get3A_1205 = vector.shape_cast %get3A_1204 : vector<16xf32> to vector<16xf32>
    %add3A_1206 = arith.addf %get3A_1202, %get3A_1205 : vector<16xf32>
    %get3A_1207 = arith.constant 432 : index
    %get3A_1208 = tpu.vector_load %arg28[%get3A_1207] {strides = array<i32>} : memref<512xf32, #tpu.memory_space<vmem>>, vector<16xf32>,
    %get3A_1209 = vector.shape_cast %get3A_1208 : vector<16xf32> to vector<16xf32>
    %add3A_1210 = arith.addf %add3A_1206, %get3A_1209 : vector<16xf32>
    %get3A_1211 = arith.constant 432 : index
    %get3A_1212 = tpu.vector_load %arg29[%get3A_1211] {strides = array<i32>} : memref<512xf32, #tpu.memory_space<vmem>>, vector<16xf32>,
    %get3A_1213 = vector.shape_cast %get3A_1212 : vector<16xf32> to vector<16xf32>
    %add3A_1214 = arith.addf %add3A_1210, %get3A_1213 : vector<16xf32>
    %swap3A_1215 = arith.constant 432 : index
    %swap3A_1216 = tpu.vector_load %arg30[%swap3A_1215] {strides = array<i32>} : memref<512xf32, #tpu.memory_space<vmem>>, vector<16xf32>,
    %swap3A_1217 = vector.shape_cast %swap3A_1216 : vector<16xf32> to vector<16xf32>
    %swap3A_1218 = vector.shape_cast %add3A_1214 : vector<16xf32> to vector<16xf32>
    tpu.vector_store %arg30[%swap3A_1215], %swap3A_1218 {strides = array<i32>} : memref<512xf32, #tpu.memory_space<vmem>>, vector<16xf32>,
    %get3A_1219 = arith.constant 448 : index
    %get3A_1220 = tpu.vector_load %arg26[%get3A_1219] {strides = array<i32>} : memref<512xf32, #tpu.memory_space<vmem>>, vector<16xf32>,
    %get3A_1221 = vector.shape_cast %get3A_1220 : vector<16xf32> to vector<16xf32>
    %get3A_1222 = arith.constant 448 : index
    %get3A_1223 = tpu.vector_load %arg27[%get3A_1222] {strides = array<i32>} : memref<512xf32, #tpu.memory_space<vmem>>, vector<16xf32>,
    %get3A_1224 = vector.shape_cast %get3A_1223 : vector<16xf32> to vector<16xf32>
    %add3A_1225 = arith.addf %get3A_1221, %get3A_1224 : vector<16xf32>
    %get3A_1226 = arith.constant 448 : index
    %get3A_1227 = tpu.vector_load %arg28[%get3A_1226] {strides = array<i32>} : memref<512xf32, #tpu.memory_space<vmem>>, vector<16xf32>,
    %get3A_1228 = vector.shape_cast %get3A_1227 : vector<16xf32> to vector<16xf32>
    %add3A_1229 = arith.addf %add3A_1225, %get3A_1228 : vector<16xf32>
    %get3A_1230 = arith.constant 448 : index
    %get3A_1231 = tpu.vector_load %arg29[%get3A_1230] {strides = array<i32>} : memref<512xf32, #tpu.memory_space<vmem>>, vector<16xf32>,
    %get3A_1232 = vector.shape_cast %get3A_1231 : vector<16xf32> to vector<16xf32>
    %add3A_1233 = arith.addf %add3A_1229, %get3A_1232 : vector<16xf32>
    %swap3A_1234 = arith.constant 448 : index
    %swap3A_1235 = tpu.vector_load %arg30[%swap3A_1234] {strides = array<i32>} : memref<512xf32, #tpu.memory_space<vmem>>, vector<16xf32>,
    %swap3A_1236 = vector.shape_cast %swap3A_1235 : vector<16xf32> to vector<16xf32>
    %swap3A_1237 = vector.shape_cast %add3A_1233 : vector<16xf32> to vector<16xf32>
    tpu.vector_store %arg30[%swap3A_1234], %swap3A_1237 {strides = array<i32>} : memref<512xf32, #tpu.memory_space<vmem>>, vector<16xf32>,
    %get3A_1238 = arith.constant 464 : index
    %get3A_1239 = tpu.vector_load %arg26[%get3A_1238] {strides = array<i32>} : memref<512xf32, #tpu.memory_space<vmem>>, vector<16xf32>,
    %get3A_1240 = vector.shape_cast %get3A_1239 : vector<16xf32> to vector<16xf32>
    %get3A_1241 = arith.constant 464 : index
    %get3A_1242 = tpu.vector_load %arg27[%get3A_1241] {strides = array<i32>} : memref<512xf32, #tpu.memory_space<vmem>>, vector<16xf32>,
    %get3A_1243 = vector.shape_cast %get3A_1242 : vector<16xf32> to vector<16xf32>
    %add3A_1244 = arith.addf %get3A_1240, %get3A_1243 : vector<16xf32>
    %get3A_1245 = arith.constant 464 : index
    %get3A_1246 = tpu.vector_load %arg28[%get3A_1245] {strides = array<i32>} : memref<512xf32, #tpu.memory_space<vmem>>, vector<16xf32>,
    %get3A_1247 = vector.shape_cast %get3A_1246 : vector<16xf32> to vector<16xf32>
    %add3A_1248 = arith.addf %add3A_1244, %get3A_1247 : vector<16xf32>
    %get3A_1249 = arith.constant 464 : index
    %get3A_1250 = tpu.vector_load %arg29[%get3A_1249] {strides = array<i32>} : memref<512xf32, #tpu.memory_space<vmem>>, vector<16xf32>,
    %get3A_1251 = vector.shape_cast %get3A_1250 : vector<16xf32> to vector<16xf32>
    %add3A_1252 = arith.addf %add3A_1248, %get3A_1251 : vector<16xf32>
    %swap3A_1253 = arith.constant 464 : index
    %swap3A_1254 = tpu.vector_load %arg30[%swap3A_1253] {strides = array<i32>} : memref<512xf32, #tpu.memory_space<vmem>>, vector<16xf32>,
    %swap3A_1255 = vector.shape_cast %swap3A_1254 : vector<16xf32> to vector<16xf32>
    %swap3A_1256 = vector.shape_cast %add3A_1252 : vector<16xf32> to vector<16xf32>
    tpu.vector_store %arg30[%swap3A_1253], %swap3A_1256 {strides = array<i32>} : memref<512xf32, #tpu.memory_space<vmem>>, vector<16xf32>,
    %get3A_1257 = arith.constant 480 : index
    %get3A_1258 = tpu.vector_load %arg26[%get3A_1257] {strides = array<i32>} : memref<512xf32, #tpu.memory_space<vmem>>, vector<16xf32>,
    %get3A_1259 = vector.shape_cast %get3A_1258 : vector<16xf32> to vector<16xf32>
    %get3A_1260 = arith.constant 480 : index
    %get3A_1261 = tpu.vector_load %arg27[%get3A_1260] {strides = array<i32>} : memref<512xf32, #tpu.memory_space<vmem>>, vector<16xf32>,
    %get3A_1262 = vector.shape_cast %get3A_1261 : vector<16xf32> to vector<16xf32>
    %add3A_1263 = arith.addf %get3A_1259, %get3A_1262 : vector<16xf32>
    %get3A_1264 = arith.constant 480 : index
    %get3A_1265 = tpu.vector_load %arg28[%get3A_1264] {strides = array<i32>} : memref<512xf32, #tpu.memory_space<vmem>>, vector<16xf32>,
    %get3A_1266 = vector.shape_cast %get3A_1265 : vector<16xf32> to vector<16xf32>
    %add3A_1267 = arith.addf %add3A_1263, %get3A_1266 : vector<16xf32>
    %get3A_1268 = arith.constant 480 : index
    %get3A_1269 = tpu.vector_load %arg29[%get3A_1268] {strides = array<i32>} : memref<512xf32, #tpu.memory_space<vmem>>, vector<16xf32>,
    %get3A_1270 = vector.shape_cast %get3A_1269 : vector<16xf32> to vector<16xf32>
    %add3A_1271 = arith.addf %add3A_1267, %get3A_1270 : vector<16xf32>
    %swap3A_1272 = arith.constant 480 : index
    %swap3A_1273 = tpu.vector_load %arg30[%swap3A_1272] {strides = array<i32>} : memref<512xf32, #tpu.memory_space<vmem>>, vector<16xf32>,
    %swap3A_1274 = vector.shape_cast %swap3A_1273 : vector<16xf32> to vector<16xf32>
    %swap3A_1275 = vector.shape_cast %add3A_1271 : vector<16xf32> to vector<16xf32>
    tpu.vector_store %arg30[%swap3A_1272], %swap3A_1275 {strides = array<i32>} : memref<512xf32, #tpu.memory_space<vmem>>, vector<16xf32>,
    %get3A_1276 = arith.constant 496 : index
    %get3A_1277 = tpu.vector_load %arg26[%get3A_1276] {strides = array<i32>} : memref<512xf32, #tpu.memory_space<vmem>>, vector<16xf32>,
    %get3A_1278 = vector.shape_cast %get3A_1277 : vector<16xf32> to vector<16xf32>
    %get3A_1279 = arith.constant 496 : index
    %get3A_1280 = tpu.vector_load %arg27[%get3A_1279] {strides = array<i32>} : memref<512xf32, #tpu.memory_space<vmem>>, vector<16xf32>,
    %get3A_1281 = vector.shape_cast %get3A_1280 : vector<16xf32> to vector<16xf32>
    %add3A_1282 = arith.addf %get3A_1278, %get3A_1281 : vector<16xf32>
    %get3A_1283 = arith.constant 496 : index
    %get3A_1284 = tpu.vector_load %arg28[%get3A_1283] {strides = array<i32>} : memref<512xf32, #tpu.memory_space<vmem>>, vector<16xf32>,
    %get3A_1285 = vector.shape_cast %get3A_1284 : vector<16xf32> to vector<16xf32>
    %add3A_1286 = arith.addf %add3A_1282, %get3A_1285 : vector<16xf32>
    %get3A_1287 = arith.constant 496 : index
    %get3A_1288 = tpu.vector_load %arg29[%get3A_1287] {strides = array<i32>} : memref<512xf32, #tpu.memory_space<vmem>>, vector<16xf32>,
    %get3A_1289 = vector.shape_cast %get3A_1288 : vector<16xf32> to vector<16xf32>
    %add3A_1290 = arith.addf %add3A_1286, %get3A_1289 : vector<16xf32>
    %swap3A_1291 = arith.constant 496 : index
    %swap3A_1292 = tpu.vector_load %arg30[%swap3A_1291] {strides = array<i32>} : memref<512xf32, #tpu.memory_space<vmem>>, vector<16xf32>,
    %swap3A_1293 = vector.shape_cast %swap3A_1292 : vector<16xf32> to vector<16xf32>
    %swap3A_1294 = vector.shape_cast %add3A_1290 : vector<16xf32> to vector<16xf32>
    tpu.vector_store %arg30[%swap3A_1291], %swap3A_1294 {strides = array<i32>} : memref<512xf32, #tpu.memory_space<vmem>>, vector<16xf32>,
    %swap3A_1295 = arith.constant 0 : index
    %swap3A_1296 = tpu.vector_load %arg31[%swap3A_1295] {strides = array<i32>} : memref<16xf32, #tpu.memory_space<vmem>>, vector<16xf32>,
    %swap3A_1297 = vector.shape_cast %swap3A_1296 : vector<16xf32> to vector<16xf32>
    %swap3A_1298 = vector.shape_cast %while3A_559 : vector<16xf32> to vector<16xf32>
    tpu.vector_store %arg31[%swap3A_1295], %swap3A_1298 {strides = array<i32>} : memref<16xf32, #tpu.memory_space<vmem>>, vector<16xf32>,
    "tpu.region"() ({
      %run_scoped3A = tpu.sem_alloc : memref<!tpu.dma_semaphore, #tpu.memory_space<semaphore_mem>>
      %dma_start3A_1301 = arith.constant 0 : i32
      %dma_start3A_1302 = tpu.memref_slice %arg15[%add3A, %dma_start3A_1301] : memref<32x16xf32, #tpu.memory_space<hbm>> -> memref<1x16xf32, #tpu.memory_space<hbm>>
      %dma_start3A_1303 = tpu.memref_squeeze %dma_start3A_1302 : memref<1x16xf32, #tpu.memory_space<hbm>> -> memref<16xf32, #tpu.memory_space<hbm>>
      %dma_start3A_1304 = arith.constant 0 : i32
      %dma_start3A_1305 = tpu.memref_slice %arg15[%add3A, %dma_start3A_1304] : memref<32x16xf32, #tpu.memory_space<hbm>> -> memref<1x16xf32, #tpu.memory_space<hbm>>
      %dma_start3A_1306 = tpu.memref_squeeze %dma_start3A_1305 : memref<1x16xf32, #tpu.memory_space<hbm>> -> memref<16xf32, #tpu.memory_space<hbm>>
      tpu.enqueue_dma source(%arg31 : memref<16xf32, #tpu.memory_space<vmem>>) target(%dma_start3A_1306 : memref<16xf32, #tpu.memory_space<hbm>>) target_semaphore(%run_scoped3A : memref<!tpu.dma_semaphore, #tpu.memory_space<semaphore_mem>>)
      %dma_wait3A_1307 = arith.constant 0 : i32
      %dma_wait3A_1308 = tpu.memref_slice %arg15[%add3A, %dma_wait3A_1307] : memref<32x16xf32, #tpu.memory_space<hbm>> -> memref<1x16xf32, #tpu.memory_space<hbm>>
      %dma_wait3A_1309 = tpu.memref_squeeze %dma_wait3A_1308 : memref<1x16xf32, #tpu.memory_space<hbm>> -> memref<16xf32, #tpu.memory_space<hbm>>
      %dma_wait3A_1310 = arith.constant 0 : i32
      %dma_wait3A_1311 = tpu.memref_slice %arg15[%add3A, %dma_wait3A_1310] : memref<32x16xf32, #tpu.memory_space<hbm>> -> memref<1x16xf32, #tpu.memory_space<hbm>>
      %dma_wait3A_1312 = tpu.memref_squeeze %dma_wait3A_1311 : memref<1x16xf32, #tpu.memory_space<hbm>> -> memref<16xf32, #tpu.memory_space<hbm>>
      tpu.wait_dma2 semaphore(%run_scoped3A : memref<!tpu.dma_semaphore, #tpu.memory_space<semaphore_mem>>) src(%arg31 : memref<16xf32, #tpu.memory_space<vmem>>) dst(%dma_wait3A_1312 : memref<16xf32, #tpu.memory_space<hbm>>)
      tpu.yield
    }) : () -> ()
    %mul3A_1299 = arith.constant 512 : i32
    %mul3A_1300 = arith.muli %add3A, %mul3A_1299 : i32
    "tpu.region"() ({
      %run_scoped3A = tpu.sem_alloc : memref<!tpu.dma_semaphore, #tpu.memory_space<semaphore_mem>>
      %dma_start3A_1301 = tpu.memref_slice %arg16[%mul3A_1300] : memref<16384xf32, #tpu.memory_space<hbm>> -> memref<512xf32, #tpu.memory_space<hbm>>
      %dma_start3A_1302 = tpu.memref_slice %arg16[%mul3A_1300] : memref<16384xf32, #tpu.memory_space<hbm>> -> memref<512xf32, #tpu.memory_space<hbm>>
      tpu.enqueue_dma source(%arg30 : memref<512xf32, #tpu.memory_space<vmem>>) target(%dma_start3A_1302 : memref<512xf32, #tpu.memory_space<hbm>>) target_semaphore(%run_scoped3A : memref<!tpu.dma_semaphore, #tpu.memory_space<semaphore_mem>>)
      %dma_wait3A_1303 = tpu.memref_slice %arg16[%mul3A_1300] : memref<16384xf32, #tpu.memory_space<hbm>> -> memref<512xf32, #tpu.memory_space<hbm>>
      %dma_wait3A_1304 = tpu.memref_slice %arg16[%mul3A_1300] : memref<16384xf32, #tpu.memory_space<hbm>> -> memref<512xf32, #tpu.memory_space<hbm>>
      tpu.wait_dma2 semaphore(%run_scoped3A : memref<!tpu.dma_semaphore, #tpu.memory_space<semaphore_mem>>) src(%arg30 : memref<512xf32, #tpu.memory_space<vmem>>) dst(%dma_wait3A_1304 : memref<512xf32, #tpu.memory_space<hbm>>)
      tpu.yield
    }) : () -> ()
    return
  }
}

module attributes {stable_mosaic.version = 14 : i64} {
  func.func @_gm_body(%arg0: memref<16384x1xi32, #tpu.memory_space<vmem>>, %arg1: memref<16384x1xi32, #tpu.memory_space<vmem>>, %arg2: memref<20x64xf32, #tpu.memory_space<vmem>>, %arg3: memref<12x64xf32, #tpu.memory_space<vmem>>, %arg4: memref<8x128xf32, #tpu.memory_space<vmem>>) attributes {dimension_semantics = [], scalar_prefetch = 0 : i64, scratch_operands = 0 : i64, tpu.core_type = #tpu.core_type<tc>} {
    %get3A = arith.constant 0 : index
    %get3A_0 = arith.constant 0 : index
    %get3A_1 = vector.load %arg2[%get3A, %get3A_0] : memref<20x64xf32, #tpu.memory_space<vmem>>, vector<20x64xf32>
    %get3A_2 = arith.constant 0 : index
    %get3A_3 = arith.constant 0 : index
    %get3A_4 = vector.load %arg3[%get3A_2, %get3A_3] : memref<12x64xf32, #tpu.memory_space<vmem>>, vector<12x64xf32>
    %transpose3A = tpu.transpose %get3A_4, [1, 0] : vector<12x64xf32> -> vector<64x12xf32>
    %dot_general3A = arith.constant dense<0.000000e+00> : vector<20x12xf32>
    %dot_general3A_5 = tpu.matmul %get3A_1, %transpose3A, %dot_general3A {dimension_numbers = #tpu.dot_dimension_numbers<[1], [0], [0], [1], [0, 0, 1, 1], [], []>, transpose_lhs_hint = false} : vector<20x64xf32>, vector<64x12xf32>, vector<20x12xf32> -> vector<20x12xf32>
    %iota3A = tpu.iota {dimensions = array<i32: 1>} : vector<16384x20xi32>
    %iota3A_6 = tpu.iota {dimensions = array<i32: 1>} : vector<16384x12xi32>
    %get3A_7 = arith.constant 0 : index
    %get3A_8 = arith.constant 0 : index
    %get3A_9 = vector.load %arg0[%get3A_7, %get3A_8] : memref<16384x1xi32, #tpu.memory_space<vmem>>, vector<16384x1xi32>
    %eq3A = vector.broadcast %get3A_9 : vector<16384x1xi32> to vector<16384x20xi32>
    %eq3A_10 = arith.cmpi eq, %eq3A, %iota3A : vector<16384x20xi32>
    %convert_element_type3A = arith.extui %eq3A_10 : vector<16384x20xi1> to vector<16384x20xi32>
    %convert_element_type3A_11 = arith.sitofp %convert_element_type3A : vector<16384x20xi32> to vector<16384x20xf32>
    %get3A_12 = arith.constant 0 : index
    %get3A_13 = arith.constant 0 : index
    %get3A_14 = vector.load %arg1[%get3A_12, %get3A_13] : memref<16384x1xi32, #tpu.memory_space<vmem>>, vector<16384x1xi32>
    %eq3A_15 = vector.broadcast %get3A_14 : vector<16384x1xi32> to vector<16384x12xi32>
    %eq3A_16 = arith.cmpi eq, %eq3A_15, %iota3A_6 : vector<16384x12xi32>
    %convert_element_type3A_17 = arith.extui %eq3A_16 : vector<16384x12xi1> to vector<16384x12xi32>
    %convert_element_type3A_18 = arith.sitofp %convert_element_type3A_17 : vector<16384x12xi32> to vector<16384x12xf32>
    %dot_general3A_19 = arith.constant dense<0.000000e+00> : vector<16384x12xf32>
    %dot_general3A_20 = tpu.matmul %convert_element_type3A_11, %dot_general3A_5, %dot_general3A_19 {dimension_numbers = #tpu.dot_dimension_numbers<[1], [0], [0], [1], [0, 0, 1, 1], [], []>, transpose_lhs_hint = false} : vector<16384x20xf32>, vector<20x12xf32>, vector<16384x12xf32> -> vector<16384x12xf32>
    %mul3A = arith.mulf %dot_general3A_20, %convert_element_type3A_18 : vector<16384x12xf32>
    %reduce_sum3A = vector.shape_cast %mul3A : vector<16384x12xf32> to vector<1x16384x12xf32>
    %reduce_sum3A_21 = arith.constant dense<0.000000e+00> : vector<1xf32>
    %reduce_sum3A_22 = vector.multi_reduction <add>, %reduce_sum3A, %reduce_sum3A_21 [1, 2] : vector<1x16384x12xf32> to vector<1xf32>
    %reduce_sum3A_23 = vector.shape_cast %reduce_sum3A_22 : vector<1xf32> to vector<1x1x1xf32>
    %reduce_sum3A_24 = vector.extract %reduce_sum3A_23[0, 0, 0] : f32 from vector<1x1x1xf32>
    %broadcast_in_dim3A = vector.broadcast %reduce_sum3A_24 : f32 to vector<8x128xf32>
    %swap3A = arith.constant 0 : index
    %swap3A_25 = arith.constant 0 : index
    %swap3A_26 = vector.load %arg4[%swap3A, %swap3A_25] : memref<8x128xf32, #tpu.memory_space<vmem>>, vector<8x128xf32>
    tpu.vector_store %arg4[%swap3A, %swap3A_25], %broadcast_in_dim3A {strides = array<i32>} : memref<8x128xf32, #tpu.memory_space<vmem>>, vector<8x128xf32>,
    return
  }
}

module attributes {stable_mosaic.version = 14 : i64} {
  func.func @_combine_body(%arg0: memref<32x16xf32, #tpu.memory_space<vmem>>, %arg1: memref<8x128xf32, #tpu.memory_space<vmem>>, %arg2: memref<128x128xf32, #tpu.memory_space<vmem>>, %arg3: memref<128x128xf32, #tpu.memory_space<vmem>>) attributes {dimension_semantics = [], scalar_prefetch = 0 : i64, scratch_operands = 0 : i64, tpu.core_type = #tpu.core_type<tc>} {
    %get3A = arith.constant 0 : index
    %get3A_0 = arith.constant 0 : index
    %get3A_1 = vector.load %arg2[%get3A, %get3A_0] : memref<128x128xf32, #tpu.memory_space<vmem>>, vector<128x128xf32>
    %get3A_2 = arith.constant 0 : index
    %get3A_3 = arith.constant 0 : index
    %get3A_4 = vector.load %arg0[%get3A_2, %get3A_3] : memref<32x16xf32, #tpu.memory_space<vmem>>, vector<32x16xf32>
    %reduce_sum3A = vector.shape_cast %get3A_4 : vector<32x16xf32> to vector<1x32x16xf32>
    %reduce_sum3A_5 = arith.constant dense<0.000000e+00> : vector<1xf32>
    %reduce_sum3A_6 = vector.multi_reduction <add>, %reduce_sum3A, %reduce_sum3A_5 [1, 2] : vector<1x32x16xf32> to vector<1xf32>
    %reduce_sum3A_7 = vector.shape_cast %reduce_sum3A_6 : vector<1xf32> to vector<1x1x1xf32>
    %reduce_sum3A_8 = vector.extract %reduce_sum3A_7[0, 0, 0] : f32 from vector<1x1x1xf32>
    %get3A_9 = arith.constant 0 : index
    %get3A_10 = arith.constant 0 : index
    %get3A_11 = vector.load %arg1[%get3A_9, %get3A_10] : memref<8x128xf32, #tpu.memory_space<vmem>>, vector<1x1xf32>
    %get3A_12 = vector.extract %get3A_11[0, 0] : f32 from vector<1x1xf32>
    %add3A = arith.addf %reduce_sum3A_8, %get3A_12 : f32
    %add3A_13 = vector.broadcast %add3A : f32 to vector<128x128xf32>
    %add3A_14 = arith.addf %get3A_1, %add3A_13 : vector<128x128xf32>
    %swap3A = arith.constant 0 : index
    %swap3A_15 = arith.constant 0 : index
    %swap3A_16 = vector.load %arg3[%swap3A, %swap3A_15] : memref<128x128xf32, #tpu.memory_space<vmem>>, vector<128x128xf32>
    tpu.vector_store %arg3[%swap3A, %swap3A_15], %add3A_14 {strides = array<i32>} : memref<128x128xf32, #tpu.memory_space<vmem>>, vector<128x128xf32>,
    return
  }
}

</mosaic_0001>

<sc_bundles>
// kernel: gather_offload_async_start.1
scs
__scs_entry_jumppad:
0x0: {  	(pc) =	sbr.rel $0x88, $3  }
0x1: {  	(tag) =	ssettag $0x0;
	lr =	simm.s32 $0x1  }
0x2: {  	[smem:$0x3F98] =	sst lr;
	_ =	strace $0xD0000000  }
0x3: {  	_ = 	snop  }
0x4: {  	_ = 	snop  }
0x5: {  	_ = 	snop  }
0x6: {  	_ = 	snop  }
0x7: {  	_ = 	snop  }
__scs_overlays_trampoline_lowered:
0x8: {  	[smem:$0x3FA7] =	sst s0  }
0x9: {  	[smem:$0x3FA8] =	sst s1  }
0xa: {  	[smem:$0x3FA9] =	sst s2  }
0xb: {  	[smem:$0x3FAA] =	sst s3  }
0xc: {  	[smem:$0x3FAB] =	sst s4  }
0xd: {  	[smem:$0x3FAC] =	sst s5  }
0xe: {  	[smem:$0x3FAD] =	sst s6  }
0xf: {  	[smem:$0x3FAE] =	sst s7  }
0x10: {  	[smem:$0x3FAF] =	sst s8  }
0x11: {  	[smem:$0x3FB0] =	sst s9;
	s0 =	simm.s32 @!p0 $0x0  }
0x12: {  	s1 =	sld [smem:$0x3F96];
	s0 =	simm.s32 @p0 $0x1  }
0x13: {  	[smem:$0x3FB1] =	sst s0;
	s0 =	simm.s32 @!p1 $0x0  }
0x14: {  	s2 =	sld [smem:$0x3F95];
	s0 =	simm.s32 @p1 $0x1  }
0x15: {  	[smem:$0x3FB2] =	sst s0;
	s0 =	simm.s32 @!p2 $0x0  }
0x16: {  	s3 =	sld [smem:$0x3FDB];
	s0 =	simm.s32 @p2 $0x1  }
0x17: {  	s4 =	simm.s32 $0x1BF5;
	[smem:$0x3FB4] =	sst s0  }
0x18: {  	s0 =	sld [smem:$0x3F97];
	_ =	swait.ge [sflag:s4], $0x0  }
0x19: {  	s7 =	sld [smem:$0x3F98]  }
0x1a: {  	s8 =	sadd.s32 $0xFFFFE003, lr  }
0x1b: {  	s9 =	sadd.s32 $0xFFFFFEF7, lr;
	s5 =	simm.s32 $0xFFFFFFFF;
	p2 =	slt.u32 s8, $0xFFFFF086  }
0x1c: {  	p1 =	slt.u32 s9, $0xF7A;
	s5 =	simm.s32 @!p2 $0x0  }
0x1d: {  	s5 =	simm.s32 @p1 $0x1;
	p0 =	seq.s32 s7, s2  }
0x1e: {  	s7 =	smul.u32 @!p0 $0xF7A, s2;
	p2 =	seq.s32 @!p0 s5, $0x0  }
0x1f: {  	s9 =	smul.u32 $0xF7A, s1;
	s8 =	simm.s32 @!p0 $0x1BF5;
	p2 =	por !p2, p0  }
0x20: {  	[sflag:s8] =	ssyncset.s32 @!p0 $0xFFFFF086;
	s6 =	sadd.s32 @!p0 s3, s7;
	s7 =	simm.s32 @!p0 $0x108  }
0x21: {  	s3 =	sadd.s32 s3, s9;
	s6 =	sadd.s32 @!p0 $0x88, s6;
	s7 =	simm.s32 @p2 $0x1082  }
0x22: {  	[simem:s7], [sflag:s8] =	dma.local @!p0 [hbm:s6], $0xF7A  }
0x23: {  	s9 =	sor.u32 $0xD0000000, s2;
	s6 =	simm.s32 $0x108;
	_ =	swait.ge @!p0 [sflag:s8], $0x0  }
0x24: {  	s3 =	sadd.s32 $0x88, s3;
	s6 =	simm.s32 @!p1 $0x1082;
	[sflag:s4] =	ssyncset.s32 $0xFFFFF086  }
0x25: {  	[simem:s6], [sflag:s4] =	dma.local [hbm:s3], $0xF7A  }
0x26: {  	[smem:$0x3F98] =	sst s1;
	(tag) =	ssettag s2;
	_ =	strace s9  }
0x27: {  	s1 =	sld [smem:$0x3FA8]  }
0x28: {  	s2 =	sld [smem:$0x3FA9]  }
0x29: {  	s4 =	sld [smem:$0x3FAB]  }
0x2a: {  	p0 =	seq.s32 s5, $0x0;
	s5 =	sld [smem:$0x3FAC]  }
0x2b: {  	s6 =	sld [smem:$0x3FAD]  }
0x2c: {  	s7 =	sld [smem:$0x3FAE]  }
0x2d: {  	s3 =	simm.s32 $0x108;
	s8 =	sld [smem:$0x3FAF]  }
0x2e: {  	s3 =	simm.s32 @!p0 $0x1082;
	s9 =	sld [smem:$0x3FB0]  }
0x2f: {  	lr =	sadd.s32 s0, s3;
	s0 =	sld [smem:$0x3FA7]  }
0x30: {  	s3 =	sld [smem:$0x3FAA]  }
0x31: {  	[smem:$0x3FB3] =	sst s10  }
0x32: {  	s10 =	sld [smem:$0x3FB1];
	_ =	sdelay $0x3  }
0x33: {  	p0 =	seq.s32 s10, $0x1;
	s10 =	sld [smem:$0x3FB3];
	_ =	sdelay $0x3  }
0x34: {  	[smem:$0x3FB3] =	sst s10  }
0x35: {  	s10 =	sld [smem:$0x3FB2];
	_ =	sdelay $0x3  }
0x36: {  	p1 =	seq.s32 s10, $0x1;
	s10 =	sld [smem:$0x3FB3];
	_ =	sdelay $0x3  }
0x37: {  	[smem:$0x3FB3] =	sst s10  }
0x38: {  	s10 =	sld [smem:$0x3FB4]  }
0x39: {  	_ = 	snop;
	(pc) =	sbr.ind lr, $3  }
0x3a: {  	_ = 	snop  }
0x3b: {  	_ = 	snop  }
0x3c: {  	p2 =	seq.s32 s10, $0x1;
	s10 =	sld [smem:$0x3FB3]  }
0x3d: {  	_ =	shalt  }
0x3e: {  	_ =	shalt  }
0x3f: {  	_ =	shalt  }
0x40: {  	_ =	shalt  }
0x41: {  	_ =	shalt  }
0x42: {  	_ =	shalt  }
0x43: {  	_ =	shalt  }
0x44: {  	_ =	shalt  }
0x45: {  	_ =	shalt  }
0x46: {  	_ =	shalt  }
0x47: {  	_ =	shalt  }
0x48: {  	_ =	shalt  }
0x49: {  	_ =	shalt  }
0x4a: {  	_ =	shalt  }
0x4b: {  	_ =	shalt  }
0x4c: {  	_ =	shalt  }
0x4d: {  	_ =	shalt  }
0x4e: {  	_ =	shalt  }
0x4f: {  	_ =	shalt  }
0x50: {  	_ =	shalt  }
0x51: {  	_ =	shalt  }
0x52: {  	_ =	shalt  }
0x53: {  	_ =	shalt  }
0x54: {  	_ =	shalt  }
0x55: {  	_ =	shalt  }
0x56: {  	_ =	shalt  }
0x57: {  	_ =	shalt  }
0x58: {  	_ =	shalt  }
0x59: {  	_ =	shalt  }
0x5a: {  	_ =	shalt  }
0x5b: {  	_ =	shalt  }
0x5c: {  	_ =	shalt  }
0x5d: {  	_ =	shalt  }
0x5e: {  	_ =	shalt  }
0x5f: {  	_ =	shalt  }
0x60: {  	_ =	shalt  }
0x61: {  	_ =	shalt  }
0x62: {  	_ =	shalt  }
0x63: {  	_ =	shalt  }
0x64: {  	_ =	shalt  }
0x65: {  	_ =	shalt  }
0x66: {  	_ =	shalt  }
0x67: {  	_ =	shalt  }
0x68: {  	_ =	shalt  }
0x69: {  	_ =	shalt  }
0x6a: {  	_ =	shalt  }
0x6b: {  	_ =	shalt  }
0x6c: {  	_ =	shalt  }
0x6d: {  	_ =	shalt  }
0x6e: {  	_ =	shalt  }
0x6f: {  	_ =	shalt  }
0x70: {  	_ =	shalt  }
0x71: {  	_ =	shalt  }
0x72: {  	_ =	shalt  }
0x73: {  	_ =	shalt  }
0x74: {  	_ =	shalt  }
0x75: {  	_ =	shalt  }
0x76: {  	_ =	shalt  }
0x77: {  	_ =	shalt  }
0x78: {  	_ =	shalt  }
0x79: {  	_ =	shalt  }
0x7a: {  	_ =	shalt  }
0x7b: {  	_ =	shalt  }
0x7c: {  	_ =	shalt  }
0x7d: {  	_ =	shalt  }
0x7e: {  	_ =	shalt  }
0x7f: {  	_ =	shalt  }
0x80: {  	_ =	shalt  }
0x81: {  	_ =	shalt  }
0x82: {  	_ =	shalt  }
0x83: {  	_ =	shalt  }
0x84: {  	_ =	shalt  }
0x85: {  	_ =	shalt  }
0x86: {  	_ =	shalt  }
0x87: {  	_ =	shalt  }
.Lfunc_end0:
.L_simem_size_0:
called_computation.1_lowered:
.L_overlay_start_0:
0x88: {  	s2 =	sld [smem:$0x3FD9]  }
0x89: {  	s3 =	sld [smem:$0x3FFE];
	_ =	sdelay $0x1  }
0x8a: {  	s1 =	srdreg.scid  }
0x8b: {  	s0 =	sand.u32 $0x1, s1  }
0x8c: {  	s17 =	sshll.u32 s0, $0xA;
	s2 =	sadd.s32 s3, s2  }
0x8d: {  	s2 =	sadd.s32 s2, s17  }
0x8e: {  	[smem:$0x3FBF] =	sst s2  }
0x8f: {  	_ = 	snop  }
0x90: {  	(tm) =	ssettm $0x1  }
0x91: {  	s18 =	sld [smem:$0x3FFB];
	_ =	sdelay $0x3  }
0x92: {  	_ =	strace s18  }
0x93: {  	s2 =	sld [smem:$0x3FFC];
	_ =	sdelay $0x3  }
0x94: {  	_ =	strace s2  }
0x95: {  	s2 =	sld [smem:$0x3FFD];
	_ =	sdelay $0x3  }
0x96: {  	_ =	strace s2  }
0x97: {  	_ =	strace $0x8FFFFFFF  }
0x98: {  	s19 =	sld [smem:$0x3FDB];
	_ =	sdelay $0x1  }
0x99: {  	s20 =	simm.s32 $_scs_section_size  }
0x9a: {  	s4 =	simm.s32 $_size__tile_overlayer_lowered;
	s5 =	simm.s32 $_tile_overlayer_lowered  }
0x9b: {  	s6 =	simm.s32 $0x1BFF;
	s21 =	sshll.u32 s5, $0x1;
	s3 =	sadd.s32 s20, s19  }
0x9c: {  	s22 =	simm.s32 $0x0;
	s4 =	sshll.u32 s4, $0x1;
	s5 =	sadd.s32 s21, s3  }
0x9d: {  	[timem:s22], [sflag:s6] =	dma.local [hbm:s5], s4  }
0x9e: {  	_ =	swait.ge [sflag:s6], s4  }
0x9f: {  	s4 =	ssub.s32 $0x0, s4;
	[sflag:s6] =	ssyncset.done $0x0  }
0xa0: {  	[sflag:s6] =	ssyncadd.s32 s4;
	_ =	sdelay $0x1  }
0xa1: {  	s23 =	simm.s32 $0x1B8B  }
0xa2: {  	_ =	swait.ge [sflag:s23], $0x1  }
0xa3: {  	[sflag:s23] =	ssyncset.done $0x0  }
0xa4: {  	[sflag:s23] =	ssyncadd.s32 $0xFFFFFFFF  }
0xa5: {  	s4 =	sld [smem:$0x0]  }
0xa6: {  	s5 =	sand.u32 $0xFFFFFFFE, s1  }
0xa7: {  	p0 =	sne.s32 s1, s5  }
0xa8: {  	s5 =	sshll.u32 @p0 s5, $0xE  }
0xa9: {  	s5 =	sadd.s32 @p0 $0x11B8D, s5;
	s6 =	sshll.u32 @p0 s4, $0x11  }
0xaa: {  	s5 =	sor.u32 @p0 s6, s5  }
0xab: {  	[sflag:s5] =	ssyncadd.remote.s32 @p0 $0x1;
	_ =	sdelay $0x1  }
0xac: {  	s5 =	simm.s32 @p0 $0x1B8D  }
0xad: {  	_ =	swait.eq @p0 [sflag:s5], $0x1  }
0xae: {  	[sflag:s5] =	ssyncadd.s32 @p0 $0xFFFFFFFF  }
0xaf: {  	s6 =	sshll.u32 @!p0 s1, $0xE  }
0xb0: {  	s6 =	sor.u32 @!p0 $0x4000, s6;
	s5 =	simm.s32 @!p0 $0x1B8D  }
0xb1: {  	s4 =	sshll.u32 @!p0 s4, $0x11;
	s6 =	sadd.s32 @!p0 $0x11B8D, s6;
	_ =	swait.eq @!p0 [sflag:s5], $0x1  }
0xb2: {  	s4 =	sor.u32 @!p0 s4, s6;
	[sflag:s5] =	ssyncadd.s32 @!p0 $0xFFFFFFFF  }
0xb3: {  	s25 =	simm.s32 $0x1B8E;
	s24 =	sld [smem:$0x3FFE];
	[sflag:s4] =	ssyncadd.remote.s32 @!p0 $0x1  }
0xb4: {  	s26 =	simm.s32 $execute0_lowered;
	[smem:$0x3FD2] =	sst s25  }
0xb5: {  	s5 =	sshll.u32 s26, $0x1;
	_ =	strace $0x80000049;
	[dreg:$0x1] =	wrdreg $0xFFFFFFFF  }
0xb6: {  	s28 =	simm.s32 $_size_execute0_lowered;
	s3 =	sadd.s32 s3, s5;
	[dreg:$0x0] =	wrdreg $0x0  }
0xb7: {  	s5 =	sshll.u32 s28, $0x1;
	[dreg:$0x2] =	wrdreg s3  }
0xb8: {  	[dreg:$0x3] =	wrdreg s5  }
0xb9: {  	[dreg:$0x4] =	wrdreg $0xC0  }
0xba: {  	_ =	task [dreg:s22], $0x5FFFF  }
0xbb: {  	[dreg:$0x1] =	wrdreg $0xFFFFFFFF  }
0xbc: {  	[dreg:$0x0] =	wrdreg $0x60  }
0xbd: {  	[dreg:$0x2] =	wrdreg s24  }
0xbe: {  	[dreg:$0x3] =	wrdreg $0xA  }
0xbf: {  	_ =	task.clear_ibuf [dreg:s22], $0x4FFFF;
	_ =	strace $0x90000049  }
0xc0: {  	s29 =	simm.s32 $0xA;
	_ =	strace $0x8000004B  }
0xc1: {  	_ =	swait.ge [sflag:s29], $0x1  }
0xc2: {  	[sflag:s29] =	ssyncadd.s32 $0xFFFFFFFF  }
0xc3: {  	_ =	strace $0x9000004B  }
0xc4: {  	_ =	sfence  }
0xc5: {  	s30 =	sld [smem:$0x0];
	_ =	sdelay $0x2  }
0xc6: {  	s31 =	sshll.u32 s1, $0xD;
	s1 =	sshrl.u32 s1, $0x2  }
0xc7: {  	s4 =	sand.u32 $0x4000, s31;
	s1 =	sadd.s32 s1, s30  }
0xc8: {  	s0 =	sor.u32 s4, s0;
	s1 =	sshll.u32 s1, $0x11  }
0xc9: {  	s0 =	sor.u32 s1, s0  }
0xca: {  	s0 =	sadd.s32 $0x8F2B, s0  }
0xcb: {  	[sflag:s0] =	ssyncadd.remote.s32 $0x1  }
0xcc: {  	_ =	sfence.sel $0xFFFF  }
0xcd: {  	[dreg:$0x0] =	wrdreg $0xFFFFFFFF;
	(pc) =	sbr.abs _section_cstart, $3  }
0xce: {  	[dreg:$0x1] =	wrdreg $0xFFFFFFFF  }
0xcf: {  	_ =	task.clear_ibuf [dreg:s22], $0x2FFFF;
	_ =	strace $0x9FFFFFFF  }
0xd0: {  	(tm) =	ssettm $0x7FFFFFFF  }
0xd1: {  	_ =	shalt  }
tec
execute0_lowered:
.L_overlay_start_1:
0x0: {  	(tag) =	ssettag $0x1  }
0x1: {  	s0 =	srdreg.scid;
	s5 =	rddreg [dreg:$0x0]  }
0x2: {  	s1 =	stileid.u32;
	s6 =	simm.s32 $0x1;
	s9 =	simm.s32 $0x1  }
0x3: {  	s10 =	simm.s32 $0x3;
	s13 =	simm.s32 $0x0;
	s2 =	sshll.u32 s0, $0x8  }
0x4: {  	s12 =	simm.s32 $0x0;
	s3 =	sshll.u32 s1, $0x9;
	s2 =	sand.u32 $0x100, s2  }
0x5: {  	s0 =	rddreg [dreg:$0x1];
	_ =	strace $0x8000004A;
	s2 =	sor.u32 s3, s2  }
0x6: {  	s4 =	sadd.s32 $0x6200, s5;
	[sflag:s6] =	ssyncpa.u1 $0x0;
	s8 =	ssub.s32 $0x4000, s2  }
.Ltmp0:
0x7: {  	s3 =	sadd.s32 $0x6A00, s5;
	s7 =	sand.u32 $0x1F00, s8;
	(pc) =	sbr.rel .LBB2_1-.Ltmp0, $4  }
0x8: {  	s5 =	sadd.s32 $0x4A00, s5;
	s11 =	smov.u32 s2;
	p0 =	sne.s32 s7, $0x0  }
0x9: {  	s8 =	sshrl.u32 s8, $0xD;
	s7 =	simm.s32 $0x2;
	s9 =	simm.s32 @!p0 $0x0  }
0xa: {  	[sflag:s7] =	ssyncpa.u1 $0x0;
	p0 =	por $0x0, $0x0;
	s8 =	sadd.s32 s9, s8  }
0xb: {  	vm0 =	vmmov $0xffff;
	[sflag:s10] =	ssyncpa.u1 $0x0;
	s10 =	simm.s32 $0x0;
	s9 =	sadd.s32 $0x1, s8  }
.LBB2_4:
0xc: {  	v1 =	vsel vm1, $0xFFFFFFFF, v1;
	v2 =	vand.u32 $0x3, v2  }
0xd: {  	v2 =	vsel vm1, $0xFFFFFFFF, v2;
	v3 =	vshll.u32 v1, $0x2  }
0xe: {  	v4 =	vand.u32 $0xFFFF0000, v2;
	v3 =	vand.u32 $0xFFFFFE00, v3;
	v2 =	vshll.u32 v2, $0x7  }
0xf: {  	v3 =	vadd.s32 v3, v4;
	v2 =	vand.u32 $0x180, v2  }
0x10: {  	v1 =	vand.u32 $0x7F, v1;
	v2 =	vor.u32 v2, v3  }
0x11: {  	v1 =	vor.u32 v1, v2;
	_ =	sdelay $0x1  }
0x12: {  	(ifvalue) =	ssetifvalue $0x7FFFFFFF;
	s15 =	sadd.s32 $0x10, s15  }
0x13: {  	[tilespmem:s15], [sflag:$0x1] =	stream.indirect_vreg.gather [hbm4b:s3+s10], $0x1, v0, vm0, $0x4038;
	[tilespmem:$0x400] =	vst v63  }
0x14: {  	(ifvalue) =	ssetifvalue $0x7FFFFFFF;
	s15 =	sadd.s32 $0x10, s15  }
0x15: {  	[tilespmem:s15], [sflag:$0x1] =	stream.indirect_vreg.gather [hbm4b:s3+s10], $0x1, v1, vm0, $0x4038;
	[tilespmem:$0x400] =	vst v63  }
0x16: {  	_ =	swait.ge [sflag:s6], $0x100  }
0x17: {  	s30 =	sshrl.u32 s13, $0x3;
	[sflag:s6] =	ssyncset.done $0x0  }
0x18: {  	s31 =	sand.u32 $0x7, s13;
	s15 =	sadd.s32 s5, s30;
	[sflag:s6] =	ssyncadd.s32 $0xFFFFFF00  }
0x19: {  	[hbm4b:s15+s31] =	stream.linear.scatter [tilespmem:s14], [sflag:$0x3], $0x100, $0x38;
	[tilespmem:$0x400] =	vst v63  }
.LBB2_5:
0x1a: {  	s15 =	sadd.s32 $0x2000, s11  }
0x1b: {  	p2 =	sgt.s32 s15, $0x3FFF  }
0x1c: {  	s15 =	smov.u32 @p2 s2;
	p2 =	sne.s32 s12, s9  }
.Ltmp1:
0x1d: {  	p1 =	slt.u32 s12, $0x2;
	(pc) =	sbr.rel @!p2 .LBB2_6-.Ltmp1, $4  }
0x1e: {  	s14 =	simm.s32 @!p1 $0x3  }
0x1f: {  	s16 =	sadd.s32 $0x1, s12;
	_ =	swait.ge @!p1 [sflag:s14], $0x100  }
0x20: {  	s13 =	smov.u32 s11;
	p0 =	por !p0, !p0;
	[sflag:s14] =	ssyncset.done @!p1 $0x0  }
0x21: {  	s12 =	smov.u32 s16;
	s11 =	smov.u32 s15;
	[sflag:s14] =	ssyncadd.s32 @!p1 $0xFFFFFF00  }
.LBB2_1:
0x22: {  	p1 =	sge.u32 s12, s8  }
0x23: {  	s14 =	sxor.u32 @!p1 $0xFFFFFFFF, s12  }
0x24: {  	s31 =	sadd.s32 $0xFFFFFFFF, s12;
	s15 =	sshrl.u32 @!p1 s11, $0x3;
	s14 =	sshll.u32 @!p1 s14, $0x8  }
0x25: {  	s16 =	sand.u32 @!p1 $0x7, s11;
	s15 =	sadd.s32 @!p1 s4, s15;
	s14 =	sand.u32 @!p1 $0x100, s14  }
0x26: {  	[tilespmem:s14], [sflag:$0x2] =	stream.linear.gather @!p1 [hbm4b:s15+s16], $0x100, $0x38;
	[tilespmem:$0x400] =	vst v63  }
0x27: {  	p1 =	sge.u32 s31, s8  }
.Ltmp2:
0x28: {  	_ = 	snop;
	(pc) =	sbr.rel @p1 .LBB2_5-.Ltmp2, $1  }
0x29: {  	_ =	sdelay $0x3  }
0x2a: {  	s14 =	simm.s32 $0x1  }
0x2b: {  	_ =	swait.ge [sflag:s7], $0x100;
	s14 =	simm.s32 @!p0 $0x0  }
0x2c: {  	[sflag:s7] =	ssyncset.done $0x0;
	s14 =	sshll.u32 s14, $0x8  }
0x2d: {  	[sflag:s7] =	ssyncadd.s32 $0xFFFFFF00;
	(ifvalue) =	ssetifvalue $0x7FFFFFFF;
	v0 =	vld.msk [tilespmem:s14+$0x0 ss:$0x1], $0xffff;
	_ =	sdelay $0x3  }
0x2e: {  	s15 =	sadd.s32 $0x10, s14  }
0x2f: {  	v2 =	vld.msk [tilespmem:s15+$0x0 ss:$0x1], $0xffff;
	vm1 =	veq.s32 v0, $0x80000000;
	v1 =	vand.u32 $0x3FFF, v0;
	v0 =	vshrl.u32 v0, $0xE  }
0x30: {  	v1 =	vsel vm1, $0xFFFFFFFF, v1;
	v0 =	vand.u32 $0x3, v0  }
0x31: {  	v0 =	vsel vm1, $0xFFFFFFFF, v0;
	v3 =	vshll.u32 v1, $0x2  }
0x32: {  	v4 =	vand.u32 $0xFFFF0000, v0;
	v3 =	vand.u32 $0xFFFFFE00, v3;
	v0 =	vshll.u32 v0, $0x7  }
0x33: {  	v3 =	vadd.s32 v3, v4;
	v0 =	vand.u32 $0x180, v0  }
0x34: {  	v1 =	vand.u32 $0x7F, v1;
	vm1 =	veq.s32 v2, $0x80000000;
	v0 =	vor.u32 v0, v3  }
0x35: {  	v0 =	vor.u32 v1, v0;
	v1 =	vand.u32 $0x3FFF, v2;
	v2 =	vshrl.u32 v2, $0xE  }
0x36: {  	s17 =	sadd.s32 $0x10, s15;
	v1 =	vsel vm1, $0xFFFFFFFF, v1;
	v2 =	vand.u32 $0x3, v2  }
0x37: {  	v3 =	vld.msk [tilespmem:s17+$0x0 ss:$0x1], $0xffff;
	v2 =	vsel vm1, $0xFFFFFFFF, v2;
	v63 =	vshll.u32 v1, $0x2  }
0x38: {  	v5 =	vand.u32 $0xFFFF0000, v2;
	v4 =	vand.u32 $0xFFFFFE00, v63;
	v2 =	vshll.u32 v2, $0x7  }
0x39: {  	s31 =	sshll.u32 s12, $0x8;
	s15 =	sor.u32 $0x200, s14;
	(ifvalue) =	ssetifvalue $0x7FFFFFFF;
	v4 =	vadd.s32 v4, v5;
	v2 =	vand.u32 $0x180, v2  }
0x3a: {  	[tilespmem:s15], [sflag:$0x1] =	stream.indirect_vreg.gather [hbm4b:s3+s10], $0x1, v0, vm0, $0x4038;
	v0 =	vand.u32 $0x7F, v1;
	v1 =	vor.u32 v2, v4;
	[tilespmem:$0x400] =	vst v63  }
0x3b: {  	s14 =	sand.u32 $0x100, s31;
	v0 =	vor.u32 v0, v1  }
0x3c: {  	s16 =	simm.s32 $0x20;
	s14 =	sor.u32 $0x200, s14;
	s17 =	sadd.s32 $0x10, s17;
	vm1 =	veq.s32 v3, $0x80000000;
	v2 =	vshrl.u32 v3, $0xE;
	v1 =	vand.u32 $0x3FFF, v3  }
.LBB2_3:
0x3d: {  	v3 =	vld.msk [tilespmem:s17+$0x0 ss:$0x1], $0xffff;
	s16 =	sadd.s32 $0x10, s16;
	v1 =	vsel vm1, $0xFFFFFFFF, v1;
	v2 =	vand.u32 $0x3, v2  }
0x3e: {  	p1 =	slt.u32 s16, $0xF0;
	v2 =	vsel vm1, $0xFFFFFFFF, v2;
	v4 =	vshll.u32 v1, $0x2  }
.Ltmp3:
0x3f: {  	s15 =	sadd.s32 $0x10, s15;
	v5 =	vand.u32 $0xFFFF0000, v2;
	v4 =	vand.u32 $0xFFFFFE00, v4;
	v2 =	vshll.u32 v2, $0x7;
	(ifvalue) =	ssetifvalue $0x7FFFFFFF;
	(pc) =	sbr.rel @p1 .LBB2_3-.Ltmp3, $4  }
0x40: {  	v4 =	vadd.s32 v4, v5;
	v2 =	vand.u32 $0x180, v2;
	[tilespmem:s15], [sflag:$0x1] =	stream.indirect_vreg.gather [hbm4b:s3+s10], $0x1, v0, vm0, $0x4038;
	[tilespmem:$0x400] =	vst v63  }
0x41: {  	v0 =	vand.u32 $0x7F, v1;
	v1 =	vor.u32 v2, v4  }
0x42: {  	v0 =	vor.u32 v0, v1  }
0x43: {  	s17 =	sadd.s32 $0x10, s17;
	vm1 =	veq.s32 v3, $0x80000000;
	v1 =	vand.u32 $0x3FFF, v3;
	v2 =	vshrl.u32 v3, $0xE  }
.Ltmp4:
0x44: {  	_ = 	snop;
	(pc) =	sbr.rel .LBB2_4-.Ltmp4, $1  }
0x45: {  	_ =	sdelay $0x3  }
.LBB2_6:
0x46: {  	_ =	sfence.sel $0x180000  }
0x47: {  	s2 =	simm.s32 $0x2;
	[bflag:$0x0] =	sbarrier.arrive $0xFFFF  }
0x48: {  	s30 =	simm.s32 $0x3;
	[sflag:s2] =	ssyncpa.u1 $0x1  }
0x49: {  	s31 =	simm.s32 $0x1;
	[sflag:s30] =	ssyncpa.u1 $0x1  }
0x4a: {  	[sflag:s31] =	ssyncpa.u1 $0x1  }
0x4b: {  	p0 =	sne.s32 s1, $0x0;
	_ =	strace $0x9000004A  }
0x4c: {  	s0 =	sadd.s32 @!p0 $0x100000, s0;
	[bflag:$0x2] =	sbarrier.arrive $0xFFFF  }
0x4d: {  	[sflag:s0] =	ssyncadd.tile.s32 @!p0 $0x1;
	_ =	shalt  }
.Lfunc_end2:
_tile_overlayer_lowered:
.L_overlay_start_2:
0x4e: {  	(tag) =	ssettag $0x2  }
0x4f: {  	s0 =	rddreg [dreg:$0x0];
	s2 =	stileid.u32  }
0x50: {  	s1 =	rddreg [dreg:$0x1];
	p0 =	sne.s32 s2, $0x0  }
0x51: {  	s3 =	rddreg [dreg:$0x2];
	[bflag:$0x3] =	sbarrier.arrive $0xFFFF;
	s2 =	simm.s32 @!p0 $0x1C01  }
0x52: {  	[timem:s3], [sflag:s2] =	dma.local @!p0 [hbm:s0], s1  }
0x53: {  	s0 =	simm.s32 @!p0 $0x1  }
0x54: {  	_ =	swait.ge @!p0 [sflag:s0], s1  }
0x55: {  	s1 =	ssub.s32 @!p0 $0x0, s1;
	[sflag:s0] =	ssyncset.done @!p0 $0x0  }
0x56: {  	[sflag:s0] =	ssyncadd.s32 @!p0 s1  }
0x57: {  	[bflag:$0x3] =	sbarrier.arrive $0xFFFF  }
0x58: {  	_ =	shalt  }

// kernel: gather_offload_async_start
scs
__scs_entry_jumppad:
0x0: {  	(pc) =	sbr.rel $0x88, $3  }
0x1: {  	(tag) =	ssettag $0x0;
	lr =	simm.s32 $0x1  }
0x2: {  	[smem:$0x3F98] =	sst lr;
	_ =	strace $0xD0000000  }
0x3: {  	_ = 	snop  }
0x4: {  	_ = 	snop  }
0x5: {  	_ = 	snop  }
0x6: {  	_ = 	snop  }
0x7: {  	_ = 	snop  }
__scs_overlays_trampoline_lowered:
0x8: {  	[smem:$0x3FA7] =	sst s0  }
0x9: {  	[smem:$0x3FA8] =	sst s1  }
0xa: {  	[smem:$0x3FA9] =	sst s2  }
0xb: {  	[smem:$0x3FAA] =	sst s3  }
0xc: {  	[smem:$0x3FAB] =	sst s4  }
0xd: {  	[smem:$0x3FAC] =	sst s5  }
0xe: {  	[smem:$0x3FAD] =	sst s6  }
0xf: {  	[smem:$0x3FAE] =	sst s7  }
0x10: {  	[smem:$0x3FAF] =	sst s8  }
0x11: {  	[smem:$0x3FB0] =	sst s9;
	s0 =	simm.s32 @!p0 $0x0  }
0x12: {  	s1 =	sld [smem:$0x3F96];
	s0 =	simm.s32 @p0 $0x1  }
0x13: {  	[smem:$0x3FB1] =	sst s0;
	s0 =	simm.s32 @!p1 $0x0  }
0x14: {  	s2 =	sld [smem:$0x3F95];
	s0 =	simm.s32 @p1 $0x1  }
0x15: {  	[smem:$0x3FB2] =	sst s0;
	s0 =	simm.s32 @!p2 $0x0  }
0x16: {  	s3 =	sld [smem:$0x3FDB];
	s0 =	simm.s32 @p2 $0x1  }
0x17: {  	s4 =	simm.s32 $0x1BF5;
	[smem:$0x3FB4] =	sst s0  }
0x18: {  	s0 =	sld [smem:$0x3F97];
	_ =	swait.ge [sflag:s4], $0x0  }
0x19: {  	s7 =	sld [smem:$0x3F98]  }
0x1a: {  	s8 =	sadd.s32 $0xFFFFE003, lr  }
0x1b: {  	s9 =	sadd.s32 $0xFFFFFEF7, lr;
	s5 =	simm.s32 $0xFFFFFFFF;
	p2 =	slt.u32 s8, $0xFFFFF086  }
0x1c: {  	p1 =	slt.u32 s9, $0xF7A;
	s5 =	simm.s32 @!p2 $0x0  }
0x1d: {  	s5 =	simm.s32 @p1 $0x1;
	p0 =	seq.s32 s7, s2  }
0x1e: {  	s7 =	smul.u32 @!p0 $0xF7A, s2;
	p2 =	seq.s32 @!p0 s5, $0x0  }
0x1f: {  	s9 =	smul.u32 $0xF7A, s1;
	s8 =	simm.s32 @!p0 $0x1BF5;
	p2 =	por !p2, p0  }
0x20: {  	[sflag:s8] =	ssyncset.s32 @!p0 $0xFFFFF086;
	s6 =	sadd.s32 @!p0 s3, s7;
	s7 =	simm.s32 @!p0 $0x108  }
0x21: {  	s3 =	sadd.s32 s3, s9;
	s6 =	sadd.s32 @!p0 $0x88, s6;
	s7 =	simm.s32 @p2 $0x1082  }
0x22: {  	[simem:s7], [sflag:s8] =	dma.local @!p0 [hbm:s6], $0xF7A  }
0x23: {  	s9 =	sor.u32 $0xD0000000, s2;
	s6 =	simm.s32 $0x108;
	_ =	swait.ge @!p0 [sflag:s8], $0x0  }
0x24: {  	s3 =	sadd.s32 $0x88, s3;
	s6 =	simm.s32 @!p1 $0x1082;
	[sflag:s4] =	ssyncset.s32 $0xFFFFF086  }
0x25: {  	[simem:s6], [sflag:s4] =	dma.local [hbm:s3], $0xF7A  }
0x26: {  	[smem:$0x3F98] =	sst s1;
	(tag) =	ssettag s2;
	_ =	strace s9  }
0x27: {  	s1 =	sld [smem:$0x3FA8]  }
0x28: {  	s2 =	sld [smem:$0x3FA9]  }
0x29: {  	s4 =	sld [smem:$0x3FAB]  }
0x2a: {  	p0 =	seq.s32 s5, $0x0;
	s5 =	sld [smem:$0x3FAC]  }
0x2b: {  	s6 =	sld [smem:$0x3FAD]  }
0x2c: {  	s7 =	sld [smem:$0x3FAE]  }
0x2d: {  	s3 =	simm.s32 $0x108;
	s8 =	sld [smem:$0x3FAF]  }
0x2e: {  	s3 =	simm.s32 @!p0 $0x1082;
	s9 =	sld [smem:$0x3FB0]  }
0x2f: {  	lr =	sadd.s32 s0, s3;
	s0 =	sld [smem:$0x3FA7]  }
0x30: {  	s3 =	sld [smem:$0x3FAA]  }
0x31: {  	[smem:$0x3FB3] =	sst s10  }
0x32: {  	s10 =	sld [smem:$0x3FB1];
	_ =	sdelay $0x3  }
0x33: {  	p0 =	seq.s32 s10, $0x1;
	s10 =	sld [smem:$0x3FB3];
	_ =	sdelay $0x3  }
0x34: {  	[smem:$0x3FB3] =	sst s10  }
0x35: {  	s10 =	sld [smem:$0x3FB2];
	_ =	sdelay $0x3  }
0x36: {  	p1 =	seq.s32 s10, $0x1;
	s10 =	sld [smem:$0x3FB3];
	_ =	sdelay $0x3  }
0x37: {  	[smem:$0x3FB3] =	sst s10  }
0x38: {  	s10 =	sld [smem:$0x3FB4]  }
0x39: {  	_ = 	snop;
	(pc) =	sbr.ind lr, $3  }
0x3a: {  	_ = 	snop  }
0x3b: {  	_ = 	snop  }
0x3c: {  	p2 =	seq.s32 s10, $0x1;
	s10 =	sld [smem:$0x3FB3]  }
0x3d: {  	_ =	shalt  }
0x3e: {  	_ =	shalt  }
0x3f: {  	_ =	shalt  }
0x40: {  	_ =	shalt  }
0x41: {  	_ =	shalt  }
0x42: {  	_ =	shalt  }
0x43: {  	_ =	shalt  }
0x44: {  	_ =	shalt  }
0x45: {  	_ =	shalt  }
0x46: {  	_ =	shalt  }
0x47: {  	_ =	shalt  }
0x48: {  	_ =	shalt  }
0x49: {  	_ =	shalt  }
0x4a: {  	_ =	shalt  }
0x4b: {  	_ =	shalt  }
0x4c: {  	_ =	shalt  }
0x4d: {  	_ =	shalt  }
0x4e: {  	_ =	shalt  }
0x4f: {  	_ =	shalt  }
0x50: {  	_ =	shalt  }
0x51: {  	_ =	shalt  }
0x52: {  	_ =	shalt  }
0x53: {  	_ =	shalt  }
0x54: {  	_ =	shalt  }
0x55: {  	_ =	shalt  }
0x56: {  	_ =	shalt  }
0x57: {  	_ =	shalt  }
0x58: {  	_ =	shalt  }
0x59: {  	_ =	shalt  }
0x5a: {  	_ =	shalt  }
0x5b: {  	_ =	shalt  }
0x5c: {  	_ =	shalt  }
0x5d: {  	_ =	shalt  }
0x5e: {  	_ =	shalt  }
0x5f: {  	_ =	shalt  }
0x60: {  	_ =	shalt  }
0x61: {  	_ =	shalt  }
0x62: {  	_ =	shalt  }
0x63: {  	_ =	shalt  }
0x64: {  	_ =	shalt  }
0x65: {  	_ =	shalt  }
0x66: {  	_ =	shalt  }
0x67: {  	_ =	shalt  }
0x68: {  	_ =	shalt  }
0x69: {  	_ =	shalt  }
0x6a: {  	_ =	shalt  }
0x6b: {  	_ =	shalt  }
0x6c: {  	_ =	shalt  }
0x6d: {  	_ =	shalt  }
0x6e: {  	_ =	shalt  }
0x6f: {  	_ =	shalt  }
0x70: {  	_ =	shalt  }
0x71: {  	_ =	shalt  }
0x72: {  	_ =	shalt  }
0x73: {  	_ =	shalt  }
0x74: {  	_ =	shalt  }
0x75: {  	_ =	shalt  }
0x76: {  	_ =	shalt  }
0x77: {  	_ =	shalt  }
0x78: {  	_ =	shalt  }
0x79: {  	_ =	shalt  }
0x7a: {  	_ =	shalt  }
0x7b: {  	_ =	shalt  }
0x7c: {  	_ =	shalt  }
0x7d: {  	_ =	shalt  }
0x7e: {  	_ =	shalt  }
0x7f: {  	_ =	shalt  }
0x80: {  	_ =	shalt  }
0x81: {  	_ =	shalt  }
0x82: {  	_ =	shalt  }
0x83: {  	_ =	shalt  }
0x84: {  	_ =	shalt  }
0x85: {  	_ =	shalt  }
0x86: {  	_ =	shalt  }
0x87: {  	_ =	shalt  }
.Lfunc_end0:
.L_simem_size_0:
called_computation_lowered:
.L_overlay_start_0:
0x88: {  	s2 =	sld [smem:$0x3FD9]  }
0x89: {  	s3 =	sld [smem:$0x3FFE];
	_ =	sdelay $0x1  }
0x8a: {  	s1 =	srdreg.scid  }
0x8b: {  	s0 =	sand.u32 $0x1, s1  }
0x8c: {  	s16 =	sshll.u32 s0, $0xA;
	s2 =	sadd.s32 s3, s2  }
0x8d: {  	s2 =	sadd.s32 s2, s16  }
0x8e: {  	[smem:$0x3FBF] =	sst s2  }
0x8f: {  	_ = 	snop  }
0x90: {  	(tm) =	ssettm $0x1  }
0x91: {  	s17 =	sld [smem:$0x3FFB];
	_ =	sdelay $0x3  }
0x92: {  	_ =	strace s17  }
0x93: {  	s2 =	sld [smem:$0x3FFC];
	_ =	sdelay $0x3  }
0x94: {  	_ =	strace s2  }
0x95: {  	s2 =	sld [smem:$0x3FFD];
	_ =	sdelay $0x3  }
0x96: {  	_ =	strace s2  }
0x97: {  	_ =	strace $0x8FFFFFFF  }
0x98: {  	s18 =	sld [smem:$0x3FDB];
	_ =	sdelay $0x1  }
0x99: {  	s19 =	simm.s32 $_scs_section_size  }
0x9a: {  	s4 =	simm.s32 $_size__tile_overlayer_lowered;
	s5 =	simm.s32 $_tile_overlayer_lowered  }
0x9b: {  	s22 =	simm.s32 $0x1BFF;
	s21 =	sshll.u32 s5, $0x1;
	s2 =	sadd.s32 s19, s18  }
0x9c: {  	s6 =	simm.s32 $0x0;
	s20 =	sshll.u32 s4, $0x1;
	s4 =	sadd.s32 s21, s2  }
0x9d: {  	[timem:s6], [sflag:s22] =	dma.local [hbm:s4], s20  }
0x9e: {  	_ =	swait.ge [sflag:s22], s20  }
0x9f: {  	s3 =	ssub.s32 $0x0, s20;
	[sflag:s22] =	ssyncset.done $0x0  }
0xa0: {  	[sflag:s22] =	ssyncadd.s32 s3;
	_ =	sdelay $0x1  }
0xa1: {  	s23 =	simm.s32 $0x1B8B  }
0xa2: {  	_ =	swait.ge [sflag:s23], $0x1  }
0xa3: {  	[sflag:s23] =	ssyncset.done $0x0  }
0xa4: {  	s25 =	simm.s32 $0x1B8E;
	s24 =	sld [smem:$0x3FFE];
	[sflag:s23] =	ssyncadd.s32 $0xFFFFFFFF  }
0xa5: {  	s26 =	simm.s32 $execute0_lowered;
	[smem:$0x3FD2] =	sst s25  }
0xa6: {  	s4 =	sshll.u32 s26, $0x1;
	_ =	strace $0x80000046;
	[dreg:$0x1] =	wrdreg $0xFFFFFFFF  }
0xa7: {  	s28 =	simm.s32 $_size_execute0_lowered;
	s2 =	sadd.s32 s2, s4;
	[dreg:$0x0] =	wrdreg $0x0  }
0xa8: {  	s4 =	sshll.u32 s28, $0x1;
	[dreg:$0x2] =	wrdreg s2  }
0xa9: {  	[dreg:$0x3] =	wrdreg s4  }
0xaa: {  	[dreg:$0x4] =	wrdreg $0xC0  }
0xab: {  	_ =	task [dreg:s6], $0x5FFFF  }
0xac: {  	[dreg:$0x1] =	wrdreg $0xFFFFFFFF  }
0xad: {  	[dreg:$0x0] =	wrdreg $0x60  }
0xae: {  	[dreg:$0x2] =	wrdreg s24  }
0xaf: {  	[dreg:$0x3] =	wrdreg $0x9  }
0xb0: {  	_ =	task.clear_ibuf [dreg:s6], $0x4FFFF;
	_ =	strace $0x90000046  }
0xb1: {  	s29 =	simm.s32 $0x9;
	_ =	strace $0x80000048  }
0xb2: {  	_ =	swait.ge [sflag:s29], $0x1  }
0xb3: {  	[sflag:s29] =	ssyncadd.s32 $0xFFFFFFFF  }
0xb4: {  	_ =	strace $0x90000048  }
0xb5: {  	_ =	sfence  }
0xb6: {  	s30 =	sld [smem:$0x0];
	_ =	sdelay $0x2  }
0xb7: {  	s31 =	sshll.u32 s1, $0xD;
	s1 =	sshrl.u32 s1, $0x2  }
0xb8: {  	s3 =	sand.u32 $0x4000, s31;
	s1 =	sadd.s32 s1, s30  }
0xb9: {  	s0 =	sor.u32 s3, s0;
	s1 =	sshll.u32 s1, $0x11  }
0xba: {  	s0 =	sor.u32 s1, s0  }
0xbb: {  	s0 =	sadd.s32 $0x8F2B, s0  }
0xbc: {  	[sflag:s0] =	ssyncadd.remote.s32 $0x1  }
0xbd: {  	_ =	sfence.sel $0xFFFF  }
0xbe: {  	[dreg:$0x0] =	wrdreg $0xFFFFFFFF;
	(pc) =	sbr.abs _section_cstart, $3  }
0xbf: {  	[dreg:$0x1] =	wrdreg $0xFFFFFFFF  }
0xc0: {  	_ =	task.clear_ibuf [dreg:s6], $0x2FFFF;
	_ =	strace $0x9FFFFFFF  }
0xc1: {  	(tm) =	ssettm $0x7FFFFFFF  }
tec
execute0_lowered:
.L_overlay_start_1:
0x0: {  	(tag) =	ssettag $0x1  }
0x1: {  	s0 =	srdreg.scid;
	s5 =	rddreg [dreg:$0x0]  }
0x2: {  	s1 =	stileid.u32;
	s6 =	simm.s32 $0x1;
	s9 =	simm.s32 $0x1  }
0x3: {  	s10 =	simm.s32 $0x3;
	s13 =	simm.s32 $0x0;
	s2 =	sshll.u32 s0, $0x8  }
0x4: {  	s12 =	simm.s32 $0x0;
	s3 =	sshll.u32 s1, $0x9;
	s2 =	sand.u32 $0x100, s2  }
0x5: {  	s0 =	rddreg [dreg:$0x1];
	_ =	strace $0x80000047;
	s2 =	sor.u32 s3, s2  }
0x6: {  	s4 =	sadd.s32 $0x6200, s5;
	[sflag:s6] =	ssyncpa.u1 $0x0;
	s8 =	ssub.s32 $0x4000, s2  }
.Ltmp0:
0x7: {  	s3 =	sadd.s32 $0x2A800, s5;
	s7 =	sand.u32 $0x1F00, s8;
	(pc) =	sbr.rel .LBB2_1-.Ltmp0, $4  }
0x8: {  	s5 =	sadd.s32 $0x3A00, s5;
	s11 =	smov.u32 s2;
	p0 =	sne.s32 s7, $0x0  }
0x9: {  	s8 =	sshrl.u32 s8, $0xD;
	s7 =	simm.s32 $0x2;
	s9 =	simm.s32 @!p0 $0x0  }
0xa: {  	[sflag:s7] =	ssyncpa.u1 $0x0;
	p0 =	por $0x0, $0x0;
	s8 =	sadd.s32 s9, s8  }
0xb: {  	vm0 =	vmmov $0xffff;
	[sflag:s10] =	ssyncpa.u1 $0x0;
	s10 =	simm.s32 $0x0;
	s9 =	sadd.s32 $0x1, s8  }
.LBB2_4:
0xc: {  	v5 =	vshrl.u32 v1, $0xE;
	v6 =	vshll.u32 v1, $0x7  }
0xd: {  	vm1 =	veq.s32 v1, $0x80000000;
	v58 =	vand.u32 $0x3, v5;
	v59 =	vand.u32 $0x1FFF80, v6  }
0xe: {  	v1 =	vsel vm1, $0xFFFFFFFF, v58;
	v5 =	vsel vm1, $0xFFFFFF80, v59  }
0xf: {  	v3 =	vor.u32 v4, v3;
	v60 =	vand.u32 $0xFFFFFC00, v5;
	v61 =	vand.u32 $0xFFFFFC00, v1  }
0x10: {  	v2 =	vor.u32 v2, v3;
	v63 =	vand.u32 $0x380, v5;
	v62 =	vadd.s32 v61, v60  }
0x11: {  	v1 =	vand.u32 $0x7F, v1;
	v3 =	vor.u32 v63, v62  }
0x12: {  	v1 =	vor.u32 v1, v3  }
0x13: {  	[tilespmem:s15], [sflag:$0x1] =	stream.indirect_vreg.gather [hbm4b:s3+s10], $0x1, v0, vm0, $0x4038;
	[tilespmem:$0x400] =	vst v63  }
0x14: {  	(ifvalue) =	ssetifvalue $0x7FFFFFFF  }
0x15: {  	[tilespmem:s16], [sflag:$0x1] =	stream.indirect_vreg.gather [hbm4b:s3+s10], $0x1, v2, vm0, $0x4038;
	[tilespmem:$0x400] =	vst v63  }
0x16: {  	s29 =	sadd.s32 $0x10, s16;
	(ifvalue) =	ssetifvalue $0x7FFFFFFF  }
0x17: {  	[tilespmem:s29], [sflag:$0x1] =	stream.indirect_vreg.gather [hbm4b:s3+s10], $0x1, v1, vm0, $0x4038;
	[tilespmem:$0x400] =	vst v63  }
0x18: {  	_ =	swait.ge [sflag:s6], $0x100  }
0x19: {  	s30 =	sshrl.u32 s13, $0x3;
	[sflag:s6] =	ssyncset.done $0x0  }
0x1a: {  	s31 =	sand.u32 $0x7, s13;
	s15 =	sadd.s32 s5, s30;
	[sflag:s6] =	ssyncadd.s32 $0xFFFFFF00  }
0x1b: {  	[hbm4b:s15+s31] =	stream.linear.scatter [tilespmem:s14], [sflag:$0x3], $0x100, $0x38;
	[tilespmem:$0x400] =	vst v63  }
.LBB2_5:
0x1c: {  	s15 =	sadd.s32 $0x2000, s11  }
0x1d: {  	p2 =	sgt.s32 s15, $0x3FFF  }
0x1e: {  	s15 =	smov.u32 @p2 s2;
	p2 =	sne.s32 s12, s9  }
.Ltmp1:
0x1f: {  	p1 =	slt.u32 s12, $0x2;
	(pc) =	sbr.rel @!p2 .LBB2_6-.Ltmp1, $4  }
0x20: {  	s14 =	simm.s32 @!p1 $0x3  }
0x21: {  	s16 =	sadd.s32 $0x1, s12;
	_ =	swait.ge @!p1 [sflag:s14], $0x100  }
0x22: {  	s13 =	smov.u32 s11;
	p0 =	por !p0, !p0;
	[sflag:s14] =	ssyncset.done @!p1 $0x0  }
0x23: {  	s12 =	smov.u32 s16;
	s11 =	smov.u32 s15;
	[sflag:s14] =	ssyncadd.s32 @!p1 $0xFFFFFF00  }
.LBB2_1:
0x24: {  	p1 =	sge.u32 s12, s8  }
0x25: {  	s14 =	sxor.u32 @!p1 $0xFFFFFFFF, s12  }
0x26: {  	s31 =	sadd.s32 $0xFFFFFFFF, s12;
	s15 =	sshrl.u32 @!p1 s11, $0x3;
	s14 =	sshll.u32 @!p1 s14, $0x8  }
0x27: {  	s16 =	sand.u32 @!p1 $0x7, s11;
	s15 =	sadd.s32 @!p1 s4, s15;
	s14 =	sand.u32 @!p1 $0x100, s14  }
0x28: {  	[tilespmem:s14], [sflag:$0x2] =	stream.linear.gather @!p1 [hbm4b:s15+s16], $0x100, $0x38;
	[tilespmem:$0x400] =	vst v63  }
0x29: {  	p1 =	sge.u32 s31, s8  }
.Ltmp2:
0x2a: {  	_ = 	snop;
	(pc) =	sbr.rel @p1 .LBB2_5-.Ltmp2, $1  }
0x2b: {  	_ =	sdelay $0x3  }
0x2c: {  	s14 =	simm.s32 $0x1  }
0x2d: {  	_ =	swait.ge [sflag:s7], $0x100;
	s14 =	simm.s32 @!p0 $0x0  }
0x2e: {  	[sflag:s7] =	ssyncset.done $0x0;
	s14 =	sshll.u32 s14, $0x8  }
0x2f: {  	[sflag:s7] =	ssyncadd.s32 $0xFFFFFF00;
	(ifvalue) =	ssetifvalue $0x7FFFFFFF;
	v0 =	vld.msk [tilespmem:s14+$0x0 ss:$0x1], $0xffff;
	_ =	sdelay $0x4  }
0x30: {  	s15 =	sadd.s32 $0x10, s14;
	v2 =	vshrl.u32 v0, $0xE;
	v3 =	vshll.u32 v0, $0x7  }
0x31: {  	v1 =	vld.msk [tilespmem:s15+$0x0 ss:$0x1], $0xffff;
	vm1 =	veq.s32 v0, $0x80000000;
	v0 =	vand.u32 $0x3, v2;
	v2 =	vand.u32 $0x1FFF80, v3  }
0x32: {  	v0 =	vsel vm1, $0xFFFFFFFF, v0;
	v2 =	vsel vm1, $0xFFFFFF80, v2  }
0x33: {  	v3 =	vand.u32 $0xFFFFFC00, v2;
	v4 =	vand.u32 $0xFFFFFC00, v0  }
0x34: {  	v2 =	vand.u32 $0x380, v2;
	v3 =	vadd.s32 v4, v3  }
0x35: {  	v0 =	vand.u32 $0x7F, v0;
	v2 =	vor.u32 v2, v3  }
0x36: {  	v5 =	vshll.u32 v1, $0x7;
	v4 =	vshrl.u32 v1, $0xE;
	v0 =	vor.u32 v0, v2  }
0x37: {  	s16 =	sshll.u32 s12, $0x8;
	vm1 =	veq.s32 v1, $0x80000000;
	v1 =	vand.u32 $0x3, v4;
	v4 =	vand.u32 $0x1FFF80, v5  }
0x38: {  	s16 =	sand.u32 $0x100, s16;
	s18 =	sadd.s32 $0x10, s15;
	v3 =	vsel vm1, $0xFFFFFFFF, v1;
	v4 =	vsel vm1, $0xFFFFFF80, v4  }
0x39: {  	s17 =	simm.s32 $0x20;
	s15 =	sor.u32 $0x200, s14;
	s14 =	sor.u32 $0x200, s16;
	v1 =	vld.msk [tilespmem:s18+$0x0 ss:$0x1], $0xffff;
	v5 =	vand.u32 $0xFFFFFC00, v4;
	v6 =	vand.u32 $0xFFFFFC00, v3  }
0x3a: {  	s16 =	sadd.s32 $0x10, s15;
	s18 =	sadd.s32 $0x10, s18;
	(ifvalue) =	ssetifvalue $0x7FFFFFFF;
	v2 =	vand.u32 $0x7F, v3;
	v4 =	vand.u32 $0x380, v4;
	v3 =	vadd.s32 v6, v5  }
.LBB2_3:
0x3b: {  	[tilespmem:s15], [sflag:$0x1] =	stream.indirect_vreg.gather [hbm4b:s3+s10], $0x1, v0, vm0, $0x4038;
	[tilespmem:$0x400] =	vst v63  }
0x3c: {  	s17 =	sadd.s32 $0x10, s17  }
0x3d: {  	v3 =	vor.u32 v4, v3;
	p1 =	slt.u32 s17, $0xF0  }
.Ltmp3:
0x3e: {  	v4 =	vshrl.u32 v1, $0xE;
	v5 =	vshll.u32 v1, $0x7;
	s15 =	smov.u32 s16;
	v0 =	vor.u32 v2, v3;
	v2 =	vmovc v1;
	v1 =	vld.msk [tilespmem:s18+$0x0 ss:$0x1], $0xffff;
	(pc) =	sbr.rel @p1 .LBB2_3-.Ltmp3, $4  }
0x3f: {  	v3 =	vand.u32 $0x1FFF80, v5;
	vm1 =	veq.s32 v2, $0x80000000;
	v2 =	vand.u32 $0x3, v4  }
0x40: {  	v4 =	vsel vm1, $0xFFFFFFFF, v2;
	v5 =	vsel vm1, $0xFFFFFF80, v3  }
0x41: {  	v2 =	vand.u32 $0x7F, v4;
	v3 =	vand.u32 $0xFFFFFC00, v5;
	v4 =	vand.u32 $0xFFFFFC00, v4  }
0x42: {  	s16 =	sadd.s32 $0x10, s16;
	s18 =	sadd.s32 $0x10, s18;
	v3 =	vadd.s32 v4, v3;
	v4 =	vand.u32 $0x380, v5;
	(ifvalue) =	ssetifvalue $0x7FFFFFFF  }
.Ltmp4:
0x43: {  	_ = 	snop;
	(pc) =	sbr.rel .LBB2_4-.Ltmp4, $1  }
0x44: {  	_ =	sdelay $0x3  }
.LBB2_6:
0x45: {  	_ =	sfence.sel $0x180000  }
0x46: {  	s2 =	simm.s32 $0x2;
	[bflag:$0x0] =	sbarrier.arrive $0xFFFF  }
0x47: {  	s30 =	simm.s32 $0x3;
	[sflag:s2] =	ssyncpa.u1 $0x1  }
0x48: {  	s31 =	simm.s32 $0x1;
	[sflag:s30] =	ssyncpa.u1 $0x1  }
0x49: {  	[sflag:s31] =	ssyncpa.u1 $0x1  }
0x4a: {  	p0 =	sne.s32 s1, $0x0;
	_ =	strace $0x90000047  }
0x4b: {  	s0 =	sadd.s32 @!p0 $0x100000, s0;
	[bflag:$0x2] =	sbarrier.arrive $0xFFFF  }
0x4c: {  	[sflag:s0] =	ssyncadd.tile.s32 @!p0 $0x1;
	_ =	shalt  }
.Lfunc_end2:
_tile_overlayer_lowered:
.L_overlay_start_2:
0x4d: {  	(tag) =	ssettag $0x2  }
0x4e: {  	s0 =	rddreg [dreg:$0x0];
	s2 =	stileid.u32  }
0x4f: {  	s1 =	rddreg [dreg:$0x1];
	p0 =	sne.s32 s2, $0x0  }
0x50: {  	s3 =	rddreg [dreg:$0x2];
	[bflag:$0x3] =	sbarrier.arrive $0xFFFF;
	s2 =	simm.s32 @!p0 $0x1C01  }
0x51: {  	[timem:s3], [sflag:s2] =	dma.local @!p0 [hbm:s0], s1  }
0x52: {  	s0 =	simm.s32 @!p0 $0x1  }
0x53: {  	_ =	swait.ge @!p0 [sflag:s0], s1  }
0x54: {  	s1 =	ssub.s32 @!p0 $0x0, s1;
	[sflag:s0] =	ssyncset.done @!p0 $0x0  }
0x55: {  	[sflag:s0] =	ssyncadd.s32 @!p0 s1  }
0x56: {  	[bflag:$0x3] =	sbarrier.arrive $0xFFFF  }
0x57: {  	_ =	shalt  }

// kernel: kernel.5.cloned.1.call-start
scs
__scs_entry_jumppad:
0x0: {  	(pc) =	sbr.rel $0x88, $3  }
0x1: {  	(tag) =	ssettag $0x0;
	lr =	simm.s32 $0x1  }
0x2: {  	[smem:$0x3F98] =	sst lr;
	_ =	strace $0xD0000000  }
0x3: {  	_ = 	snop  }
0x4: {  	_ = 	snop  }
0x5: {  	_ = 	snop  }
0x6: {  	_ = 	snop  }
0x7: {  	_ = 	snop  }
__scs_overlays_trampoline_lowered:
0x8: {  	[smem:$0x3FA7] =	sst s0  }
0x9: {  	[smem:$0x3FA8] =	sst s1  }
0xa: {  	[smem:$0x3FA9] =	sst s2  }
0xb: {  	[smem:$0x3FAA] =	sst s3  }
0xc: {  	[smem:$0x3FAB] =	sst s4  }
0xd: {  	[smem:$0x3FAC] =	sst s5  }
0xe: {  	[smem:$0x3FAD] =	sst s6  }
0xf: {  	[smem:$0x3FAE] =	sst s7  }
0x10: {  	[smem:$0x3FAF] =	sst s8  }
0x11: {  	[smem:$0x3FB0] =	sst s9;
	s0 =	simm.s32 @!p0 $0x0  }
0x12: {  	s1 =	sld [smem:$0x3F96];
	s0 =	simm.s32 @p0 $0x1  }
0x13: {  	[smem:$0x3FB1] =	sst s0;
	s0 =	simm.s32 @!p1 $0x0  }
0x14: {  	s2 =	sld [smem:$0x3F95];
	s0 =	simm.s32 @p1 $0x1  }
0x15: {  	[smem:$0x3FB2] =	sst s0;
	s0 =	simm.s32 @!p2 $0x0  }
0x16: {  	s3 =	sld [smem:$0x3FDB];
	s0 =	simm.s32 @p2 $0x1  }
0x17: {  	s4 =	simm.s32 $0x1BF5;
	[smem:$0x3FB4] =	sst s0  }
0x18: {  	s0 =	sld [smem:$0x3F97];
	_ =	swait.ge [sflag:s4], $0x0  }
0x19: {  	s7 =	sld [smem:$0x3F98]  }
0x1a: {  	s8 =	sadd.s32 $0xFFFFE003, lr  }
0x1b: {  	s9 =	sadd.s32 $0xFFFFFEF7, lr;
	s5 =	simm.s32 $0xFFFFFFFF;
	p2 =	slt.u32 s8, $0xFFFFF086  }
0x1c: {  	p1 =	slt.u32 s9, $0xF7A;
	s5 =	simm.s32 @!p2 $0x0  }
0x1d: {  	s5 =	simm.s32 @p1 $0x1;
	p0 =	seq.s32 s7, s2  }
0x1e: {  	s7 =	smul.u32 @!p0 $0xF7A, s2;
	p2 =	seq.s32 @!p0 s5, $0x0  }
0x1f: {  	s9 =	smul.u32 $0xF7A, s1;
	s8 =	simm.s32 @!p0 $0x1BF5;
	p2 =	por !p2, p0  }
0x20: {  	[sflag:s8] =	ssyncset.s32 @!p0 $0xFFFFF086;
	s6 =	sadd.s32 @!p0 s3, s7;
	s7 =	simm.s32 @!p0 $0x108  }
0x21: {  	s3 =	sadd.s32 s3, s9;
	s6 =	sadd.s32 @!p0 $0x88, s6;
	s7 =	simm.s32 @p2 $0x1082  }
0x22: {  	[simem:s7], [sflag:s8] =	dma.local @!p0 [hbm:s6], $0xF7A  }
0x23: {  	s9 =	sor.u32 $0xD0000000, s2;
	s6 =	simm.s32 $0x108;
	_ =	swait.ge @!p0 [sflag:s8], $0x0  }
0x24: {  	s3 =	sadd.s32 $0x88, s3;
	s6 =	simm.s32 @!p1 $0x1082;
	[sflag:s4] =	ssyncset.s32 $0xFFFFF086  }
0x25: {  	[simem:s6], [sflag:s4] =	dma.local [hbm:s3], $0xF7A  }
0x26: {  	[smem:$0x3F98] =	sst s1;
	(tag) =	ssettag s2;
	_ =	strace s9  }
0x27: {  	s1 =	sld [smem:$0x3FA8]  }
0x28: {  	s2 =	sld [smem:$0x3FA9]  }
0x29: {  	s4 =	sld [smem:$0x3FAB]  }
0x2a: {  	p0 =	seq.s32 s5, $0x0;
	s5 =	sld [smem:$0x3FAC]  }
0x2b: {  	s6 =	sld [smem:$0x3FAD]  }
0x2c: {  	s7 =	sld [smem:$0x3FAE]  }
0x2d: {  	s3 =	simm.s32 $0x108;
	s8 =	sld [smem:$0x3FAF]  }
0x2e: {  	s3 =	simm.s32 @!p0 $0x1082;
	s9 =	sld [smem:$0x3FB0]  }
0x2f: {  	lr =	sadd.s32 s0, s3;
	s0 =	sld [smem:$0x3FA7]  }
0x30: {  	s3 =	sld [smem:$0x3FAA]  }
0x31: {  	[smem:$0x3FB3] =	sst s10  }
0x32: {  	s10 =	sld [smem:$0x3FB1];
	_ =	sdelay $0x3  }
0x33: {  	p0 =	seq.s32 s10, $0x1;
	s10 =	sld [smem:$0x3FB3];
	_ =	sdelay $0x3  }
0x34: {  	[smem:$0x3FB3] =	sst s10  }
0x35: {  	s10 =	sld [smem:$0x3FB2];
	_ =	sdelay $0x3  }
0x36: {  	p1 =	seq.s32 s10, $0x1;
	s10 =	sld [smem:$0x3FB3];
	_ =	sdelay $0x3  }
0x37: {  	[smem:$0x3FB3] =	sst s10  }
0x38: {  	s10 =	sld [smem:$0x3FB4]  }
0x39: {  	_ = 	snop;
	(pc) =	sbr.ind lr, $3  }
0x3a: {  	_ = 	snop  }
0x3b: {  	_ = 	snop  }
0x3c: {  	p2 =	seq.s32 s10, $0x1;
	s10 =	sld [smem:$0x3FB3]  }
0x3d: {  	_ =	shalt  }
0x3e: {  	_ =	shalt  }
0x3f: {  	_ =	shalt  }
0x40: {  	_ =	shalt  }
0x41: {  	_ =	shalt  }
0x42: {  	_ =	shalt  }
0x43: {  	_ =	shalt  }
0x44: {  	_ =	shalt  }
0x45: {  	_ =	shalt  }
0x46: {  	_ =	shalt  }
0x47: {  	_ =	shalt  }
0x48: {  	_ =	shalt  }
0x49: {  	_ =	shalt  }
0x4a: {  	_ =	shalt  }
0x4b: {  	_ =	shalt  }
0x4c: {  	_ =	shalt  }
0x4d: {  	_ =	shalt  }
0x4e: {  	_ =	shalt  }
0x4f: {  	_ =	shalt  }
0x50: {  	_ =	shalt  }
0x51: {  	_ =	shalt  }
0x52: {  	_ =	shalt  }
0x53: {  	_ =	shalt  }
0x54: {  	_ =	shalt  }
0x55: {  	_ =	shalt  }
0x56: {  	_ =	shalt  }
0x57: {  	_ =	shalt  }
0x58: {  	_ =	shalt  }
0x59: {  	_ =	shalt  }
0x5a: {  	_ =	shalt  }
0x5b: {  	_ =	shalt  }
0x5c: {  	_ =	shalt  }
0x5d: {  	_ =	shalt  }
0x5e: {  	_ =	shalt  }
0x5f: {  	_ =	shalt  }
0x60: {  	_ =	shalt  }
0x61: {  	_ =	shalt  }
0x62: {  	_ =	shalt  }
0x63: {  	_ =	shalt  }
0x64: {  	_ =	shalt  }
0x65: {  	_ =	shalt  }
0x66: {  	_ =	shalt  }
0x67: {  	_ =	shalt  }
0x68: {  	_ =	shalt  }
0x69: {  	_ =	shalt  }
0x6a: {  	_ =	shalt  }
0x6b: {  	_ =	shalt  }
0x6c: {  	_ =	shalt  }
0x6d: {  	_ =	shalt  }
0x6e: {  	_ =	shalt  }
0x6f: {  	_ =	shalt  }
0x70: {  	_ =	shalt  }
0x71: {  	_ =	shalt  }
0x72: {  	_ =	shalt  }
0x73: {  	_ =	shalt  }
0x74: {  	_ =	shalt  }
0x75: {  	_ =	shalt  }
0x76: {  	_ =	shalt  }
0x77: {  	_ =	shalt  }
0x78: {  	_ =	shalt  }
0x79: {  	_ =	shalt  }
0x7a: {  	_ =	shalt  }
0x7b: {  	_ =	shalt  }
0x7c: {  	_ =	shalt  }
0x7d: {  	_ =	shalt  }
0x7e: {  	_ =	shalt  }
0x7f: {  	_ =	shalt  }
0x80: {  	_ =	shalt  }
0x81: {  	_ =	shalt  }
0x82: {  	_ =	shalt  }
0x83: {  	_ =	shalt  }
0x84: {  	_ =	shalt  }
0x85: {  	_ =	shalt  }
0x86: {  	_ =	shalt  }
0x87: {  	_ =	shalt  }
.Lfunc_end0:
.L_simem_size_0:
called_computation.2_lowered:
.L_overlay_start_0:
0x88: {  	s2 =	sld [smem:$0x3FD9]  }
0x89: {  	s3 =	sld [smem:$0x3FFE];
	_ =	sdelay $0x1  }
0x8a: {  	s1 =	srdreg.scid  }
0x8b: {  	s0 =	sand.u32 $0x1, s1  }
0x8c: {  	s17 =	sshll.u32 s0, $0xA;
	s2 =	sadd.s32 s3, s2  }
0x8d: {  	s2 =	sadd.s32 s2, s17  }
0x8e: {  	[smem:$0x3FBF] =	sst s2  }
0x8f: {  	_ = 	snop  }
0x90: {  	s2 =	sld [smem:$0x3FC3]  }
0x91: {  	s18 =	sld [smem:$0x3FC1]  }
0x92: {  	s4 =	sld [smem:$0x3FD0];
	(tm) =	ssettm $0x1  }
0x93: {  	s5 =	sld [smem:$0x3FFB];
	_ =	sdelay $0x3  }
0x94: {  	_ =	strace s5  }
0x95: {  	s5 =	sld [smem:$0x3FFC];
	_ =	sdelay $0x3  }
0x96: {  	_ =	strace s5  }
0x97: {  	s5 =	sld [smem:$0x3FFD];
	_ =	sdelay $0x3  }
0x98: {  	_ =	strace s5  }
0x99: {  	_ =	strace $0x8FFFFFFF  }
0x9a: {  	s19 =	sld [smem:$0x3FDB];
	_ =	sdelay $0x1  }
0x9b: {  	s6 =	simm.s32 $_scs_section_size  }
0x9c: {  	s7 =	simm.s32 $_size__tile_overlayer_lowered;
	s8 =	simm.s32 $_tile_overlayer_lowered  }
0x9d: {  	s22 =	simm.s32 $0x1BFF;
	s21 =	sshll.u32 s8, $0x1;
	s5 =	sadd.s32 s6, s19  }
0x9e: {  	s9 =	simm.s32 $0x0;
	s20 =	sshll.u32 s7, $0x1;
	s7 =	sadd.s32 s21, s5  }
0x9f: {  	[timem:s9], [sflag:s22] =	dma.local [hbm:s7], s20  }
0xa0: {  	_ =	swait.ge [sflag:s22], s20  }
0xa1: {  	s6 =	ssub.s32 $0x0, s20;
	[sflag:s22] =	ssyncset.done $0x0  }
0xa2: {  	[sflag:s22] =	ssyncadd.s32 s6;
	_ =	sdelay $0x1  }
0xa3: {  	s23 =	simm.s32 $0x1B8B  }
0xa4: {  	_ =	swait.ge [sflag:s23], $0x1  }
0xa5: {  	[sflag:s23] =	ssyncset.done $0x0  }
0xa6: {  	s25 =	simm.s32 $0x1B8E;
	s24 =	sld [smem:$0x3FFE];
	[sflag:s23] =	ssyncadd.s32 $0xFFFFFFFF  }
0xa7: {  	s26 =	simm.s32 $execute0_lowered;
	[smem:$0x3FD2] =	sst s25  }
0xa8: {  	s7 =	sshll.u32 s26, $0x1;
	_ =	strace $0x8000004C;
	[dreg:$0x1] =	wrdreg $0xFFFFFFFF  }
0xa9: {  	s28 =	simm.s32 $_size_execute0_lowered;
	s5 =	sadd.s32 s5, s7;
	[dreg:$0x0] =	wrdreg $0x0  }
0xaa: {  	s7 =	sshll.u32 s28, $0x1;
	[dreg:$0x2] =	wrdreg s5  }
0xab: {  	[dreg:$0x3] =	wrdreg s7  }
0xac: {  	[dreg:$0x4] =	wrdreg $0xC0  }
0xad: {  	_ =	task [dreg:s9], $0x5FFFF  }
0xae: {  	[dreg:$0x1] =	wrdreg $0xFFFFFFFF  }
0xaf: {  	[dreg:$0x0] =	wrdreg $0x60  }
0xb0: {  	[dreg:$0x2] =	wrdreg s24  }
0xb1: {  	[dreg:$0x3] =	wrdreg s4  }
0xb2: {  	[dreg:$0x4] =	wrdreg s2  }
0xb3: {  	[dreg:$0x5] =	wrdreg s18  }
0xb4: {  	[dreg:$0x6] =	wrdreg $0x9  }
0xb5: {  	_ =	task.clear_ibuf [dreg:s9], $0x7FFFF;
	_ =	strace $0x9000004C  }
0xb6: {  	s29 =	simm.s32 $0x9;
	_ =	strace $0x8000004E  }
0xb7: {  	_ =	swait.ge [sflag:s29], $0x1  }
0xb8: {  	[sflag:s29] =	ssyncadd.s32 $0xFFFFFFFF  }
0xb9: {  	_ =	strace $0x9000004E  }
0xba: {  	_ =	sfence  }
0xbb: {  	s30 =	sld [smem:$0x0];
	_ =	sdelay $0x2  }
0xbc: {  	s31 =	sshll.u32 s1, $0xD;
	s1 =	sshrl.u32 s1, $0x2  }
0xbd: {  	s3 =	sand.u32 $0x4000, s31;
	s1 =	sadd.s32 s1, s30  }
0xbe: {  	s0 =	sor.u32 s3, s0;
	s1 =	sshll.u32 s1, $0x11  }
0xbf: {  	s0 =	sor.u32 s1, s0  }
0xc0: {  	s0 =	sadd.s32 $0x8F2B, s0  }
0xc1: {  	[sflag:s0] =	ssyncadd.remote.s32 $0x1  }
0xc2: {  	_ =	sfence.sel $0xFFFF  }
0xc3: {  	[dreg:$0x0] =	wrdreg $0xFFFFFFFF;
	(pc) =	sbr.abs _section_cstart, $3  }
0xc4: {  	[dreg:$0x1] =	wrdreg $0xFFFFFFFF  }
0xc5: {  	_ =	task.clear_ibuf [dreg:s9], $0x2FFFF;
	_ =	strace $0x9FFFFFFF  }
0xc6: {  	(tm) =	ssettm $0x7FFFFFFF  }
0xc7: {  	_ =	shalt  }
tec
execute0_lowered:
.L_overlay_start_1:
0x0: {  	(tag) =	ssettag $0x1  }
0x1: {  	s0 =	rddreg [dreg:$0x0]  }
0x2: {  	s3 =	rddreg [dreg:$0x1]  }
0x3: {  	s1 =	rddreg [dreg:$0x2]  }
0x4: {  	s2 =	rddreg [dreg:$0x3]  }
0x5: {  	s4 =	simm.s32 $0x0;
	s6 =	srdreg.scid;
	s7 =	stileid.u32  }
0x6: {  	s19 =	simm.s32 $0x4;
	s26 =	simm.s32 $0x80;
	s30 =	simm.s32 $0xCE00  }
0x7: {  	s31 =	simm.s32 $0x1;
	s25 =	simm.s32 $0x3;
	s20 =	simm.s32 $0x0  }
0x8: {  	[smem:$0x7FF] =	sst s4;
	s5 =	sadd.s32 $0xF4B000, s0;
	s9 =	sand.u32 $0x1, s6  }
0x9: {  	s8 =	sshll.u32 s7, $0x1;
	s6 =	sadd.s32 $0x18F600, s0;
	s7 =	sadd.s32 $0x8C00, s0  }
0xa: {  	_ =	strace $0x8000004D;
	s10 =	sor.u32 s9, s8;
	s8 =	sadd.s32 $0x27600, s0  }
0xb: {  	s9 =	ssub.s32 $0x2, s9;
	s13 =	sshll.u32 s10, $0x6;
	s10 =	sshll.u32 s10, $0x4  }
0xc: {  	s11 =	sshrl.u32 s9, $0x1;
	s17 =	sadd.s32 s13, s0;
	s0 =	sadd.s32 s10, s0  }
.Ltmp0:
0xd: {  	s18 =	ssub.s32 s9, s11;
	s13 =	sadd.s32 s3, s13;
	(pc) =	sbr.rel .LBB2_1-.Ltmp0, $4  }
0xe: {  	s3 =	simm.s32 $0x4E00;
	s29 =	sadd.s32 $0x3200, s17;
	s10 =	sadd.s32 $0x2A00, s17  }
0xf: {  	s11 =	sadd.s32 $0x1A00, s17;
	s12 =	sadd.s32 $0x2200, s17;
	s14 =	sadd.s32 $0x3A00, s17  }
0x10: {  	s15 =	sadd.s32 $0x4200, s17;
	s16 =	sadd.s32 $0x4A00, s0;
	s17 =	sadd.s32 $0x1200, s17  }
0x11: {  	s18 =	smax.u32 s18, $0x1;
	s0 =	simm.s32 $0x2;
	[dreg:$0x5] =	wrdreg s29  }
.LBB2_92:
0x12: {  	[tilespmem:$0x1FFF0] =	vst v0  }
.LBB2_98:
0x13: {  	_ =	swait.ge [sflag:s25], $0x80  }
0x14: {  	[sflag:s25] =	ssyncset.done $0x0  }
0x15: {  	[sflag:s25] =	ssyncadd.s32 $0xFFFFFF80  }
0x16: {  	_ =	swait.ge [sflag:s25], $0x80  }
0x17: {  	[sflag:s25] =	ssyncset.done $0x0  }
0x18: {  	[sflag:s25] =	ssyncadd.s32 $0xFFFFFF80  }
0x19: {  	_ =	swait.ge [sflag:s25], $0x80  }
0x1a: {  	[sflag:s25] =	ssyncset.done $0x0  }
0x1b: {  	[sflag:s25] =	ssyncadd.s32 $0xFFFFFF80  }
0x1c: {  	_ =	swait.ge [sflag:s25], $0x80  }
0x1d: {  	[sflag:s25] =	ssyncset.done $0x0  }
0x1e: {  	[sflag:s25] =	ssyncadd.s32 $0xFFFFFF80  }
0x1f: {  	_ =	swait.ge [sflag:s25], $0x80  }
0x20: {  	[sflag:s25] =	ssyncset.done $0x0  }
0x21: {  	[sflag:s25] =	ssyncadd.s32 $0xFFFFFF80  }
0x22: {  	_ =	swait.ge [sflag:s25], $0x80  }
0x23: {  	[sflag:s25] =	ssyncset.done $0x0  }
0x24: {  	[sflag:s25] =	ssyncadd.s32 $0xFFFFFF80  }
0x25: {  	_ =	swait.ge [sflag:s25], $0x80  }
0x26: {  	[sflag:s25] =	ssyncset.done $0x0  }
0x27: {  	[sflag:s25] =	ssyncadd.s32 $0xFFFFFF80  }
0x28: {  	_ =	swait.ge [sflag:s25], $0x80  }
0x29: {  	[sflag:s25] =	ssyncset.done $0x0  }
0x2a: {  	[sflag:s25] =	ssyncadd.s32 $0xFFFFFF80  }
0x2b: {  	_ =	swait.ge [sflag:s25], $0x80  }
0x2c: {  	[sflag:s25] =	ssyncset.done $0x0  }
0x2d: {  	[sflag:s25] =	ssyncadd.s32 $0xFFFFFF80  }
0x2e: {  	_ =	swait.ge [sflag:s25], $0x80  }
0x2f: {  	[sflag:s25] =	ssyncset.done $0x0  }
0x30: {  	[sflag:s25] =	ssyncadd.s32 $0xFFFFFF80  }
0x31: {  	_ =	swait.ge [sflag:s25], $0x80  }
0x32: {  	[sflag:s25] =	ssyncset.done $0x0  }
0x33: {  	[sflag:s25] =	ssyncadd.s32 $0xFFFFFF80  }
0x34: {  	_ =	swait.ge [sflag:s25], $0x80  }
0x35: {  	[sflag:s25] =	ssyncset.done $0x0  }
0x36: {  	[sflag:s25] =	ssyncadd.s32 $0xFFFFFF80  }
0x37: {  	_ =	swait.ge [sflag:s25], $0x80  }
0x38: {  	[sflag:s25] =	ssyncset.done $0x0  }
0x39: {  	[sflag:s25] =	ssyncadd.s32 $0xFFFFFF80  }
0x3a: {  	_ =	swait.ge [sflag:s25], $0x80  }
0x3b: {  	[sflag:s25] =	ssyncset.done $0x0  }
0x3c: {  	[sflag:s25] =	ssyncadd.s32 $0xFFFFFF80  }
0x3d: {  	_ =	swait.ge [sflag:s25], $0x80  }
0x3e: {  	[sflag:s25] =	ssyncset.done $0x0  }
0x3f: {  	[sflag:s25] =	ssyncadd.s32 $0xFFFFFF80  }
0x40: {  	_ =	swait.ge [sflag:s25], $0x80  }
0x41: {  	[sflag:s25] =	ssyncset.done $0x0  }
0x42: {  	[sflag:s25] =	ssyncadd.s32 $0xFFFFFF80  }
0x43: {  	v1 =	vld [tilespmem:$0x10E00]  }
0x44: {  	v2 =	vld [tilespmem:$0x11000]  }
0x45: {  	v3 =	vld [tilespmem:$0x11200]  }
0x46: {  	v4 =	vld [tilespmem:$0x11400]  }
0x47: {  	v5 =	vld [tilespmem:$0x10E10]  }
0x48: {  	v6 =	vld [tilespmem:$0x11010]  }
0x49: {  	v7 =	vld [tilespmem:$0x11210]  }
0x4a: {  	v8 =	vld [tilespmem:$0x11410]  }
0x4b: {  	v9 =	vld [tilespmem:$0x10E20]  }
0x4c: {  	v10 =	vld [tilespmem:$0x11020]  }
0x4d: {  	v11 =	vld [tilespmem:$0x11220]  }
0x4e: {  	v12 =	vld [tilespmem:$0x11420]  }
0x4f: {  	v13 =	vld [tilespmem:$0x10E30]  }
0x50: {  	v14 =	vld [tilespmem:$0x11030]  }
0x51: {  	v15 =	vld [tilespmem:$0x11230]  }
0x52: {  	v16 =	vld [tilespmem:$0x11430]  }
0x53: {  	v17 =	vld [tilespmem:$0x10E40]  }
0x54: {  	v18 =	vld [tilespmem:$0x11040]  }
0x55: {  	v19 =	vld [tilespmem:$0x11240]  }
0x56: {  	v20 =	vld [tilespmem:$0x11440]  }
0x57: {  	v21 =	vld [tilespmem:$0x10E50]  }
0x58: {  	v22 =	vld [tilespmem:$0x11050]  }
0x59: {  	v23 =	vld [tilespmem:$0x11250]  }
0x5a: {  	v24 =	vld [tilespmem:$0x11450]  }
0x5b: {  	v25 =	vld [tilespmem:$0x10E60]  }
0x5c: {  	v26 =	vld [tilespmem:$0x11060]  }
0x5d: {  	v27 =	vld [tilespmem:$0x11260]  }
0x5e: {  	v28 =	vld [tilespmem:$0x11460]  }
0x5f: {  	v29 =	vld [tilespmem:$0x10E70]  }
0x60: {  	v30 =	vld [tilespmem:$0x11070]  }
0x61: {  	v31 =	vld [tilespmem:$0x11270]  }
0x62: {  	v32 =	vld [tilespmem:$0x11470]  }
0x63: {  	v33 =	vld [tilespmem:$0x10E80]  }
0x64: {  	v34 =	vld [tilespmem:$0x11080]  }
0x65: {  	v35 =	vld [tilespmem:$0x11280]  }
0x66: {  	v36 =	vld [tilespmem:$0x11480]  }
0x67: {  	v37 =	vld [tilespmem:$0x10E90]  }
0x68: {  	v38 =	vld [tilespmem:$0x11090]  }
0x69: {  	v39 =	vld [tilespmem:$0x11290]  }
0x6a: {  	v40 =	vld [tilespmem:$0x11490]  }
0x6b: {  	v41 =	vld [tilespmem:$0x10EA0]  }
0x6c: {  	v42 =	vld [tilespmem:$0x110A0]  }
0x6d: {  	v43 =	vld [tilespmem:$0x112A0]  }
0x6e: {  	v44 =	vld [tilespmem:$0x114A0]  }
0x6f: {  	v45 =	vld [tilespmem:$0x10EB0]  }
0x70: {  	v46 =	vld [tilespmem:$0x110B0]  }
0x71: {  	v47 =	vld [tilespmem:$0x112B0]  }
0x72: {  	v48 =	vld [tilespmem:$0x114B0]  }
0x73: {  	v49 =	vld [tilespmem:$0x10EC0]  }
0x74: {  	v50 =	vld [tilespmem:$0x110C0]  }
0x75: {  	v51 =	vld [tilespmem:$0x112C0]  }
0x76: {  	v0 =	vld [tilespmem:$0x114C0]  }
0x77: {  	v53 =	vld [tilespmem:$0x10ED0]  }
0x78: {  	v54 =	vld [tilespmem:$0x110D0]  }
0x79: {  	v55 =	vld [tilespmem:$0x112D0]  }
0x7a: {  	v63 =	vld [tilespmem:$0x114D0]  }
0x7b: {  	v57 =	vld [tilespmem:$0x10EE0]  }
0x7c: {  	v58 =	vld [tilespmem:$0x110E0]  }
0x7d: {  	v59 =	vld [tilespmem:$0x112E0]  }
0x7e: {  	v52 =	vld [tilespmem:$0x114E0]  }
0x7f: {  	v61 =	vld [tilespmem:$0x10EF0]  }
0x80: {  	v56 =	vld [tilespmem:$0x114F0]  }
0x81: {  	v60 =	vld [tilespmem:$0x10F00]  }
0x82: {  	v62 =	vld [tilespmem:$0x110F0]  }
0x83: {  	[tilespmem:$0x1FEC0] =	vst v63;
	v63 =	vld [tilespmem:$0x112F0]  }
0x84: {  	[tilespmem:$0x1FED0] =	vst v52;
	v52 =	vld [tilespmem:$0x11100]  }
0x85: {  	[tilespmem:$0x1FF00] =	vst v56;
	v56 =	vld [tilespmem:$0x11300]  }
0x86: {  	[tilespmem:$0x1FEE0] =	vst v60;
	v60 =	vld [tilespmem:$0x11500]  }
0x87: {  	[tilespmem:$0x1FEB0] =	vst v0;
	v0 =	vld [tilespmem:$0x11330]  }
0x88: {  	v1 =	vadd.f32 v2, v1;
	v2 =	vld [tilespmem:$0x11540]  }
0x89: {  	v5 =	vadd.f32 v6, v5;
	v6 =	vld [tilespmem:$0x10F50]  }
0x8a: {  	v30 =	vadd.f32 v30, v29;
	v29 =	vld [tilespmem:$0x11580]  }
0x8b: {  	v34 =	vadd.f32 v34, v33;
	v49 =	vadd.f32 v50, v49;
	v33 =	vld [tilespmem:$0x113A0]  }
0x8c: {  	v50 =	vadd.f32 v54, v53;
	v54 =	vadd.f32 v58, v57;
	v58 =	vld [tilespmem:$0x1FEB0]  }
0x8d: {  	v57 =	vadd.f32 v62, v61;
	v62 =	vld [tilespmem:$0x1FEC0]  }
0x8e: {  	v14 =	vadd.f32 v14, v13;
	v38 =	vadd.f32 v38, v37;
	v37 =	vld [tilespmem:$0x1FEE0]  }
0x8f: {  	v1 =	vadd.f32 v3, v1;
	v3 =	vadd.f32 v10, v9;
	v9 =	vld [tilespmem:$0x11150]  }
0x90: {  	v22 =	vadd.f32 v22, v21;
	v26 =	vadd.f32 v26, v25;
	v10 =	vld [tilespmem:$0x11350]  }
0x91: {  	v5 =	vadd.f32 v7, v5;
	v7 =	vadd.f32 v15, v14;
	v14 =	vld [tilespmem:$0x11360]  }
0x92: {  	v13 =	vadd.f32 v23, v22;
	v22 =	vld [tilespmem:$0x11570]  }
0x93: {  	v15 =	vadd.f32 v27, v26;
	v26 =	vld [tilespmem:$0x11180]  }
0x94: {  	v18 =	vadd.f32 v18, v17;
	v17 =	vadd.f32 v31, v30;
	v30 =	vld [tilespmem:$0x10F90]  }
0x95: {  	v21 =	vadd.f32 v35, v34;
	v34 =	vld [tilespmem:$0x11390]  }
0x96: {  	v35 =	vld [tilespmem:$0x11590]  }
0x97: {  	v31 =	vld [tilespmem:$0x111A0]  }
0x98: {  	v23 =	vadd.f32 v39, v38;
	v39 =	vld [tilespmem:$0x1FF00]  }
0x99: {  	v53 =	vadd.f32 v51, v49;
	v49 =	vld [tilespmem:$0x10FC0]  }
0x9a: {  	v61 =	vadd.f32 v59, v54;
	v59 =	vld [tilespmem:$0x10FD0]  }
0x9b: {  	v1 =	vadd.f32 v4, v1;
	v4 =	vld [tilespmem:$0x11550]  }
0x9c: {  	v5 =	vadd.f32 v8, v5;
	v8 =	vld [tilespmem:$0x10F60]  }
0x9d: {  	v7 =	vadd.f32 v16, v7;
	v16 =	vld [tilespmem:$0x11560]  }
0x9e: {  	v3 =	vadd.f32 v11, v3;
	v11 =	vadd.f32 v19, v18;
	v18 =	vld [tilespmem:$0x10F70]  }
0x9f: {  	v19 =	vld [tilespmem:$0x11170]  }
0xa0: {  	v13 =	vadd.f32 v24, v13;
	v24 =	vld [tilespmem:$0x10F80]  }
0xa1: {  	v15 =	vadd.f32 v28, v15;
	v28 =	vld [tilespmem:$0x11380]  }
0xa2: {  	v17 =	vadd.f32 v32, v17;
	v32 =	vld [tilespmem:$0x11190]  }
0xa3: {  	v21 =	vadd.f32 v36, v21;
	v36 =	vld [tilespmem:$0x10FA0]  }
0xa4: {  	[tilespmem:$0x1FEF0] =	vst v52;
	v52 =	vld [tilespmem:$0x10F10]  }
0xa5: {  	[tilespmem:$0x1FF20] =	vst v56;
	v56 =	vld [tilespmem:$0x11310]  }
0xa6: {  	[tilespmem:$0x1FF60] =	vst v60;
	v60 =	vld [tilespmem:$0x11510]  }
0xa7: {  	[tilespmem:$0x1FF90] =	vst v0;
	v0 =	vld [tilespmem:$0x11530]  }
0xa8: {  	v3 =	vadd.f32 v12, v3;
	v12 =	vld [tilespmem:$0x11160]  }
0xa9: {  	v11 =	vadd.f32 v20, v11;
	v20 =	vld [tilespmem:$0x11370]  }
0xaa: {  	v46 =	vadd.f32 v46, v45;
	v38 =	vld [tilespmem:$0x1FEF0]  }
0xab: {  	v42 =	vadd.f32 v42, v41;
	v41 =	vld [tilespmem:$0x1FF20]  }
0xac: {  	v27 =	vadd.f32 v47, v46;
	v45 =	vld [tilespmem:$0x1FF60]  }
0xad: {  	[tilespmem:$0x11680] =	vst v21;
	v21 =	vld [tilespmem:$0x115B0]  }
0xae: {  	v55 =	vadd.f32 v55, v50;
	v27 =	vadd.f32 v48, v27;
	v48 =	vld [tilespmem:$0x1FF90]  }
0xaf: {  	v63 =	vadd.f32 v63, v57;
	[tilespmem:$0x11600] =	vst v1;
	v1 =	vadd.f32 v58, v53;
	v53 =	vld [tilespmem:$0x111C0]  }
0xb0: {  	[tilespmem:$0x11610] =	vst v5;
	v5 =	vadd.f32 v62, v55;
	v55 =	vld [tilespmem:$0x113C0]  }
0xb1: {  	[tilespmem:$0x11630] =	vst v7;
	v7 =	vadd.f32 v39, v63;
	v39 =	vld [tilespmem:$0x113B0]  }
0xb2: {  	v63 =	vld [tilespmem:$0x113D0]  }
0xb3: {  	[tilespmem:$0x11640] =	vst v11;
	v11 =	vld [tilespmem:$0x1FED0]  }
0xb4: {  	[tilespmem:$0x116B0] =	vst v27;
	v27 =	vadd.f32 v32, v30;
	v30 =	vld [tilespmem:$0x10FE0]  }
0xb5: {  	[tilespmem:$0x1FF10] =	vst v52;
	v52 =	vld [tilespmem:$0x11110]  }
0xb6: {  	[tilespmem:$0x1FF40] =	vst v56;
	v56 =	vld [tilespmem:$0x10F20]  }
0xb7: {  	[tilespmem:$0x1FF80] =	vst v60;
	v60 =	vld [tilespmem:$0x11320]  }
0xb8: {  	[tilespmem:$0x1FFD0] =	vst v0;
	v0 =	vld [tilespmem:$0x10F40]  }
0xb9: {  	v23 =	vadd.f32 v40, v23;
	v40 =	vld [tilespmem:$0x1FF10]  }
0xba: {  	v25 =	vadd.f32 v43, v42;
	v43 =	vld [tilespmem:$0x1FF40]  }
0xbb: {  	v47 =	vld [tilespmem:$0x1FF80]  }
0xbc: {  	v8 =	vadd.f32 v12, v8;
	v12 =	vld [tilespmem:$0x115C0]  }
0xbd: {  	[tilespmem:$0x11620] =	vst v3;
	v3 =	vadd.f32 v11, v61;
	v61 =	vld [tilespmem:$0x111D0]  }
0xbe: {  	[tilespmem:$0x1FF70] =	vst v60;
	v60 =	vld [tilespmem:$0x11520]  }
0xbf: {  	[tilespmem:$0x1FFB0] =	vst v0;
	v0 =	vld [tilespmem:$0x11140]  }
0xc0: {  	[tilespmem:$0x1FF30] =	vst v56;
	v56 =	vld [tilespmem:$0x11120]  }
0xc1: {  	[tilespmem:$0x11650] =	vst v13;
	v42 =	vld [tilespmem:$0x1FF30]  }
0xc2: {  	[tilespmem:$0x11660] =	vst v15;
	v46 =	vld [tilespmem:$0x1FF70]  }
0xc3: {  	v6 =	vadd.f32 v9, v6;
	[tilespmem:$0x1FFA0] =	vst v60;
	v60 =	vld [tilespmem:$0x10F30]  }
0xc4: {  	v25 =	vadd.f32 v44, v25;
	[tilespmem:$0x1FFC0] =	vst v0;
	v0 =	vld [tilespmem:$0x11340]  }
0xc5: {  	[tilespmem:$0x11670] =	vst v17;
	v57 =	vadd.f32 v10, v6;
	v58 =	vadd.f32 v19, v18;
	v51 =	vld [tilespmem:$0x1FFB0]  }
0xc6: {  	[tilespmem:$0x11690] =	vst v23;
	v32 =	vadd.f32 v31, v36;
	v49 =	vadd.f32 v53, v49;
	v50 =	vld [tilespmem:$0x1FFA0]  }
0xc7: {  	[tilespmem:$0x116D0] =	vst v5;
	v62 =	vadd.f32 v20, v58;
	v13 =	vadd.f32 v52, v40;
	v52 =	vld [tilespmem:$0x1FFC0]  }
0xc8: {  	v4 =	vadd.f32 v4, v57;
	v53 =	vadd.f32 v55, v49;
	[tilespmem:$0x1FF50] =	vst v60;
	v60 =	vld [tilespmem:$0x11130]  }
0xc9: {  	v5 =	vadd.f32 v22, v62;
	[tilespmem:$0x1FFE0] =	vst v0;
	v0 =	vadd.f32 v38, v37;
	v37 =	vld [tilespmem:$0x10FB0]  }
0xca: {  	[tilespmem:$0x116A0] =	vst v25;
	v57 =	vadd.f32 v12, v53;
	v15 =	vadd.f32 v56, v42;
	v38 =	vld [tilespmem:$0x111B0]  }
0xcb: {  	[tilespmem:$0x116E0] =	vst v3;
	v13 =	vadd.f32 v43, v13;
	v3 =	vadd.f32 v61, v59;
	v44 =	vld [tilespmem:$0x1FF50]  }
0xcc: {  	[tilespmem:$0x116C0] =	vst v1;
	v43 =	vadd.f32 v33, v32;
	v15 =	vadd.f32 v46, v15;
	v56 =	vld [tilespmem:$0x1FFE0]  }
0xcd: {  	[tilespmem:$0x116F0] =	vst v7;
	v3 =	vadd.f32 v63, v3;
	v63 =	vld [tilespmem:$0x1FFF0];
	v0 =	vadd.f32 v41, v0  }
0xce: {  	v36 =	vld [tilespmem:$0x111E0];
	[tilespmem:$0x11750] =	vst v4;
	v13 =	vadd.f32 v47, v13;
	v15 =	vadd.f32 v50, v15  }
0xcf: {  	v54 =	vld [tilespmem:$0x1FFD0];
	[tilespmem:$0x11770] =	vst v5;
	v25 =	vadd.f32 v52, v51;
	v0 =	vadd.f32 v45, v0  }
0xd0: {  	v11 =	vld [tilespmem:$0x115A0];
	[tilespmem:$0x117C0] =	vst v57;
	v38 =	vadd.f32 v38, v37;
	v17 =	vadd.f32 v60, v44  }
0xd1: {  	v47 =	vld [tilespmem:$0x113E0];
	[tilespmem:$0x11710] =	vst v13;
	v1 =	vadd.f32 v56, v25;
	v60 =	vadd.f32 v14, v8  }
0xd2: {  	[tilespmem:$0x11800] =	vst v63;
	v41 =	vld [tilespmem:$0x10FF0];
	v25 =	vadd.f32 v26, v24;
	v8 =	vadd.f32 v34, v27  }
0xd3: {  	[tilespmem:$0x11720] =	vst v15;
	v44 =	vld [tilespmem:$0x111F0];
	v46 =	vadd.f32 v39, v38;
	v1 =	vadd.f32 v2, v1  }
0xd4: {  	v50 =	vld [tilespmem:$0x113F0];
	[tilespmem:$0x11700] =	vst v0;
	v17 =	vadd.f32 v48, v17;
	v20 =	vadd.f32 v16, v60  }
0xd5: {  	v26 =	vld [tilespmem:$0x115D0];
	v2 =	vadd.f32 v28, v25;
	v45 =	vadd.f32 v35, v8;
	[tilespmem:$0x11740] =	vst v1  }
0xd6: {  	v52 =	vld [tilespmem:$0x115E0];
	v48 =	vadd.f32 v11, v43;
	v51 =	vadd.f32 v21, v46;
	[tilespmem:$0x11760] =	vst v20  }
0xd7: {  	v55 =	vld [tilespmem:$0x115F0];
	v17 =	vadd.f32 v54, v17;
	v54 =	vadd.f32 v36, v30;
	[tilespmem:$0x11790] =	vst v45  }
0xd8: {  	[tilespmem:$0x117A0] =	vst v48;
	v56 =	vadd.f32 v44, v41  }
0xd9: {  	v42 =	vadd.f32 v29, v2;
	[tilespmem:$0x117B0] =	vst v51;
	v58 =	vadd.f32 v47, v54  }
0xda: {  	v59 =	vadd.f32 v26, v3;
	[tilespmem:$0x11730] =	vst v17;
	v60 =	vadd.f32 v50, v56  }
0xdb: {  	[tilespmem:$0x11780] =	vst v42;
	v61 =	vadd.f32 v52, v58  }
0xdc: {  	[tilespmem:$0x117D0] =	vst v59;
	v62 =	vadd.f32 v55, v60  }
0xdd: {  	[tilespmem:$0x117E0] =	vst v61  }
0xde: {  	s9 =	simm.s32 $0x11800;
	[tilespmem:$0x117F0] =	vst v62  }
0xdf: {  	[hbm4b:s16+s4] =	stream.linear.scatter [tilespmem:s9], [sflag:$0x4], $0x80, $0x38;
	[tilespmem:$0x11880] =	vst v63  }
0xe0: {  	s20 =	sadd.s32 $0x1, s20;
	_ =	swait.ge [sflag:s19], $0x80  }
0xe1: {  	p0 =	sne.s32 s20, s18;
	[sflag:s19] =	ssyncset.done $0x0  }
.Ltmp1:
0xe2: {  	s29 =	simm.s32 $0x11600;
	[sflag:s19] =	ssyncadd.s32 $0xFFFFFF80;
	(pc) =	sbr.rel @!p0 .LBB2_99-.Ltmp1, $4  }
0xe3: {  	[hbm4b:s17+s4] =	stream.linear.scatter [tilespmem:s29], [sflag:$0x4], $0x200, $0x38;
	[tilespmem:$0x11880] =	vst v63  }
0xe4: {  	_ =	swait.ge [sflag:s19], $0x200  }
0xe5: {  	[sflag:s19] =	ssyncset.done $0x0  }
0xe6: {  	[sflag:s19] =	ssyncadd.s32 $0xFFFFFE00  }
.LBB2_1:
0xe7: {  	s9 =	rddreg [dreg:$0x5]  }
0xe8: {  	[tilespmem:s4], [sflag:$0x4] =	stream.linear.gather [hbm4b:s9+s4], $0x200, $0x38;
	[tilespmem:$0x11880] =	vst v63  }
0xe9: {  	_ =	swait.ge [sflag:s19], $0x200  }
0xea: {  	[sflag:s19] =	ssyncset.done $0x0  }
0xeb: {  	s21 =	simm.s32 $0x200;
	[sflag:s19] =	ssyncadd.s32 $0xFFFFFE00  }
0xec: {  	[tilespmem:s21], [sflag:$0x4] =	stream.linear.gather [hbm4b:s10+s4], $0x200, $0x38;
	[tilespmem:$0x11880] =	vst v63  }
0xed: {  	_ =	swait.ge [sflag:s19], $0x200  }
0xee: {  	[sflag:s19] =	ssyncset.done $0x0  }
0xef: {  	s22 =	simm.s32 $0x400;
	[sflag:s19] =	ssyncadd.s32 $0xFFFFFE00  }
0xf0: {  	[tilespmem:s22], [sflag:$0x4] =	stream.linear.gather [hbm4b:s11+s4], $0x200, $0x38;
	[tilespmem:$0x11880] =	vst v63  }
0xf1: {  	_ =	swait.ge [sflag:s19], $0x200  }
0xf2: {  	[sflag:s19] =	ssyncset.done $0x0  }
0xf3: {  	s23 =	simm.s32 $0x600;
	[sflag:s19] =	ssyncadd.s32 $0xFFFFFE00  }
0xf4: {  	[tilespmem:s23], [sflag:$0x4] =	stream.linear.gather [hbm4b:s12+s4], $0x200, $0x38;
	[tilespmem:$0x11880] =	vst v63  }
0xf5: {  	_ =	swait.ge [sflag:s19], $0x200  }
0xf6: {  	[sflag:s19] =	ssyncset.done $0x0  }
0xf7: {  	s24 =	simm.s32 $0x800;
	[sflag:s19] =	ssyncadd.s32 $0xFFFFFE00  }
0xf8: {  	[tilespmem:s24], [sflag:$0x4] =	stream.linear.gather [hbm4b:s13+s4], $0x200, $0x38;
	[tilespmem:$0x11880] =	vst v63  }
0xf9: {  	_ =	swait.ge [sflag:s19], $0x200  }
0xfa: {  	[sflag:s19] =	ssyncset.done $0x0  }
0xfb: {  	s28 =	simm.s32 $0xA00;
	[sflag:s19] =	ssyncadd.s32 $0xFFFFFE00  }
0xfc: {  	[tilespmem:s28], [sflag:$0x4] =	stream.linear.gather [hbm4b:s14+s4], $0x200, $0x38;
	[tilespmem:$0x11880] =	vst v63  }
0xfd: {  	_ =	swait.ge [sflag:s19], $0x200  }
0xfe: {  	[sflag:s19] =	ssyncset.done $0x0  }
0xff: {  	s29 =	simm.s32 $0xC00;
	[sflag:s19] =	ssyncadd.s32 $0xFFFFFE00  }
0x100: {  	[tilespmem:s29], [sflag:$0x4] =	stream.linear.gather [hbm4b:s15+s4], $0x200, $0x38;
	[tilespmem:$0x11880] =	vst v63  }
0x101: {  	_ =	swait.ge [sflag:s19], $0x200  }
0x102: {  	[sflag:s19] =	ssyncset.done $0x0  }
0x103: {  	s29 =	simm.s32 $0xE00;
	[sflag:s19] =	ssyncadd.s32 $0xFFFFFE00  }
0x104: {  	[tilespmem:s29], [sflag:$0x1] =	stream.indirect.gather [hbm4b:s5+s26], $0x80, s24, s26, $0xb8;
	[tilespmem:$0x11880] =	vst v63  }
0x105: {  	s9 =	simm.s32 $0x8E00  }
0x106: {  	[tilespmem:s9], [sflag:$0x1] =	stream.indirect.gather [hbm4b:s6+s26], $0x80, s28, s26, $0xb8;
	[tilespmem:$0x11880] =	vst v63  }
0x107: {  	s24 =	simm.s32 $0x10E00  }
0x108: {  	[tilespmem:s24], [sflag:$0x3] =	stream.indirect.gather [hbm4b:s7+s26], $0x1, s4, s26, $0xb8;
	[tilespmem:$0x11880] =	vst v63  }
0x109: {  	s24 =	simm.s32 $0x11000  }
0x10a: {  	[tilespmem:s24], [sflag:$0x3] =	stream.indirect.gather [hbm4b:s8+s26], $0x1, s21, s26, $0xb8;
	[tilespmem:$0x11880] =	vst v63  }
0x10b: {  	s21 =	simm.s32 $0x11200  }
0x10c: {  	[tilespmem:s21], [sflag:$0x3] =	stream.indirect.gather [hbm4b:s1+s26], $0x1, s22, s26, $0xb8;
	[tilespmem:$0x11880] =	vst v63  }
0x10d: {  	s22 =	simm.s32 $0x11400  }
0x10e: {  	[tilespmem:s22], [sflag:$0x3] =	stream.indirect.gather [hbm4b:s2+s26], $0x1, s23, s26, $0xb8;
	[tilespmem:$0x11880] =	vst v63  }
0x10f: {  	s24 =	simm.s32 $0x10E80  }
0x110: {  	[tilespmem:s24], [sflag:$0x3] =	stream.indirect.gather [hbm4b:s7+s26], $0x1, s26, s26, $0xb8;
	[tilespmem:$0x11880] =	vst v63  }
0x111: {  	s21 =	simm.s32 $0x280;
	s22 =	simm.s32 $0x11080  }
0x112: {  	[tilespmem:s22], [sflag:$0x3] =	stream.indirect.gather [hbm4b:s8+s26], $0x1, s21, s26, $0xb8;
	[tilespmem:$0x11880] =	vst v63  }
0x113: {  	s23 =	simm.s32 $0x480;
	s24 =	simm.s32 $0x11280  }
0x114: {  	[tilespmem:s24], [sflag:$0x3] =	stream.indirect.gather [hbm4b:s1+s26], $0x1, s23, s26, $0xb8;
	[tilespmem:$0x11880] =	vst v63  }
0x115: {  	s21 =	simm.s32 $0x680;
	s22 =	simm.s32 $0x11480  }
0x116: {  	[tilespmem:s22], [sflag:$0x3] =	stream.indirect.gather [hbm4b:s2+s26], $0x1, s21, s26, $0xb8;
	[tilespmem:$0x11880] =	vst v63  }
0x117: {  	s23 =	simm.s32 $0x100;
	s24 =	simm.s32 $0x10F00  }
0x118: {  	[tilespmem:s24], [sflag:$0x3] =	stream.indirect.gather [hbm4b:s7+s26], $0x1, s23, s26, $0xb8;
	[tilespmem:$0x11880] =	vst v63  }
0x119: {  	s21 =	simm.s32 $0x300;
	s22 =	simm.s32 $0x11100  }
0x11a: {  	[tilespmem:s22], [sflag:$0x3] =	stream.indirect.gather [hbm4b:s8+s26], $0x1, s21, s26, $0xb8;
	[tilespmem:$0x11880] =	vst v63  }
0x11b: {  	s23 =	simm.s32 $0x500;
	s24 =	simm.s32 $0x11300  }
0x11c: {  	[tilespmem:s24], [sflag:$0x3] =	stream.indirect.gather [hbm4b:s1+s26], $0x1, s23, s26, $0xb8;
	[tilespmem:$0x11880] =	vst v63  }
0x11d: {  	s21 =	simm.s32 $0x700;
	s22 =	simm.s32 $0x11500  }
0x11e: {  	[tilespmem:s22], [sflag:$0x3] =	stream.indirect.gather [hbm4b:s2+s26], $0x1, s21, s26, $0xb8;
	[tilespmem:$0x11880] =	vst v63  }
0x11f: {  	s23 =	simm.s32 $0x180;
	s24 =	simm.s32 $0x10F80  }
0x120: {  	[tilespmem:s24], [sflag:$0x3] =	stream.indirect.gather [hbm4b:s7+s26], $0x1, s23, s26, $0xb8;
	[tilespmem:$0x11880] =	vst v63  }
0x121: {  	s21 =	simm.s32 $0x380;
	s22 =	simm.s32 $0x11180  }
0x122: {  	[tilespmem:s22], [sflag:$0x3] =	stream.indirect.gather [hbm4b:s8+s26], $0x1, s21, s26, $0xb8;
	[tilespmem:$0x11880] =	vst v63  }
0x123: {  	s23 =	simm.s32 $0x580;
	s24 =	simm.s32 $0x11380  }
0x124: {  	[tilespmem:s24], [sflag:$0x3] =	stream.indirect.gather [hbm4b:s1+s26], $0x1, s23, s26, $0xb8;
	[tilespmem:$0x11880] =	vst v63  }
0x125: {  	s21 =	simm.s32 $0x780;
	s22 =	simm.s32 $0x11580  }
0x126: {  	[tilespmem:s22], [sflag:$0x3] =	stream.indirect.gather [hbm4b:s2+s26], $0x1, s21, s26, $0xb8;
	[tilespmem:$0x11880] =	vst v63  }
0x127: {  	s23 =	simm.s32 $0x880  }
0x128: {  	[tilespmem:s3], [sflag:$0x2] =	stream.indirect.gather [hbm4b:s5+s26], $0x80, s23, s26, $0xb8;
	[tilespmem:$0x11880] =	vst v63  }
0x129: {  	s24 =	simm.s32 $0xA80  }
0x12a: {  	[tilespmem:s30], [sflag:$0x2] =	stream.indirect.gather [hbm4b:s6+s26], $0x80, s24, s26, $0xb8;
	[tilespmem:$0x11880] =	vst v63  }
0x12b: {  	_ =	swait.ge [sflag:s31], $0x4000  }
0x12c: {  	[sflag:s31] =	ssyncset.done $0x0  }
0x12d: {  	[sflag:s31] =	ssyncadd.s32 $0xFFFFC000  }
0x12e: {  	_ =	swait.ge [sflag:s31], $0x4000  }
0x12f: {  	[sflag:s31] =	ssyncset.done $0x0  }
0x130: {  	[sflag:s31] =	ssyncadd.s32 $0xFFFFC000  }
0x131: {  	v1 =	vld [tilespmem:$0xC00];
	_ =	sdelay $0x4  }
0x132: {  	(v2sf) =	vpush v1, $0x0  }
0x133: {  	(v2sf) =	vpush v1, $0x4;
	_ =	sdelay $0xd  }
0x134: {  	s21 =	spop (v2sf)  }
0x135: {  	s22 =	spop (v2sf)  }
0x136: {  	p0 =	sle.s32 s22, s21  }
.Ltmp2:
0x137: {  	_ = 	snop;
	(pc) =	sbr.rel @p0 .LBB2_7-.Ltmp2, $2  }
0x138: {  	_ =	sdelay $0x2  }
0x139: {  	v0 =	vimm.f32 $0.0e+00;
	s28 =	simm.s32 $0x8E00  }
0x13a: {  	s24 =	ssub.s32 s22, s21  }
0x13b: {  	p1 =	sne.s32 s24, $0x1  }
.Ltmp3:
0x13c: {  	s23 =	sshll.u32 s21, $0x9;
	(pc) =	sbr.rel @!p1 .LBB2_3-.Ltmp3, $4  }
0x13d: {  	s23 =	sshra.s32 s23, $0x2  }
0x13e: {  	s21 =	sadd.s32 $0xE20, s23  }
0x13f: {  	s22 =	sadd.s32 $0x8E20, s23;
	v2 =	vld [tilespmem:s21+$0xFFFFFFE0]  }
0x140: {  	v0 =	vimm.f32 $0.0e+00;
	p0 =	por $0x0, $0x0;
	s23 =	sadd.s32 $0xFFFFFFFF, s24;
	v3 =	vld [tilespmem:s22+$0xFFFFFFE0]  }
0x141: {  	v9 =	vld [tilespmem:s21+$0xFFFFFFF0]  }
0x142: {  	v10 =	vld [tilespmem:s22+$0xFFFFFFF0]  }
0x143: {  	v4 =	vld [tilespmem:s21+$0x0];
	p1 =	sne.s32 s23, $0x1  }
.Ltmp4:
0x144: {  	v6 =	vld [tilespmem:s22+$0x0];
	(pc) =	sbr.rel @!p1 .LBB2_6-.Ltmp4, $4  }
0x145: {  	v5 =	vld [tilespmem:s21+$0x10];
	v3 =	vmul.f32 v3, v2  }
0x146: {  	v7 =	vld [tilespmem:s22+$0x10];
	s21 =	sadd.s32 $0x80, s21  }
0x147: {  	s22 =	sadd.s32 $0x80, s22;
	v2 =	vld [tilespmem:s21+$0xFFFFFFE0];
	v9 =	vmul.f32 v10, v9;
	v8 =	vadd.f32 v3, v0  }
0x148: {  	s23 =	sadd.s32 $0xFFFFFFFF, s23;
	p0 =	por $0x1, $0x1;
	v3 =	vld [tilespmem:s22+$0xFFFFFFE0]  }
.LBB2_5:
0x149: {  	p1 =	sne.s32 s23, $0x1;
	v10 =	vld [tilespmem:s21+$0xFFFFFFF0];
	v8 =	vadd.f32 v9, v8;
	v6 =	vmul.f32 v6, v4  }
0x14a: {  	v9 =	vld [tilespmem:s22+$0xFFFFFFF0]  }
0x14b: {  	v4 =	vld [tilespmem:s21+$0x0];
	v8 =	vadd.f32 v6, v8;
	v7 =	vmul.f32 v7, v5  }
.Ltmp5:
0x14c: {  	v6 =	vld [tilespmem:s22+$0x0];
	(pc) =	sbr.rel @p1 .LBB2_5-.Ltmp5, $4  }
0x14d: {  	v3 =	vmul.f32 v3, v2;
	v5 =	vld [tilespmem:s21+$0x10];
	v8 =	vadd.f32 v7, v8  }
0x14e: {  	s21 =	sadd.s32 $0x80, s21;
	v7 =	vld [tilespmem:s22+$0x10]  }
0x14f: {  	s22 =	sadd.s32 $0x80, s22;
	v2 =	vld [tilespmem:s21+$0xFFFFFFE0];
	v8 =	vadd.f32 v3, v8;
	v9 =	vmul.f32 v9, v10  }
0x150: {  	s23 =	sadd.s32 $0xFFFFFFFF, s23;
	v3 =	vld [tilespmem:s22+$0xFFFFFFE0]  }
.LBB2_6:
0x151: {  	v8 =	vadd.f32 @p0 v9, v8;
	v4 =	vmul.f32 @p0 v6, v4  }
0x152: {  	v59 =	vld [tilespmem:s21+$0xFFFFFFF0]  }
0x153: {  	v60 =	vld [tilespmem:s22+$0xFFFFFFF0];
	v4 =	vadd.f32 @p0 v4, v8;
	v5 =	vmul.f32 @p0 v7, v5  }
0x154: {  	v61 =	vld [tilespmem:s21+$0x0]  }
0x155: {  	v62 =	vld [tilespmem:s22+$0x0];
	v4 =	vadd.f32 @p0 v5, v4  }
0x156: {  	v63 =	vld [tilespmem:s22+$0x10];
	v2 =	vmul.f32 v3, v2  }
0x157: {  	v3 =	vld [tilespmem:s21+$0x10];
	v0 =	vpsel p0, v4, v0  }
0x158: {  	v0 =	vadd.f32 v2, v0;
	v2 =	vmul.f32 v60, v59;
	_ =	sdelay $0x1  }
0x159: {  	v0 =	vadd.f32 v2, v0;
	v2 =	vmul.f32 v62, v61;
	_ =	sdelay $0x1  }
0x15a: {  	v0 =	vadd.f32 v2, v0;
	v2 =	vmul.f32 v63, v3;
	_ =	sdelay $0x1  }
0x15b: {  	v0 =	vadd.f32 v2, v0  }
.LBB2_7:
0x15c: {  	(v2sf) =	vpush v1, $0x1  }
0x15d: {  	(v2sf) =	vpush v1, $0x5;
	_ =	sdelay $0xd  }
0x15e: {  	s21 =	spop (v2sf)  }
0x15f: {  	s22 =	spop (v2sf)  }
0x160: {  	p0 =	sle.s32 s22, s21  }
.Ltmp6:
0x161: {  	_ = 	snop;
	(pc) =	sbr.rel @p0 .LBB2_13-.Ltmp6, $1  }
0x162: {  	_ =	sdelay $0x3  }
0x163: {  	s24 =	ssub.s32 s22, s21  }
0x164: {  	p1 =	sne.s32 s24, $0x1  }
.Ltmp7:
0x165: {  	s23 =	sshll.u32 s21, $0x9;
	(pc) =	sbr.rel @!p1 .LBB2_9-.Ltmp7, $4  }
0x166: {  	s23 =	sshra.s32 s23, $0x2  }
0x167: {  	s21 =	sadd.s32 $0xE70, s23  }
0x168: {  	s22 =	sadd.s32 $0x8E20, s23;
	v2 =	vld [tilespmem:s21+$0xFFFFFFD0]  }
0x169: {  	p0 =	por $0x0, $0x0;
	s23 =	sadd.s32 $0xFFFFFFFF, s24;
	v3 =	vld [tilespmem:s22+$0xFFFFFFE0]  }
0x16a: {  	v9 =	vld [tilespmem:s21+$0xFFFFFFE0]  }
0x16b: {  	v10 =	vld [tilespmem:s22+$0xFFFFFFF0]  }
0x16c: {  	v4 =	vld [tilespmem:s21+$0xFFFFFFF0];
	p1 =	sne.s32 s23, $0x1  }
.Ltmp8:
0x16d: {  	v6 =	vld [tilespmem:s22+$0x0];
	(pc) =	sbr.rel @!p1 .LBB2_12-.Ltmp8, $4  }
0x16e: {  	v5 =	vld [tilespmem:s21+$0x0];
	v3 =	vmul.f32 v3, v2  }
0x16f: {  	v7 =	vld [tilespmem:s22+$0x10];
	s21 =	sadd.s32 $0x80, s21  }
0x170: {  	s22 =	sadd.s32 $0x80, s22;
	v2 =	vld [tilespmem:s21+$0xFFFFFFD0];
	v9 =	vmul.f32 v10, v9;
	v8 =	vadd.f32 v3, v0  }
0x171: {  	s23 =	sadd.s32 $0xFFFFFFFF, s23;
	p0 =	por $0x1, $0x1;
	v3 =	vld [tilespmem:s22+$0xFFFFFFE0]  }
.LBB2_11:
0x172: {  	p1 =	sne.s32 s23, $0x1;
	v10 =	vld [tilespmem:s21+$0xFFFFFFE0];
	v8 =	vadd.f32 v9, v8;
	v6 =	vmul.f32 v6, v4  }
0x173: {  	v9 =	vld [tilespmem:s22+$0xFFFFFFF0]  }
0x174: {  	v4 =	vld [tilespmem:s21+$0xFFFFFFF0];
	v8 =	vadd.f32 v6, v8;
	v7 =	vmul.f32 v7, v5  }
.Ltmp9:
0x175: {  	v6 =	vld [tilespmem:s22+$0x0];
	(pc) =	sbr.rel @p1 .LBB2_11-.Ltmp9, $4  }
0x176: {  	v3 =	vmul.f32 v3, v2;
	v5 =	vld [tilespmem:s21+$0x0];
	v8 =	vadd.f32 v7, v8  }
0x177: {  	s21 =	sadd.s32 $0x80, s21;
	v7 =	vld [tilespmem:s22+$0x10]  }
0x178: {  	s22 =	sadd.s32 $0x80, s22;
	v2 =	vld [tilespmem:s21+$0xFFFFFFD0];
	v8 =	vadd.f32 v3, v8;
	v9 =	vmul.f32 v9, v10  }
0x179: {  	s23 =	sadd.s32 $0xFFFFFFFF, s23;
	v3 =	vld [tilespmem:s22+$0xFFFFFFE0]  }
.LBB2_12:
0x17a: {  	v8 =	vadd.f32 @p0 v9, v8;
	v4 =	vmul.f32 @p0 v6, v4  }
0x17b: {  	v59 =	vld [tilespmem:s21+$0xFFFFFFE0]  }
0x17c: {  	v60 =	vld [tilespmem:s22+$0xFFFFFFF0];
	v4 =	vadd.f32 @p0 v4, v8;
	v5 =	vmul.f32 @p0 v7, v5  }
0x17d: {  	v61 =	vld [tilespmem:s21+$0xFFFFFFF0]  }
0x17e: {  	v62 =	vld [tilespmem:s22+$0x0];
	v4 =	vadd.f32 @p0 v5, v4  }
0x17f: {  	v63 =	vld [tilespmem:s22+$0x10];
	v2 =	vmul.f32 v3, v2  }
0x180: {  	v3 =	vld [tilespmem:s21+$0x0];
	v0 =	vpsel p0, v4, v0  }
0x181: {  	v0 =	vadd.f32 v2, v0;
	v2 =	vmul.f32 v60, v59;
	_ =	sdelay $0x1  }
0x182: {  	v0 =	vadd.f32 v2, v0;
	v2 =	vmul.f32 v62, v61;
	_ =	sdelay $0x1  }
0x183: {  	v0 =	vadd.f32 v2, v0;
	v2 =	vmul.f32 v63, v3;
	_ =	sdelay $0x1  }
0x184: {  	v0 =	vadd.f32 v2, v0  }
.LBB2_13:
0x185: {  	(v2sf) =	vpush v1, $0x2  }
0x186: {  	(v2sf) =	vpush v1, $0x6;
	_ =	sdelay $0xd  }
0x187: {  	s21 =	spop (v2sf)  }
0x188: {  	s22 =	spop (v2sf)  }
0x189: {  	p0 =	sle.s32 s22, s21  }
.Ltmp10:
0x18a: {  	_ = 	snop;
	(pc) =	sbr.rel @p0 .LBB2_19-.Ltmp10, $1  }
0x18b: {  	_ =	sdelay $0x3  }
0x18c: {  	s24 =	ssub.s32 s22, s21  }
0x18d: {  	p1 =	sne.s32 s24, $0x1  }
.Ltmp11:
0x18e: {  	s23 =	sshll.u32 s21, $0x9;
	(pc) =	sbr.rel @!p1 .LBB2_15-.Ltmp11, $4  }
0x18f: {  	s23 =	sshra.s32 s23, $0x2  }
0x190: {  	s21 =	sadd.s32 $0xE20, s23  }
0x191: {  	s22 =	sadd.s32 $0x8E70, s23;
	v2 =	vld [tilespmem:s21+$0xFFFFFFE0]  }
0x192: {  	p0 =	por $0x0, $0x0;
	s23 =	sadd.s32 $0xFFFFFFFF, s24;
	v3 =	vld [tilespmem:s22+$0xFFFFFFD0]  }
0x193: {  	v9 =	vld [tilespmem:s21+$0xFFFFFFF0]  }
0x194: {  	v10 =	vld [tilespmem:s22+$0xFFFFFFE0]  }
0x195: {  	v4 =	vld [tilespmem:s21+$0x0];
	p1 =	sne.s32 s23, $0x1  }
.Ltmp12:
0x196: {  	v6 =	vld [tilespmem:s22+$0xFFFFFFF0];
	(pc) =	sbr.rel @!p1 .LBB2_18-.Ltmp12, $4  }
0x197: {  	v5 =	vld [tilespmem:s21+$0x10];
	v3 =	vmul.f32 v3, v2  }
0x198: {  	v7 =	vld [tilespmem:s22+$0x0];
	s21 =	sadd.s32 $0x80, s21  }
0x199: {  	s22 =	sadd.s32 $0x80, s22;
	v2 =	vld [tilespmem:s21+$0xFFFFFFE0];
	v9 =	vmul.f32 v10, v9;
	v8 =	vadd.f32 v3, v0  }
0x19a: {  	s23 =	sadd.s32 $0xFFFFFFFF, s23;
	p0 =	por $0x1, $0x1;
	v3 =	vld [tilespmem:s22+$0xFFFFFFD0]  }
.LBB2_17:
0x19b: {  	p1 =	sne.s32 s23, $0x1;
	v10 =	vld [tilespmem:s21+$0xFFFFFFF0];
	v8 =	vadd.f32 v9, v8;
	v6 =	vmul.f32 v6, v4  }
0x19c: {  	v9 =	vld [tilespmem:s22+$0xFFFFFFE0]  }
0x19d: {  	v4 =	vld [tilespmem:s21+$0x0];
	v8 =	vadd.f32 v6, v8;
	v7 =	vmul.f32 v7, v5  }
.Ltmp13:
0x19e: {  	v6 =	vld [tilespmem:s22+$0xFFFFFFF0];
	(pc) =	sbr.rel @p1 .LBB2_17-.Ltmp13, $4  }
0x19f: {  	v3 =	vmul.f32 v3, v2;
	v5 =	vld [tilespmem:s21+$0x10];
	v8 =	vadd.f32 v7, v8  }
0x1a0: {  	s21 =	sadd.s32 $0x80, s21;
	v7 =	vld [tilespmem:s22+$0x0]  }
0x1a1: {  	s22 =	sadd.s32 $0x80, s22;
	v2 =	vld [tilespmem:s21+$0xFFFFFFE0];
	v8 =	vadd.f32 v3, v8;
	v9 =	vmul.f32 v9, v10  }
0x1a2: {  	s23 =	sadd.s32 $0xFFFFFFFF, s23;
	v3 =	vld [tilespmem:s22+$0xFFFFFFD0]  }
.LBB2_18:
0x1a3: {  	v8 =	vadd.f32 @p0 v9, v8;
	v4 =	vmul.f32 @p0 v6, v4  }
0x1a4: {  	v59 =	vld [tilespmem:s21+$0xFFFFFFF0]  }
0x1a5: {  	v60 =	vld [tilespmem:s22+$0xFFFFFFE0];
	v4 =	vadd.f32 @p0 v4, v8;
	v5 =	vmul.f32 @p0 v7, v5  }
0x1a6: {  	v61 =	vld [tilespmem:s21+$0x0]  }
0x1a7: {  	v62 =	vld [tilespmem:s22+$0xFFFFFFF0];
	v4 =	vadd.f32 @p0 v5, v4  }
0x1a8: {  	v63 =	vld [tilespmem:s22+$0x0];
	v2 =	vmul.f32 v3, v2  }
0x1a9: {  	v3 =	vld [tilespmem:s21+$0x10];
	v0 =	vpsel p0, v4, v0  }
0x1aa: {  	v0 =	vadd.f32 v2, v0;
	v2 =	vmul.f32 v60, v59;
	_ =	sdelay $0x1  }
0x1ab: {  	v0 =	vadd.f32 v2, v0;
	v2 =	vmul.f32 v62, v61;
	_ =	sdelay $0x1  }
0x1ac: {  	v0 =	vadd.f32 v2, v0;
	v2 =	vmul.f32 v63, v3;
	_ =	sdelay $0x1  }
0x1ad: {  	v0 =	vadd.f32 v2, v0  }
.LBB2_19:
0x1ae: {  	(v2sf) =	vpush v1, $0x3  }
0x1af: {  	(v2sf) =	vpush v1, $0x7;
	_ =	sdelay $0xd  }
0x1b0: {  	s21 =	spop (v2sf)  }
0x1b1: {  	s22 =	spop (v2sf)  }
0x1b2: {  	p0 =	sle.s32 s22, s21  }
.Ltmp14:
0x1b3: {  	_ = 	snop;
	(pc) =	sbr.rel @p0 .LBB2_25-.Ltmp14, $1  }
0x1b4: {  	_ =	sdelay $0x3  }
0x1b5: {  	s24 =	ssub.s32 s22, s21  }
0x1b6: {  	p1 =	sne.s32 s24, $0x1  }
.Ltmp15:
0x1b7: {  	s23 =	sshll.u32 s21, $0x9;
	(pc) =	sbr.rel @!p1 .LBB2_21-.Ltmp15, $4  }
0x1b8: {  	s23 =	sshra.s32 s23, $0x2  }
0x1b9: {  	s21 =	sadd.s32 $0xE70, s23  }
0x1ba: {  	s22 =	sadd.s32 $0x8E70, s23;
	v1 =	vld [tilespmem:s21+$0xFFFFFFD0]  }
0x1bb: {  	p0 =	por $0x0, $0x0;
	s23 =	sadd.s32 $0xFFFFFFFF, s24;
	v2 =	vld [tilespmem:s22+$0xFFFFFFD0]  }
0x1bc: {  	v8 =	vld [tilespmem:s21+$0xFFFFFFE0]  }
0x1bd: {  	v9 =	vld [tilespmem:s22+$0xFFFFFFE0]  }
0x1be: {  	v3 =	vld [tilespmem:s21+$0xFFFFFFF0];
	p1 =	sne.s32 s23, $0x1  }
.Ltmp16:
0x1bf: {  	v5 =	vld [tilespmem:s22+$0xFFFFFFF0];
	(pc) =	sbr.rel @!p1 .LBB2_24-.Ltmp16, $4  }
0x1c0: {  	v4 =	vld [tilespmem:s21+$0x0];
	v2 =	vmul.f32 v2, v1  }
0x1c1: {  	v6 =	vld [tilespmem:s22+$0x0];
	s21 =	sadd.s32 $0x80, s21  }
0x1c2: {  	s22 =	sadd.s32 $0x80, s22;
	v1 =	vld [tilespmem:s21+$0xFFFFFFD0];
	v8 =	vmul.f32 v9, v8;
	v7 =	vadd.f32 v2, v0  }
0x1c3: {  	s23 =	sadd.s32 $0xFFFFFFFF, s23;
	p0 =	por $0x1, $0x1;
	v2 =	vld [tilespmem:s22+$0xFFFFFFD0]  }
.LBB2_23:
0x1c4: {  	p1 =	sne.s32 s23, $0x1;
	v9 =	vld [tilespmem:s21+$0xFFFFFFE0];
	v7 =	vadd.f32 v8, v7;
	v5 =	vmul.f32 v5, v3  }
0x1c5: {  	v8 =	vld [tilespmem:s22+$0xFFFFFFE0]  }
0x1c6: {  	v3 =	vld [tilespmem:s21+$0xFFFFFFF0];
	v7 =	vadd.f32 v5, v7;
	v6 =	vmul.f32 v6, v4  }
.Ltmp17:
0x1c7: {  	v5 =	vld [tilespmem:s22+$0xFFFFFFF0];
	(pc) =	sbr.rel @p1 .LBB2_23-.Ltmp17, $4  }
0x1c8: {  	v2 =	vmul.f32 v2, v1;
	v4 =	vld [tilespmem:s21+$0x0];
	v7 =	vadd.f32 v6, v7  }
0x1c9: {  	s21 =	sadd.s32 $0x80, s21;
	v6 =	vld [tilespmem:s22+$0x0]  }
0x1ca: {  	s22 =	sadd.s32 $0x80, s22;
	v1 =	vld [tilespmem:s21+$0xFFFFFFD0];
	v7 =	vadd.f32 v2, v7;
	v8 =	vmul.f32 v8, v9  }
0x1cb: {  	s23 =	sadd.s32 $0xFFFFFFFF, s23;
	v2 =	vld [tilespmem:s22+$0xFFFFFFD0]  }
.LBB2_24:
0x1cc: {  	v7 =	vadd.f32 @p0 v8, v7;
	v3 =	vmul.f32 @p0 v5, v3  }
0x1cd: {  	v59 =	vld [tilespmem:s21+$0xFFFFFFE0]  }
0x1ce: {  	v60 =	vld [tilespmem:s22+$0xFFFFFFE0];
	v3 =	vadd.f32 @p0 v3, v7;
	v4 =	vmul.f32 @p0 v6, v4  }
0x1cf: {  	v61 =	vld [tilespmem:s21+$0xFFFFFFF0]  }
0x1d0: {  	v62 =	vld [tilespmem:s22+$0xFFFFFFF0];
	v3 =	vadd.f32 @p0 v4, v3  }
0x1d1: {  	v63 =	vld [tilespmem:s22+$0x0];
	v1 =	vmul.f32 v2, v1  }
0x1d2: {  	v2 =	vld [tilespmem:s21+$0x0];
	v0 =	vpsel p0, v3, v0  }
0x1d3: {  	v0 =	vadd.f32 v1, v0;
	v1 =	vmul.f32 v60, v59;
	_ =	sdelay $0x1  }
0x1d4: {  	v0 =	vadd.f32 v1, v0;
	v1 =	vmul.f32 v62, v61;
	_ =	sdelay $0x1  }
0x1d5: {  	v0 =	vadd.f32 v1, v0;
	v1 =	vmul.f32 v63, v2;
	_ =	sdelay $0x1  }
0x1d6: {  	v0 =	vadd.f32 v1, v0  }
.LBB2_25:
0x1d7: {  	s9 =	simm.s32 $0x900  }
0x1d8: {  	[tilespmem:s29], [sflag:$0x1] =	stream.indirect.gather [hbm4b:s5+s26], $0x80, s9, s26, $0xb8;
	[tilespmem:$0x11880] =	vst v63  }
0x1d9: {  	s29 =	simm.s32 $0xB00  }
0x1da: {  	[tilespmem:s28], [sflag:$0x1] =	stream.indirect.gather [hbm4b:s6+s26], $0x80, s29, s26, $0xb8;
	[tilespmem:$0x11880] =	vst v63  }
0x1db: {  	_ =	swait.ge [sflag:s0], $0x4000  }
0x1dc: {  	[sflag:s0] =	ssyncset.done $0x0  }
0x1dd: {  	[sflag:s0] =	ssyncadd.s32 $0xFFFFC000  }
0x1de: {  	_ =	swait.ge [sflag:s0], $0x4000  }
0x1df: {  	[sflag:s0] =	ssyncset.done $0x0  }
0x1e0: {  	[sflag:s0] =	ssyncadd.s32 $0xFFFFC000  }
0x1e1: {  	v1 =	vld [tilespmem:$0xC80];
	_ =	sdelay $0x4  }
0x1e2: {  	(v2sf) =	vpush v1, $0x0  }
0x1e3: {  	(v2sf) =	vpush v1, $0x4;
	_ =	sdelay $0xd  }
0x1e4: {  	s21 =	spop (v2sf)  }
0x1e5: {  	s22 =	spop (v2sf)  }
0x1e6: {  	p0 =	sle.s32 s22, s21  }
.Ltmp18:
0x1e7: {  	_ = 	snop;
	(pc) =	sbr.rel @p0 .LBB2_31-.Ltmp18, $1  }
0x1e8: {  	_ =	sdelay $0x3  }
0x1e9: {  	s23 =	sshll.u32 s21, $0x9  }
0x1ea: {  	s23 =	sshra.s32 s23, $0x2  }
0x1eb: {  	s29 =	ssub.s32 s22, s21;
	v2 =	vmov s23  }
0x1ec: {  	p1 =	sne.s32 s29, $0x1  }
.Ltmp19:
0x1ed: {  	_ = 	snop;
	(pc) =	sbr.rel @!p1 .LBB2_27-.Ltmp19, $4  }
0x1ee: {  	_ = 	snop  }
0x1ef: {  	s21 =	simm.s32 $0xE00  }
0x1f0: {  	s22 =	simm.s32 $0x8E00;
	v3 =	vld.idx.msk [tilespmem:v2+s21+$0x4000 ss:$0x1], $0xffff  }
0x1f1: {  	p0 =	por $0x0, $0x0;
	s23 =	sadd.s32 $0xFFFFFFFF, s29;
	v4 =	vld.idx.msk [tilespmem:v2+s22+$0x4000 ss:$0x1], $0xffff  }
0x1f2: {  	_ =	sdelay $0x3  }
0x1f3: {  	v10 =	vld.idx.msk [tilespmem:v2+s21+$0x4010 ss:$0x1], $0xffff  }
0x1f4: {  	v11 =	vld.idx.msk [tilespmem:v2+s22+$0x4010 ss:$0x1], $0xffff  }
0x1f5: {  	v5 =	vld.idx.msk [tilespmem:v2+s21+$0x4020 ss:$0x1], $0xffff;
	p1 =	sne.s32 s23, $0x1  }
.Ltmp20:
0x1f6: {  	v7 =	vld.idx.msk [tilespmem:v2+s22+$0x4020 ss:$0x1], $0xffff;
	(pc) =	sbr.rel @!p1 .LBB2_30-.Ltmp20, $4  }
0x1f7: {  	v6 =	vld.idx.msk [tilespmem:v2+s21+$0x4030 ss:$0x1], $0xffff  }
0x1f8: {  	v8 =	vld.idx.msk [tilespmem:v2+s22+$0x4030 ss:$0x1], $0xffff;
	s21 =	simm.s32 $0xE80;
	v9 =	vmul.f32 v4, v3  }
0x1f9: {  	s22 =	simm.s32 $0x8E80;
	v3 =	vld.idx.msk [tilespmem:v2+s21+$0x4000 ss:$0x1], $0xffff  }
0x1fa: {  	s23 =	sadd.s32 $0xFFFFFFFF, s23;
	p0 =	por $0x1, $0x1;
	v4 =	vld.idx.msk [tilespmem:v2+s22+$0x4000 ss:$0x1], $0xffff;
	v10 =	vmul.f32 v11, v10;
	v9 =	vadd.f32 v9, v0  }
.LBB2_29:
0x1fb: {  	p1 =	sne.s32 s23, $0x1;
	v11 =	vld.idx.msk [tilespmem:v2+s21+$0x4010 ss:$0x1], $0xffff  }
0x1fc: {  	v12 =	vld.idx.msk [tilespmem:v2+s22+$0x4010 ss:$0x1], $0xffff;
	v9 =	vadd.f32 v10, v9;
	v10 =	vmul.f32 v7, v5  }
0x1fd: {  	v5 =	vld.idx.msk [tilespmem:v2+s21+$0x4020 ss:$0x1], $0xffff  }
.Ltmp21:
0x1fe: {  	v7 =	vld.idx.msk [tilespmem:v2+s22+$0x4020 ss:$0x1], $0xffff;
	v9 =	vadd.f32 v10, v9;
	v10 =	vmul.f32 v8, v6;
	(pc) =	sbr.rel @p1 .LBB2_29-.Ltmp21, $4  }
0x1ff: {  	v6 =	vld.idx.msk [tilespmem:v2+s21+$0x4030 ss:$0x1], $0xffff  }
0x200: {  	v13 =	vmul.f32 v4, v3;
	s21 =	sadd.s32 $0x80, s21;
	v8 =	vld.idx.msk [tilespmem:v2+s22+$0x4030 ss:$0x1], $0xffff;
	v9 =	vadd.f32 v10, v9  }
0x201: {  	s22 =	sadd.s32 $0x80, s22;
	v3 =	vld.idx.msk [tilespmem:v2+s21+$0x4000 ss:$0x1], $0xffff  }
0x202: {  	s23 =	sadd.s32 $0xFFFFFFFF, s23;
	v10 =	vmul.f32 v12, v11;
	v4 =	vld.idx.msk [tilespmem:v2+s22+$0x4000 ss:$0x1], $0xffff;
	v9 =	vadd.f32 v13, v9  }
.LBB2_30:
0x203: {  	_ =	sdelay $0x2  }
0x204: {  	v5 =	vmul.f32 @p0 v7, v5;
	v9 =	vadd.f32 @p0 v10, v9  }
0x205: {  	v59 =	vld.idx.msk [tilespmem:v2+s21+$0x4010 ss:$0x1], $0xffff  }
0x206: {  	v60 =	vld.idx.msk [tilespmem:v2+s22+$0x4010 ss:$0x1], $0xffff;
	v6 =	vmul.f32 @p0 v8, v6;
	v5 =	vadd.f32 @p0 v5, v9  }
0x207: {  	v61 =	vld.idx.msk [tilespmem:v2+s21+$0x4020 ss:$0x1], $0xffff  }
0x208: {  	v62 =	vld.idx.msk [tilespmem:v2+s22+$0x4020 ss:$0x1], $0xffff;
	v5 =	vadd.f32 @p0 v6, v5  }
0x209: {  	v63 =	vld.idx.msk [tilespmem:v2+s21+$0x4030 ss:$0x1], $0xffff;
	v3 =	vmul.f32 v4, v3  }
0x20a: {  	v2 =	vld.idx.msk [tilespmem:v2+s22+$0x4030 ss:$0x1], $0xffff;
	v0 =	vpsel p0, v5, v0  }
0x20b: {  	v0 =	vadd.f32 v3, v0;
	v3 =	vmul.f32 v60, v59;
	_ =	sdelay $0x1  }
0x20c: {  	v0 =	vadd.f32 v3, v0;
	v3 =	vmul.f32 v62, v61;
	_ =	sdelay $0x1  }
0x20d: {  	v2 =	vmul.f32 v2, v63;
	v0 =	vadd.f32 v3, v0;
	_ =	sdelay $0x1  }
0x20e: {  	v0 =	vadd.f32 v2, v0  }
.LBB2_31:
0x20f: {  	(v2sf) =	vpush v1, $0x1  }
0x210: {  	(v2sf) =	vpush v1, $0x5;
	_ =	sdelay $0xd  }
0x211: {  	s21 =	spop (v2sf)  }
0x212: {  	s22 =	spop (v2sf)  }
0x213: {  	p0 =	sle.s32 s22, s21  }
.Ltmp22:
0x214: {  	_ = 	snop;
	(pc) =	sbr.rel @p0 .LBB2_37-.Ltmp22, $1  }
0x215: {  	_ =	sdelay $0x3  }
0x216: {  	s23 =	sshll.u32 s21, $0x9  }
0x217: {  	s23 =	sshra.s32 s23, $0x2  }
0x218: {  	s29 =	ssub.s32 s22, s21;
	v2 =	vmov s23  }
0x219: {  	p1 =	sne.s32 s29, $0x1  }
.Ltmp23:
0x21a: {  	_ = 	snop;
	(pc) =	sbr.rel @!p1 .LBB2_33-.Ltmp23, $4  }
0x21b: {  	_ = 	snop  }
0x21c: {  	s21 =	simm.s32 $0xE00  }
0x21d: {  	s22 =	simm.s32 $0x8E00;
	v3 =	vld.idx.msk [tilespmem:v2+s21+$0x4040 ss:$0x1], $0xffff  }
0x21e: {  	p0 =	por $0x0, $0x0;
	s23 =	sadd.s32 $0xFFFFFFFF, s29;
	v4 =	vld.idx.msk [tilespmem:v2+s22+$0x4000 ss:$0x1], $0xffff  }
0x21f: {  	_ =	sdelay $0x3  }
0x220: {  	v10 =	vld.idx.msk [tilespmem:v2+s21+$0x4050 ss:$0x1], $0xffff  }
0x221: {  	v11 =	vld.idx.msk [tilespmem:v2+s22+$0x4010 ss:$0x1], $0xffff  }
0x222: {  	v5 =	vld.idx.msk [tilespmem:v2+s21+$0x4060 ss:$0x1], $0xffff;
	p1 =	sne.s32 s23, $0x1  }
.Ltmp24:
0x223: {  	v7 =	vld.idx.msk [tilespmem:v2+s22+$0x4020 ss:$0x1], $0xffff;
	(pc) =	sbr.rel @!p1 .LBB2_36-.Ltmp24, $4  }
0x224: {  	v6 =	vld.idx.msk [tilespmem:v2+s21+$0x4070 ss:$0x1], $0xffff  }
0x225: {  	v8 =	vld.idx.msk [tilespmem:v2+s22+$0x4030 ss:$0x1], $0xffff;
	s21 =	simm.s32 $0xE80;
	v9 =	vmul.f32 v4, v3  }
0x226: {  	s22 =	simm.s32 $0x8E80;
	v3 =	vld.idx.msk [tilespmem:v2+s21+$0x4040 ss:$0x1], $0xffff  }
0x227: {  	s23 =	sadd.s32 $0xFFFFFFFF, s23;
	p0 =	por $0x1, $0x1;
	v4 =	vld.idx.msk [tilespmem:v2+s22+$0x4000 ss:$0x1], $0xffff;
	v10 =	vmul.f32 v11, v10;
	v9 =	vadd.f32 v9, v0  }
.LBB2_35:
0x228: {  	p1 =	sne.s32 s23, $0x1;
	v11 =	vld.idx.msk [tilespmem:v2+s21+$0x4050 ss:$0x1], $0xffff  }
0x229: {  	v12 =	vld.idx.msk [tilespmem:v2+s22+$0x4010 ss:$0x1], $0xffff;
	v9 =	vadd.f32 v10, v9;
	v10 =	vmul.f32 v7, v5  }
0x22a: {  	v5 =	vld.idx.msk [tilespmem:v2+s21+$0x4060 ss:$0x1], $0xffff  }
.Ltmp25:
0x22b: {  	v7 =	vld.idx.msk [tilespmem:v2+s22+$0x4020 ss:$0x1], $0xffff;
	v9 =	vadd.f32 v10, v9;
	v10 =	vmul.f32 v8, v6;
	(pc) =	sbr.rel @p1 .LBB2_35-.Ltmp25, $4  }
0x22c: {  	v6 =	vld.idx.msk [tilespmem:v2+s21+$0x4070 ss:$0x1], $0xffff  }
0x22d: {  	v13 =	vmul.f32 v4, v3;
	s21 =	sadd.s32 $0x80, s21;
	v8 =	vld.idx.msk [tilespmem:v2+s22+$0x4030 ss:$0x1], $0xffff;
	v9 =	vadd.f32 v10, v9  }
0x22e: {  	s22 =	sadd.s32 $0x80, s22;
	v3 =	vld.idx.msk [tilespmem:v2+s21+$0x4040 ss:$0x1], $0xffff  }
0x22f: {  	s23 =	sadd.s32 $0xFFFFFFFF, s23;
	v10 =	vmul.f32 v12, v11;
	v4 =	vld.idx.msk [tilespmem:v2+s22+$0x4000 ss:$0x1], $0xffff;
	v9 =	vadd.f32 v13, v9  }
.LBB2_36:
0x230: {  	_ =	sdelay $0x2  }
0x231: {  	v5 =	vmul.f32 @p0 v7, v5;
	v9 =	vadd.f32 @p0 v10, v9  }
0x232: {  	v59 =	vld.idx.msk [tilespmem:v2+s21+$0x4050 ss:$0x1], $0xffff  }
0x233: {  	v60 =	vld.idx.msk [tilespmem:v2+s22+$0x4010 ss:$0x1], $0xffff;
	v6 =	vmul.f32 @p0 v8, v6;
	v5 =	vadd.f32 @p0 v5, v9  }
0x234: {  	v61 =	vld.idx.msk [tilespmem:v2+s21+$0x4060 ss:$0x1], $0xffff  }
0x235: {  	v62 =	vld.idx.msk [tilespmem:v2+s22+$0x4020 ss:$0x1], $0xffff;
	v5 =	vadd.f32 @p0 v6, v5  }
0x236: {  	v63 =	vld.idx.msk [tilespmem:v2+s21+$0x4070 ss:$0x1], $0xffff;
	v3 =	vmul.f32 v4, v3  }
0x237: {  	v2 =	vld.idx.msk [tilespmem:v2+s22+$0x4030 ss:$0x1], $0xffff;
	v0 =	vpsel p0, v5, v0  }
0x238: {  	v0 =	vadd.f32 v3, v0;
	v3 =	vmul.f32 v60, v59;
	_ =	sdelay $0x1  }
0x239: {  	v0 =	vadd.f32 v3, v0;
	v3 =	vmul.f32 v62, v61;
	_ =	sdelay $0x1  }
0x23a: {  	v2 =	vmul.f32 v2, v63;
	v0 =	vadd.f32 v3, v0;
	_ =	sdelay $0x1  }
0x23b: {  	v0 =	vadd.f32 v2, v0  }
.LBB2_37:
0x23c: {  	(v2sf) =	vpush v1, $0x2  }
0x23d: {  	(v2sf) =	vpush v1, $0x6;
	_ =	sdelay $0xd  }
0x23e: {  	s21 =	spop (v2sf)  }
0x23f: {  	s22 =	spop (v2sf)  }
0x240: {  	p0 =	sle.s32 s22, s21  }
.Ltmp26:
0x241: {  	_ = 	snop;
	(pc) =	sbr.rel @p0 .LBB2_43-.Ltmp26, $1  }
0x242: {  	_ =	sdelay $0x3  }
0x243: {  	s23 =	sshll.u32 s21, $0x9  }
0x244: {  	s23 =	sshra.s32 s23, $0x2  }
0x245: {  	s29 =	ssub.s32 s22, s21;
	v2 =	vmov s23  }
0x246: {  	p1 =	sne.s32 s29, $0x1  }
.Ltmp27:
0x247: {  	_ = 	snop;
	(pc) =	sbr.rel @!p1 .LBB2_39-.Ltmp27, $4  }
0x248: {  	_ = 	snop  }
0x249: {  	s21 =	simm.s32 $0xE00  }
0x24a: {  	s22 =	simm.s32 $0x8E00;
	v3 =	vld.idx.msk [tilespmem:v2+s21+$0x4000 ss:$0x1], $0xffff  }
0x24b: {  	p0 =	por $0x0, $0x0;
	s23 =	sadd.s32 $0xFFFFFFFF, s29;
	v4 =	vld.idx.msk [tilespmem:v2+s22+$0x4040 ss:$0x1], $0xffff  }
0x24c: {  	_ =	sdelay $0x3  }
0x24d: {  	v10 =	vld.idx.msk [tilespmem:v2+s21+$0x4010 ss:$0x1], $0xffff  }
0x24e: {  	v11 =	vld.idx.msk [tilespmem:v2+s22+$0x4050 ss:$0x1], $0xffff  }
0x24f: {  	v5 =	vld.idx.msk [tilespmem:v2+s21+$0x4020 ss:$0x1], $0xffff;
	p1 =	sne.s32 s23, $0x1  }
.Ltmp28:
0x250: {  	v7 =	vld.idx.msk [tilespmem:v2+s22+$0x4060 ss:$0x1], $0xffff;
	(pc) =	sbr.rel @!p1 .LBB2_42-.Ltmp28, $4  }
0x251: {  	v6 =	vld.idx.msk [tilespmem:v2+s21+$0x4030 ss:$0x1], $0xffff  }
0x252: {  	v8 =	vld.idx.msk [tilespmem:v2+s22+$0x4070 ss:$0x1], $0xffff;
	s21 =	simm.s32 $0xE80;
	v9 =	vmul.f32 v4, v3  }
0x253: {  	s22 =	simm.s32 $0x8E80;
	v3 =	vld.idx.msk [tilespmem:v2+s21+$0x4000 ss:$0x1], $0xffff  }
0x254: {  	s23 =	sadd.s32 $0xFFFFFFFF, s23;
	p0 =	por $0x1, $0x1;
	v4 =	vld.idx.msk [tilespmem:v2+s22+$0x4040 ss:$0x1], $0xffff;
	v10 =	vmul.f32 v11, v10;
	v9 =	vadd.f32 v9, v0  }
.LBB2_41:
0x255: {  	p1 =	sne.s32 s23, $0x1;
	v11 =	vld.idx.msk [tilespmem:v2+s21+$0x4010 ss:$0x1], $0xffff  }
0x256: {  	v12 =	vld.idx.msk [tilespmem:v2+s22+$0x4050 ss:$0x1], $0xffff;
	v9 =	vadd.f32 v10, v9;
	v10 =	vmul.f32 v7, v5  }
0x257: {  	v5 =	vld.idx.msk [tilespmem:v2+s21+$0x4020 ss:$0x1], $0xffff  }
.Ltmp29:
0x258: {  	v7 =	vld.idx.msk [tilespmem:v2+s22+$0x4060 ss:$0x1], $0xffff;
	v9 =	vadd.f32 v10, v9;
	v10 =	vmul.f32 v8, v6;
	(pc) =	sbr.rel @p1 .LBB2_41-.Ltmp29, $4  }
0x259: {  	v6 =	vld.idx.msk [tilespmem:v2+s21+$0x4030 ss:$0x1], $0xffff  }
0x25a: {  	v13 =	vmul.f32 v4, v3;
	s21 =	sadd.s32 $0x80, s21;
	v8 =	vld.idx.msk [tilespmem:v2+s22+$0x4070 ss:$0x1], $0xffff;
	v9 =	vadd.f32 v10, v9  }
0x25b: {  	s22 =	sadd.s32 $0x80, s22;
	v3 =	vld.idx.msk [tilespmem:v2+s21+$0x4000 ss:$0x1], $0xffff  }
0x25c: {  	s23 =	sadd.s32 $0xFFFFFFFF, s23;
	v10 =	vmul.f32 v12, v11;
	v4 =	vld.idx.msk [tilespmem:v2+s22+$0x4040 ss:$0x1], $0xffff;
	v9 =	vadd.f32 v13, v9  }
.LBB2_42:
0x25d: {  	_ =	sdelay $0x2  }
0x25e: {  	v5 =	vmul.f32 @p0 v7, v5;
	v9 =	vadd.f32 @p0 v10, v9  }
0x25f: {  	v59 =	vld.idx.msk [tilespmem:v2+s21+$0x4010 ss:$0x1], $0xffff  }
0x260: {  	v60 =	vld.idx.msk [tilespmem:v2+s22+$0x4050 ss:$0x1], $0xffff;
	v6 =	vmul.f32 @p0 v8, v6;
	v5 =	vadd.f32 @p0 v5, v9  }
0x261: {  	v61 =	vld.idx.msk [tilespmem:v2+s21+$0x4020 ss:$0x1], $0xffff  }
0x262: {  	v62 =	vld.idx.msk [tilespmem:v2+s22+$0x4060 ss:$0x1], $0xffff;
	v5 =	vadd.f32 @p0 v6, v5  }
0x263: {  	v63 =	vld.idx.msk [tilespmem:v2+s21+$0x4030 ss:$0x1], $0xffff;
	v3 =	vmul.f32 v4, v3  }
0x264: {  	v2 =	vld.idx.msk [tilespmem:v2+s22+$0x4070 ss:$0x1], $0xffff;
	v0 =	vpsel p0, v5, v0  }
0x265: {  	v0 =	vadd.f32 v3, v0;
	v3 =	vmul.f32 v60, v59;
	_ =	sdelay $0x1  }
0x266: {  	v0 =	vadd.f32 v3, v0;
	v3 =	vmul.f32 v62, v61;
	_ =	sdelay $0x1  }
0x267: {  	v2 =	vmul.f32 v2, v63;
	v0 =	vadd.f32 v3, v0;
	_ =	sdelay $0x1  }
0x268: {  	v0 =	vadd.f32 v2, v0  }
.LBB2_43:
0x269: {  	(v2sf) =	vpush v1, $0x3  }
0x26a: {  	(v2sf) =	vpush v1, $0x7;
	_ =	sdelay $0xd  }
0x26b: {  	s21 =	spop (v2sf)  }
0x26c: {  	s22 =	spop (v2sf)  }
0x26d: {  	p0 =	sle.s32 s22, s21  }
.Ltmp30:
0x26e: {  	_ = 	snop;
	(pc) =	sbr.rel @p0 .LBB2_49-.Ltmp30, $1  }
0x26f: {  	_ =	sdelay $0x3  }
0x270: {  	s23 =	sshll.u32 s21, $0x9  }
0x271: {  	s23 =	sshra.s32 s23, $0x2  }
0x272: {  	s29 =	ssub.s32 s22, s21;
	v1 =	vmov s23  }
0x273: {  	p1 =	sne.s32 s29, $0x1  }
.Ltmp31:
0x274: {  	_ = 	snop;
	(pc) =	sbr.rel @!p1 .LBB2_45-.Ltmp31, $4  }
0x275: {  	_ = 	snop  }
0x276: {  	s21 =	simm.s32 $0xE00  }
0x277: {  	s22 =	simm.s32 $0x8E00;
	v2 =	vld.idx.msk [tilespmem:v1+s21+$0x4040 ss:$0x1], $0xffff  }
0x278: {  	p0 =	por $0x0, $0x0;
	s23 =	sadd.s32 $0xFFFFFFFF, s29;
	v3 =	vld.idx.msk [tilespmem:v1+s22+$0x4040 ss:$0x1], $0xffff  }
0x279: {  	_ =	sdelay $0x3  }
0x27a: {  	v9 =	vld.idx.msk [tilespmem:v1+s21+$0x4050 ss:$0x1], $0xffff  }
0x27b: {  	v10 =	vld.idx.msk [tilespmem:v1+s22+$0x4050 ss:$0x1], $0xffff  }
0x27c: {  	v4 =	vld.idx.msk [tilespmem:v1+s21+$0x4060 ss:$0x1], $0xffff;
	p1 =	sne.s32 s23, $0x1  }
.Ltmp32:
0x27d: {  	v6 =	vld.idx.msk [tilespmem:v1+s22+$0x4060 ss:$0x1], $0xffff;
	(pc) =	sbr.rel @!p1 .LBB2_48-.Ltmp32, $4  }
0x27e: {  	v5 =	vld.idx.msk [tilespmem:v1+s21+$0x4070 ss:$0x1], $0xffff  }
0x27f: {  	v7 =	vld.idx.msk [tilespmem:v1+s22+$0x4070 ss:$0x1], $0xffff;
	s21 =	simm.s32 $0xE80;
	v8 =	vmul.f32 v3, v2  }
0x280: {  	s22 =	simm.s32 $0x8E80;
	v2 =	vld.idx.msk [tilespmem:v1+s21+$0x4040 ss:$0x1], $0xffff  }
0x281: {  	s23 =	sadd.s32 $0xFFFFFFFF, s23;
	p0 =	por $0x1, $0x1;
	v3 =	vld.idx.msk [tilespmem:v1+s22+$0x4040 ss:$0x1], $0xffff;
	v9 =	vmul.f32 v10, v9;
	v8 =	vadd.f32 v8, v0  }
.LBB2_47:
0x282: {  	p1 =	sne.s32 s23, $0x1;
	v10 =	vld.idx.msk [tilespmem:v1+s21+$0x4050 ss:$0x1], $0xffff  }
0x283: {  	v11 =	vld.idx.msk [tilespmem:v1+s22+$0x4050 ss:$0x1], $0xffff;
	v8 =	vadd.f32 v9, v8;
	v9 =	vmul.f32 v6, v4  }
0x284: {  	v4 =	vld.idx.msk [tilespmem:v1+s21+$0x4060 ss:$0x1], $0xffff  }
.Ltmp33:
0x285: {  	v6 =	vld.idx.msk [tilespmem:v1+s22+$0x4060 ss:$0x1], $0xffff;
	v8 =	vadd.f32 v9, v8;
	v9 =	vmul.f32 v7, v5;
	(pc) =	sbr.rel @p1 .LBB2_47-.Ltmp33, $4  }
0x286: {  	v5 =	vld.idx.msk [tilespmem:v1+s21+$0x4070 ss:$0x1], $0xffff  }
0x287: {  	v12 =	vmul.f32 v3, v2;
	s21 =	sadd.s32 $0x80, s21;
	v7 =	vld.idx.msk [tilespmem:v1+s22+$0x4070 ss:$0x1], $0xffff;
	v8 =	vadd.f32 v9, v8  }
0x288: {  	s22 =	sadd.s32 $0x80, s22;
	v2 =	vld.idx.msk [tilespmem:v1+s21+$0x4040 ss:$0x1], $0xffff  }
0x289: {  	s23 =	sadd.s32 $0xFFFFFFFF, s23;
	v9 =	vmul.f32 v11, v10;
	v3 =	vld.idx.msk [tilespmem:v1+s22+$0x4040 ss:$0x1], $0xffff;
	v8 =	vadd.f32 v12, v8  }
.LBB2_48:
0x28a: {  	_ =	sdelay $0x2  }
0x28b: {  	v4 =	vmul.f32 @p0 v6, v4;
	v8 =	vadd.f32 @p0 v9, v8  }
0x28c: {  	v59 =	vld.idx.msk [tilespmem:v1+s21+$0x4050 ss:$0x1], $0xffff  }
0x28d: {  	v60 =	vld.idx.msk [tilespmem:v1+s22+$0x4050 ss:$0x1], $0xffff;
	v5 =	vmul.f32 @p0 v7, v5;
	v4 =	vadd.f32 @p0 v4, v8  }
0x28e: {  	v61 =	vld.idx.msk [tilespmem:v1+s21+$0x4060 ss:$0x1], $0xffff  }
0x28f: {  	v62 =	vld.idx.msk [tilespmem:v1+s22+$0x4060 ss:$0x1], $0xffff;
	v4 =	vadd.f32 @p0 v5, v4  }
0x290: {  	v63 =	vld.idx.msk [tilespmem:v1+s21+$0x4070 ss:$0x1], $0xffff;
	v2 =	vmul.f32 v3, v2  }
0x291: {  	v1 =	vld.idx.msk [tilespmem:v1+s22+$0x4070 ss:$0x1], $0xffff;
	v0 =	vpsel p0, v4, v0  }
0x292: {  	v0 =	vadd.f32 v2, v0;
	v2 =	vmul.f32 v60, v59;
	_ =	sdelay $0x1  }
0x293: {  	v0 =	vadd.f32 v2, v0;
	v2 =	vmul.f32 v62, v61;
	_ =	sdelay $0x1  }
0x294: {  	v1 =	vmul.f32 v1, v63;
	v0 =	vadd.f32 v2, v0;
	_ =	sdelay $0x1  }
0x295: {  	v0 =	vadd.f32 v1, v0  }
.LBB2_49:
0x296: {  	s9 =	simm.s32 $0x980  }
0x297: {  	[tilespmem:s3], [sflag:$0x2] =	stream.indirect.gather [hbm4b:s5+s26], $0x80, s9, s26, $0xb8;
	[tilespmem:$0x11880] =	vst v63  }
0x298: {  	s29 =	simm.s32 $0xB80  }
0x299: {  	[tilespmem:s30], [sflag:$0x2] =	stream.indirect.gather [hbm4b:s6+s26], $0x80, s29, s26, $0xb8;
	[tilespmem:$0x11880] =	vst v63  }
0x29a: {  	_ =	swait.ge [sflag:s31], $0x4000  }
0x29b: {  	[sflag:s31] =	ssyncset.done $0x0  }
0x29c: {  	[sflag:s31] =	ssyncadd.s32 $0xFFFFC000  }
0x29d: {  	_ =	swait.ge [sflag:s31], $0x4000  }
0x29e: {  	[sflag:s31] =	ssyncset.done $0x0  }
0x29f: {  	[sflag:s31] =	ssyncadd.s32 $0xFFFFC000  }
0x2a0: {  	v1 =	vld [tilespmem:$0xD00];
	_ =	sdelay $0x4  }
0x2a1: {  	(v2sf) =	vpush v1, $0x0  }
0x2a2: {  	(v2sf) =	vpush v1, $0x4;
	_ =	sdelay $0xd  }
0x2a3: {  	s21 =	spop (v2sf)  }
0x2a4: {  	s22 =	spop (v2sf)  }
0x2a5: {  	p0 =	sle.s32 s22, s21  }
.Ltmp34:
0x2a6: {  	_ = 	snop;
	(pc) =	sbr.rel @p0 .LBB2_55-.Ltmp34, $1  }
0x2a7: {  	_ =	sdelay $0x3  }
0x2a8: {  	s24 =	ssub.s32 s22, s21  }
0x2a9: {  	p1 =	sne.s32 s24, $0x1  }
.Ltmp35:
0x2aa: {  	s23 =	sshll.u32 s21, $0x9;
	(pc) =	sbr.rel @!p1 .LBB2_51-.Ltmp35, $4  }
0x2ab: {  	s23 =	sshra.s32 s23, $0x2  }
0x2ac: {  	s21 =	sadd.s32 $0xE20, s23  }
0x2ad: {  	s22 =	sadd.s32 $0x8E20, s23;
	v2 =	vld [tilespmem:s21+$0xFFFFFFE0]  }
0x2ae: {  	p0 =	por $0x0, $0x0;
	s23 =	sadd.s32 $0xFFFFFFFF, s24;
	v3 =	vld [tilespmem:s22+$0xFFFFFFE0]  }
0x2af: {  	v9 =	vld [tilespmem:s21+$0xFFFFFFF0]  }
0x2b0: {  	v10 =	vld [tilespmem:s22+$0xFFFFFFF0]  }
0x2b1: {  	v4 =	vld [tilespmem:s21+$0x0];
	p1 =	sne.s32 s23, $0x1  }
.Ltmp36:
0x2b2: {  	v6 =	vld [tilespmem:s22+$0x0];
	(pc) =	sbr.rel @!p1 .LBB2_54-.Ltmp36, $4  }
0x2b3: {  	v5 =	vld [tilespmem:s21+$0x10];
	v3 =	vmul.f32 v3, v2  }
0x2b4: {  	v7 =	vld [tilespmem:s22+$0x10];
	s21 =	sadd.s32 $0x80, s21  }
0x2b5: {  	s22 =	sadd.s32 $0x80, s22;
	v2 =	vld [tilespmem:s21+$0xFFFFFFE0];
	v9 =	vmul.f32 v10, v9;
	v8 =	vadd.f32 v3, v0  }
0x2b6: {  	s23 =	sadd.s32 $0xFFFFFFFF, s23;
	p0 =	por $0x1, $0x1;
	v3 =	vld [tilespmem:s22+$0xFFFFFFE0]  }
.LBB2_53:
0x2b7: {  	p1 =	sne.s32 s23, $0x1;
	v10 =	vld [tilespmem:s21+$0xFFFFFFF0];
	v8 =	vadd.f32 v9, v8;
	v6 =	vmul.f32 v6, v4  }
0x2b8: {  	v9 =	vld [tilespmem:s22+$0xFFFFFFF0]  }
0x2b9: {  	v4 =	vld [tilespmem:s21+$0x0];
	v8 =	vadd.f32 v6, v8;
	v7 =	vmul.f32 v7, v5  }
.Ltmp37:
0x2ba: {  	v6 =	vld [tilespmem:s22+$0x0];
	(pc) =	sbr.rel @p1 .LBB2_53-.Ltmp37, $4  }
0x2bb: {  	v3 =	vmul.f32 v3, v2;
	v5 =	vld [tilespmem:s21+$0x10];
	v8 =	vadd.f32 v7, v8  }
0x2bc: {  	s21 =	sadd.s32 $0x80, s21;
	v7 =	vld [tilespmem:s22+$0x10]  }
0x2bd: {  	s22 =	sadd.s32 $0x80, s22;
	v2 =	vld [tilespmem:s21+$0xFFFFFFE0];
	v8 =	vadd.f32 v3, v8;
	v9 =	vmul.f32 v9, v10  }
0x2be: {  	s23 =	sadd.s32 $0xFFFFFFFF, s23;
	v3 =	vld [tilespmem:s22+$0xFFFFFFE0]  }
.LBB2_54:
0x2bf: {  	v8 =	vadd.f32 @p0 v9, v8;
	v4 =	vmul.f32 @p0 v6, v4  }
0x2c0: {  	v59 =	vld [tilespmem:s21+$0xFFFFFFF0]  }
0x2c1: {  	v60 =	vld [tilespmem:s22+$0xFFFFFFF0];
	v4 =	vadd.f32 @p0 v4, v8;
	v5 =	vmul.f32 @p0 v7, v5  }
0x2c2: {  	v61 =	vld [tilespmem:s21+$0x0]  }
0x2c3: {  	v62 =	vld [tilespmem:s22+$0x0];
	v4 =	vadd.f32 @p0 v5, v4  }
0x2c4: {  	v63 =	vld [tilespmem:s22+$0x10];
	v2 =	vmul.f32 v3, v2  }
0x2c5: {  	v3 =	vld [tilespmem:s21+$0x10];
	v0 =	vpsel p0, v4, v0  }
0x2c6: {  	v0 =	vadd.f32 v2, v0;
	v2 =	vmul.f32 v60, v59;
	_ =	sdelay $0x1  }
0x2c7: {  	v0 =	vadd.f32 v2, v0;
	v2 =	vmul.f32 v62, v61;
	_ =	sdelay $0x1  }
0x2c8: {  	v0 =	vadd.f32 v2, v0;
	v2 =	vmul.f32 v63, v3;
	_ =	sdelay $0x1  }
0x2c9: {  	v0 =	vadd.f32 v2, v0  }
.LBB2_55:
0x2ca: {  	(v2sf) =	vpush v1, $0x1  }
0x2cb: {  	(v2sf) =	vpush v1, $0x5;
	_ =	sdelay $0xd  }
0x2cc: {  	s21 =	spop (v2sf)  }
0x2cd: {  	s22 =	spop (v2sf)  }
0x2ce: {  	p0 =	sle.s32 s22, s21  }
.Ltmp38:
0x2cf: {  	_ = 	snop;
	(pc) =	sbr.rel @p0 .LBB2_61-.Ltmp38, $1  }
0x2d0: {  	_ =	sdelay $0x3  }
0x2d1: {  	s24 =	ssub.s32 s22, s21  }
0x2d2: {  	p1 =	sne.s32 s24, $0x1  }
.Ltmp39:
0x2d3: {  	s23 =	sshll.u32 s21, $0x9;
	(pc) =	sbr.rel @!p1 .LBB2_57-.Ltmp39, $4  }
0x2d4: {  	s23 =	sshra.s32 s23, $0x2  }
0x2d5: {  	s21 =	sadd.s32 $0xE70, s23  }
0x2d6: {  	s22 =	sadd.s32 $0x8E20, s23;
	v2 =	vld [tilespmem:s21+$0xFFFFFFD0]  }
0x2d7: {  	p0 =	por $0x0, $0x0;
	s23 =	sadd.s32 $0xFFFFFFFF, s24;
	v3 =	vld [tilespmem:s22+$0xFFFFFFE0]  }
0x2d8: {  	v9 =	vld [tilespmem:s21+$0xFFFFFFE0]  }
0x2d9: {  	v10 =	vld [tilespmem:s22+$0xFFFFFFF0]  }
0x2da: {  	v4 =	vld [tilespmem:s21+$0xFFFFFFF0];
	p1 =	sne.s32 s23, $0x1  }
.Ltmp40:
0x2db: {  	v6 =	vld [tilespmem:s22+$0x0];
	(pc) =	sbr.rel @!p1 .LBB2_60-.Ltmp40, $4  }
0x2dc: {  	v5 =	vld [tilespmem:s21+$0x0];
	v3 =	vmul.f32 v3, v2  }
0x2dd: {  	v7 =	vld [tilespmem:s22+$0x10];
	s21 =	sadd.s32 $0x80, s21  }
0x2de: {  	s22 =	sadd.s32 $0x80, s22;
	v2 =	vld [tilespmem:s21+$0xFFFFFFD0];
	v9 =	vmul.f32 v10, v9;
	v8 =	vadd.f32 v3, v0  }
0x2df: {  	s23 =	sadd.s32 $0xFFFFFFFF, s23;
	p0 =	por $0x1, $0x1;
	v3 =	vld [tilespmem:s22+$0xFFFFFFE0]  }
.LBB2_59:
0x2e0: {  	p1 =	sne.s32 s23, $0x1;
	v10 =	vld [tilespmem:s21+$0xFFFFFFE0];
	v8 =	vadd.f32 v9, v8;
	v6 =	vmul.f32 v6, v4  }
0x2e1: {  	v9 =	vld [tilespmem:s22+$0xFFFFFFF0]  }
0x2e2: {  	v4 =	vld [tilespmem:s21+$0xFFFFFFF0];
	v8 =	vadd.f32 v6, v8;
	v7 =	vmul.f32 v7, v5  }
.Ltmp41:
0x2e3: {  	v6 =	vld [tilespmem:s22+$0x0];
	(pc) =	sbr.rel @p1 .LBB2_59-.Ltmp41, $4  }
0x2e4: {  	v3 =	vmul.f32 v3, v2;
	v5 =	vld [tilespmem:s21+$0x0];
	v8 =	vadd.f32 v7, v8  }
0x2e5: {  	s21 =	sadd.s32 $0x80, s21;
	v7 =	vld [tilespmem:s22+$0x10]  }
0x2e6: {  	s22 =	sadd.s32 $0x80, s22;
	v2 =	vld [tilespmem:s21+$0xFFFFFFD0];
	v8 =	vadd.f32 v3, v8;
	v9 =	vmul.f32 v9, v10  }
0x2e7: {  	s23 =	sadd.s32 $0xFFFFFFFF, s23;
	v3 =	vld [tilespmem:s22+$0xFFFFFFE0]  }
.LBB2_60:
0x2e8: {  	v8 =	vadd.f32 @p0 v9, v8;
	v4 =	vmul.f32 @p0 v6, v4  }
0x2e9: {  	v59 =	vld [tilespmem:s21+$0xFFFFFFE0]  }
0x2ea: {  	v60 =	vld [tilespmem:s22+$0xFFFFFFF0];
	v4 =	vadd.f32 @p0 v4, v8;
	v5 =	vmul.f32 @p0 v7, v5  }
0x2eb: {  	v61 =	vld [tilespmem:s21+$0xFFFFFFF0]  }
0x2ec: {  	v62 =	vld [tilespmem:s22+$0x0];
	v4 =	vadd.f32 @p0 v5, v4  }
0x2ed: {  	v63 =	vld [tilespmem:s22+$0x10];
	v2 =	vmul.f32 v3, v2  }
0x2ee: {  	v3 =	vld [tilespmem:s21+$0x0];
	v0 =	vpsel p0, v4, v0  }
0x2ef: {  	v0 =	vadd.f32 v2, v0;
	v2 =	vmul.f32 v60, v59;
	_ =	sdelay $0x1  }
0x2f0: {  	v0 =	vadd.f32 v2, v0;
	v2 =	vmul.f32 v62, v61;
	_ =	sdelay $0x1  }
0x2f1: {  	v0 =	vadd.f32 v2, v0;
	v2 =	vmul.f32 v63, v3;
	_ =	sdelay $0x1  }
0x2f2: {  	v0 =	vadd.f32 v2, v0  }
.LBB2_61:
0x2f3: {  	(v2sf) =	vpush v1, $0x2  }
0x2f4: {  	(v2sf) =	vpush v1, $0x6;
	_ =	sdelay $0xd  }
0x2f5: {  	s21 =	spop (v2sf)  }
0x2f6: {  	s22 =	spop (v2sf)  }
0x2f7: {  	p0 =	sle.s32 s22, s21  }
.Ltmp42:
0x2f8: {  	_ = 	snop;
	(pc) =	sbr.rel @p0 .LBB2_67-.Ltmp42, $1  }
0x2f9: {  	_ =	sdelay $0x3  }
0x2fa: {  	s24 =	ssub.s32 s22, s21  }
0x2fb: {  	p1 =	sne.s32 s24, $0x1  }
.Ltmp43:
0x2fc: {  	s23 =	sshll.u32 s21, $0x9;
	(pc) =	sbr.rel @!p1 .LBB2_63-.Ltmp43, $4  }
0x2fd: {  	s23 =	sshra.s32 s23, $0x2  }
0x2fe: {  	s21 =	sadd.s32 $0xE20, s23  }
0x2ff: {  	s22 =	sadd.s32 $0x8E70, s23;
	v2 =	vld [tilespmem:s21+$0xFFFFFFE0]  }
0x300: {  	p0 =	por $0x0, $0x0;
	s23 =	sadd.s32 $0xFFFFFFFF, s24;
	v3 =	vld [tilespmem:s22+$0xFFFFFFD0]  }
0x301: {  	v9 =	vld [tilespmem:s21+$0xFFFFFFF0]  }
0x302: {  	v10 =	vld [tilespmem:s22+$0xFFFFFFE0]  }
0x303: {  	v4 =	vld [tilespmem:s21+$0x0];
	p1 =	sne.s32 s23, $0x1  }
.Ltmp44:
0x304: {  	v6 =	vld [tilespmem:s22+$0xFFFFFFF0];
	(pc) =	sbr.rel @!p1 .LBB2_66-.Ltmp44, $4  }
0x305: {  	v5 =	vld [tilespmem:s21+$0x10];
	v3 =	vmul.f32 v3, v2  }
0x306: {  	v7 =	vld [tilespmem:s22+$0x0];
	s21 =	sadd.s32 $0x80, s21  }
0x307: {  	s22 =	sadd.s32 $0x80, s22;
	v2 =	vld [tilespmem:s21+$0xFFFFFFE0];
	v9 =	vmul.f32 v10, v9;
	v8 =	vadd.f32 v3, v0  }
0x308: {  	s23 =	sadd.s32 $0xFFFFFFFF, s23;
	p0 =	por $0x1, $0x1;
	v3 =	vld [tilespmem:s22+$0xFFFFFFD0]  }
.LBB2_65:
0x309: {  	p1 =	sne.s32 s23, $0x1;
	v10 =	vld [tilespmem:s21+$0xFFFFFFF0];
	v8 =	vadd.f32 v9, v8;
	v6 =	vmul.f32 v6, v4  }
0x30a: {  	v9 =	vld [tilespmem:s22+$0xFFFFFFE0]  }
0x30b: {  	v4 =	vld [tilespmem:s21+$0x0];
	v8 =	vadd.f32 v6, v8;
	v7 =	vmul.f32 v7, v5  }
.Ltmp45:
0x30c: {  	v6 =	vld [tilespmem:s22+$0xFFFFFFF0];
	(pc) =	sbr.rel @p1 .LBB2_65-.Ltmp45, $4  }
0x30d: {  	v3 =	vmul.f32 v3, v2;
	v5 =	vld [tilespmem:s21+$0x10];
	v8 =	vadd.f32 v7, v8  }
0x30e: {  	s21 =	sadd.s32 $0x80, s21;
	v7 =	vld [tilespmem:s22+$0x0]  }
0x30f: {  	s22 =	sadd.s32 $0x80, s22;
	v2 =	vld [tilespmem:s21+$0xFFFFFFE0];
	v8 =	vadd.f32 v3, v8;
	v9 =	vmul.f32 v9, v10  }
0x310: {  	s23 =	sadd.s32 $0xFFFFFFFF, s23;
	v3 =	vld [tilespmem:s22+$0xFFFFFFD0]  }
.LBB2_66:
0x311: {  	v8 =	vadd.f32 @p0 v9, v8;
	v4 =	vmul.f32 @p0 v6, v4  }
0x312: {  	v59 =	vld [tilespmem:s21+$0xFFFFFFF0]  }
0x313: {  	v60 =	vld [tilespmem:s22+$0xFFFFFFE0];
	v4 =	vadd.f32 @p0 v4, v8;
	v5 =	vmul.f32 @p0 v7, v5  }
0x314: {  	v61 =	vld [tilespmem:s21+$0x0]  }
0x315: {  	v62 =	vld [tilespmem:s22+$0xFFFFFFF0];
	v4 =	vadd.f32 @p0 v5, v4  }
0x316: {  	v63 =	vld [tilespmem:s22+$0x0];
	v2 =	vmul.f32 v3, v2  }
0x317: {  	v3 =	vld [tilespmem:s21+$0x10];
	v0 =	vpsel p0, v4, v0  }
0x318: {  	v0 =	vadd.f32 v2, v0;
	v2 =	vmul.f32 v60, v59;
	_ =	sdelay $0x1  }
0x319: {  	v0 =	vadd.f32 v2, v0;
	v2 =	vmul.f32 v62, v61;
	_ =	sdelay $0x1  }
0x31a: {  	v0 =	vadd.f32 v2, v0;
	v2 =	vmul.f32 v63, v3;
	_ =	sdelay $0x1  }
0x31b: {  	v0 =	vadd.f32 v2, v0  }
.LBB2_67:
0x31c: {  	(v2sf) =	vpush v1, $0x3  }
0x31d: {  	(v2sf) =	vpush v1, $0x7;
	_ =	sdelay $0xd  }
0x31e: {  	s21 =	spop (v2sf)  }
0x31f: {  	s22 =	spop (v2sf)  }
0x320: {  	p0 =	sle.s32 s22, s21  }
.Ltmp46:
0x321: {  	_ = 	snop;
	(pc) =	sbr.rel @p0 .LBB2_73-.Ltmp46, $1  }
0x322: {  	_ =	sdelay $0x3  }
0x323: {  	s24 =	ssub.s32 s22, s21  }
0x324: {  	p1 =	sne.s32 s24, $0x1  }
.Ltmp47:
0x325: {  	s23 =	sshll.u32 s21, $0x9;
	(pc) =	sbr.rel @!p1 .LBB2_69-.Ltmp47, $4  }
0x326: {  	s23 =	sshra.s32 s23, $0x2  }
0x327: {  	s21 =	sadd.s32 $0xE70, s23  }
0x328: {  	s22 =	sadd.s32 $0x8E70, s23;
	v1 =	vld [tilespmem:s21+$0xFFFFFFD0]  }
0x329: {  	p0 =	por $0x0, $0x0;
	s23 =	sadd.s32 $0xFFFFFFFF, s24;
	v2 =	vld [tilespmem:s22+$0xFFFFFFD0]  }
0x32a: {  	v8 =	vld [tilespmem:s21+$0xFFFFFFE0]  }
0x32b: {  	v9 =	vld [tilespmem:s22+$0xFFFFFFE0]  }
0x32c: {  	v3 =	vld [tilespmem:s21+$0xFFFFFFF0];
	p1 =	sne.s32 s23, $0x1  }
.Ltmp48:
0x32d: {  	v5 =	vld [tilespmem:s22+$0xFFFFFFF0];
	(pc) =	sbr.rel @!p1 .LBB2_72-.Ltmp48, $4  }
0x32e: {  	v4 =	vld [tilespmem:s21+$0x0];
	v2 =	vmul.f32 v2, v1  }
0x32f: {  	v6 =	vld [tilespmem:s22+$0x0];
	s21 =	sadd.s32 $0x80, s21  }
0x330: {  	s22 =	sadd.s32 $0x80, s22;
	v1 =	vld [tilespmem:s21+$0xFFFFFFD0];
	v8 =	vmul.f32 v9, v8;
	v7 =	vadd.f32 v2, v0  }
0x331: {  	s23 =	sadd.s32 $0xFFFFFFFF, s23;
	p0 =	por $0x1, $0x1;
	v2 =	vld [tilespmem:s22+$0xFFFFFFD0]  }
.LBB2_71:
0x332: {  	p1 =	sne.s32 s23, $0x1;
	v9 =	vld [tilespmem:s21+$0xFFFFFFE0];
	v7 =	vadd.f32 v8, v7;
	v5 =	vmul.f32 v5, v3  }
0x333: {  	v8 =	vld [tilespmem:s22+$0xFFFFFFE0]  }
0x334: {  	v3 =	vld [tilespmem:s21+$0xFFFFFFF0];
	v7 =	vadd.f32 v5, v7;
	v6 =	vmul.f32 v6, v4  }
.Ltmp49:
0x335: {  	v5 =	vld [tilespmem:s22+$0xFFFFFFF0];
	(pc) =	sbr.rel @p1 .LBB2_71-.Ltmp49, $4  }
0x336: {  	v2 =	vmul.f32 v2, v1;
	v4 =	vld [tilespmem:s21+$0x0];
	v7 =	vadd.f32 v6, v7  }
0x337: {  	s21 =	sadd.s32 $0x80, s21;
	v6 =	vld [tilespmem:s22+$0x0]  }
0x338: {  	s22 =	sadd.s32 $0x80, s22;
	v1 =	vld [tilespmem:s21+$0xFFFFFFD0];
	v7 =	vadd.f32 v2, v7;
	v8 =	vmul.f32 v8, v9  }
0x339: {  	s23 =	sadd.s32 $0xFFFFFFFF, s23;
	v2 =	vld [tilespmem:s22+$0xFFFFFFD0]  }
.LBB2_72:
0x33a: {  	v7 =	vadd.f32 @p0 v8, v7;
	v3 =	vmul.f32 @p0 v5, v3  }
0x33b: {  	v59 =	vld [tilespmem:s21+$0xFFFFFFE0]  }
0x33c: {  	v60 =	vld [tilespmem:s22+$0xFFFFFFE0];
	v3 =	vadd.f32 @p0 v3, v7;
	v4 =	vmul.f32 @p0 v6, v4  }
0x33d: {  	v61 =	vld [tilespmem:s21+$0xFFFFFFF0]  }
0x33e: {  	v62 =	vld [tilespmem:s22+$0xFFFFFFF0];
	v3 =	vadd.f32 @p0 v4, v3  }
0x33f: {  	v63 =	vld [tilespmem:s22+$0x0];
	v1 =	vmul.f32 v2, v1  }
0x340: {  	v2 =	vld [tilespmem:s21+$0x0];
	v0 =	vpsel p0, v3, v0  }
0x341: {  	v0 =	vadd.f32 v1, v0;
	v1 =	vmul.f32 v60, v59;
	_ =	sdelay $0x1  }
0x342: {  	v0 =	vadd.f32 v1, v0;
	v1 =	vmul.f32 v62, v61;
	_ =	sdelay $0x1  }
0x343: {  	v0 =	vadd.f32 v1, v0;
	v1 =	vmul.f32 v63, v2;
	_ =	sdelay $0x1  }
0x344: {  	v0 =	vadd.f32 v1, v0  }
.LBB2_73:
0x345: {  	_ =	swait.ge [sflag:s0], $0x4000  }
0x346: {  	[sflag:s0] =	ssyncset.done $0x0  }
0x347: {  	[sflag:s0] =	ssyncadd.s32 $0xFFFFC000  }
0x348: {  	_ =	swait.ge [sflag:s0], $0x4000  }
0x349: {  	[sflag:s0] =	ssyncset.done $0x0  }
0x34a: {  	[sflag:s0] =	ssyncadd.s32 $0xFFFFC000  }
0x34b: {  	v1 =	vld [tilespmem:$0xD80];
	_ =	sdelay $0x4  }
0x34c: {  	(v2sf) =	vpush v1, $0x0  }
0x34d: {  	(v2sf) =	vpush v1, $0x4;
	_ =	sdelay $0xd  }
0x34e: {  	s21 =	spop (v2sf)  }
0x34f: {  	s22 =	spop (v2sf)  }
0x350: {  	p0 =	sle.s32 s22, s21  }
.Ltmp50:
0x351: {  	_ = 	snop;
	(pc) =	sbr.rel @p0 .LBB2_79-.Ltmp50, $1  }
0x352: {  	_ =	sdelay $0x3  }
0x353: {  	s23 =	sshll.u32 s21, $0x9  }
0x354: {  	s23 =	sshra.s32 s23, $0x2  }
0x355: {  	s29 =	ssub.s32 s22, s21;
	v2 =	vmov s23  }
0x356: {  	p1 =	sne.s32 s29, $0x1  }
.Ltmp51:
0x357: {  	_ = 	snop;
	(pc) =	sbr.rel @!p1 .LBB2_75-.Ltmp51, $4  }
0x358: {  	_ = 	snop  }
0x359: {  	s21 =	simm.s32 $0xE00  }
0x35a: {  	s22 =	simm.s32 $0x8E00;
	v3 =	vld.idx.msk [tilespmem:v2+s21+$0x4000 ss:$0x1], $0xffff  }
0x35b: {  	p0 =	por $0x0, $0x0;
	s23 =	sadd.s32 $0xFFFFFFFF, s29;
	v4 =	vld.idx.msk [tilespmem:v2+s22+$0x4000 ss:$0x1], $0xffff  }
0x35c: {  	_ =	sdelay $0x3  }
0x35d: {  	v10 =	vld.idx.msk [tilespmem:v2+s21+$0x4010 ss:$0x1], $0xffff  }
0x35e: {  	v11 =	vld.idx.msk [tilespmem:v2+s22+$0x4010 ss:$0x1], $0xffff  }
0x35f: {  	v5 =	vld.idx.msk [tilespmem:v2+s21+$0x4020 ss:$0x1], $0xffff;
	p1 =	sne.s32 s23, $0x1  }
.Ltmp52:
0x360: {  	v7 =	vld.idx.msk [tilespmem:v2+s22+$0x4020 ss:$0x1], $0xffff;
	(pc) =	sbr.rel @!p1 .LBB2_78-.Ltmp52, $4  }
0x361: {  	v6 =	vld.idx.msk [tilespmem:v2+s21+$0x4030 ss:$0x1], $0xffff  }
0x362: {  	v8 =	vld.idx.msk [tilespmem:v2+s22+$0x4030 ss:$0x1], $0xffff;
	s21 =	simm.s32 $0xE80;
	v9 =	vmul.f32 v4, v3  }
0x363: {  	s22 =	simm.s32 $0x8E80;
	v3 =	vld.idx.msk [tilespmem:v2+s21+$0x4000 ss:$0x1], $0xffff  }
0x364: {  	s23 =	sadd.s32 $0xFFFFFFFF, s23;
	p0 =	por $0x1, $0x1;
	v4 =	vld.idx.msk [tilespmem:v2+s22+$0x4000 ss:$0x1], $0xffff;
	v10 =	vmul.f32 v11, v10;
	v9 =	vadd.f32 v9, v0  }
.LBB2_77:
0x365: {  	p1 =	sne.s32 s23, $0x1;
	v11 =	vld.idx.msk [tilespmem:v2+s21+$0x4010 ss:$0x1], $0xffff  }
0x366: {  	v12 =	vld.idx.msk [tilespmem:v2+s22+$0x4010 ss:$0x1], $0xffff;
	v9 =	vadd.f32 v10, v9;
	v10 =	vmul.f32 v7, v5  }
0x367: {  	v5 =	vld.idx.msk [tilespmem:v2+s21+$0x4020 ss:$0x1], $0xffff  }
.Ltmp53:
0x368: {  	v7 =	vld.idx.msk [tilespmem:v2+s22+$0x4020 ss:$0x1], $0xffff;
	v9 =	vadd.f32 v10, v9;
	v10 =	vmul.f32 v8, v6;
	(pc) =	sbr.rel @p1 .LBB2_77-.Ltmp53, $4  }
0x369: {  	v6 =	vld.idx.msk [tilespmem:v2+s21+$0x4030 ss:$0x1], $0xffff  }
0x36a: {  	v13 =	vmul.f32 v4, v3;
	s21 =	sadd.s32 $0x80, s21;
	v8 =	vld.idx.msk [tilespmem:v2+s22+$0x4030 ss:$0x1], $0xffff;
	v9 =	vadd.f32 v10, v9  }
0x36b: {  	s22 =	sadd.s32 $0x80, s22;
	v3 =	vld.idx.msk [tilespmem:v2+s21+$0x4000 ss:$0x1], $0xffff  }
0x36c: {  	s23 =	sadd.s32 $0xFFFFFFFF, s23;
	v10 =	vmul.f32 v12, v11;
	v4 =	vld.idx.msk [tilespmem:v2+s22+$0x4000 ss:$0x1], $0xffff;
	v9 =	vadd.f32 v13, v9  }
.LBB2_78:
0x36d: {  	_ =	sdelay $0x2  }
0x36e: {  	v5 =	vmul.f32 @p0 v7, v5;
	v9 =	vadd.f32 @p0 v10, v9  }
0x36f: {  	v59 =	vld.idx.msk [tilespmem:v2+s21+$0x4010 ss:$0x1], $0xffff  }
0x370: {  	v60 =	vld.idx.msk [tilespmem:v2+s22+$0x4010 ss:$0x1], $0xffff;
	v6 =	vmul.f32 @p0 v8, v6;
	v5 =	vadd.f32 @p0 v5, v9  }
0x371: {  	v61 =	vld.idx.msk [tilespmem:v2+s21+$0x4020 ss:$0x1], $0xffff  }
0x372: {  	v62 =	vld.idx.msk [tilespmem:v2+s22+$0x4020 ss:$0x1], $0xffff;
	v5 =	vadd.f32 @p0 v6, v5  }
0x373: {  	v63 =	vld.idx.msk [tilespmem:v2+s21+$0x4030 ss:$0x1], $0xffff;
	v3 =	vmul.f32 v4, v3  }
0x374: {  	v2 =	vld.idx.msk [tilespmem:v2+s22+$0x4030 ss:$0x1], $0xffff;
	v0 =	vpsel p0, v5, v0  }
0x375: {  	v0 =	vadd.f32 v3, v0;
	v3 =	vmul.f32 v60, v59;
	_ =	sdelay $0x1  }
0x376: {  	v0 =	vadd.f32 v3, v0;
	v3 =	vmul.f32 v62, v61;
	_ =	sdelay $0x1  }
0x377: {  	v2 =	vmul.f32 v2, v63;
	v0 =	vadd.f32 v3, v0;
	_ =	sdelay $0x1  }
0x378: {  	v0 =	vadd.f32 v2, v0  }
.LBB2_79:
0x379: {  	(v2sf) =	vpush v1, $0x1  }
0x37a: {  	(v2sf) =	vpush v1, $0x5;
	_ =	sdelay $0xd  }
0x37b: {  	s21 =	spop (v2sf)  }
0x37c: {  	s22 =	spop (v2sf)  }
0x37d: {  	p0 =	sle.s32 s22, s21  }
.Ltmp54:
0x37e: {  	_ = 	snop;
	(pc) =	sbr.rel @p0 .LBB2_85-.Ltmp54, $1  }
0x37f: {  	_ =	sdelay $0x3  }
0x380: {  	s23 =	sshll.u32 s21, $0x9  }
0x381: {  	s23 =	sshra.s32 s23, $0x2  }
0x382: {  	s29 =	ssub.s32 s22, s21;
	v2 =	vmov s23  }
0x383: {  	p1 =	sne.s32 s29, $0x1  }
.Ltmp55:
0x384: {  	_ = 	snop;
	(pc) =	sbr.rel @!p1 .LBB2_81-.Ltmp55, $4  }
0x385: {  	_ = 	snop  }
0x386: {  	s21 =	simm.s32 $0xE00  }
0x387: {  	s22 =	simm.s32 $0x8E00;
	v3 =	vld.idx.msk [tilespmem:v2+s21+$0x4040 ss:$0x1], $0xffff  }
0x388: {  	p0 =	por $0x0, $0x0;
	s23 =	sadd.s32 $0xFFFFFFFF, s29;
	v4 =	vld.idx.msk [tilespmem:v2+s22+$0x4000 ss:$0x1], $0xffff  }
0x389: {  	_ =	sdelay $0x3  }
0x38a: {  	v10 =	vld.idx.msk [tilespmem:v2+s21+$0x4050 ss:$0x1], $0xffff  }
0x38b: {  	v11 =	vld.idx.msk [tilespmem:v2+s22+$0x4010 ss:$0x1], $0xffff  }
0x38c: {  	v5 =	vld.idx.msk [tilespmem:v2+s21+$0x4060 ss:$0x1], $0xffff;
	p1 =	sne.s32 s23, $0x1  }
.Ltmp56:
0x38d: {  	v7 =	vld.idx.msk [tilespmem:v2+s22+$0x4020 ss:$0x1], $0xffff;
	(pc) =	sbr.rel @!p1 .LBB2_84-.Ltmp56, $4  }
0x38e: {  	v6 =	vld.idx.msk [tilespmem:v2+s21+$0x4070 ss:$0x1], $0xffff  }
0x38f: {  	v8 =	vld.idx.msk [tilespmem:v2+s22+$0x4030 ss:$0x1], $0xffff;
	s21 =	simm.s32 $0xE80;
	v9 =	vmul.f32 v4, v3  }
0x390: {  	s22 =	simm.s32 $0x8E80;
	v3 =	vld.idx.msk [tilespmem:v2+s21+$0x4040 ss:$0x1], $0xffff  }
0x391: {  	s23 =	sadd.s32 $0xFFFFFFFF, s23;
	p0 =	por $0x1, $0x1;
	v4 =	vld.idx.msk [tilespmem:v2+s22+$0x4000 ss:$0x1], $0xffff;
	v10 =	vmul.f32 v11, v10;
	v9 =	vadd.f32 v9, v0  }
.LBB2_83:
0x392: {  	p1 =	sne.s32 s23, $0x1;
	v11 =	vld.idx.msk [tilespmem:v2+s21+$0x4050 ss:$0x1], $0xffff  }
0x393: {  	v12 =	vld.idx.msk [tilespmem:v2+s22+$0x4010 ss:$0x1], $0xffff;
	v9 =	vadd.f32 v10, v9;
	v10 =	vmul.f32 v7, v5  }
0x394: {  	v5 =	vld.idx.msk [tilespmem:v2+s21+$0x4060 ss:$0x1], $0xffff  }
.Ltmp57:
0x395: {  	v7 =	vld.idx.msk [tilespmem:v2+s22+$0x4020 ss:$0x1], $0xffff;
	v9 =	vadd.f32 v10, v9;
	v10 =	vmul.f32 v8, v6;
	(pc) =	sbr.rel @p1 .LBB2_83-.Ltmp57, $4  }
0x396: {  	v6 =	vld.idx.msk [tilespmem:v2+s21+$0x4070 ss:$0x1], $0xffff  }
0x397: {  	v13 =	vmul.f32 v4, v3;
	s21 =	sadd.s32 $0x80, s21;
	v8 =	vld.idx.msk [tilespmem:v2+s22+$0x4030 ss:$0x1], $0xffff;
	v9 =	vadd.f32 v10, v9  }
0x398: {  	s22 =	sadd.s32 $0x80, s22;
	v3 =	vld.idx.msk [tilespmem:v2+s21+$0x4040 ss:$0x1], $0xffff  }
0x399: {  	s23 =	sadd.s32 $0xFFFFFFFF, s23;
	v10 =	vmul.f32 v12, v11;
	v4 =	vld.idx.msk [tilespmem:v2+s22+$0x4000 ss:$0x1], $0xffff;
	v9 =	vadd.f32 v13, v9  }
.LBB2_84:
0x39a: {  	_ =	sdelay $0x2  }
0x39b: {  	v5 =	vmul.f32 @p0 v7, v5;
	v9 =	vadd.f32 @p0 v10, v9  }
0x39c: {  	v59 =	vld.idx.msk [tilespmem:v2+s21+$0x4050 ss:$0x1], $0xffff  }
0x39d: {  	v60 =	vld.idx.msk [tilespmem:v2+s22+$0x4010 ss:$0x1], $0xffff;
	v6 =	vmul.f32 @p0 v8, v6;
	v5 =	vadd.f32 @p0 v5, v9  }
0x39e: {  	v61 =	vld.idx.msk [tilespmem:v2+s21+$0x4060 ss:$0x1], $0xffff  }
0x39f: {  	v62 =	vld.idx.msk [tilespmem:v2+s22+$0x4020 ss:$0x1], $0xffff;
	v5 =	vadd.f32 @p0 v6, v5  }
0x3a0: {  	v63 =	vld.idx.msk [tilespmem:v2+s21+$0x4070 ss:$0x1], $0xffff;
	v3 =	vmul.f32 v4, v3  }
0x3a1: {  	v2 =	vld.idx.msk [tilespmem:v2+s22+$0x4030 ss:$0x1], $0xffff;
	v0 =	vpsel p0, v5, v0  }
0x3a2: {  	v0 =	vadd.f32 v3, v0;
	v3 =	vmul.f32 v60, v59;
	_ =	sdelay $0x1  }
0x3a3: {  	v0 =	vadd.f32 v3, v0;
	v3 =	vmul.f32 v62, v61;
	_ =	sdelay $0x1  }
0x3a4: {  	v2 =	vmul.f32 v2, v63;
	v0 =	vadd.f32 v3, v0;
	_ =	sdelay $0x1  }
0x3a5: {  	v0 =	vadd.f32 v2, v0  }
.LBB2_85:
0x3a6: {  	(v2sf) =	vpush v1, $0x2  }
0x3a7: {  	(v2sf) =	vpush v1, $0x6;
	_ =	sdelay $0xd  }
0x3a8: {  	s21 =	spop (v2sf)  }
0x3a9: {  	s22 =	spop (v2sf)  }
0x3aa: {  	p0 =	sle.s32 s22, s21  }
.Ltmp58:
0x3ab: {  	_ = 	snop;
	(pc) =	sbr.rel @p0 .LBB2_91-.Ltmp58, $1  }
0x3ac: {  	_ =	sdelay $0x3  }
0x3ad: {  	s23 =	sshll.u32 s21, $0x9  }
0x3ae: {  	s23 =	sshra.s32 s23, $0x2  }
0x3af: {  	s29 =	ssub.s32 s22, s21;
	v2 =	vmov s23  }
0x3b0: {  	p1 =	sne.s32 s29, $0x1  }
.Ltmp59:
0x3b1: {  	_ = 	snop;
	(pc) =	sbr.rel @!p1 .LBB2_87-.Ltmp59, $4  }
0x3b2: {  	_ = 	snop  }
0x3b3: {  	s21 =	simm.s32 $0xE00  }
0x3b4: {  	s22 =	simm.s32 $0x8E00;
	v3 =	vld.idx.msk [tilespmem:v2+s21+$0x4000 ss:$0x1], $0xffff  }
0x3b5: {  	p0 =	por $0x0, $0x0;
	s23 =	sadd.s32 $0xFFFFFFFF, s29;
	v4 =	vld.idx.msk [tilespmem:v2+s22+$0x4040 ss:$0x1], $0xffff  }
0x3b6: {  	_ =	sdelay $0x3  }
0x3b7: {  	v10 =	vld.idx.msk [tilespmem:v2+s21+$0x4010 ss:$0x1], $0xffff  }
0x3b8: {  	v11 =	vld.idx.msk [tilespmem:v2+s22+$0x4050 ss:$0x1], $0xffff  }
0x3b9: {  	v5 =	vld.idx.msk [tilespmem:v2+s21+$0x4020 ss:$0x1], $0xffff;
	p1 =	sne.s32 s23, $0x1  }
.Ltmp60:
0x3ba: {  	v7 =	vld.idx.msk [tilespmem:v2+s22+$0x4060 ss:$0x1], $0xffff;
	(pc) =	sbr.rel @!p1 .LBB2_90-.Ltmp60, $4  }
0x3bb: {  	v6 =	vld.idx.msk [tilespmem:v2+s21+$0x4030 ss:$0x1], $0xffff  }
0x3bc: {  	v8 =	vld.idx.msk [tilespmem:v2+s22+$0x4070 ss:$0x1], $0xffff;
	s21 =	simm.s32 $0xE80;
	v9 =	vmul.f32 v4, v3  }
0x3bd: {  	s22 =	simm.s32 $0x8E80;
	v3 =	vld.idx.msk [tilespmem:v2+s21+$0x4000 ss:$0x1], $0xffff  }
0x3be: {  	s23 =	sadd.s32 $0xFFFFFFFF, s23;
	p0 =	por $0x1, $0x1;
	v4 =	vld.idx.msk [tilespmem:v2+s22+$0x4040 ss:$0x1], $0xffff;
	v10 =	vmul.f32 v11, v10;
	v9 =	vadd.f32 v9, v0  }
.LBB2_89:
0x3bf: {  	p1 =	sne.s32 s23, $0x1;
	v11 =	vld.idx.msk [tilespmem:v2+s21+$0x4010 ss:$0x1], $0xffff  }
0x3c0: {  	v12 =	vld.idx.msk [tilespmem:v2+s22+$0x4050 ss:$0x1], $0xffff;
	v9 =	vadd.f32 v10, v9;
	v10 =	vmul.f32 v7, v5  }
0x3c1: {  	v5 =	vld.idx.msk [tilespmem:v2+s21+$0x4020 ss:$0x1], $0xffff  }
.Ltmp61:
0x3c2: {  	v7 =	vld.idx.msk [tilespmem:v2+s22+$0x4060 ss:$0x1], $0xffff;
	v9 =	vadd.f32 v10, v9;
	v10 =	vmul.f32 v8, v6;
	(pc) =	sbr.rel @p1 .LBB2_89-.Ltmp61, $4  }
0x3c3: {  	v6 =	vld.idx.msk [tilespmem:v2+s21+$0x4030 ss:$0x1], $0xffff  }
0x3c4: {  	v13 =	vmul.f32 v4, v3;
	s21 =	sadd.s32 $0x80, s21;
	v8 =	vld.idx.msk [tilespmem:v2+s22+$0x4070 ss:$0x1], $0xffff;
	v9 =	vadd.f32 v10, v9  }
0x3c5: {  	s22 =	sadd.s32 $0x80, s22;
	v3 =	vld.idx.msk [tilespmem:v2+s21+$0x4000 ss:$0x1], $0xffff  }
0x3c6: {  	s23 =	sadd.s32 $0xFFFFFFFF, s23;
	v10 =	vmul.f32 v12, v11;
	v4 =	vld.idx.msk [tilespmem:v2+s22+$0x4040 ss:$0x1], $0xffff;
	v9 =	vadd.f32 v13, v9  }
.LBB2_90:
0x3c7: {  	_ =	sdelay $0x2  }
0x3c8: {  	v5 =	vmul.f32 @p0 v7, v5;
	v9 =	vadd.f32 @p0 v10, v9  }
0x3c9: {  	v59 =	vld.idx.msk [tilespmem:v2+s21+$0x4010 ss:$0x1], $0xffff  }
0x3ca: {  	v60 =	vld.idx.msk [tilespmem:v2+s22+$0x4050 ss:$0x1], $0xffff;
	v6 =	vmul.f32 @p0 v8, v6;
	v5 =	vadd.f32 @p0 v5, v9  }
0x3cb: {  	v61 =	vld.idx.msk [tilespmem:v2+s21+$0x4020 ss:$0x1], $0xffff  }
0x3cc: {  	v62 =	vld.idx.msk [tilespmem:v2+s22+$0x4060 ss:$0x1], $0xffff;
	v5 =	vadd.f32 @p0 v6, v5  }
0x3cd: {  	v63 =	vld.idx.msk [tilespmem:v2+s21+$0x4030 ss:$0x1], $0xffff;
	v3 =	vmul.f32 v4, v3  }
0x3ce: {  	v2 =	vld.idx.msk [tilespmem:v2+s22+$0x4070 ss:$0x1], $0xffff;
	v0 =	vpsel p0, v5, v0  }
0x3cf: {  	v0 =	vadd.f32 v3, v0;
	v3 =	vmul.f32 v60, v59;
	_ =	sdelay $0x1  }
0x3d0: {  	v0 =	vadd.f32 v3, v0;
	v3 =	vmul.f32 v62, v61;
	_ =	sdelay $0x1  }
0x3d1: {  	v2 =	vmul.f32 v2, v63;
	v0 =	vadd.f32 v3, v0;
	_ =	sdelay $0x1  }
0x3d2: {  	v0 =	vadd.f32 v2, v0  }
.LBB2_91:
0x3d3: {  	(v2sf) =	vpush v1, $0x3  }
0x3d4: {  	(v2sf) =	vpush v1, $0x7;
	_ =	sdelay $0xd  }
0x3d5: {  	s21 =	spop (v2sf)  }
0x3d6: {  	s22 =	spop (v2sf)  }
0x3d7: {  	p0 =	sle.s32 s22, s21  }
.Ltmp62:
0x3d8: {  	_ = 	snop;
	(pc) =	sbr.rel @p0 .LBB2_92-.Ltmp62, $1  }
0x3d9: {  	_ =	sdelay $0x3  }
0x3da: {  	s23 =	sshll.u32 s21, $0x9  }
0x3db: {  	s23 =	sshra.s32 s23, $0x2  }
0x3dc: {  	s29 =	ssub.s32 s22, s21;
	v1 =	vmov s23  }
0x3dd: {  	p1 =	sne.s32 s29, $0x1  }
.Ltmp63:
0x3de: {  	_ = 	snop;
	(pc) =	sbr.rel @!p1 .LBB2_94-.Ltmp63, $4  }
0x3df: {  	_ = 	snop  }
0x3e0: {  	s21 =	simm.s32 $0xE00  }
0x3e1: {  	s22 =	simm.s32 $0x8E00;
	v2 =	vld.idx.msk [tilespmem:v1+s21+$0x4040 ss:$0x1], $0xffff  }
0x3e2: {  	p0 =	por $0x0, $0x0;
	s23 =	sadd.s32 $0xFFFFFFFF, s29;
	v3 =	vld.idx.msk [tilespmem:v1+s22+$0x4040 ss:$0x1], $0xffff  }
0x3e3: {  	_ =	sdelay $0x3  }
0x3e4: {  	v9 =	vld.idx.msk [tilespmem:v1+s21+$0x4050 ss:$0x1], $0xffff  }
0x3e5: {  	v10 =	vld.idx.msk [tilespmem:v1+s22+$0x4050 ss:$0x1], $0xffff  }
0x3e6: {  	v4 =	vld.idx.msk [tilespmem:v1+s21+$0x4060 ss:$0x1], $0xffff;
	p1 =	sne.s32 s23, $0x1  }
.Ltmp64:
0x3e7: {  	v6 =	vld.idx.msk [tilespmem:v1+s22+$0x4060 ss:$0x1], $0xffff;
	(pc) =	sbr.rel @!p1 .LBB2_97-.Ltmp64, $4  }
0x3e8: {  	v5 =	vld.idx.msk [tilespmem:v1+s21+$0x4070 ss:$0x1], $0xffff  }
0x3e9: {  	v7 =	vld.idx.msk [tilespmem:v1+s22+$0x4070 ss:$0x1], $0xffff;
	s21 =	simm.s32 $0xE80;
	v8 =	vmul.f32 v3, v2  }
0x3ea: {  	s22 =	simm.s32 $0x8E80;
	v2 =	vld.idx.msk [tilespmem:v1+s21+$0x4040 ss:$0x1], $0xffff  }
0x3eb: {  	s23 =	sadd.s32 $0xFFFFFFFF, s23;
	p0 =	por $0x1, $0x1;
	v3 =	vld.idx.msk [tilespmem:v1+s22+$0x4040 ss:$0x1], $0xffff;
	v9 =	vmul.f32 v10, v9;
	v8 =	vadd.f32 v8, v0  }
.LBB2_96:
0x3ec: {  	p1 =	sne.s32 s23, $0x1;
	v10 =	vld.idx.msk [tilespmem:v1+s21+$0x4050 ss:$0x1], $0xffff  }
0x3ed: {  	v11 =	vld.idx.msk [tilespmem:v1+s22+$0x4050 ss:$0x1], $0xffff;
	v8 =	vadd.f32 v9, v8;
	v9 =	vmul.f32 v6, v4  }
0x3ee: {  	v4 =	vld.idx.msk [tilespmem:v1+s21+$0x4060 ss:$0x1], $0xffff  }
.Ltmp65:
0x3ef: {  	v6 =	vld.idx.msk [tilespmem:v1+s22+$0x4060 ss:$0x1], $0xffff;
	v8 =	vadd.f32 v9, v8;
	v9 =	vmul.f32 v7, v5;
	(pc) =	sbr.rel @p1 .LBB2_96-.Ltmp65, $4  }
0x3f0: {  	v5 =	vld.idx.msk [tilespmem:v1+s21+$0x4070 ss:$0x1], $0xffff  }
0x3f1: {  	v12 =	vmul.f32 v3, v2;
	s21 =	sadd.s32 $0x80, s21;
	v7 =	vld.idx.msk [tilespmem:v1+s22+$0x4070 ss:$0x1], $0xffff;
	v8 =	vadd.f32 v9, v8  }
0x3f2: {  	s22 =	sadd.s32 $0x80, s22;
	v2 =	vld.idx.msk [tilespmem:v1+s21+$0x4040 ss:$0x1], $0xffff  }
0x3f3: {  	s23 =	sadd.s32 $0xFFFFFFFF, s23;
	v9 =	vmul.f32 v11, v10;
	v3 =	vld.idx.msk [tilespmem:v1+s22+$0x4040 ss:$0x1], $0xffff;
	v8 =	vadd.f32 v12, v8  }
.LBB2_97:
0x3f4: {  	_ =	sdelay $0x2  }
0x3f5: {  	v4 =	vmul.f32 @p0 v6, v4;
	v8 =	vadd.f32 @p0 v9, v8  }
0x3f6: {  	v56 =	vld.idx.msk [tilespmem:v1+s21+$0x4050 ss:$0x1], $0xffff  }
0x3f7: {  	v57 =	vld.idx.msk [tilespmem:v1+s22+$0x4050 ss:$0x1], $0xffff;
	v5 =	vmul.f32 @p0 v7, v5;
	v4 =	vadd.f32 @p0 v4, v8  }
0x3f8: {  	v58 =	vld.idx.msk [tilespmem:v1+s21+$0x4060 ss:$0x1], $0xffff  }
0x3f9: {  	v59 =	vld.idx.msk [tilespmem:v1+s22+$0x4060 ss:$0x1], $0xffff;
	v4 =	vadd.f32 @p0 v5, v4  }
0x3fa: {  	v60 =	vld.idx.msk [tilespmem:v1+s21+$0x4070 ss:$0x1], $0xffff;
	v2 =	vmul.f32 v3, v2  }
0x3fb: {  	v61 =	vld.idx.msk [tilespmem:v1+s22+$0x4070 ss:$0x1], $0xffff;
	v0 =	vpsel p0, v4, v0  }
0x3fc: {  	v62 =	vmul.f32 v57, v56;
	v0 =	vadd.f32 v2, v0;
	_ =	sdelay $0x1  }
0x3fd: {  	v63 =	vmul.f32 v59, v58;
	v0 =	vadd.f32 v62, v0;
	_ =	sdelay $0x1  }
.Ltmp66:
0x3fe: {  	v1 =	vmul.f32 v61, v60;
	v0 =	vadd.f32 v63, v0;
	(pc) =	sbr.rel .LBB2_98-.Ltmp66, $3  }
0x3ff: {  	_ = 	snop  }
0x400: {  	v0 =	vadd.f32 v1, v0;
	_ =	sdelay $0x1  }
0x401: {  	[tilespmem:$0x1FFF0] =	vst v0  }
.LBB2_3:
.Ltmp67:
0x402: {  	(pc) =	sbr.rel .LBB2_6-.Ltmp67, $2  }
0x403: {  	_ =	sdelay $0x2  }
0x404: {  	_ = 	snop  }
.LBB2_9:
.Ltmp68:
0x405: {  	(pc) =	sbr.rel .LBB2_12-.Ltmp68, $2  }
0x406: {  	_ =	sdelay $0x2  }
0x407: {  	_ = 	snop  }
.LBB2_15:
.Ltmp69:
0x408: {  	(pc) =	sbr.rel .LBB2_18-.Ltmp69, $2  }
0x409: {  	_ =	sdelay $0x2  }
0x40a: {  	_ = 	snop  }
.LBB2_21:
.Ltmp70:
0x40b: {  	(pc) =	sbr.rel .LBB2_24-.Ltmp70, $2  }
0x40c: {  	_ =	sdelay $0x2  }
0x40d: {  	_ = 	snop  }
.LBB2_27:
.Ltmp71:
0x40e: {  	(pc) =	sbr.rel .LBB2_30-.Ltmp71, $2  }
0x40f: {  	_ =	sdelay $0x2  }
0x410: {  	_ = 	snop  }
.LBB2_33:
.Ltmp72:
0x411: {  	(pc) =	sbr.rel .LBB2_36-.Ltmp72, $2  }
0x412: {  	_ =	sdelay $0x2  }
0x413: {  	_ = 	snop  }
.LBB2_39:
.Ltmp73:
0x414: {  	(pc) =	sbr.rel .LBB2_42-.Ltmp73, $2  }
0x415: {  	_ =	sdelay $0x2  }
0x416: {  	_ = 	snop  }
.LBB2_45:
.Ltmp74:
0x417: {  	(pc) =	sbr.rel .LBB2_48-.Ltmp74, $2  }
0x418: {  	_ =	sdelay $0x2  }
0x419: {  	_ = 	snop  }
.LBB2_51:
.Ltmp75:
0x41a: {  	(pc) =	sbr.rel .LBB2_54-.Ltmp75, $2  }
0x41b: {  	_ =	sdelay $0x2  }
0x41c: {  	_ = 	snop  }
.LBB2_57:
.Ltmp76:
0x41d: {  	(pc) =	sbr.rel .LBB2_60-.Ltmp76, $2  }
0x41e: {  	_ =	sdelay $0x2  }
0x41f: {  	_ = 	snop  }
.LBB2_63:
.Ltmp77:
0x420: {  	(pc) =	sbr.rel .LBB2_66-.Ltmp77, $2  }
0x421: {  	_ =	sdelay $0x2  }
0x422: {  	_ = 	snop  }
.LBB2_69:
.Ltmp78:
0x423: {  	(pc) =	sbr.rel .LBB2_72-.Ltmp78, $2  }
0x424: {  	_ =	sdelay $0x2  }
0x425: {  	_ = 	snop  }
.LBB2_75:
.Ltmp79:
0x426: {  	(pc) =	sbr.rel .LBB2_78-.Ltmp79, $2  }
0x427: {  	_ =	sdelay $0x2  }
0x428: {  	_ = 	snop  }
.LBB2_81:
.Ltmp80:
0x429: {  	(pc) =	sbr.rel .LBB2_84-.Ltmp80, $2  }
0x42a: {  	_ =	sdelay $0x2  }
0x42b: {  	_ = 	snop  }
.LBB2_87:
.Ltmp81:
0x42c: {  	(pc) =	sbr.rel .LBB2_90-.Ltmp81, $2  }
0x42d: {  	_ =	sdelay $0x2  }
0x42e: {  	_ = 	snop  }
.LBB2_94:
.Ltmp82:
0x42f: {  	(pc) =	sbr.rel .LBB2_97-.Ltmp82, $2  }
0x430: {  	_ =	sdelay $0x2  }
0x431: {  	_ = 	snop  }
.LBB2_99:
0x432: {  	_ =	sfence.sel $0x180000  }
0x433: {  	[bflag:$0x0] =	sbarrier.arrive $0xFFFF  }
0x434: {  	_ =	strace $0x9000004D  }
0x435: {  	s0 =	stileid.u32;
	[bflag:$0x2] =	sbarrier.arrive $0xFFFF  }
0x436: {  	p0 =	sne.s32 s0, $0x0;
	s0 =	rddreg [dreg:$0x4]  }
0x437: {  	s0 =	sadd.s32 @!p0 $0x100000, s0  }
0x438: {  	[sflag:s0] =	ssyncadd.tile.s32 @!p0 $0x1;
	_ =	shalt  }
.Lfunc_end2:
_tile_overlayer_lowered:
.L_overlay_start_2:
0x439: {  	(tag) =	ssettag $0x2  }
0x43a: {  	s0 =	rddreg [dreg:$0x0];
	s2 =	stileid.u32  }
0x43b: {  	s1 =	rddreg [dreg:$0x1];
	p0 =	sne.s32 s2, $0x0  }
0x43c: {  	s3 =	rddreg [dreg:$0x2];
	[bflag:$0x3] =	sbarrier.arrive $0xFFFF;
	s2 =	simm.s32 @!p0 $0x1C04  }
0x43d: {  	[timem:s3], [sflag:s2] =	dma.local @!p0 [hbm:s0], s1  }
0x43e: {  	s0 =	simm.s32 @!p0 $0x4  }
0x43f: {  	_ =	swait.ge @!p0 [sflag:s0], s1  }
0x440: {  	s1 =	ssub.s32 @!p0 $0x0, s1;
	[sflag:s0] =	ssyncset.done @!p0 $0x0  }
0x441: {  	[sflag:s0] =	ssyncadd.s32 @!p0 s1  }
0x442: {  	[bflag:$0x3] =	sbarrier.arrive $0xFFFF  }
0x443: {  	_ =	shalt  }

</sc_bundles>
